<compile_context>
chip_gen: v7x
topology: tpu7x:2x2x1
jax: 0.10.2.dev20260603
libtpu: 0.0.44.dev20260713+nightly
codegen_flags: <defaults>
</compile_context>

<pallas_src>
import functools

import jax
import jax.numpy as jnp
from jax import lax
from jax.experimental import pallas as pl
from jax.experimental.pallas import tpu as pltpu
from jax.experimental.pallas import tpu_sc as plsc

B = 128
R = 2048
C = 128
TOPK_K = 32
INV_N = 1.0 / (R * C)

NBUF = 6
L = 16


def _mse_manual_body(o_hbm, l_hbm, out_ref, obuf, lbuf, osem, lsem):
    H = R // 2

    def _copies(c, slot):
        for arr, buf, sem in ((o_hbm, obuf, osem), (l_hbm, lbuf, lsem)):
            for h in range(2):
                yield pltpu.make_async_copy(
                    arr.at[c, pl.ds(h * H, H), :],
                    buf.at[slot, pl.ds(h * H, H), :],
                    sem.at[slot])

    def start(c, slot):
        for cp in _copies(c, slot):
            cp.start()

    for c in range(NBUF):
        start(c, c)

    def chunk_body(i, carry):
        slot = lax.rem(i, NBUF)
        for cp in _copies(i, slot):
            cp.wait()
        d = obuf[slot] - lbuf[slot]
        out_ref[i] = jnp.sum(d * d) * INV_N

        @pl.when(i + NBUF < B)
        def _():
            start(i + NBUF, slot)

        return carry

    lax.fori_loop(0, B, chunk_body, 0)


def _tc_losses(output, label):
    return pl.pallas_call(
        _mse_manual_body,
        in_specs=[
            pl.BlockSpec(memory_space=pl.ANY),
            pl.BlockSpec(memory_space=pl.ANY),
        ],
        out_specs=pl.BlockSpec(memory_space=pltpu.SMEM),
        out_shape=jax.ShapeDtypeStruct((B,), jnp.float32),
        scratch_shapes=[
            pltpu.VMEM((NBUF, R, C), jnp.float32),
            pltpu.VMEM((NBUF, R, C), jnp.float32),
            pltpu.SemaphoreType.DMA((NBUF,)),
            pltpu.SemaphoreType.DMA((NBUF,)),
        ],
    )(output, label)


@functools.partial(
    pl.kernel,
    out_type=jax.ShapeDtypeStruct((TOPK_K,), jnp.float32),
    mesh=plsc.VectorSubcoreMesh(core_axis_name="c", subcore_axis_name="s"),
    compiler_params=pltpu.CompilerParams(needs_layout_passes=False),
    scratch_types=[
        pltpu.VMEM((B,), jnp.float32),
        pltpu.VMEM((TOPK_K,), jnp.float32),
    ],
)
def _topk_sc(losses_hbm, out_hbm, vals_v, out_v):
    cid = lax.axis_index("c")
    sid = lax.axis_index("s")

    @pl.when(jnp.logical_and(cid == 0, sid == 0))
    def _():
        pltpu.sync_copy(losses_hbm, vals_v)
        lane = lax.iota(jnp.int32, L)
        nv = B // L
        v = [vals_v[pl.ds(j * L, L)] for j in range(nv)]
        idx = [lane + j * L for j in range(nv)]
        big = jnp.int32(2 ** 30)
        outs = [jnp.zeros((L,), jnp.float32) for _ in range(TOPK_K // L)]
        for r in range(TOPK_K):
            t = v[0]
            for j in range(1, nv):
                t = jnp.maximum(t, v[j])
            m = jnp.max(t)
            c = jnp.where(v[0] == m, idx[0], big)
            for j in range(1, nv):
                c = jnp.minimum(c, jnp.where(v[j] == m, idx[j], big))
            mi = jnp.min(c)
            for j in range(nv):
                v[j] = jnp.where(idx[j] == mi, jnp.float32(-1.0), v[j])
            q, p = divmod(r, L)
            outs[q] = jnp.where(lane == p, m, outs[q])
        for q in range(TOPK_K // L):
            out_v[pl.ds(q * L, L)] = outs[q]
        pltpu.sync_copy(out_v, out_hbm)


def kernel(output, label):
    return _topk_sc(_tc_losses(output, label))

# --- scband reference (transcript-rebuilt; emitter-appended) ---
"""Pipeline reference for scband-topk-mseloss-1580547966837 (READ-ONLY COPY).

The authoritative reference and input builder live on the scoring server;
editing this copy changes nothing except your own understanding.
"""

import jax, jax.numpy as jnp
import numpy as np

TOPK = 32

def setup_inputs(seed: int = 0) -> dict:
    key = jax.random.key(seed)
    k1, k2 = jax.random.split(key)
    output = jax.random.normal(k1, (128, 2048, 128), dtype=jnp.float32)
    label = jax.random.normal(k2, (128, 2048, 128), dtype=jnp.float32)
    return {"output": output, "label": label}

def reference(output, label):
    # MSELoss(reduction='none') -> elementwise squared error
    losses = (output - label) ** 2
    # .mean(2).mean(1) -> per-sample scalar loss [B]
    losses = jnp.mean(jnp.mean(losses, axis=2), axis=1)
    # torch.topk(losses, topk)[0] -> top-k values, sorted descending
    top_vals, _ = jax.lax.top_k(losses, TOPK)
    return top_vals

if __name__ == "__main__":
    import jax
    _d = setup_inputs()
    print(jax.jit(kernel)(*tuple(_d.values())))

</pallas_src>

<mosaic_0001>
#map = affine_map<(d0, d1) -> (0)>
module attributes {stable_mosaic.version = 14 : i64} {
  func.func @_topk_sc(%arg0: i32, %arg1: i32, %arg2: memref<128xf32, #tpu.memory_space<hbm>>, %arg3: memref<32xf32, #tpu.memory_space<hbm>>, %arg4: memref<128xf32, #tpu.memory_space<vmem>>, %arg5: memref<32xf32, #tpu.memory_space<vmem>>) attributes {dimension_semantics = [#tpu.dimension_semantics<core_parallel>, #tpu.dimension_semantics<subcore_parallel>], iteration_bounds = array<i64: 2, 16>, scalar_prefetch = 0 : i64, scratch_operands = 2 : i64, tpu.core_type = #tpu.core_type<sc_vector_subcore>, window_params = [{transform_indices = #map}, {transform_indices = #map}]} {
    %eq3A = arith.constant 0 : i32
    %eq3A_0 = arith.cmpi eq, %arg0, %eq3A : i32
    %eq3A_1 = arith.constant 0 : i32
    %eq3A_2 = arith.cmpi eq, %arg1, %eq3A_1 : i32
    %and3A = arith.andi %eq3A_0, %eq3A_2 : i1
    %convert_element_type3A = arith.extui %and3A : i1 to i32
    %cond3A = arith.constant 0 : i32
    %cond3A_3 = arith.cmpi ne, %convert_element_type3A, %cond3A : i32
    scf.if %cond3A_3 {
      "tpu.region"() ({
        %run_scoped3A = tpu.sem_alloc : memref<!tpu.dma_semaphore, #tpu.memory_space<semaphore_mem>>
        tpu.enqueue_dma source(%arg2 : memref<128xf32, #tpu.memory_space<hbm>>) target(%arg4 : memref<128xf32, #tpu.memory_space<vmem>>) target_semaphore(%run_scoped3A : memref<!tpu.dma_semaphore, #tpu.memory_space<semaphore_mem>>)
        tpu.wait_dma2 semaphore(%run_scoped3A : memref<!tpu.dma_semaphore, #tpu.memory_space<semaphore_mem>>) src(%arg2 : memref<128xf32, #tpu.memory_space<hbm>>) dst(%arg4 : memref<128xf32, #tpu.memory_space<vmem>>)
        tpu.yield
      }) : () -> ()
      %iota3A = tpu.iota {dimensions = array<i32: 0>} : vector<16xi32>
      %get3A = arith.constant 0 : index
      %get3A_4 = tpu.vector_load %arg4[%get3A] {strides = array<i32>} : memref<128xf32, #tpu.memory_space<vmem>>, vector<16xf32>,
      %get3A_5 = arith.constant 16 : index
      %get3A_6 = tpu.vector_load %arg4[%get3A_5] {strides = array<i32>} : memref<128xf32, #tpu.memory_space<vmem>>, vector<16xf32>,
      %get3A_7 = arith.constant 32 : index
      %get3A_8 = tpu.vector_load %arg4[%get3A_7] {strides = array<i32>} : memref<128xf32, #tpu.memory_space<vmem>>, vector<16xf32>,
      %get3A_9 = arith.constant 48 : index
      %get3A_10 = tpu.vector_load %arg4[%get3A_9] {strides = array<i32>} : memref<128xf32, #tpu.memory_space<vmem>>, vector<16xf32>,
      %get3A_11 = arith.constant 64 : index
      %get3A_12 = tpu.vector_load %arg4[%get3A_11] {strides = array<i32>} : memref<128xf32, #tpu.memory_space<vmem>>, vector<16xf32>,
      %get3A_13 = arith.constant 80 : index
      %get3A_14 = tpu.vector_load %arg4[%get3A_13] {strides = array<i32>} : memref<128xf32, #tpu.memory_space<vmem>>, vector<16xf32>,
      %get3A_15 = arith.constant 96 : index
      %get3A_16 = tpu.vector_load %arg4[%get3A_15] {strides = array<i32>} : memref<128xf32, #tpu.memory_space<vmem>>, vector<16xf32>,
      %get3A_17 = arith.constant 112 : index
      %get3A_18 = tpu.vector_load %arg4[%get3A_17] {strides = array<i32>} : memref<128xf32, #tpu.memory_space<vmem>>, vector<16xf32>,
      %add3A = arith.constant 0 : i32
      %add3A_19 = vector.broadcast %add3A : i32 to vector<16xi32>
      %add3A_20 = arith.addi %iota3A, %add3A_19 : vector<16xi32>
      %add3A_21 = arith.constant 16 : i32
      %add3A_22 = vector.broadcast %add3A_21 : i32 to vector<16xi32>
      %add3A_23 = arith.addi %iota3A, %add3A_22 : vector<16xi32>
      %add3A_24 = arith.constant 32 : i32
      %add3A_25 = vector.broadcast %add3A_24 : i32 to vector<16xi32>
      %add3A_26 = arith.addi %iota3A, %add3A_25 : vector<16xi32>
      %add3A_27 = arith.constant 48 : i32
      %add3A_28 = vector.broadcast %add3A_27 : i32 to vector<16xi32>
      %add3A_29 = arith.addi %iota3A, %add3A_28 : vector<16xi32>
      %add3A_30 = arith.constant 64 : i32
      %add3A_31 = vector.broadcast %add3A_30 : i32 to vector<16xi32>
      %add3A_32 = arith.addi %iota3A, %add3A_31 : vector<16xi32>
      %add3A_33 = arith.constant 80 : i32
      %add3A_34 = vector.broadcast %add3A_33 : i32 to vector<16xi32>
      %add3A_35 = arith.addi %iota3A, %add3A_34 : vector<16xi32>
      %add3A_36 = arith.constant 96 : i32
      %add3A_37 = vector.broadcast %add3A_36 : i32 to vector<16xi32>
      %add3A_38 = arith.addi %iota3A, %add3A_37 : vector<16xi32>
      %add3A_39 = arith.constant 112 : i32
      %add3A_40 = vector.broadcast %add3A_39 : i32 to vector<16xi32>
      %add3A_41 = arith.addi %iota3A, %add3A_40 : vector<16xi32>
      %broadcast_in_dim3A = arith.constant 0.000000e+00 : f32
      %broadcast_in_dim3A_42 = vector.broadcast %broadcast_in_dim3A : f32 to vector<16xf32>
      %broadcast_in_dim3A_43 = arith.constant 0.000000e+00 : f32
      %broadcast_in_dim3A_44 = vector.broadcast %broadcast_in_dim3A_43 : f32 to vector<16xf32>
      %max3A = arith.maximumf %get3A_4, %get3A_6 : vector<16xf32>
      %max3A_45 = arith.maximumf %max3A, %get3A_8 : vector<16xf32>
      %max3A_46 = arith.maximumf %max3A_45, %get3A_10 : vector<16xf32>
      %max3A_47 = arith.maximumf %max3A_46, %get3A_12 : vector<16xf32>
      %max3A_48 = arith.maximumf %max3A_47, %get3A_14 : vector<16xf32>
      %max3A_49 = arith.maximumf %max3A_48, %get3A_16 : vector<16xf32>
      %max3A_50 = arith.maximumf %max3A_49, %get3A_18 : vector<16xf32>
      %reduce_max3A = arith.constant true
      %reduce_max3A_51 = vector.broadcast %reduce_max3A : i1 to vector<16xi1>
      %reduce_max3A_52 = tpu.scan <max>, %max3A_50 masked %reduce_max3A_51 : vector<16xf32>, vector<16xi1> -> vector<16xf32>
      %reduce_max3A_53 = vector.extract %reduce_max3A_52[15] : f32 from vector<16xf32>
      %eq3A_54 = vector.broadcast %reduce_max3A_53 : f32 to vector<16xf32>
      %eq3A_55 = arith.cmpf oeq, %get3A_4, %eq3A_54 : vector<16xf32>
      %jit3A = arith.constant 1073741824 : i32
      %broadcast_in_dim3A_56 = vector.broadcast %jit3A : i32 to vector<16xi32>
      %select_n3A = arith.select %eq3A_55, %add3A_20, %broadcast_in_dim3A_56 : vector<16xi1>, vector<16xi32>
      %eq3A_57 = vector.broadcast %reduce_max3A_53 : f32 to vector<16xf32>
      %eq3A_58 = arith.cmpf oeq, %get3A_6, %eq3A_57 : vector<16xf32>
      %jit3A_59 = arith.constant 1073741824 : i32
      %broadcast_in_dim3A_60 = vector.broadcast %jit3A_59 : i32 to vector<16xi32>
      %select_n3A_61 = arith.select %eq3A_58, %add3A_23, %broadcast_in_dim3A_60 : vector<16xi1>, vector<16xi32>
      %min3A = arith.minsi %select_n3A, %select_n3A_61 : vector<16xi32>
      %eq3A_62 = vector.broadcast %reduce_max3A_53 : f32 to vector<16xf32>
      %eq3A_63 = arith.cmpf oeq, %get3A_8, %eq3A_62 : vector<16xf32>
      %jit3A_64 = arith.constant 1073741824 : i32
      %broadcast_in_dim3A_65 = vector.broadcast %jit3A_64 : i32 to vector<16xi32>
      %select_n3A_66 = arith.select %eq3A_63, %add3A_26, %broadcast_in_dim3A_65 : vector<16xi1>, vector<16xi32>
      %min3A_67 = arith.minsi %min3A, %select_n3A_66 : vector<16xi32>
      %eq3A_68 = vector.broadcast %reduce_max3A_53 : f32 to vector<16xf32>
      %eq3A_69 = arith.cmpf oeq, %get3A_10, %eq3A_68 : vector<16xf32>
      %jit3A_70 = arith.constant 1073741824 : i32
      %broadcast_in_dim3A_71 = vector.broadcast %jit3A_70 : i32 to vector<16xi32>
      %select_n3A_72 = arith.select %eq3A_69, %add3A_29, %broadcast_in_dim3A_71 : vector<16xi1>, vector<16xi32>
      %min3A_73 = arith.minsi %min3A_67, %select_n3A_72 : vector<16xi32>
      %eq3A_74 = vector.broadcast %reduce_max3A_53 : f32 to vector<16xf32>
      %eq3A_75 = arith.cmpf oeq, %get3A_12, %eq3A_74 : vector<16xf32>
      %jit3A_76 = arith.constant 1073741824 : i32
      %broadcast_in_dim3A_77 = vector.broadcast %jit3A_76 : i32 to vector<16xi32>
      %select_n3A_78 = arith.select %eq3A_75, %add3A_32, %broadcast_in_dim3A_77 : vector<16xi1>, vector<16xi32>
      %min3A_79 = arith.minsi %min3A_73, %select_n3A_78 : vector<16xi32>
      %eq3A_80 = vector.broadcast %reduce_max3A_53 : f32 to vector<16xf32>
      %eq3A_81 = arith.cmpf oeq, %get3A_14, %eq3A_80 : vector<16xf32>
      %jit3A_82 = arith.constant 1073741824 : i32
      %broadcast_in_dim3A_83 = vector.broadcast %jit3A_82 : i32 to vector<16xi32>
      %select_n3A_84 = arith.select %eq3A_81, %add3A_35, %broadcast_in_dim3A_83 : vector<16xi1>, vector<16xi32>
      %min3A_85 = arith.minsi %min3A_79, %select_n3A_84 : vector<16xi32>
      %eq3A_86 = vector.broadcast %reduce_max3A_53 : f32 to vector<16xf32>
      %eq3A_87 = arith.cmpf oeq, %get3A_16, %eq3A_86 : vector<16xf32>
      %jit3A_88 = arith.constant 1073741824 : i32
      %broadcast_in_dim3A_89 = vector.broadcast %jit3A_88 : i32 to vector<16xi32>
      %select_n3A_90 = arith.select %eq3A_87, %add3A_38, %broadcast_in_dim3A_89 : vector<16xi1>, vector<16xi32>
      %min3A_91 = arith.minsi %min3A_85, %select_n3A_90 : vector<16xi32>
      %eq3A_92 = vector.broadcast %reduce_max3A_53 : f32 to vector<16xf32>
      %eq3A_93 = arith.cmpf oeq, %get3A_18, %eq3A_92 : vector<16xf32>
      %jit3A_94 = arith.constant 1073741824 : i32
      %broadcast_in_dim3A_95 = vector.broadcast %jit3A_94 : i32 to vector<16xi32>
      %select_n3A_96 = arith.select %eq3A_93, %add3A_41, %broadcast_in_dim3A_95 : vector<16xi1>, vector<16xi32>
      %min3A_97 = arith.minsi %min3A_91, %select_n3A_96 : vector<16xi32>
      %reduce_min3A = arith.constant true
      %reduce_min3A_98 = vector.broadcast %reduce_min3A : i1 to vector<16xi1>
      %reduce_min3A_99 = arith.constant -2147483648 : i32
      %reduce_min3A_100 = vector.broadcast %reduce_min3A_99 : i32 to vector<16xi32>
      %reduce_min3A_101 = arith.xori %min3A_97, %reduce_min3A_100 : vector<16xi32>
      %reduce_min3A_102 = tpu.scan <min>, %reduce_min3A_101 masked %reduce_min3A_98 : vector<16xi32>, vector<16xi1> -> vector<16xi32>
      %reduce_min3A_103 = arith.xori %reduce_min3A_102, %reduce_min3A_100 : vector<16xi32>
      %reduce_min3A_104 = vector.extract %reduce_min3A_103[15] : i32 from vector<16xi32>
      %eq3A_105 = vector.broadcast %reduce_min3A_104 : i32 to vector<16xi32>
      %eq3A_106 = arith.cmpi eq, %add3A_20, %eq3A_105 : vector<16xi32>
      %jit3A_107 = arith.constant -1.000000e+00 : f32
      %broadcast_in_dim3A_108 = vector.broadcast %jit3A_107 : f32 to vector<16xf32>
      %select_n3A_109 = arith.select %eq3A_106, %broadcast_in_dim3A_108, %get3A_4 : vector<16xi1>, vector<16xf32>
      %eq3A_110 = vector.broadcast %reduce_min3A_104 : i32 to vector<16xi32>
      %eq3A_111 = arith.cmpi eq, %add3A_23, %eq3A_110 : vector<16xi32>
      %jit3A_112 = arith.constant -1.000000e+00 : f32
      %broadcast_in_dim3A_113 = vector.broadcast %jit3A_112 : f32 to vector<16xf32>
      %select_n3A_114 = arith.select %eq3A_111, %broadcast_in_dim3A_113, %get3A_6 : vector<16xi1>, vector<16xf32>
      %eq3A_115 = vector.broadcast %reduce_min3A_104 : i32 to vector<16xi32>
      %eq3A_116 = arith.cmpi eq, %add3A_26, %eq3A_115 : vector<16xi32>
      %jit3A_117 = arith.constant -1.000000e+00 : f32
      %broadcast_in_dim3A_118 = vector.broadcast %jit3A_117 : f32 to vector<16xf32>
      %select_n3A_119 = arith.select %eq3A_116, %broadcast_in_dim3A_118, %get3A_8 : vector<16xi1>, vector<16xf32>
      %eq3A_120 = vector.broadcast %reduce_min3A_104 : i32 to vector<16xi32>
      %eq3A_121 = arith.cmpi eq, %add3A_29, %eq3A_120 : vector<16xi32>
      %jit3A_122 = arith.constant -1.000000e+00 : f32
      %broadcast_in_dim3A_123 = vector.broadcast %jit3A_122 : f32 to vector<16xf32>
      %select_n3A_124 = arith.select %eq3A_121, %broadcast_in_dim3A_123, %get3A_10 : vector<16xi1>, vector<16xf32>
      %eq3A_125 = vector.broadcast %reduce_min3A_104 : i32 to vector<16xi32>
      %eq3A_126 = arith.cmpi eq, %add3A_32, %eq3A_125 : vector<16xi32>
      %jit3A_127 = arith.constant -1.000000e+00 : f32
      %broadcast_in_dim3A_128 = vector.broadcast %jit3A_127 : f32 to vector<16xf32>
      %select_n3A_129 = arith.select %eq3A_126, %broadcast_in_dim3A_128, %get3A_12 : vector<16xi1>, vector<16xf32>
      %eq3A_130 = vector.broadcast %reduce_min3A_104 : i32 to vector<16xi32>
      %eq3A_131 = arith.cmpi eq, %add3A_35, %eq3A_130 : vector<16xi32>
      %jit3A_132 = arith.constant -1.000000e+00 : f32
      %broadcast_in_dim3A_133 = vector.broadcast %jit3A_132 : f32 to vector<16xf32>
      %select_n3A_134 = arith.select %eq3A_131, %broadcast_in_dim3A_133, %get3A_14 : vector<16xi1>, vector<16xf32>
      %eq3A_135 = vector.broadcast %reduce_min3A_104 : i32 to vector<16xi32>
      %eq3A_136 = arith.cmpi eq, %add3A_38, %eq3A_135 : vector<16xi32>
      %jit3A_137 = arith.constant -1.000000e+00 : f32
      %broadcast_in_dim3A_138 = vector.broadcast %jit3A_137 : f32 to vector<16xf32>
      %select_n3A_139 = arith.select %eq3A_136, %broadcast_in_dim3A_138, %get3A_16 : vector<16xi1>, vector<16xf32>
      %eq3A_140 = vector.broadcast %reduce_min3A_104 : i32 to vector<16xi32>
      %eq3A_141 = arith.cmpi eq, %add3A_41, %eq3A_140 : vector<16xi32>
      %jit3A_142 = arith.constant -1.000000e+00 : f32
      %broadcast_in_dim3A_143 = vector.broadcast %jit3A_142 : f32 to vector<16xf32>
      %select_n3A_144 = arith.select %eq3A_141, %broadcast_in_dim3A_143, %get3A_18 : vector<16xi1>, vector<16xf32>
      %eq3A_145 = arith.constant 0 : i32
      %eq3A_146 = vector.broadcast %eq3A_145 : i32 to vector<16xi32>
      %eq3A_147 = arith.cmpi eq, %iota3A, %eq3A_146 : vector<16xi32>
      %broadcast_in_dim3A_148 = vector.broadcast %reduce_max3A_53 : f32 to vector<16xf32>
      %select_n3A_149 = arith.select %eq3A_147, %broadcast_in_dim3A_148, %broadcast_in_dim3A_42 : vector<16xi1>, vector<16xf32>
      %max3A_150 = arith.maximumf %select_n3A_109, %select_n3A_114 : vector<16xf32>
      %max3A_151 = arith.maximumf %max3A_150, %select_n3A_119 : vector<16xf32>
      %max3A_152 = arith.maximumf %max3A_151, %select_n3A_124 : vector<16xf32>
      %max3A_153 = arith.maximumf %max3A_152, %select_n3A_129 : vector<16xf32>
      %max3A_154 = arith.maximumf %max3A_153, %select_n3A_134 : vector<16xf32>
      %max3A_155 = arith.maximumf %max3A_154, %select_n3A_139 : vector<16xf32>
      %max3A_156 = arith.maximumf %max3A_155, %select_n3A_144 : vector<16xf32>
      %reduce_max3A_157 = arith.constant true
      %reduce_max3A_158 = vector.broadcast %reduce_max3A_157 : i1 to vector<16xi1>
      %reduce_max3A_159 = tpu.scan <max>, %max3A_156 masked %reduce_max3A_158 : vector<16xf32>, vector<16xi1> -> vector<16xf32>
      %reduce_max3A_160 = vector.extract %reduce_max3A_159[15] : f32 from vector<16xf32>
      %eq3A_161 = vector.broadcast %reduce_max3A_160 : f32 to vector<16xf32>
      %eq3A_162 = arith.cmpf oeq, %select_n3A_109, %eq3A_161 : vector<16xf32>
      %jit3A_163 = arith.constant 1073741824 : i32
      %broadcast_in_dim3A_164 = vector.broadcast %jit3A_163 : i32 to vector<16xi32>
      %select_n3A_165 = arith.select %eq3A_162, %add3A_20, %broadcast_in_dim3A_164 : vector<16xi1>, vector<16xi32>
      %eq3A_166 = vector.broadcast %reduce_max3A_160 : f32 to vector<16xf32>
      %eq3A_167 = arith.cmpf oeq, %select_n3A_114, %eq3A_166 : vector<16xf32>
      %jit3A_168 = arith.constant 1073741824 : i32
      %broadcast_in_dim3A_169 = vector.broadcast %jit3A_168 : i32 to vector<16xi32>
      %select_n3A_170 = arith.select %eq3A_167, %add3A_23, %broadcast_in_dim3A_169 : vector<16xi1>, vector<16xi32>
      %min3A_171 = arith.minsi %select_n3A_165, %select_n3A_170 : vector<16xi32>
      %eq3A_172 = vector.broadcast %reduce_max3A_160 : f32 to vector<16xf32>
      %eq3A_173 = arith.cmpf oeq, %select_n3A_119, %eq3A_172 : vector<16xf32>
      %jit3A_174 = arith.constant 1073741824 : i32
      %broadcast_in_dim3A_175 = vector.broadcast %jit3A_174 : i32 to vector<16xi32>
      %select_n3A_176 = arith.select %eq3A_173, %add3A_26, %broadcast_in_dim3A_175 : vector<16xi1>, vector<16xi32>
      %min3A_177 = arith.minsi %min3A_171, %select_n3A_176 : vector<16xi32>
      %eq3A_178 = vector.broadcast %reduce_max3A_160 : f32 to vector<16xf32>
      %eq3A_179 = arith.cmpf oeq, %select_n3A_124, %eq3A_178 : vector<16xf32>
      %jit3A_180 = arith.constant 1073741824 : i32
      %broadcast_in_dim3A_181 = vector.broadcast %jit3A_180 : i32 to vector<16xi32>
      %select_n3A_182 = arith.select %eq3A_179, %add3A_29, %broadcast_in_dim3A_181 : vector<16xi1>, vector<16xi32>
      %min3A_183 = arith.minsi %min3A_177, %select_n3A_182 : vector<16xi32>
      %eq3A_184 = vector.broadcast %reduce_max3A_160 : f32 to vector<16xf32>
      %eq3A_185 = arith.cmpf oeq, %select_n3A_129, %eq3A_184 : vector<16xf32>
      %jit3A_186 = arith.constant 1073741824 : i32
      %broadcast_in_dim3A_187 = vector.broadcast %jit3A_186 : i32 to vector<16xi32>
      %select_n3A_188 = arith.select %eq3A_185, %add3A_32, %broadcast_in_dim3A_187 : vector<16xi1>, vector<16xi32>
      %min3A_189 = arith.minsi %min3A_183, %select_n3A_188 : vector<16xi32>
      %eq3A_190 = vector.broadcast %reduce_max3A_160 : f32 to vector<16xf32>
      %eq3A_191 = arith.cmpf oeq, %select_n3A_134, %eq3A_190 : vector<16xf32>
      %jit3A_192 = arith.constant 1073741824 : i32
      %broadcast_in_dim3A_193 = vector.broadcast %jit3A_192 : i32 to vector<16xi32>
      %select_n3A_194 = arith.select %eq3A_191, %add3A_35, %broadcast_in_dim3A_193 : vector<16xi1>, vector<16xi32>
      %min3A_195 = arith.minsi %min3A_189, %select_n3A_194 : vector<16xi32>
      %eq3A_196 = vector.broadcast %reduce_max3A_160 : f32 to vector<16xf32>
      %eq3A_197 = arith.cmpf oeq, %select_n3A_139, %eq3A_196 : vector<16xf32>
      %jit3A_198 = arith.constant 1073741824 : i32
      %broadcast_in_dim3A_199 = vector.broadcast %jit3A_198 : i32 to vector<16xi32>
      %select_n3A_200 = arith.select %eq3A_197, %add3A_38, %broadcast_in_dim3A_199 : vector<16xi1>, vector<16xi32>
      %min3A_201 = arith.minsi %min3A_195, %select_n3A_200 : vector<16xi32>
      %eq3A_202 = vector.broadcast %reduce_max3A_160 : f32 to vector<16xf32>
      %eq3A_203 = arith.cmpf oeq, %select_n3A_144, %eq3A_202 : vector<16xf32>
      %jit3A_204 = arith.constant 1073741824 : i32
      %broadcast_in_dim3A_205 = vector.broadcast %jit3A_204 : i32 to vector<16xi32>
      %select_n3A_206 = arith.select %eq3A_203, %add3A_41, %broadcast_in_dim3A_205 : vector<16xi1>, vector<16xi32>
      %min3A_207 = arith.minsi %min3A_201, %select_n3A_206 : vector<16xi32>
      %reduce_min3A_208 = arith.constant true
      %reduce_min3A_209 = vector.broadcast %reduce_min3A_208 : i1 to vector<16xi1>
      %reduce_min3A_210 = arith.constant -2147483648 : i32
      %reduce_min3A_211 = vector.broadcast %reduce_min3A_210 : i32 to vector<16xi32>
      %reduce_min3A_212 = arith.xori %min3A_207, %reduce_min3A_211 : vector<16xi32>
      %reduce_min3A_213 = tpu.scan <min>, %reduce_min3A_212 masked %reduce_min3A_209 : vector<16xi32>, vector<16xi1> -> vector<16xi32>
      %reduce_min3A_214 = arith.xori %reduce_min3A_213, %reduce_min3A_211 : vector<16xi32>
      %reduce_min3A_215 = vector.extract %reduce_min3A_214[15] : i32 from vector<16xi32>
      %eq3A_216 = vector.broadcast %reduce_min3A_215 : i32 to vector<16xi32>
      %eq3A_217 = arith.cmpi eq, %add3A_20, %eq3A_216 : vector<16xi32>
      %jit3A_218 = arith.constant -1.000000e+00 : f32
      %broadcast_in_dim3A_219 = vector.broadcast %jit3A_218 : f32 to vector<16xf32>
      %select_n3A_220 = arith.select %eq3A_217, %broadcast_in_dim3A_219, %select_n3A_109 : vector<16xi1>, vector<16xf32>
      %eq3A_221 = vector.broadcast %reduce_min3A_215 : i32 to vector<16xi32>
      %eq3A_222 = arith.cmpi eq, %add3A_23, %eq3A_221 : vector<16xi32>
      %jit3A_223 = arith.constant -1.000000e+00 : f32
      %broadcast_in_dim3A_224 = vector.broadcast %jit3A_223 : f32 to vector<16xf32>
      %select_n3A_225 = arith.select %eq3A_222, %broadcast_in_dim3A_224, %select_n3A_114 : vector<16xi1>, vector<16xf32>
      %eq3A_226 = vector.broadcast %reduce_min3A_215 : i32 to vector<16xi32>
      %eq3A_227 = arith.cmpi eq, %add3A_26, %eq3A_226 : vector<16xi32>
      %jit3A_228 = arith.constant -1.000000e+00 : f32
      %broadcast_in_dim3A_229 = vector.broadcast %jit3A_228 : f32 to vector<16xf32>
      %select_n3A_230 = arith.select %eq3A_227, %broadcast_in_dim3A_229, %select_n3A_119 : vector<16xi1>, vector<16xf32>
      %eq3A_231 = vector.broadcast %reduce_min3A_215 : i32 to vector<16xi32>
      %eq3A_232 = arith.cmpi eq, %add3A_29, %eq3A_231 : vector<16xi32>
      %jit3A_233 = arith.constant -1.000000e+00 : f32
      %broadcast_in_dim3A_234 = vector.broadcast %jit3A_233 : f32 to vector<16xf32>
      %select_n3A_235 = arith.select %eq3A_232, %broadcast_in_dim3A_234, %select_n3A_124 : vector<16xi1>, vector<16xf32>
      %eq3A_236 = vector.broadcast %reduce_min3A_215 : i32 to vector<16xi32>
      %eq3A_237 = arith.cmpi eq, %add3A_32, %eq3A_236 : vector<16xi32>
      %jit3A_238 = arith.constant -1.000000e+00 : f32
      %broadcast_in_dim3A_239 = vector.broadcast %jit3A_238 : f32 to vector<16xf32>
      %select_n3A_240 = arith.select %eq3A_237, %broadcast_in_dim3A_239, %select_n3A_129 : vector<16xi1>, vector<16xf32>
      %eq3A_241 = vector.broadcast %reduce_min3A_215 : i32 to vector<16xi32>
      %eq3A_242 = arith.cmpi eq, %add3A_35, %eq3A_241 : vector<16xi32>
      %jit3A_243 = arith.constant -1.000000e+00 : f32
      %broadcast_in_dim3A_244 = vector.broadcast %jit3A_243 : f32 to vector<16xf32>
      %select_n3A_245 = arith.select %eq3A_242, %broadcast_in_dim3A_244, %select_n3A_134 : vector<16xi1>, vector<16xf32>
      %eq3A_246 = vector.broadcast %reduce_min3A_215 : i32 to vector<16xi32>
      %eq3A_247 = arith.cmpi eq, %add3A_38, %eq3A_246 : vector<16xi32>
      %jit3A_248 = arith.constant -1.000000e+00 : f32
      %broadcast_in_dim3A_249 = vector.broadcast %jit3A_248 : f32 to vector<16xf32>
      %select_n3A_250 = arith.select %eq3A_247, %broadcast_in_dim3A_249, %select_n3A_139 : vector<16xi1>, vector<16xf32>
      %eq3A_251 = vector.broadcast %reduce_min3A_215 : i32 to vector<16xi32>
      %eq3A_252 = arith.cmpi eq, %add3A_41, %eq3A_251 : vector<16xi32>
      %jit3A_253 = arith.constant -1.000000e+00 : f32
      %broadcast_in_dim3A_254 = vector.broadcast %jit3A_253 : f32 to vector<16xf32>
      %select_n3A_255 = arith.select %eq3A_252, %broadcast_in_dim3A_254, %select_n3A_144 : vector<16xi1>, vector<16xf32>
      %eq3A_256 = arith.constant 1 : i32
      %eq3A_257 = vector.broadcast %eq3A_256 : i32 to vector<16xi32>
      %eq3A_258 = arith.cmpi eq, %iota3A, %eq3A_257 : vector<16xi32>
      %broadcast_in_dim3A_259 = vector.broadcast %reduce_max3A_160 : f32 to vector<16xf32>
      %select_n3A_260 = arith.select %eq3A_258, %broadcast_in_dim3A_259, %select_n3A_149 : vector<16xi1>, vector<16xf32>
      %max3A_261 = arith.maximumf %select_n3A_220, %select_n3A_225 : vector<16xf32>
      %max3A_262 = arith.maximumf %max3A_261, %select_n3A_230 : vector<16xf32>
      %max3A_263 = arith.maximumf %max3A_262, %select_n3A_235 : vector<16xf32>
      %max3A_264 = arith.maximumf %max3A_263, %select_n3A_240 : vector<16xf32>
      %max3A_265 = arith.maximumf %max3A_264, %select_n3A_245 : vector<16xf32>
      %max3A_266 = arith.maximumf %max3A_265, %select_n3A_250 : vector<16xf32>
      %max3A_267 = arith.maximumf %max3A_266, %select_n3A_255 : vector<16xf32>
      %reduce_max3A_268 = arith.constant true
      %reduce_max3A_269 = vector.broadcast %reduce_max3A_268 : i1 to vector<16xi1>
      %reduce_max3A_270 = tpu.scan <max>, %max3A_267 masked %reduce_max3A_269 : vector<16xf32>, vector<16xi1> -> vector<16xf32>
      %reduce_max3A_271 = vector.extract %reduce_max3A_270[15] : f32 from vector<16xf32>
      %eq3A_272 = vector.broadcast %reduce_max3A_271 : f32 to vector<16xf32>
      %eq3A_273 = arith.cmpf oeq, %select_n3A_220, %eq3A_272 : vector<16xf32>
      %jit3A_274 = arith.constant 1073741824 : i32
      %broadcast_in_dim3A_275 = vector.broadcast %jit3A_274 : i32 to vector<16xi32>
      %select_n3A_276 = arith.select %eq3A_273, %add3A_20, %broadcast_in_dim3A_275 : vector<16xi1>, vector<16xi32>
      %eq3A_277 = vector.broadcast %reduce_max3A_271 : f32 to vector<16xf32>
      %eq3A_278 = arith.cmpf oeq, %select_n3A_225, %eq3A_277 : vector<16xf32>
      %jit3A_279 = arith.constant 1073741824 : i32
      %broadcast_in_dim3A_280 = vector.broadcast %jit3A_279 : i32 to vector<16xi32>
      %select_n3A_281 = arith.select %eq3A_278, %add3A_23, %broadcast_in_dim3A_280 : vector<16xi1>, vector<16xi32>
      %min3A_282 = arith.minsi %select_n3A_276, %select_n3A_281 : vector<16xi32>
      %eq3A_283 = vector.broadcast %reduce_max3A_271 : f32 to vector<16xf32>
      %eq3A_284 = arith.cmpf oeq, %select_n3A_230, %eq3A_283 : vector<16xf32>
      %jit3A_285 = arith.constant 1073741824 : i32
      %broadcast_in_dim3A_286 = vector.broadcast %jit3A_285 : i32 to vector<16xi32>
      %select_n3A_287 = arith.select %eq3A_284, %add3A_26, %broadcast_in_dim3A_286 : vector<16xi1>, vector<16xi32>
      %min3A_288 = arith.minsi %min3A_282, %select_n3A_287 : vector<16xi32>
      %eq3A_289 = vector.broadcast %reduce_max3A_271 : f32 to vector<16xf32>
      %eq3A_290 = arith.cmpf oeq, %select_n3A_235, %eq3A_289 : vector<16xf32>
      %jit3A_291 = arith.constant 1073741824 : i32
      %broadcast_in_dim3A_292 = vector.broadcast %jit3A_291 : i32 to vector<16xi32>
      %select_n3A_293 = arith.select %eq3A_290, %add3A_29, %broadcast_in_dim3A_292 : vector<16xi1>, vector<16xi32>
      %min3A_294 = arith.minsi %min3A_288, %select_n3A_293 : vector<16xi32>
      %eq3A_295 = vector.broadcast %reduce_max3A_271 : f32 to vector<16xf32>
      %eq3A_296 = arith.cmpf oeq, %select_n3A_240, %eq3A_295 : vector<16xf32>
      %jit3A_297 = arith.constant 1073741824 : i32
      %broadcast_in_dim3A_298 = vector.broadcast %jit3A_297 : i32 to vector<16xi32>
      %select_n3A_299 = arith.select %eq3A_296, %add3A_32, %broadcast_in_dim3A_298 : vector<16xi1>, vector<16xi32>
      %min3A_300 = arith.minsi %min3A_294, %select_n3A_299 : vector<16xi32>
      %eq3A_301 = vector.broadcast %reduce_max3A_271 : f32 to vector<16xf32>
      %eq3A_302 = arith.cmpf oeq, %select_n3A_245, %eq3A_301 : vector<16xf32>
      %jit3A_303 = arith.constant 1073741824 : i32
      %broadcast_in_dim3A_304 = vector.broadcast %jit3A_303 : i32 to vector<16xi32>
      %select_n3A_305 = arith.select %eq3A_302, %add3A_35, %broadcast_in_dim3A_304 : vector<16xi1>, vector<16xi32>
      %min3A_306 = arith.minsi %min3A_300, %select_n3A_305 : vector<16xi32>
      %eq3A_307 = vector.broadcast %reduce_max3A_271 : f32 to vector<16xf32>
      %eq3A_308 = arith.cmpf oeq, %select_n3A_250, %eq3A_307 : vector<16xf32>
      %jit3A_309 = arith.constant 1073741824 : i32
      %broadcast_in_dim3A_310 = vector.broadcast %jit3A_309 : i32 to vector<16xi32>
      %select_n3A_311 = arith.select %eq3A_308, %add3A_38, %broadcast_in_dim3A_310 : vector<16xi1>, vector<16xi32>
      %min3A_312 = arith.minsi %min3A_306, %select_n3A_311 : vector<16xi32>
      %eq3A_313 = vector.broadcast %reduce_max3A_271 : f32 to vector<16xf32>
      %eq3A_314 = arith.cmpf oeq, %select_n3A_255, %eq3A_313 : vector<16xf32>
      %jit3A_315 = arith.constant 1073741824 : i32
      %broadcast_in_dim3A_316 = vector.broadcast %jit3A_315 : i32 to vector<16xi32>
      %select_n3A_317 = arith.select %eq3A_314, %add3A_41, %broadcast_in_dim3A_316 : vector<16xi1>, vector<16xi32>
      %min3A_318 = arith.minsi %min3A_312, %select_n3A_317 : vector<16xi32>
      %reduce_min3A_319 = arith.constant true
      %reduce_min3A_320 = vector.broadcast %reduce_min3A_319 : i1 to vector<16xi1>
      %reduce_min3A_321 = arith.constant -2147483648 : i32
      %reduce_min3A_322 = vector.broadcast %reduce_min3A_321 : i32 to vector<16xi32>
      %reduce_min3A_323 = arith.xori %min3A_318, %reduce_min3A_322 : vector<16xi32>
      %reduce_min3A_324 = tpu.scan <min>, %reduce_min3A_323 masked %reduce_min3A_320 : vector<16xi32>, vector<16xi1> -> vector<16xi32>
      %reduce_min3A_325 = arith.xori %reduce_min3A_324, %reduce_min3A_322 : vector<16xi32>
      %reduce_min3A_326 = vector.extract %reduce_min3A_325[15] : i32 from vector<16xi32>
      %eq3A_327 = vector.broadcast %reduce_min3A_326 : i32 to vector<16xi32>
      %eq3A_328 = arith.cmpi eq, %add3A_20, %eq3A_327 : vector<16xi32>
      %jit3A_329 = arith.constant -1.000000e+00 : f32
      %broadcast_in_dim3A_330 = vector.broadcast %jit3A_329 : f32 to vector<16xf32>
      %select_n3A_331 = arith.select %eq3A_328, %broadcast_in_dim3A_330, %select_n3A_220 : vector<16xi1>, vector<16xf32>
      %eq3A_332 = vector.broadcast %reduce_min3A_326 : i32 to vector<16xi32>
      %eq3A_333 = arith.cmpi eq, %add3A_23, %eq3A_332 : vector<16xi32>
      %jit3A_334 = arith.constant -1.000000e+00 : f32
      %broadcast_in_dim3A_335 = vector.broadcast %jit3A_334 : f32 to vector<16xf32>
      %select_n3A_336 = arith.select %eq3A_333, %broadcast_in_dim3A_335, %select_n3A_225 : vector<16xi1>, vector<16xf32>
      %eq3A_337 = vector.broadcast %reduce_min3A_326 : i32 to vector<16xi32>
      %eq3A_338 = arith.cmpi eq, %add3A_26, %eq3A_337 : vector<16xi32>
      %jit3A_339 = arith.constant -1.000000e+00 : f32
      %broadcast_in_dim3A_340 = vector.broadcast %jit3A_339 : f32 to vector<16xf32>
      %select_n3A_341 = arith.select %eq3A_338, %broadcast_in_dim3A_340, %select_n3A_230 : vector<16xi1>, vector<16xf32>
      %eq3A_342 = vector.broadcast %reduce_min3A_326 : i32 to vector<16xi32>
      %eq3A_343 = arith.cmpi eq, %add3A_29, %eq3A_342 : vector<16xi32>
      %jit3A_344 = arith.constant -1.000000e+00 : f32
      %broadcast_in_dim3A_345 = vector.broadcast %jit3A_344 : f32 to vector<16xf32>
      %select_n3A_346 = arith.select %eq3A_343, %broadcast_in_dim3A_345, %select_n3A_235 : vector<16xi1>, vector<16xf32>
      %eq3A_347 = vector.broadcast %reduce_min3A_326 : i32 to vector<16xi32>
      %eq3A_348 = arith.cmpi eq, %add3A_32, %eq3A_347 : vector<16xi32>
      %jit3A_349 = arith.constant -1.000000e+00 : f32
      %broadcast_in_dim3A_350 = vector.broadcast %jit3A_349 : f32 to vector<16xf32>
      %select_n3A_351 = arith.select %eq3A_348, %broadcast_in_dim3A_350, %select_n3A_240 : vector<16xi1>, vector<16xf32>
      %eq3A_352 = vector.broadcast %reduce_min3A_326 : i32 to vector<16xi32>
      %eq3A_353 = arith.cmpi eq, %add3A_35, %eq3A_352 : vector<16xi32>
      %jit3A_354 = arith.constant -1.000000e+00 : f32
      %broadcast_in_dim3A_355 = vector.broadcast %jit3A_354 : f32 to vector<16xf32>
      %select_n3A_356 = arith.select %eq3A_353, %broadcast_in_dim3A_355, %select_n3A_245 : vector<16xi1>, vector<16xf32>
      %eq3A_357 = vector.broadcast %reduce_min3A_326 : i32 to vector<16xi32>
      %eq3A_358 = arith.cmpi eq, %add3A_38, %eq3A_357 : vector<16xi32>
      %jit3A_359 = arith.constant -1.000000e+00 : f32
      %broadcast_in_dim3A_360 = vector.broadcast %jit3A_359 : f32 to vector<16xf32>
      %select_n3A_361 = arith.select %eq3A_358, %broadcast_in_dim3A_360, %select_n3A_250 : vector<16xi1>, vector<16xf32>
      %eq3A_362 = vector.broadcast %reduce_min3A_326 : i32 to vector<16xi32>
      %eq3A_363 = arith.cmpi eq, %add3A_41, %eq3A_362 : vector<16xi32>
      %jit3A_364 = arith.constant -1.000000e+00 : f32
      %broadcast_in_dim3A_365 = vector.broadcast %jit3A_364 : f32 to vector<16xf32>
      %select_n3A_366 = arith.select %eq3A_363, %broadcast_in_dim3A_365, %select_n3A_255 : vector<16xi1>, vector<16xf32>
      %eq3A_367 = arith.constant 2 : i32
      %eq3A_368 = vector.broadcast %eq3A_367 : i32 to vector<16xi32>
      %eq3A_369 = arith.cmpi eq, %iota3A, %eq3A_368 : vector<16xi32>
      %broadcast_in_dim3A_370 = vector.broadcast %reduce_max3A_271 : f32 to vector<16xf32>
      %select_n3A_371 = arith.select %eq3A_369, %broadcast_in_dim3A_370, %select_n3A_260 : vector<16xi1>, vector<16xf32>
      %max3A_372 = arith.maximumf %select_n3A_331, %select_n3A_336 : vector<16xf32>
      %max3A_373 = arith.maximumf %max3A_372, %select_n3A_341 : vector<16xf32>
      %max3A_374 = arith.maximumf %max3A_373, %select_n3A_346 : vector<16xf32>
      %max3A_375 = arith.maximumf %max3A_374, %select_n3A_351 : vector<16xf32>
      %max3A_376 = arith.maximumf %max3A_375, %select_n3A_356 : vector<16xf32>
      %max3A_377 = arith.maximumf %max3A_376, %select_n3A_361 : vector<16xf32>
      %max3A_378 = arith.maximumf %max3A_377, %select_n3A_366 : vector<16xf32>
      %reduce_max3A_379 = arith.constant true
      %reduce_max3A_380 = vector.broadcast %reduce_max3A_379 : i1 to vector<16xi1>
      %reduce_max3A_381 = tpu.scan <max>, %max3A_378 masked %reduce_max3A_380 : vector<16xf32>, vector<16xi1> -> vector<16xf32>
      %reduce_max3A_382 = vector.extract %reduce_max3A_381[15] : f32 from vector<16xf32>
      %eq3A_383 = vector.broadcast %reduce_max3A_382 : f32 to vector<16xf32>
      %eq3A_384 = arith.cmpf oeq, %select_n3A_331, %eq3A_383 : vector<16xf32>
      %jit3A_385 = arith.constant 1073741824 : i32
      %broadcast_in_dim3A_386 = vector.broadcast %jit3A_385 : i32 to vector<16xi32>
      %select_n3A_387 = arith.select %eq3A_384, %add3A_20, %broadcast_in_dim3A_386 : vector<16xi1>, vector<16xi32>
      %eq3A_388 = vector.broadcast %reduce_max3A_382 : f32 to vector<16xf32>
      %eq3A_389 = arith.cmpf oeq, %select_n3A_336, %eq3A_388 : vector<16xf32>
      %jit3A_390 = arith.constant 1073741824 : i32
      %broadcast_in_dim3A_391 = vector.broadcast %jit3A_390 : i32 to vector<16xi32>
      %select_n3A_392 = arith.select %eq3A_389, %add3A_23, %broadcast_in_dim3A_391 : vector<16xi1>, vector<16xi32>
      %min3A_393 = arith.minsi %select_n3A_387, %select_n3A_392 : vector<16xi32>
      %eq3A_394 = vector.broadcast %reduce_max3A_382 : f32 to vector<16xf32>
      %eq3A_395 = arith.cmpf oeq, %select_n3A_341, %eq3A_394 : vector<16xf32>
      %jit3A_396 = arith.constant 1073741824 : i32
      %broadcast_in_dim3A_397 = vector.broadcast %jit3A_396 : i32 to vector<16xi32>
      %select_n3A_398 = arith.select %eq3A_395, %add3A_26, %broadcast_in_dim3A_397 : vector<16xi1>, vector<16xi32>
      %min3A_399 = arith.minsi %min3A_393, %select_n3A_398 : vector<16xi32>
      %eq3A_400 = vector.broadcast %reduce_max3A_382 : f32 to vector<16xf32>
      %eq3A_401 = arith.cmpf oeq, %select_n3A_346, %eq3A_400 : vector<16xf32>
      %jit3A_402 = arith.constant 1073741824 : i32
      %broadcast_in_dim3A_403 = vector.broadcast %jit3A_402 : i32 to vector<16xi32>
      %select_n3A_404 = arith.select %eq3A_401, %add3A_29, %broadcast_in_dim3A_403 : vector<16xi1>, vector<16xi32>
      %min3A_405 = arith.minsi %min3A_399, %select_n3A_404 : vector<16xi32>
      %eq3A_406 = vector.broadcast %reduce_max3A_382 : f32 to vector<16xf32>
      %eq3A_407 = arith.cmpf oeq, %select_n3A_351, %eq3A_406 : vector<16xf32>
      %jit3A_408 = arith.constant 1073741824 : i32
      %broadcast_in_dim3A_409 = vector.broadcast %jit3A_408 : i32 to vector<16xi32>
      %select_n3A_410 = arith.select %eq3A_407, %add3A_32, %broadcast_in_dim3A_409 : vector<16xi1>, vector<16xi32>
      %min3A_411 = arith.minsi %min3A_405, %select_n3A_410 : vector<16xi32>
      %eq3A_412 = vector.broadcast %reduce_max3A_382 : f32 to vector<16xf32>
      %eq3A_413 = arith.cmpf oeq, %select_n3A_356, %eq3A_412 : vector<16xf32>
      %jit3A_414 = arith.constant 1073741824 : i32
      %broadcast_in_dim3A_415 = vector.broadcast %jit3A_414 : i32 to vector<16xi32>
      %select_n3A_416 = arith.select %eq3A_413, %add3A_35, %broadcast_in_dim3A_415 : vector<16xi1>, vector<16xi32>
      %min3A_417 = arith.minsi %min3A_411, %select_n3A_416 : vector<16xi32>
      %eq3A_418 = vector.broadcast %reduce_max3A_382 : f32 to vector<16xf32>
      %eq3A_419 = arith.cmpf oeq, %select_n3A_361, %eq3A_418 : vector<16xf32>
      %jit3A_420 = arith.constant 1073741824 : i32
      %broadcast_in_dim3A_421 = vector.broadcast %jit3A_420 : i32 to vector<16xi32>
      %select_n3A_422 = arith.select %eq3A_419, %add3A_38, %broadcast_in_dim3A_421 : vector<16xi1>, vector<16xi32>
      %min3A_423 = arith.minsi %min3A_417, %select_n3A_422 : vector<16xi32>
      %eq3A_424 = vector.broadcast %reduce_max3A_382 : f32 to vector<16xf32>
      %eq3A_425 = arith.cmpf oeq, %select_n3A_366, %eq3A_424 : vector<16xf32>
      %jit3A_426 = arith.constant 1073741824 : i32
      %broadcast_in_dim3A_427 = vector.broadcast %jit3A_426 : i32 to vector<16xi32>
      %select_n3A_428 = arith.select %eq3A_425, %add3A_41, %broadcast_in_dim3A_427 : vector<16xi1>, vector<16xi32>
      %min3A_429 = arith.minsi %min3A_423, %select_n3A_428 : vector<16xi32>
      %reduce_min3A_430 = arith.constant true
      %reduce_min3A_431 = vector.broadcast %reduce_min3A_430 : i1 to vector<16xi1>
      %reduce_min3A_432 = arith.constant -2147483648 : i32
      %reduce_min3A_433 = vector.broadcast %reduce_min3A_432 : i32 to vector<16xi32>
      %reduce_min3A_434 = arith.xori %min3A_429, %reduce_min3A_433 : vector<16xi32>
      %reduce_min3A_435 = tpu.scan <min>, %reduce_min3A_434 masked %reduce_min3A_431 : vector<16xi32>, vector<16xi1> -> vector<16xi32>
      %reduce_min3A_436 = arith.xori %reduce_min3A_435, %reduce_min3A_433 : vector<16xi32>
      %reduce_min3A_437 = vector.extract %reduce_min3A_436[15] : i32 from vector<16xi32>
      %eq3A_438 = vector.broadcast %reduce_min3A_437 : i32 to vector<16xi32>
      %eq3A_439 = arith.cmpi eq, %add3A_20, %eq3A_438 : vector<16xi32>
      %jit3A_440 = arith.constant -1.000000e+00 : f32
      %broadcast_in_dim3A_441 = vector.broadcast %jit3A_440 : f32 to vector<16xf32>
      %select_n3A_442 = arith.select %eq3A_439, %broadcast_in_dim3A_441, %select_n3A_331 : vector<16xi1>, vector<16xf32>
      %eq3A_443 = vector.broadcast %reduce_min3A_437 : i32 to vector<16xi32>
      %eq3A_444 = arith.cmpi eq, %add3A_23, %eq3A_443 : vector<16xi32>
      %jit3A_445 = arith.constant -1.000000e+00 : f32
      %broadcast_in_dim3A_446 = vector.broadcast %jit3A_445 : f32 to vector<16xf32>
      %select_n3A_447 = arith.select %eq3A_444, %broadcast_in_dim3A_446, %select_n3A_336 : vector<16xi1>, vector<16xf32>
      %eq3A_448 = vector.broadcast %reduce_min3A_437 : i32 to vector<16xi32>
      %eq3A_449 = arith.cmpi eq, %add3A_26, %eq3A_448 : vector<16xi32>
      %jit3A_450 = arith.constant -1.000000e+00 : f32
      %broadcast_in_dim3A_451 = vector.broadcast %jit3A_450 : f32 to vector<16xf32>
      %select_n3A_452 = arith.select %eq3A_449, %broadcast_in_dim3A_451, %select_n3A_341 : vector<16xi1>, vector<16xf32>
      %eq3A_453 = vector.broadcast %reduce_min3A_437 : i32 to vector<16xi32>
      %eq3A_454 = arith.cmpi eq, %add3A_29, %eq3A_453 : vector<16xi32>
      %jit3A_455 = arith.constant -1.000000e+00 : f32
      %broadcast_in_dim3A_456 = vector.broadcast %jit3A_455 : f32 to vector<16xf32>
      %select_n3A_457 = arith.select %eq3A_454, %broadcast_in_dim3A_456, %select_n3A_346 : vector<16xi1>, vector<16xf32>
      %eq3A_458 = vector.broadcast %reduce_min3A_437 : i32 to vector<16xi32>
      %eq3A_459 = arith.cmpi eq, %add3A_32, %eq3A_458 : vector<16xi32>
      %jit3A_460 = arith.constant -1.000000e+00 : f32
      %broadcast_in_dim3A_461 = vector.broadcast %jit3A_460 : f32 to vector<16xf32>
      %select_n3A_462 = arith.select %eq3A_459, %broadcast_in_dim3A_461, %select_n3A_351 : vector<16xi1>, vector<16xf32>
      %eq3A_463 = vector.broadcast %reduce_min3A_437 : i32 to vector<16xi32>
      %eq3A_464 = arith.cmpi eq, %add3A_35, %eq3A_463 : vector<16xi32>
      %jit3A_465 = arith.constant -1.000000e+00 : f32
      %broadcast_in_dim3A_466 = vector.broadcast %jit3A_465 : f32 to vector<16xf32>
      %select_n3A_467 = arith.select %eq3A_464, %broadcast_in_dim3A_466, %select_n3A_356 : vector<16xi1>, vector<16xf32>
      %eq3A_468 = vector.broadcast %reduce_min3A_437 : i32 to vector<16xi32>
      %eq3A_469 = arith.cmpi eq, %add3A_38, %eq3A_468 : vector<16xi32>
      %jit3A_470 = arith.constant -1.000000e+00 : f32
      %broadcast_in_dim3A_471 = vector.broadcast %jit3A_470 : f32 to vector<16xf32>
      %select_n3A_472 = arith.select %eq3A_469, %broadcast_in_dim3A_471, %select_n3A_361 : vector<16xi1>, vector<16xf32>
      %eq3A_473 = vector.broadcast %reduce_min3A_437 : i32 to vector<16xi32>
      %eq3A_474 = arith.cmpi eq, %add3A_41, %eq3A_473 : vector<16xi32>
      %jit3A_475 = arith.constant -1.000000e+00 : f32
      %broadcast_in_dim3A_476 = vector.broadcast %jit3A_475 : f32 to vector<16xf32>
      %select_n3A_477 = arith.select %eq3A_474, %broadcast_in_dim3A_476, %select_n3A_366 : vector<16xi1>, vector<16xf32>
      %eq3A_478 = arith.constant 3 : i32
      %eq3A_479 = vector.broadcast %eq3A_478 : i32 to vector<16xi32>
      %eq3A_480 = arith.cmpi eq, %iota3A, %eq3A_479 : vector<16xi32>
      %broadcast_in_dim3A_481 = vector.broadcast %reduce_max3A_382 : f32 to vector<16xf32>
      %select_n3A_482 = arith.select %eq3A_480, %broadcast_in_dim3A_481, %select_n3A_371 : vector<16xi1>, vector<16xf32>
      %max3A_483 = arith.maximumf %select_n3A_442, %select_n3A_447 : vector<16xf32>
      %max3A_484 = arith.maximumf %max3A_483, %select_n3A_452 : vector<16xf32>
      %max3A_485 = arith.maximumf %max3A_484, %select_n3A_457 : vector<16xf32>
      %max3A_486 = arith.maximumf %max3A_485, %select_n3A_462 : vector<16xf32>
      %max3A_487 = arith.maximumf %max3A_486, %select_n3A_467 : vector<16xf32>
      %max3A_488 = arith.maximumf %max3A_487, %select_n3A_472 : vector<16xf32>
      %max3A_489 = arith.maximumf %max3A_488, %select_n3A_477 : vector<16xf32>
      %reduce_max3A_490 = arith.constant true
      %reduce_max3A_491 = vector.broadcast %reduce_max3A_490 : i1 to vector<16xi1>
      %reduce_max3A_492 = tpu.scan <max>, %max3A_489 masked %reduce_max3A_491 : vector<16xf32>, vector<16xi1> -> vector<16xf32>
      %reduce_max3A_493 = vector.extract %reduce_max3A_492[15] : f32 from vector<16xf32>
      %eq3A_494 = vector.broadcast %reduce_max3A_493 : f32 to vector<16xf32>
      %eq3A_495 = arith.cmpf oeq, %select_n3A_442, %eq3A_494 : vector<16xf32>
      %jit3A_496 = arith.constant 1073741824 : i32
      %broadcast_in_dim3A_497 = vector.broadcast %jit3A_496 : i32 to vector<16xi32>
      %select_n3A_498 = arith.select %eq3A_495, %add3A_20, %broadcast_in_dim3A_497 : vector<16xi1>, vector<16xi32>
      %eq3A_499 = vector.broadcast %reduce_max3A_493 : f32 to vector<16xf32>
      %eq3A_500 = arith.cmpf oeq, %select_n3A_447, %eq3A_499 : vector<16xf32>
      %jit3A_501 = arith.constant 1073741824 : i32
      %broadcast_in_dim3A_502 = vector.broadcast %jit3A_501 : i32 to vector<16xi32>
      %select_n3A_503 = arith.select %eq3A_500, %add3A_23, %broadcast_in_dim3A_502 : vector<16xi1>, vector<16xi32>
      %min3A_504 = arith.minsi %select_n3A_498, %select_n3A_503 : vector<16xi32>
      %eq3A_505 = vector.broadcast %reduce_max3A_493 : f32 to vector<16xf32>
      %eq3A_506 = arith.cmpf oeq, %select_n3A_452, %eq3A_505 : vector<16xf32>
      %jit3A_507 = arith.constant 1073741824 : i32
      %broadcast_in_dim3A_508 = vector.broadcast %jit3A_507 : i32 to vector<16xi32>
      %select_n3A_509 = arith.select %eq3A_506, %add3A_26, %broadcast_in_dim3A_508 : vector<16xi1>, vector<16xi32>
      %min3A_510 = arith.minsi %min3A_504, %select_n3A_509 : vector<16xi32>
      %eq3A_511 = vector.broadcast %reduce_max3A_493 : f32 to vector<16xf32>
      %eq3A_512 = arith.cmpf oeq, %select_n3A_457, %eq3A_511 : vector<16xf32>
      %jit3A_513 = arith.constant 1073741824 : i32
      %broadcast_in_dim3A_514 = vector.broadcast %jit3A_513 : i32 to vector<16xi32>
      %select_n3A_515 = arith.select %eq3A_512, %add3A_29, %broadcast_in_dim3A_514 : vector<16xi1>, vector<16xi32>
      %min3A_516 = arith.minsi %min3A_510, %select_n3A_515 : vector<16xi32>
      %eq3A_517 = vector.broadcast %reduce_max3A_493 : f32 to vector<16xf32>
      %eq3A_518 = arith.cmpf oeq, %select_n3A_462, %eq3A_517 : vector<16xf32>
      %jit3A_519 = arith.constant 1073741824 : i32
      %broadcast_in_dim3A_520 = vector.broadcast %jit3A_519 : i32 to vector<16xi32>
      %select_n3A_521 = arith.select %eq3A_518, %add3A_32, %broadcast_in_dim3A_520 : vector<16xi1>, vector<16xi32>
      %min3A_522 = arith.minsi %min3A_516, %select_n3A_521 : vector<16xi32>
      %eq3A_523 = vector.broadcast %reduce_max3A_493 : f32 to vector<16xf32>
      %eq3A_524 = arith.cmpf oeq, %select_n3A_467, %eq3A_523 : vector<16xf32>
      %jit3A_525 = arith.constant 1073741824 : i32
      %broadcast_in_dim3A_526 = vector.broadcast %jit3A_525 : i32 to vector<16xi32>
      %select_n3A_527 = arith.select %eq3A_524, %add3A_35, %broadcast_in_dim3A_526 : vector<16xi1>, vector<16xi32>
      %min3A_528 = arith.minsi %min3A_522, %select_n3A_527 : vector<16xi32>
      %eq3A_529 = vector.broadcast %reduce_max3A_493 : f32 to vector<16xf32>
      %eq3A_530 = arith.cmpf oeq, %select_n3A_472, %eq3A_529 : vector<16xf32>
      %jit3A_531 = arith.constant 1073741824 : i32
      %broadcast_in_dim3A_532 = vector.broadcast %jit3A_531 : i32 to vector<16xi32>
      %select_n3A_533 = arith.select %eq3A_530, %add3A_38, %broadcast_in_dim3A_532 : vector<16xi1>, vector<16xi32>
      %min3A_534 = arith.minsi %min3A_528, %select_n3A_533 : vector<16xi32>
      %eq3A_535 = vector.broadcast %reduce_max3A_493 : f32 to vector<16xf32>
      %eq3A_536 = arith.cmpf oeq, %select_n3A_477, %eq3A_535 : vector<16xf32>
      %jit3A_537 = arith.constant 1073741824 : i32
      %broadcast_in_dim3A_538 = vector.broadcast %jit3A_537 : i32 to vector<16xi32>
      %select_n3A_539 = arith.select %eq3A_536, %add3A_41, %broadcast_in_dim3A_538 : vector<16xi1>, vector<16xi32>
      %min3A_540 = arith.minsi %min3A_534, %select_n3A_539 : vector<16xi32>
      %reduce_min3A_541 = arith.constant true
      %reduce_min3A_542 = vector.broadcast %reduce_min3A_541 : i1 to vector<16xi1>
      %reduce_min3A_543 = arith.constant -2147483648 : i32
      %reduce_min3A_544 = vector.broadcast %reduce_min3A_543 : i32 to vector<16xi32>
      %reduce_min3A_545 = arith.xori %min3A_540, %reduce_min3A_544 : vector<16xi32>
      %reduce_min3A_546 = tpu.scan <min>, %reduce_min3A_545 masked %reduce_min3A_542 : vector<16xi32>, vector<16xi1> -> vector<16xi32>
      %reduce_min3A_547 = arith.xori %reduce_min3A_546, %reduce_min3A_544 : vector<16xi32>
      %reduce_min3A_548 = vector.extract %reduce_min3A_547[15] : i32 from vector<16xi32>
      %eq3A_549 = vector.broadcast %reduce_min3A_548 : i32 to vector<16xi32>
      %eq3A_550 = arith.cmpi eq, %add3A_20, %eq3A_549 : vector<16xi32>
      %jit3A_551 = arith.constant -1.000000e+00 : f32
      %broadcast_in_dim3A_552 = vector.broadcast %jit3A_551 : f32 to vector<16xf32>
      %select_n3A_553 = arith.select %eq3A_550, %broadcast_in_dim3A_552, %select_n3A_442 : vector<16xi1>, vector<16xf32>
      %eq3A_554 = vector.broadcast %reduce_min3A_548 : i32 to vector<16xi32>
      %eq3A_555 = arith.cmpi eq, %add3A_23, %eq3A_554 : vector<16xi32>
      %jit3A_556 = arith.constant -1.000000e+00 : f32
      %broadcast_in_dim3A_557 = vector.broadcast %jit3A_556 : f32 to vector<16xf32>
      %select_n3A_558 = arith.select %eq3A_555, %broadcast_in_dim3A_557, %select_n3A_447 : vector<16xi1>, vector<16xf32>
      %eq3A_559 = vector.broadcast %reduce_min3A_548 : i32 to vector<16xi32>
      %eq3A_560 = arith.cmpi eq, %add3A_26, %eq3A_559 : vector<16xi32>
      %jit3A_561 = arith.constant -1.000000e+00 : f32
      %broadcast_in_dim3A_562 = vector.broadcast %jit3A_561 : f32 to vector<16xf32>
      %select_n3A_563 = arith.select %eq3A_560, %broadcast_in_dim3A_562, %select_n3A_452 : vector<16xi1>, vector<16xf32>
      %eq3A_564 = vector.broadcast %reduce_min3A_548 : i32 to vector<16xi32>
      %eq3A_565 = arith.cmpi eq, %add3A_29, %eq3A_564 : vector<16xi32>
      %jit3A_566 = arith.constant -1.000000e+00 : f32
      %broadcast_in_dim3A_567 = vector.broadcast %jit3A_566 : f32 to vector<16xf32>
      %select_n3A_568 = arith.select %eq3A_565, %broadcast_in_dim3A_567, %select_n3A_457 : vector<16xi1>, vector<16xf32>
      %eq3A_569 = vector.broadcast %reduce_min3A_548 : i32 to vector<16xi32>
      %eq3A_570 = arith.cmpi eq, %add3A_32, %eq3A_569 : vector<16xi32>
      %jit3A_571 = arith.constant -1.000000e+00 : f32
      %broadcast_in_dim3A_572 = vector.broadcast %jit3A_571 : f32 to vector<16xf32>
      %select_n3A_573 = arith.select %eq3A_570, %broadcast_in_dim3A_572, %select_n3A_462 : vector<16xi1>, vector<16xf32>
      %eq3A_574 = vector.broadcast %reduce_min3A_548 : i32 to vector<16xi32>
      %eq3A_575 = arith.cmpi eq, %add3A_35, %eq3A_574 : vector<16xi32>
      %jit3A_576 = arith.constant -1.000000e+00 : f32
      %broadcast_in_dim3A_577 = vector.broadcast %jit3A_576 : f32 to vector<16xf32>
      %select_n3A_578 = arith.select %eq3A_575, %broadcast_in_dim3A_577, %select_n3A_467 : vector<16xi1>, vector<16xf32>
      %eq3A_579 = vector.broadcast %reduce_min3A_548 : i32 to vector<16xi32>
      %eq3A_580 = arith.cmpi eq, %add3A_38, %eq3A_579 : vector<16xi32>
      %jit3A_581 = arith.constant -1.000000e+00 : f32
      %broadcast_in_dim3A_582 = vector.broadcast %jit3A_581 : f32 to vector<16xf32>
      %select_n3A_583 = arith.select %eq3A_580, %broadcast_in_dim3A_582, %select_n3A_472 : vector<16xi1>, vector<16xf32>
      %eq3A_584 = vector.broadcast %reduce_min3A_548 : i32 to vector<16xi32>
      %eq3A_585 = arith.cmpi eq, %add3A_41, %eq3A_584 : vector<16xi32>
      %jit3A_586 = arith.constant -1.000000e+00 : f32
      %broadcast_in_dim3A_587 = vector.broadcast %jit3A_586 : f32 to vector<16xf32>
      %select_n3A_588 = arith.select %eq3A_585, %broadcast_in_dim3A_587, %select_n3A_477 : vector<16xi1>, vector<16xf32>
      %eq3A_589 = arith.constant 4 : i32
      %eq3A_590 = vector.broadcast %eq3A_589 : i32 to vector<16xi32>
      %eq3A_591 = arith.cmpi eq, %iota3A, %eq3A_590 : vector<16xi32>
      %broadcast_in_dim3A_592 = vector.broadcast %reduce_max3A_493 : f32 to vector<16xf32>
      %select_n3A_593 = arith.select %eq3A_591, %broadcast_in_dim3A_592, %select_n3A_482 : vector<16xi1>, vector<16xf32>
      %max3A_594 = arith.maximumf %select_n3A_553, %select_n3A_558 : vector<16xf32>
      %max3A_595 = arith.maximumf %max3A_594, %select_n3A_563 : vector<16xf32>
      %max3A_596 = arith.maximumf %max3A_595, %select_n3A_568 : vector<16xf32>
      %max3A_597 = arith.maximumf %max3A_596, %select_n3A_573 : vector<16xf32>
      %max3A_598 = arith.maximumf %max3A_597, %select_n3A_578 : vector<16xf32>
      %max3A_599 = arith.maximumf %max3A_598, %select_n3A_583 : vector<16xf32>
      %max3A_600 = arith.maximumf %max3A_599, %select_n3A_588 : vector<16xf32>
      %reduce_max3A_601 = arith.constant true
      %reduce_max3A_602 = vector.broadcast %reduce_max3A_601 : i1 to vector<16xi1>
      %reduce_max3A_603 = tpu.scan <max>, %max3A_600 masked %reduce_max3A_602 : vector<16xf32>, vector<16xi1> -> vector<16xf32>
      %reduce_max3A_604 = vector.extract %reduce_max3A_603[15] : f32 from vector<16xf32>
      %eq3A_605 = vector.broadcast %reduce_max3A_604 : f32 to vector<16xf32>
      %eq3A_606 = arith.cmpf oeq, %select_n3A_553, %eq3A_605 : vector<16xf32>
      %jit3A_607 = arith.constant 1073741824 : i32
      %broadcast_in_dim3A_608 = vector.broadcast %jit3A_607 : i32 to vector<16xi32>
      %select_n3A_609 = arith.select %eq3A_606, %add3A_20, %broadcast_in_dim3A_608 : vector<16xi1>, vector<16xi32>
      %eq3A_610 = vector.broadcast %reduce_max3A_604 : f32 to vector<16xf32>
      %eq3A_611 = arith.cmpf oeq, %select_n3A_558, %eq3A_610 : vector<16xf32>
      %jit3A_612 = arith.constant 1073741824 : i32
      %broadcast_in_dim3A_613 = vector.broadcast %jit3A_612 : i32 to vector<16xi32>
      %select_n3A_614 = arith.select %eq3A_611, %add3A_23, %broadcast_in_dim3A_613 : vector<16xi1>, vector<16xi32>
      %min3A_615 = arith.minsi %select_n3A_609, %select_n3A_614 : vector<16xi32>
      %eq3A_616 = vector.broadcast %reduce_max3A_604 : f32 to vector<16xf32>
      %eq3A_617 = arith.cmpf oeq, %select_n3A_563, %eq3A_616 : vector<16xf32>
      %jit3A_618 = arith.constant 1073741824 : i32
      %broadcast_in_dim3A_619 = vector.broadcast %jit3A_618 : i32 to vector<16xi32>
      %select_n3A_620 = arith.select %eq3A_617, %add3A_26, %broadcast_in_dim3A_619 : vector<16xi1>, vector<16xi32>
      %min3A_621 = arith.minsi %min3A_615, %select_n3A_620 : vector<16xi32>
      %eq3A_622 = vector.broadcast %reduce_max3A_604 : f32 to vector<16xf32>
      %eq3A_623 = arith.cmpf oeq, %select_n3A_568, %eq3A_622 : vector<16xf32>
      %jit3A_624 = arith.constant 1073741824 : i32
      %broadcast_in_dim3A_625 = vector.broadcast %jit3A_624 : i32 to vector<16xi32>
      %select_n3A_626 = arith.select %eq3A_623, %add3A_29, %broadcast_in_dim3A_625 : vector<16xi1>, vector<16xi32>
      %min3A_627 = arith.minsi %min3A_621, %select_n3A_626 : vector<16xi32>
      %eq3A_628 = vector.broadcast %reduce_max3A_604 : f32 to vector<16xf32>
      %eq3A_629 = arith.cmpf oeq, %select_n3A_573, %eq3A_628 : vector<16xf32>
      %jit3A_630 = arith.constant 1073741824 : i32
      %broadcast_in_dim3A_631 = vector.broadcast %jit3A_630 : i32 to vector<16xi32>
      %select_n3A_632 = arith.select %eq3A_629, %add3A_32, %broadcast_in_dim3A_631 : vector<16xi1>, vector<16xi32>
      %min3A_633 = arith.minsi %min3A_627, %select_n3A_632 : vector<16xi32>
      %eq3A_634 = vector.broadcast %reduce_max3A_604 : f32 to vector<16xf32>
      %eq3A_635 = arith.cmpf oeq, %select_n3A_578, %eq3A_634 : vector<16xf32>
      %jit3A_636 = arith.constant 1073741824 : i32
      %broadcast_in_dim3A_637 = vector.broadcast %jit3A_636 : i32 to vector<16xi32>
      %select_n3A_638 = arith.select %eq3A_635, %add3A_35, %broadcast_in_dim3A_637 : vector<16xi1>, vector<16xi32>
      %min3A_639 = arith.minsi %min3A_633, %select_n3A_638 : vector<16xi32>
      %eq3A_640 = vector.broadcast %reduce_max3A_604 : f32 to vector<16xf32>
      %eq3A_641 = arith.cmpf oeq, %select_n3A_583, %eq3A_640 : vector<16xf32>
      %jit3A_642 = arith.constant 1073741824 : i32
      %broadcast_in_dim3A_643 = vector.broadcast %jit3A_642 : i32 to vector<16xi32>
      %select_n3A_644 = arith.select %eq3A_641, %add3A_38, %broadcast_in_dim3A_643 : vector<16xi1>, vector<16xi32>
      %min3A_645 = arith.minsi %min3A_639, %select_n3A_644 : vector<16xi32>
      %eq3A_646 = vector.broadcast %reduce_max3A_604 : f32 to vector<16xf32>
      %eq3A_647 = arith.cmpf oeq, %select_n3A_588, %eq3A_646 : vector<16xf32>
      %jit3A_648 = arith.constant 1073741824 : i32
      %broadcast_in_dim3A_649 = vector.broadcast %jit3A_648 : i32 to vector<16xi32>
      %select_n3A_650 = arith.select %eq3A_647, %add3A_41, %broadcast_in_dim3A_649 : vector<16xi1>, vector<16xi32>
      %min3A_651 = arith.minsi %min3A_645, %select_n3A_650 : vector<16xi32>
      %reduce_min3A_652 = arith.constant true
      %reduce_min3A_653 = vector.broadcast %reduce_min3A_652 : i1 to vector<16xi1>
      %reduce_min3A_654 = arith.constant -2147483648 : i32
      %reduce_min3A_655 = vector.broadcast %reduce_min3A_654 : i32 to vector<16xi32>
      %reduce_min3A_656 = arith.xori %min3A_651, %reduce_min3A_655 : vector<16xi32>
      %reduce_min3A_657 = tpu.scan <min>, %reduce_min3A_656 masked %reduce_min3A_653 : vector<16xi32>, vector<16xi1> -> vector<16xi32>
      %reduce_min3A_658 = arith.xori %reduce_min3A_657, %reduce_min3A_655 : vector<16xi32>
      %reduce_min3A_659 = vector.extract %reduce_min3A_658[15] : i32 from vector<16xi32>
      %eq3A_660 = vector.broadcast %reduce_min3A_659 : i32 to vector<16xi32>
      %eq3A_661 = arith.cmpi eq, %add3A_20, %eq3A_660 : vector<16xi32>
      %jit3A_662 = arith.constant -1.000000e+00 : f32
      %broadcast_in_dim3A_663 = vector.broadcast %jit3A_662 : f32 to vector<16xf32>
      %select_n3A_664 = arith.select %eq3A_661, %broadcast_in_dim3A_663, %select_n3A_553 : vector<16xi1>, vector<16xf32>
      %eq3A_665 = vector.broadcast %reduce_min3A_659 : i32 to vector<16xi32>
      %eq3A_666 = arith.cmpi eq, %add3A_23, %eq3A_665 : vector<16xi32>
      %jit3A_667 = arith.constant -1.000000e+00 : f32
      %broadcast_in_dim3A_668 = vector.broadcast %jit3A_667 : f32 to vector<16xf32>
      %select_n3A_669 = arith.select %eq3A_666, %broadcast_in_dim3A_668, %select_n3A_558 : vector<16xi1>, vector<16xf32>
      %eq3A_670 = vector.broadcast %reduce_min3A_659 : i32 to vector<16xi32>
      %eq3A_671 = arith.cmpi eq, %add3A_26, %eq3A_670 : vector<16xi32>
      %jit3A_672 = arith.constant -1.000000e+00 : f32
      %broadcast_in_dim3A_673 = vector.broadcast %jit3A_672 : f32 to vector<16xf32>
      %select_n3A_674 = arith.select %eq3A_671, %broadcast_in_dim3A_673, %select_n3A_563 : vector<16xi1>, vector<16xf32>
      %eq3A_675 = vector.broadcast %reduce_min3A_659 : i32 to vector<16xi32>
      %eq3A_676 = arith.cmpi eq, %add3A_29, %eq3A_675 : vector<16xi32>
      %jit3A_677 = arith.constant -1.000000e+00 : f32
      %broadcast_in_dim3A_678 = vector.broadcast %jit3A_677 : f32 to vector<16xf32>
      %select_n3A_679 = arith.select %eq3A_676, %broadcast_in_dim3A_678, %select_n3A_568 : vector<16xi1>, vector<16xf32>
      %eq3A_680 = vector.broadcast %reduce_min3A_659 : i32 to vector<16xi32>
      %eq3A_681 = arith.cmpi eq, %add3A_32, %eq3A_680 : vector<16xi32>
      %jit3A_682 = arith.constant -1.000000e+00 : f32
      %broadcast_in_dim3A_683 = vector.broadcast %jit3A_682 : f32 to vector<16xf32>
      %select_n3A_684 = arith.select %eq3A_681, %broadcast_in_dim3A_683, %select_n3A_573 : vector<16xi1>, vector<16xf32>
      %eq3A_685 = vector.broadcast %reduce_min3A_659 : i32 to vector<16xi32>
      %eq3A_686 = arith.cmpi eq, %add3A_35, %eq3A_685 : vector<16xi32>
      %jit3A_687 = arith.constant -1.000000e+00 : f32
      %broadcast_in_dim3A_688 = vector.broadcast %jit3A_687 : f32 to vector<16xf32>
      %select_n3A_689 = arith.select %eq3A_686, %broadcast_in_dim3A_688, %select_n3A_578 : vector<16xi1>, vector<16xf32>
      %eq3A_690 = vector.broadcast %reduce_min3A_659 : i32 to vector<16xi32>
      %eq3A_691 = arith.cmpi eq, %add3A_38, %eq3A_690 : vector<16xi32>
      %jit3A_692 = arith.constant -1.000000e+00 : f32
      %broadcast_in_dim3A_693 = vector.broadcast %jit3A_692 : f32 to vector<16xf32>
      %select_n3A_694 = arith.select %eq3A_691, %broadcast_in_dim3A_693, %select_n3A_583 : vector<16xi1>, vector<16xf32>
      %eq3A_695 = vector.broadcast %reduce_min3A_659 : i32 to vector<16xi32>
      %eq3A_696 = arith.cmpi eq, %add3A_41, %eq3A_695 : vector<16xi32>
      %jit3A_697 = arith.constant -1.000000e+00 : f32
      %broadcast_in_dim3A_698 = vector.broadcast %jit3A_697 : f32 to vector<16xf32>
      %select_n3A_699 = arith.select %eq3A_696, %broadcast_in_dim3A_698, %select_n3A_588 : vector<16xi1>, vector<16xf32>
      %eq3A_700 = arith.constant 5 : i32
      %eq3A_701 = vector.broadcast %eq3A_700 : i32 to vector<16xi32>
      %eq3A_702 = arith.cmpi eq, %iota3A, %eq3A_701 : vector<16xi32>
      %broadcast_in_dim3A_703 = vector.broadcast %reduce_max3A_604 : f32 to vector<16xf32>
      %select_n3A_704 = arith.select %eq3A_702, %broadcast_in_dim3A_703, %select_n3A_593 : vector<16xi1>, vector<16xf32>
      %max3A_705 = arith.maximumf %select_n3A_664, %select_n3A_669 : vector<16xf32>
      %max3A_706 = arith.maximumf %max3A_705, %select_n3A_674 : vector<16xf32>
      %max3A_707 = arith.maximumf %max3A_706, %select_n3A_679 : vector<16xf32>
      %max3A_708 = arith.maximumf %max3A_707, %select_n3A_684 : vector<16xf32>
      %max3A_709 = arith.maximumf %max3A_708, %select_n3A_689 : vector<16xf32>
      %max3A_710 = arith.maximumf %max3A_709, %select_n3A_694 : vector<16xf32>
      %max3A_711 = arith.maximumf %max3A_710, %select_n3A_699 : vector<16xf32>
      %reduce_max3A_712 = arith.constant true
      %reduce_max3A_713 = vector.broadcast %reduce_max3A_712 : i1 to vector<16xi1>
      %reduce_max3A_714 = tpu.scan <max>, %max3A_711 masked %reduce_max3A_713 : vector<16xf32>, vector<16xi1> -> vector<16xf32>
      %reduce_max3A_715 = vector.extract %reduce_max3A_714[15] : f32 from vector<16xf32>
      %eq3A_716 = vector.broadcast %reduce_max3A_715 : f32 to vector<16xf32>
      %eq3A_717 = arith.cmpf oeq, %select_n3A_664, %eq3A_716 : vector<16xf32>
      %jit3A_718 = arith.constant 1073741824 : i32
      %broadcast_in_dim3A_719 = vector.broadcast %jit3A_718 : i32 to vector<16xi32>
      %select_n3A_720 = arith.select %eq3A_717, %add3A_20, %broadcast_in_dim3A_719 : vector<16xi1>, vector<16xi32>
      %eq3A_721 = vector.broadcast %reduce_max3A_715 : f32 to vector<16xf32>
      %eq3A_722 = arith.cmpf oeq, %select_n3A_669, %eq3A_721 : vector<16xf32>
      %jit3A_723 = arith.constant 1073741824 : i32
      %broadcast_in_dim3A_724 = vector.broadcast %jit3A_723 : i32 to vector<16xi32>
      %select_n3A_725 = arith.select %eq3A_722, %add3A_23, %broadcast_in_dim3A_724 : vector<16xi1>, vector<16xi32>
      %min3A_726 = arith.minsi %select_n3A_720, %select_n3A_725 : vector<16xi32>
      %eq3A_727 = vector.broadcast %reduce_max3A_715 : f32 to vector<16xf32>
      %eq3A_728 = arith.cmpf oeq, %select_n3A_674, %eq3A_727 : vector<16xf32>
      %jit3A_729 = arith.constant 1073741824 : i32
      %broadcast_in_dim3A_730 = vector.broadcast %jit3A_729 : i32 to vector<16xi32>
      %select_n3A_731 = arith.select %eq3A_728, %add3A_26, %broadcast_in_dim3A_730 : vector<16xi1>, vector<16xi32>
      %min3A_732 = arith.minsi %min3A_726, %select_n3A_731 : vector<16xi32>
      %eq3A_733 = vector.broadcast %reduce_max3A_715 : f32 to vector<16xf32>
      %eq3A_734 = arith.cmpf oeq, %select_n3A_679, %eq3A_733 : vector<16xf32>
      %jit3A_735 = arith.constant 1073741824 : i32
      %broadcast_in_dim3A_736 = vector.broadcast %jit3A_735 : i32 to vector<16xi32>
      %select_n3A_737 = arith.select %eq3A_734, %add3A_29, %broadcast_in_dim3A_736 : vector<16xi1>, vector<16xi32>
      %min3A_738 = arith.minsi %min3A_732, %select_n3A_737 : vector<16xi32>
      %eq3A_739 = vector.broadcast %reduce_max3A_715 : f32 to vector<16xf32>
      %eq3A_740 = arith.cmpf oeq, %select_n3A_684, %eq3A_739 : vector<16xf32>
      %jit3A_741 = arith.constant 1073741824 : i32
      %broadcast_in_dim3A_742 = vector.broadcast %jit3A_741 : i32 to vector<16xi32>
      %select_n3A_743 = arith.select %eq3A_740, %add3A_32, %broadcast_in_dim3A_742 : vector<16xi1>, vector<16xi32>
      %min3A_744 = arith.minsi %min3A_738, %select_n3A_743 : vector<16xi32>
      %eq3A_745 = vector.broadcast %reduce_max3A_715 : f32 to vector<16xf32>
      %eq3A_746 = arith.cmpf oeq, %select_n3A_689, %eq3A_745 : vector<16xf32>
      %jit3A_747 = arith.constant 1073741824 : i32
      %broadcast_in_dim3A_748 = vector.broadcast %jit3A_747 : i32 to vector<16xi32>
      %select_n3A_749 = arith.select %eq3A_746, %add3A_35, %broadcast_in_dim3A_748 : vector<16xi1>, vector<16xi32>
      %min3A_750 = arith.minsi %min3A_744, %select_n3A_749 : vector<16xi32>
      %eq3A_751 = vector.broadcast %reduce_max3A_715 : f32 to vector<16xf32>
      %eq3A_752 = arith.cmpf oeq, %select_n3A_694, %eq3A_751 : vector<16xf32>
      %jit3A_753 = arith.constant 1073741824 : i32
      %broadcast_in_dim3A_754 = vector.broadcast %jit3A_753 : i32 to vector<16xi32>
      %select_n3A_755 = arith.select %eq3A_752, %add3A_38, %broadcast_in_dim3A_754 : vector<16xi1>, vector<16xi32>
      %min3A_756 = arith.minsi %min3A_750, %select_n3A_755 : vector<16xi32>
      %eq3A_757 = vector.broadcast %reduce_max3A_715 : f32 to vector<16xf32>
      %eq3A_758 = arith.cmpf oeq, %select_n3A_699, %eq3A_757 : vector<16xf32>
      %jit3A_759 = arith.constant 1073741824 : i32
      %broadcast_in_dim3A_760 = vector.broadcast %jit3A_759 : i32 to vector<16xi32>
      %select_n3A_761 = arith.select %eq3A_758, %add3A_41, %broadcast_in_dim3A_760 : vector<16xi1>, vector<16xi32>
      %min3A_762 = arith.minsi %min3A_756, %select_n3A_761 : vector<16xi32>
      %reduce_min3A_763 = arith.constant true
      %reduce_min3A_764 = vector.broadcast %reduce_min3A_763 : i1 to vector<16xi1>
      %reduce_min3A_765 = arith.constant -2147483648 : i32
      %reduce_min3A_766 = vector.broadcast %reduce_min3A_765 : i32 to vector<16xi32>
      %reduce_min3A_767 = arith.xori %min3A_762, %reduce_min3A_766 : vector<16xi32>
      %reduce_min3A_768 = tpu.scan <min>, %reduce_min3A_767 masked %reduce_min3A_764 : vector<16xi32>, vector<16xi1> -> vector<16xi32>
      %reduce_min3A_769 = arith.xori %reduce_min3A_768, %reduce_min3A_766 : vector<16xi32>
      %reduce_min3A_770 = vector.extract %reduce_min3A_769[15] : i32 from vector<16xi32>
      %eq3A_771 = vector.broadcast %reduce_min3A_770 : i32 to vector<16xi32>
      %eq3A_772 = arith.cmpi eq, %add3A_20, %eq3A_771 : vector<16xi32>
      %jit3A_773 = arith.constant -1.000000e+00 : f32
      %broadcast_in_dim3A_774 = vector.broadcast %jit3A_773 : f32 to vector<16xf32>
      %select_n3A_775 = arith.select %eq3A_772, %broadcast_in_dim3A_774, %select_n3A_664 : vector<16xi1>, vector<16xf32>
      %eq3A_776 = vector.broadcast %reduce_min3A_770 : i32 to vector<16xi32>
      %eq3A_777 = arith.cmpi eq, %add3A_23, %eq3A_776 : vector<16xi32>
      %jit3A_778 = arith.constant -1.000000e+00 : f32
      %broadcast_in_dim3A_779 = vector.broadcast %jit3A_778 : f32 to vector<16xf32>
      %select_n3A_780 = arith.select %eq3A_777, %broadcast_in_dim3A_779, %select_n3A_669 : vector<16xi1>, vector<16xf32>
      %eq3A_781 = vector.broadcast %reduce_min3A_770 : i32 to vector<16xi32>
      %eq3A_782 = arith.cmpi eq, %add3A_26, %eq3A_781 : vector<16xi32>
      %jit3A_783 = arith.constant -1.000000e+00 : f32
      %broadcast_in_dim3A_784 = vector.broadcast %jit3A_783 : f32 to vector<16xf32>
      %select_n3A_785 = arith.select %eq3A_782, %broadcast_in_dim3A_784, %select_n3A_674 : vector<16xi1>, vector<16xf32>
      %eq3A_786 = vector.broadcast %reduce_min3A_770 : i32 to vector<16xi32>
      %eq3A_787 = arith.cmpi eq, %add3A_29, %eq3A_786 : vector<16xi32>
      %jit3A_788 = arith.constant -1.000000e+00 : f32
      %broadcast_in_dim3A_789 = vector.broadcast %jit3A_788 : f32 to vector<16xf32>
      %select_n3A_790 = arith.select %eq3A_787, %broadcast_in_dim3A_789, %select_n3A_679 : vector<16xi1>, vector<16xf32>
      %eq3A_791 = vector.broadcast %reduce_min3A_770 : i32 to vector<16xi32>
      %eq3A_792 = arith.cmpi eq, %add3A_32, %eq3A_791 : vector<16xi32>
      %jit3A_793 = arith.constant -1.000000e+00 : f32
      %broadcast_in_dim3A_794 = vector.broadcast %jit3A_793 : f32 to vector<16xf32>
      %select_n3A_795 = arith.select %eq3A_792, %broadcast_in_dim3A_794, %select_n3A_684 : vector<16xi1>, vector<16xf32>
      %eq3A_796 = vector.broadcast %reduce_min3A_770 : i32 to vector<16xi32>
      %eq3A_797 = arith.cmpi eq, %add3A_35, %eq3A_796 : vector<16xi32>
      %jit3A_798 = arith.constant -1.000000e+00 : f32
      %broadcast_in_dim3A_799 = vector.broadcast %jit3A_798 : f32 to vector<16xf32>
      %select_n3A_800 = arith.select %eq3A_797, %broadcast_in_dim3A_799, %select_n3A_689 : vector<16xi1>, vector<16xf32>
      %eq3A_801 = vector.broadcast %reduce_min3A_770 : i32 to vector<16xi32>
      %eq3A_802 = arith.cmpi eq, %add3A_38, %eq3A_801 : vector<16xi32>
      %jit3A_803 = arith.constant -1.000000e+00 : f32
      %broadcast_in_dim3A_804 = vector.broadcast %jit3A_803 : f32 to vector<16xf32>
      %select_n3A_805 = arith.select %eq3A_802, %broadcast_in_dim3A_804, %select_n3A_694 : vector<16xi1>, vector<16xf32>
      %eq3A_806 = vector.broadcast %reduce_min3A_770 : i32 to vector<16xi32>
      %eq3A_807 = arith.cmpi eq, %add3A_41, %eq3A_806 : vector<16xi32>
      %jit3A_808 = arith.constant -1.000000e+00 : f32
      %broadcast_in_dim3A_809 = vector.broadcast %jit3A_808 : f32 to vector<16xf32>
      %select_n3A_810 = arith.select %eq3A_807, %broadcast_in_dim3A_809, %select_n3A_699 : vector<16xi1>, vector<16xf32>
      %eq3A_811 = arith.constant 6 : i32
      %eq3A_812 = vector.broadcast %eq3A_811 : i32 to vector<16xi32>
      %eq3A_813 = arith.cmpi eq, %iota3A, %eq3A_812 : vector<16xi32>
      %broadcast_in_dim3A_814 = vector.broadcast %reduce_max3A_715 : f32 to vector<16xf32>
      %select_n3A_815 = arith.select %eq3A_813, %broadcast_in_dim3A_814, %select_n3A_704 : vector<16xi1>, vector<16xf32>
      %max3A_816 = arith.maximumf %select_n3A_775, %select_n3A_780 : vector<16xf32>
      %max3A_817 = arith.maximumf %max3A_816, %select_n3A_785 : vector<16xf32>
      %max3A_818 = arith.maximumf %max3A_817, %select_n3A_790 : vector<16xf32>
      %max3A_819 = arith.maximumf %max3A_818, %select_n3A_795 : vector<16xf32>
      %max3A_820 = arith.maximumf %max3A_819, %select_n3A_800 : vector<16xf32>
      %max3A_821 = arith.maximumf %max3A_820, %select_n3A_805 : vector<16xf32>
      %max3A_822 = arith.maximumf %max3A_821, %select_n3A_810 : vector<16xf32>
      %reduce_max3A_823 = arith.constant true
      %reduce_max3A_824 = vector.broadcast %reduce_max3A_823 : i1 to vector<16xi1>
      %reduce_max3A_825 = tpu.scan <max>, %max3A_822 masked %reduce_max3A_824 : vector<16xf32>, vector<16xi1> -> vector<16xf32>
      %reduce_max3A_826 = vector.extract %reduce_max3A_825[15] : f32 from vector<16xf32>
      %eq3A_827 = vector.broadcast %reduce_max3A_826 : f32 to vector<16xf32>
      %eq3A_828 = arith.cmpf oeq, %select_n3A_775, %eq3A_827 : vector<16xf32>
      %jit3A_829 = arith.constant 1073741824 : i32
      %broadcast_in_dim3A_830 = vector.broadcast %jit3A_829 : i32 to vector<16xi32>
      %select_n3A_831 = arith.select %eq3A_828, %add3A_20, %broadcast_in_dim3A_830 : vector<16xi1>, vector<16xi32>
      %eq3A_832 = vector.broadcast %reduce_max3A_826 : f32 to vector<16xf32>
      %eq3A_833 = arith.cmpf oeq, %select_n3A_780, %eq3A_832 : vector<16xf32>
      %jit3A_834 = arith.constant 1073741824 : i32
      %broadcast_in_dim3A_835 = vector.broadcast %jit3A_834 : i32 to vector<16xi32>
      %select_n3A_836 = arith.select %eq3A_833, %add3A_23, %broadcast_in_dim3A_835 : vector<16xi1>, vector<16xi32>
      %min3A_837 = arith.minsi %select_n3A_831, %select_n3A_836 : vector<16xi32>
      %eq3A_838 = vector.broadcast %reduce_max3A_826 : f32 to vector<16xf32>
      %eq3A_839 = arith.cmpf oeq, %select_n3A_785, %eq3A_838 : vector<16xf32>
      %jit3A_840 = arith.constant 1073741824 : i32
      %broadcast_in_dim3A_841 = vector.broadcast %jit3A_840 : i32 to vector<16xi32>
      %select_n3A_842 = arith.select %eq3A_839, %add3A_26, %broadcast_in_dim3A_841 : vector<16xi1>, vector<16xi32>
      %min3A_843 = arith.minsi %min3A_837, %select_n3A_842 : vector<16xi32>
      %eq3A_844 = vector.broadcast %reduce_max3A_826 : f32 to vector<16xf32>
      %eq3A_845 = arith.cmpf oeq, %select_n3A_790, %eq3A_844 : vector<16xf32>
      %jit3A_846 = arith.constant 1073741824 : i32
      %broadcast_in_dim3A_847 = vector.broadcast %jit3A_846 : i32 to vector<16xi32>
      %select_n3A_848 = arith.select %eq3A_845, %add3A_29, %broadcast_in_dim3A_847 : vector<16xi1>, vector<16xi32>
      %min3A_849 = arith.minsi %min3A_843, %select_n3A_848 : vector<16xi32>
      %eq3A_850 = vector.broadcast %reduce_max3A_826 : f32 to vector<16xf32>
      %eq3A_851 = arith.cmpf oeq, %select_n3A_795, %eq3A_850 : vector<16xf32>
      %jit3A_852 = arith.constant 1073741824 : i32
      %broadcast_in_dim3A_853 = vector.broadcast %jit3A_852 : i32 to vector<16xi32>
      %select_n3A_854 = arith.select %eq3A_851, %add3A_32, %broadcast_in_dim3A_853 : vector<16xi1>, vector<16xi32>
      %min3A_855 = arith.minsi %min3A_849, %select_n3A_854 : vector<16xi32>
      %eq3A_856 = vector.broadcast %reduce_max3A_826 : f32 to vector<16xf32>
      %eq3A_857 = arith.cmpf oeq, %select_n3A_800, %eq3A_856 : vector<16xf32>
      %jit3A_858 = arith.constant 1073741824 : i32
      %broadcast_in_dim3A_859 = vector.broadcast %jit3A_858 : i32 to vector<16xi32>
      %select_n3A_860 = arith.select %eq3A_857, %add3A_35, %broadcast_in_dim3A_859 : vector<16xi1>, vector<16xi32>
      %min3A_861 = arith.minsi %min3A_855, %select_n3A_860 : vector<16xi32>
      %eq3A_862 = vector.broadcast %reduce_max3A_826 : f32 to vector<16xf32>
      %eq3A_863 = arith.cmpf oeq, %select_n3A_805, %eq3A_862 : vector<16xf32>
      %jit3A_864 = arith.constant 1073741824 : i32
      %broadcast_in_dim3A_865 = vector.broadcast %jit3A_864 : i32 to vector<16xi32>
      %select_n3A_866 = arith.select %eq3A_863, %add3A_38, %broadcast_in_dim3A_865 : vector<16xi1>, vector<16xi32>
      %min3A_867 = arith.minsi %min3A_861, %select_n3A_866 : vector<16xi32>
      %eq3A_868 = vector.broadcast %reduce_max3A_826 : f32 to vector<16xf32>
      %eq3A_869 = arith.cmpf oeq, %select_n3A_810, %eq3A_868 : vector<16xf32>
      %jit3A_870 = arith.constant 1073741824 : i32
      %broadcast_in_dim3A_871 = vector.broadcast %jit3A_870 : i32 to vector<16xi32>
      %select_n3A_872 = arith.select %eq3A_869, %add3A_41, %broadcast_in_dim3A_871 : vector<16xi1>, vector<16xi32>
      %min3A_873 = arith.minsi %min3A_867, %select_n3A_872 : vector<16xi32>
      %reduce_min3A_874 = arith.constant true
      %reduce_min3A_875 = vector.broadcast %reduce_min3A_874 : i1 to vector<16xi1>
      %reduce_min3A_876 = arith.constant -2147483648 : i32
      %reduce_min3A_877 = vector.broadcast %reduce_min3A_876 : i32 to vector<16xi32>
      %reduce_min3A_878 = arith.xori %min3A_873, %reduce_min3A_877 : vector<16xi32>
      %reduce_min3A_879 = tpu.scan <min>, %reduce_min3A_878 masked %reduce_min3A_875 : vector<16xi32>, vector<16xi1> -> vector<16xi32>
      %reduce_min3A_880 = arith.xori %reduce_min3A_879, %reduce_min3A_877 : vector<16xi32>
      %reduce_min3A_881 = vector.extract %reduce_min3A_880[15] : i32 from vector<16xi32>
      %eq3A_882 = vector.broadcast %reduce_min3A_881 : i32 to vector<16xi32>
      %eq3A_883 = arith.cmpi eq, %add3A_20, %eq3A_882 : vector<16xi32>
      %jit3A_884 = arith.constant -1.000000e+00 : f32
      %broadcast_in_dim3A_885 = vector.broadcast %jit3A_884 : f32 to vector<16xf32>
      %select_n3A_886 = arith.select %eq3A_883, %broadcast_in_dim3A_885, %select_n3A_775 : vector<16xi1>, vector<16xf32>
      %eq3A_887 = vector.broadcast %reduce_min3A_881 : i32 to vector<16xi32>
      %eq3A_888 = arith.cmpi eq, %add3A_23, %eq3A_887 : vector<16xi32>
      %jit3A_889 = arith.constant -1.000000e+00 : f32
      %broadcast_in_dim3A_890 = vector.broadcast %jit3A_889 : f32 to vector<16xf32>
      %select_n3A_891 = arith.select %eq3A_888, %broadcast_in_dim3A_890, %select_n3A_780 : vector<16xi1>, vector<16xf32>
      %eq3A_892 = vector.broadcast %reduce_min3A_881 : i32 to vector<16xi32>
      %eq3A_893 = arith.cmpi eq, %add3A_26, %eq3A_892 : vector<16xi32>
      %jit3A_894 = arith.constant -1.000000e+00 : f32
      %broadcast_in_dim3A_895 = vector.broadcast %jit3A_894 : f32 to vector<16xf32>
      %select_n3A_896 = arith.select %eq3A_893, %broadcast_in_dim3A_895, %select_n3A_785 : vector<16xi1>, vector<16xf32>
      %eq3A_897 = vector.broadcast %reduce_min3A_881 : i32 to vector<16xi32>
      %eq3A_898 = arith.cmpi eq, %add3A_29, %eq3A_897 : vector<16xi32>
      %jit3A_899 = arith.constant -1.000000e+00 : f32
      %broadcast_in_dim3A_900 = vector.broadcast %jit3A_899 : f32 to vector<16xf32>
      %select_n3A_901 = arith.select %eq3A_898, %broadcast_in_dim3A_900, %select_n3A_790 : vector<16xi1>, vector<16xf32>
      %eq3A_902 = vector.broadcast %reduce_min3A_881 : i32 to vector<16xi32>
      %eq3A_903 = arith.cmpi eq, %add3A_32, %eq3A_902 : vector<16xi32>
      %jit3A_904 = arith.constant -1.000000e+00 : f32
      %broadcast_in_dim3A_905 = vector.broadcast %jit3A_904 : f32 to vector<16xf32>
      %select_n3A_906 = arith.select %eq3A_903, %broadcast_in_dim3A_905, %select_n3A_795 : vector<16xi1>, vector<16xf32>
      %eq3A_907 = vector.broadcast %reduce_min3A_881 : i32 to vector<16xi32>
      %eq3A_908 = arith.cmpi eq, %add3A_35, %eq3A_907 : vector<16xi32>
      %jit3A_909 = arith.constant -1.000000e+00 : f32
      %broadcast_in_dim3A_910 = vector.broadcast %jit3A_909 : f32 to vector<16xf32>
      %select_n3A_911 = arith.select %eq3A_908, %broadcast_in_dim3A_910, %select_n3A_800 : vector<16xi1>, vector<16xf32>
      %eq3A_912 = vector.broadcast %reduce_min3A_881 : i32 to vector<16xi32>
      %eq3A_913 = arith.cmpi eq, %add3A_38, %eq3A_912 : vector<16xi32>
      %jit3A_914 = arith.constant -1.000000e+00 : f32
      %broadcast_in_dim3A_915 = vector.broadcast %jit3A_914 : f32 to vector<16xf32>
      %select_n3A_916 = arith.select %eq3A_913, %broadcast_in_dim3A_915, %select_n3A_805 : vector<16xi1>, vector<16xf32>
      %eq3A_917 = vector.broadcast %reduce_min3A_881 : i32 to vector<16xi32>
      %eq3A_918 = arith.cmpi eq, %add3A_41, %eq3A_917 : vector<16xi32>
      %jit3A_919 = arith.constant -1.000000e+00 : f32
      %broadcast_in_dim3A_920 = vector.broadcast %jit3A_919 : f32 to vector<16xf32>
      %select_n3A_921 = arith.select %eq3A_918, %broadcast_in_dim3A_920, %select_n3A_810 : vector<16xi1>, vector<16xf32>
      %eq3A_922 = arith.constant 7 : i32
      %eq3A_923 = vector.broadcast %eq3A_922 : i32 to vector<16xi32>
      %eq3A_924 = arith.cmpi eq, %iota3A, %eq3A_923 : vector<16xi32>
      %broadcast_in_dim3A_925 = vector.broadcast %reduce_max3A_826 : f32 to vector<16xf32>
      %select_n3A_926 = arith.select %eq3A_924, %broadcast_in_dim3A_925, %select_n3A_815 : vector<16xi1>, vector<16xf32>
      %max3A_927 = arith.maximumf %select_n3A_886, %select_n3A_891 : vector<16xf32>
      %max3A_928 = arith.maximumf %max3A_927, %select_n3A_896 : vector<16xf32>
      %max3A_929 = arith.maximumf %max3A_928, %select_n3A_901 : vector<16xf32>
      %max3A_930 = arith.maximumf %max3A_929, %select_n3A_906 : vector<16xf32>
      %max3A_931 = arith.maximumf %max3A_930, %select_n3A_911 : vector<16xf32>
      %max3A_932 = arith.maximumf %max3A_931, %select_n3A_916 : vector<16xf32>
      %max3A_933 = arith.maximumf %max3A_932, %select_n3A_921 : vector<16xf32>
      %reduce_max3A_934 = arith.constant true
      %reduce_max3A_935 = vector.broadcast %reduce_max3A_934 : i1 to vector<16xi1>
      %reduce_max3A_936 = tpu.scan <max>, %max3A_933 masked %reduce_max3A_935 : vector<16xf32>, vector<16xi1> -> vector<16xf32>
      %reduce_max3A_937 = vector.extract %reduce_max3A_936[15] : f32 from vector<16xf32>
      %eq3A_938 = vector.broadcast %reduce_max3A_937 : f32 to vector<16xf32>
      %eq3A_939 = arith.cmpf oeq, %select_n3A_886, %eq3A_938 : vector<16xf32>
      %jit3A_940 = arith.constant 1073741824 : i32
      %broadcast_in_dim3A_941 = vector.broadcast %jit3A_940 : i32 to vector<16xi32>
      %select_n3A_942 = arith.select %eq3A_939, %add3A_20, %broadcast_in_dim3A_941 : vector<16xi1>, vector<16xi32>
      %eq3A_943 = vector.broadcast %reduce_max3A_937 : f32 to vector<16xf32>
      %eq3A_944 = arith.cmpf oeq, %select_n3A_891, %eq3A_943 : vector<16xf32>
      %jit3A_945 = arith.constant 1073741824 : i32
      %broadcast_in_dim3A_946 = vector.broadcast %jit3A_945 : i32 to vector<16xi32>
      %select_n3A_947 = arith.select %eq3A_944, %add3A_23, %broadcast_in_dim3A_946 : vector<16xi1>, vector<16xi32>
      %min3A_948 = arith.minsi %select_n3A_942, %select_n3A_947 : vector<16xi32>
      %eq3A_949 = vector.broadcast %reduce_max3A_937 : f32 to vector<16xf32>
      %eq3A_950 = arith.cmpf oeq, %select_n3A_896, %eq3A_949 : vector<16xf32>
      %jit3A_951 = arith.constant 1073741824 : i32
      %broadcast_in_dim3A_952 = vector.broadcast %jit3A_951 : i32 to vector<16xi32>
      %select_n3A_953 = arith.select %eq3A_950, %add3A_26, %broadcast_in_dim3A_952 : vector<16xi1>, vector<16xi32>
      %min3A_954 = arith.minsi %min3A_948, %select_n3A_953 : vector<16xi32>
      %eq3A_955 = vector.broadcast %reduce_max3A_937 : f32 to vector<16xf32>
      %eq3A_956 = arith.cmpf oeq, %select_n3A_901, %eq3A_955 : vector<16xf32>
      %jit3A_957 = arith.constant 1073741824 : i32
      %broadcast_in_dim3A_958 = vector.broadcast %jit3A_957 : i32 to vector<16xi32>
      %select_n3A_959 = arith.select %eq3A_956, %add3A_29, %broadcast_in_dim3A_958 : vector<16xi1>, vector<16xi32>
      %min3A_960 = arith.minsi %min3A_954, %select_n3A_959 : vector<16xi32>
      %eq3A_961 = vector.broadcast %reduce_max3A_937 : f32 to vector<16xf32>
      %eq3A_962 = arith.cmpf oeq, %select_n3A_906, %eq3A_961 : vector<16xf32>
      %jit3A_963 = arith.constant 1073741824 : i32
      %broadcast_in_dim3A_964 = vector.broadcast %jit3A_963 : i32 to vector<16xi32>
      %select_n3A_965 = arith.select %eq3A_962, %add3A_32, %broadcast_in_dim3A_964 : vector<16xi1>, vector<16xi32>
      %min3A_966 = arith.minsi %min3A_960, %select_n3A_965 : vector<16xi32>
      %eq3A_967 = vector.broadcast %reduce_max3A_937 : f32 to vector<16xf32>
      %eq3A_968 = arith.cmpf oeq, %select_n3A_911, %eq3A_967 : vector<16xf32>
      %jit3A_969 = arith.constant 1073741824 : i32
      %broadcast_in_dim3A_970 = vector.broadcast %jit3A_969 : i32 to vector<16xi32>
      %select_n3A_971 = arith.select %eq3A_968, %add3A_35, %broadcast_in_dim3A_970 : vector<16xi1>, vector<16xi32>
      %min3A_972 = arith.minsi %min3A_966, %select_n3A_971 : vector<16xi32>
      %eq3A_973 = vector.broadcast %reduce_max3A_937 : f32 to vector<16xf32>
      %eq3A_974 = arith.cmpf oeq, %select_n3A_916, %eq3A_973 : vector<16xf32>
      %jit3A_975 = arith.constant 1073741824 : i32
      %broadcast_in_dim3A_976 = vector.broadcast %jit3A_975 : i32 to vector<16xi32>
      %select_n3A_977 = arith.select %eq3A_974, %add3A_38, %broadcast_in_dim3A_976 : vector<16xi1>, vector<16xi32>
      %min3A_978 = arith.minsi %min3A_972, %select_n3A_977 : vector<16xi32>
      %eq3A_979 = vector.broadcast %reduce_max3A_937 : f32 to vector<16xf32>
      %eq3A_980 = arith.cmpf oeq, %select_n3A_921, %eq3A_979 : vector<16xf32>
      %jit3A_981 = arith.constant 1073741824 : i32
      %broadcast_in_dim3A_982 = vector.broadcast %jit3A_981 : i32 to vector<16xi32>
      %select_n3A_983 = arith.select %eq3A_980, %add3A_41, %broadcast_in_dim3A_982 : vector<16xi1>, vector<16xi32>
      %min3A_984 = arith.minsi %min3A_978, %select_n3A_983 : vector<16xi32>
      %reduce_min3A_985 = arith.constant true
      %reduce_min3A_986 = vector.broadcast %reduce_min3A_985 : i1 to vector<16xi1>
      %reduce_min3A_987 = arith.constant -2147483648 : i32
      %reduce_min3A_988 = vector.broadcast %reduce_min3A_987 : i32 to vector<16xi32>
      %reduce_min3A_989 = arith.xori %min3A_984, %reduce_min3A_988 : vector<16xi32>
      %reduce_min3A_990 = tpu.scan <min>, %reduce_min3A_989 masked %reduce_min3A_986 : vector<16xi32>, vector<16xi1> -> vector<16xi32>
      %reduce_min3A_991 = arith.xori %reduce_min3A_990, %reduce_min3A_988 : vector<16xi32>
      %reduce_min3A_992 = vector.extract %reduce_min3A_991[15] : i32 from vector<16xi32>
      %eq3A_993 = vector.broadcast %reduce_min3A_992 : i32 to vector<16xi32>
      %eq3A_994 = arith.cmpi eq, %add3A_20, %eq3A_993 : vector<16xi32>
      %jit3A_995 = arith.constant -1.000000e+00 : f32
      %broadcast_in_dim3A_996 = vector.broadcast %jit3A_995 : f32 to vector<16xf32>
      %select_n3A_997 = arith.select %eq3A_994, %broadcast_in_dim3A_996, %select_n3A_886 : vector<16xi1>, vector<16xf32>
      %eq3A_998 = vector.broadcast %reduce_min3A_992 : i32 to vector<16xi32>
      %eq3A_999 = arith.cmpi eq, %add3A_23, %eq3A_998 : vector<16xi32>
      %jit3A_1000 = arith.constant -1.000000e+00 : f32
      %broadcast_in_dim3A_1001 = vector.broadcast %jit3A_1000 : f32 to vector<16xf32>
      %select_n3A_1002 = arith.select %eq3A_999, %broadcast_in_dim3A_1001, %select_n3A_891 : vector<16xi1>, vector<16xf32>
      %eq3A_1003 = vector.broadcast %reduce_min3A_992 : i32 to vector<16xi32>
      %eq3A_1004 = arith.cmpi eq, %add3A_26, %eq3A_1003 : vector<16xi32>
      %jit3A_1005 = arith.constant -1.000000e+00 : f32
      %broadcast_in_dim3A_1006 = vector.broadcast %jit3A_1005 : f32 to vector<16xf32>
      %select_n3A_1007 = arith.select %eq3A_1004, %broadcast_in_dim3A_1006, %select_n3A_896 : vector<16xi1>, vector<16xf32>
      %eq3A_1008 = vector.broadcast %reduce_min3A_992 : i32 to vector<16xi32>
      %eq3A_1009 = arith.cmpi eq, %add3A_29, %eq3A_1008 : vector<16xi32>
      %jit3A_1010 = arith.constant -1.000000e+00 : f32
      %broadcast_in_dim3A_1011 = vector.broadcast %jit3A_1010 : f32 to vector<16xf32>
      %select_n3A_1012 = arith.select %eq3A_1009, %broadcast_in_dim3A_1011, %select_n3A_901 : vector<16xi1>, vector<16xf32>
      %eq3A_1013 = vector.broadcast %reduce_min3A_992 : i32 to vector<16xi32>
      %eq3A_1014 = arith.cmpi eq, %add3A_32, %eq3A_1013 : vector<16xi32>
      %jit3A_1015 = arith.constant -1.000000e+00 : f32
      %broadcast_in_dim3A_1016 = vector.broadcast %jit3A_1015 : f32 to vector<16xf32>
      %select_n3A_1017 = arith.select %eq3A_1014, %broadcast_in_dim3A_1016, %select_n3A_906 : vector<16xi1>, vector<16xf32>
      %eq3A_1018 = vector.broadcast %reduce_min3A_992 : i32 to vector<16xi32>
      %eq3A_1019 = arith.cmpi eq, %add3A_35, %eq3A_1018 : vector<16xi32>
      %jit3A_1020 = arith.constant -1.000000e+00 : f32
      %broadcast_in_dim3A_1021 = vector.broadcast %jit3A_1020 : f32 to vector<16xf32>
      %select_n3A_1022 = arith.select %eq3A_1019, %broadcast_in_dim3A_1021, %select_n3A_911 : vector<16xi1>, vector<16xf32>
      %eq3A_1023 = vector.broadcast %reduce_min3A_992 : i32 to vector<16xi32>
      %eq3A_1024 = arith.cmpi eq, %add3A_38, %eq3A_1023 : vector<16xi32>
      %jit3A_1025 = arith.constant -1.000000e+00 : f32
      %broadcast_in_dim3A_1026 = vector.broadcast %jit3A_1025 : f32 to vector<16xf32>
      %select_n3A_1027 = arith.select %eq3A_1024, %broadcast_in_dim3A_1026, %select_n3A_916 : vector<16xi1>, vector<16xf32>
      %eq3A_1028 = vector.broadcast %reduce_min3A_992 : i32 to vector<16xi32>
      %eq3A_1029 = arith.cmpi eq, %add3A_41, %eq3A_1028 : vector<16xi32>
      %jit3A_1030 = arith.constant -1.000000e+00 : f32
      %broadcast_in_dim3A_1031 = vector.broadcast %jit3A_1030 : f32 to vector<16xf32>
      %select_n3A_1032 = arith.select %eq3A_1029, %broadcast_in_dim3A_1031, %select_n3A_921 : vector<16xi1>, vector<16xf32>
      %eq3A_1033 = arith.constant 8 : i32
      %eq3A_1034 = vector.broadcast %eq3A_1033 : i32 to vector<16xi32>
      %eq3A_1035 = arith.cmpi eq, %iota3A, %eq3A_1034 : vector<16xi32>
      %broadcast_in_dim3A_1036 = vector.broadcast %reduce_max3A_937 : f32 to vector<16xf32>
      %select_n3A_1037 = arith.select %eq3A_1035, %broadcast_in_dim3A_1036, %select_n3A_926 : vector<16xi1>, vector<16xf32>
      %max3A_1038 = arith.maximumf %select_n3A_997, %select_n3A_1002 : vector<16xf32>
      %max3A_1039 = arith.maximumf %max3A_1038, %select_n3A_1007 : vector<16xf32>
      %max3A_1040 = arith.maximumf %max3A_1039, %select_n3A_1012 : vector<16xf32>
      %max3A_1041 = arith.maximumf %max3A_1040, %select_n3A_1017 : vector<16xf32>
      %max3A_1042 = arith.maximumf %max3A_1041, %select_n3A_1022 : vector<16xf32>
      %max3A_1043 = arith.maximumf %max3A_1042, %select_n3A_1027 : vector<16xf32>
      %max3A_1044 = arith.maximumf %max3A_1043, %select_n3A_1032 : vector<16xf32>
      %reduce_max3A_1045 = arith.constant true
      %reduce_max3A_1046 = vector.broadcast %reduce_max3A_1045 : i1 to vector<16xi1>
      %reduce_max3A_1047 = tpu.scan <max>, %max3A_1044 masked %reduce_max3A_1046 : vector<16xf32>, vector<16xi1> -> vector<16xf32>
      %reduce_max3A_1048 = vector.extract %reduce_max3A_1047[15] : f32 from vector<16xf32>
      %eq3A_1049 = vector.broadcast %reduce_max3A_1048 : f32 to vector<16xf32>
      %eq3A_1050 = arith.cmpf oeq, %select_n3A_997, %eq3A_1049 : vector<16xf32>
      %jit3A_1051 = arith.constant 1073741824 : i32
      %broadcast_in_dim3A_1052 = vector.broadcast %jit3A_1051 : i32 to vector<16xi32>
      %select_n3A_1053 = arith.select %eq3A_1050, %add3A_20, %broadcast_in_dim3A_1052 : vector<16xi1>, vector<16xi32>
      %eq3A_1054 = vector.broadcast %reduce_max3A_1048 : f32 to vector<16xf32>
      %eq3A_1055 = arith.cmpf oeq, %select_n3A_1002, %eq3A_1054 : vector<16xf32>
      %jit3A_1056 = arith.constant 1073741824 : i32
      %broadcast_in_dim3A_1057 = vector.broadcast %jit3A_1056 : i32 to vector<16xi32>
      %select_n3A_1058 = arith.select %eq3A_1055, %add3A_23, %broadcast_in_dim3A_1057 : vector<16xi1>, vector<16xi32>
      %min3A_1059 = arith.minsi %select_n3A_1053, %select_n3A_1058 : vector<16xi32>
      %eq3A_1060 = vector.broadcast %reduce_max3A_1048 : f32 to vector<16xf32>
      %eq3A_1061 = arith.cmpf oeq, %select_n3A_1007, %eq3A_1060 : vector<16xf32>
      %jit3A_1062 = arith.constant 1073741824 : i32
      %broadcast_in_dim3A_1063 = vector.broadcast %jit3A_1062 : i32 to vector<16xi32>
      %select_n3A_1064 = arith.select %eq3A_1061, %add3A_26, %broadcast_in_dim3A_1063 : vector<16xi1>, vector<16xi32>
      %min3A_1065 = arith.minsi %min3A_1059, %select_n3A_1064 : vector<16xi32>
      %eq3A_1066 = vector.broadcast %reduce_max3A_1048 : f32 to vector<16xf32>
      %eq3A_1067 = arith.cmpf oeq, %select_n3A_1012, %eq3A_1066 : vector<16xf32>
      %jit3A_1068 = arith.constant 1073741824 : i32
      %broadcast_in_dim3A_1069 = vector.broadcast %jit3A_1068 : i32 to vector<16xi32>
      %select_n3A_1070 = arith.select %eq3A_1067, %add3A_29, %broadcast_in_dim3A_1069 : vector<16xi1>, vector<16xi32>
      %min3A_1071 = arith.minsi %min3A_1065, %select_n3A_1070 : vector<16xi32>
      %eq3A_1072 = vector.broadcast %reduce_max3A_1048 : f32 to vector<16xf32>
      %eq3A_1073 = arith.cmpf oeq, %select_n3A_1017, %eq3A_1072 : vector<16xf32>
      %jit3A_1074 = arith.constant 1073741824 : i32
      %broadcast_in_dim3A_1075 = vector.broadcast %jit3A_1074 : i32 to vector<16xi32>
      %select_n3A_1076 = arith.select %eq3A_1073, %add3A_32, %broadcast_in_dim3A_1075 : vector<16xi1>, vector<16xi32>
      %min3A_1077 = arith.minsi %min3A_1071, %select_n3A_1076 : vector<16xi32>
      %eq3A_1078 = vector.broadcast %reduce_max3A_1048 : f32 to vector<16xf32>
      %eq3A_1079 = arith.cmpf oeq, %select_n3A_1022, %eq3A_1078 : vector<16xf32>
      %jit3A_1080 = arith.constant 1073741824 : i32
      %broadcast_in_dim3A_1081 = vector.broadcast %jit3A_1080 : i32 to vector<16xi32>
      %select_n3A_1082 = arith.select %eq3A_1079, %add3A_35, %broadcast_in_dim3A_1081 : vector<16xi1>, vector<16xi32>
      %min3A_1083 = arith.minsi %min3A_1077, %select_n3A_1082 : vector<16xi32>
      %eq3A_1084 = vector.broadcast %reduce_max3A_1048 : f32 to vector<16xf32>
      %eq3A_1085 = arith.cmpf oeq, %select_n3A_1027, %eq3A_1084 : vector<16xf32>
      %jit3A_1086 = arith.constant 1073741824 : i32
      %broadcast_in_dim3A_1087 = vector.broadcast %jit3A_1086 : i32 to vector<16xi32>
      %select_n3A_1088 = arith.select %eq3A_1085, %add3A_38, %broadcast_in_dim3A_1087 : vector<16xi1>, vector<16xi32>
      %min3A_1089 = arith.minsi %min3A_1083, %select_n3A_1088 : vector<16xi32>
      %eq3A_1090 = vector.broadcast %reduce_max3A_1048 : f32 to vector<16xf32>
      %eq3A_1091 = arith.cmpf oeq, %select_n3A_1032, %eq3A_1090 : vector<16xf32>
      %jit3A_1092 = arith.constant 1073741824 : i32
      %broadcast_in_dim3A_1093 = vector.broadcast %jit3A_1092 : i32 to vector<16xi32>
      %select_n3A_1094 = arith.select %eq3A_1091, %add3A_41, %broadcast_in_dim3A_1093 : vector<16xi1>, vector<16xi32>
      %min3A_1095 = arith.minsi %min3A_1089, %select_n3A_1094 : vector<16xi32>
      %reduce_min3A_1096 = arith.constant true
      %reduce_min3A_1097 = vector.broadcast %reduce_min3A_1096 : i1 to vector<16xi1>
      %reduce_min3A_1098 = arith.constant -2147483648 : i32
      %reduce_min3A_1099 = vector.broadcast %reduce_min3A_1098 : i32 to vector<16xi32>
      %reduce_min3A_1100 = arith.xori %min3A_1095, %reduce_min3A_1099 : vector<16xi32>
      %reduce_min3A_1101 = tpu.scan <min>, %reduce_min3A_1100 masked %reduce_min3A_1097 : vector<16xi32>, vector<16xi1> -> vector<16xi32>
      %reduce_min3A_1102 = arith.xori %reduce_min3A_1101, %reduce_min3A_1099 : vector<16xi32>
      %reduce_min3A_1103 = vector.extract %reduce_min3A_1102[15] : i32 from vector<16xi32>
      %eq3A_1104 = vector.broadcast %reduce_min3A_1103 : i32 to vector<16xi32>
      %eq3A_1105 = arith.cmpi eq, %add3A_20, %eq3A_1104 : vector<16xi32>
      %jit3A_1106 = arith.constant -1.000000e+00 : f32
      %broadcast_in_dim3A_1107 = vector.broadcast %jit3A_1106 : f32 to vector<16xf32>
      %select_n3A_1108 = arith.select %eq3A_1105, %broadcast_in_dim3A_1107, %select_n3A_997 : vector<16xi1>, vector<16xf32>
      %eq3A_1109 = vector.broadcast %reduce_min3A_1103 : i32 to vector<16xi32>
      %eq3A_1110 = arith.cmpi eq, %add3A_23, %eq3A_1109 : vector<16xi32>
      %jit3A_1111 = arith.constant -1.000000e+00 : f32
      %broadcast_in_dim3A_1112 = vector.broadcast %jit3A_1111 : f32 to vector<16xf32>
      %select_n3A_1113 = arith.select %eq3A_1110, %broadcast_in_dim3A_1112, %select_n3A_1002 : vector<16xi1>, vector<16xf32>
      %eq3A_1114 = vector.broadcast %reduce_min3A_1103 : i32 to vector<16xi32>
      %eq3A_1115 = arith.cmpi eq, %add3A_26, %eq3A_1114 : vector<16xi32>
      %jit3A_1116 = arith.constant -1.000000e+00 : f32
      %broadcast_in_dim3A_1117 = vector.broadcast %jit3A_1116 : f32 to vector<16xf32>
      %select_n3A_1118 = arith.select %eq3A_1115, %broadcast_in_dim3A_1117, %select_n3A_1007 : vector<16xi1>, vector<16xf32>
      %eq3A_1119 = vector.broadcast %reduce_min3A_1103 : i32 to vector<16xi32>
      %eq3A_1120 = arith.cmpi eq, %add3A_29, %eq3A_1119 : vector<16xi32>
      %jit3A_1121 = arith.constant -1.000000e+00 : f32
      %broadcast_in_dim3A_1122 = vector.broadcast %jit3A_1121 : f32 to vector<16xf32>
      %select_n3A_1123 = arith.select %eq3A_1120, %broadcast_in_dim3A_1122, %select_n3A_1012 : vector<16xi1>, vector<16xf32>
      %eq3A_1124 = vector.broadcast %reduce_min3A_1103 : i32 to vector<16xi32>
      %eq3A_1125 = arith.cmpi eq, %add3A_32, %eq3A_1124 : vector<16xi32>
      %jit3A_1126 = arith.constant -1.000000e+00 : f32
      %broadcast_in_dim3A_1127 = vector.broadcast %jit3A_1126 : f32 to vector<16xf32>
      %select_n3A_1128 = arith.select %eq3A_1125, %broadcast_in_dim3A_1127, %select_n3A_1017 : vector<16xi1>, vector<16xf32>
      %eq3A_1129 = vector.broadcast %reduce_min3A_1103 : i32 to vector<16xi32>
      %eq3A_1130 = arith.cmpi eq, %add3A_35, %eq3A_1129 : vector<16xi32>
      %jit3A_1131 = arith.constant -1.000000e+00 : f32
      %broadcast_in_dim3A_1132 = vector.broadcast %jit3A_1131 : f32 to vector<16xf32>
      %select_n3A_1133 = arith.select %eq3A_1130, %broadcast_in_dim3A_1132, %select_n3A_1022 : vector<16xi1>, vector<16xf32>
      %eq3A_1134 = vector.broadcast %reduce_min3A_1103 : i32 to vector<16xi32>
      %eq3A_1135 = arith.cmpi eq, %add3A_38, %eq3A_1134 : vector<16xi32>
      %jit3A_1136 = arith.constant -1.000000e+00 : f32
      %broadcast_in_dim3A_1137 = vector.broadcast %jit3A_1136 : f32 to vector<16xf32>
      %select_n3A_1138 = arith.select %eq3A_1135, %broadcast_in_dim3A_1137, %select_n3A_1027 : vector<16xi1>, vector<16xf32>
      %eq3A_1139 = vector.broadcast %reduce_min3A_1103 : i32 to vector<16xi32>
      %eq3A_1140 = arith.cmpi eq, %add3A_41, %eq3A_1139 : vector<16xi32>
      %jit3A_1141 = arith.constant -1.000000e+00 : f32
      %broadcast_in_dim3A_1142 = vector.broadcast %jit3A_1141 : f32 to vector<16xf32>
      %select_n3A_1143 = arith.select %eq3A_1140, %broadcast_in_dim3A_1142, %select_n3A_1032 : vector<16xi1>, vector<16xf32>
      %eq3A_1144 = arith.constant 9 : i32
      %eq3A_1145 = vector.broadcast %eq3A_1144 : i32 to vector<16xi32>
      %eq3A_1146 = arith.cmpi eq, %iota3A, %eq3A_1145 : vector<16xi32>
      %broadcast_in_dim3A_1147 = vector.broadcast %reduce_max3A_1048 : f32 to vector<16xf32>
      %select_n3A_1148 = arith.select %eq3A_1146, %broadcast_in_dim3A_1147, %select_n3A_1037 : vector<16xi1>, vector<16xf32>
      %max3A_1149 = arith.maximumf %select_n3A_1108, %select_n3A_1113 : vector<16xf32>
      %max3A_1150 = arith.maximumf %max3A_1149, %select_n3A_1118 : vector<16xf32>
      %max3A_1151 = arith.maximumf %max3A_1150, %select_n3A_1123 : vector<16xf32>
      %max3A_1152 = arith.maximumf %max3A_1151, %select_n3A_1128 : vector<16xf32>
      %max3A_1153 = arith.maximumf %max3A_1152, %select_n3A_1133 : vector<16xf32>
      %max3A_1154 = arith.maximumf %max3A_1153, %select_n3A_1138 : vector<16xf32>
      %max3A_1155 = arith.maximumf %max3A_1154, %select_n3A_1143 : vector<16xf32>
      %reduce_max3A_1156 = arith.constant true
      %reduce_max3A_1157 = vector.broadcast %reduce_max3A_1156 : i1 to vector<16xi1>
      %reduce_max3A_1158 = tpu.scan <max>, %max3A_1155 masked %reduce_max3A_1157 : vector<16xf32>, vector<16xi1> -> vector<16xf32>
      %reduce_max3A_1159 = vector.extract %reduce_max3A_1158[15] : f32 from vector<16xf32>
      %eq3A_1160 = vector.broadcast %reduce_max3A_1159 : f32 to vector<16xf32>
      %eq3A_1161 = arith.cmpf oeq, %select_n3A_1108, %eq3A_1160 : vector<16xf32>
      %jit3A_1162 = arith.constant 1073741824 : i32
      %broadcast_in_dim3A_1163 = vector.broadcast %jit3A_1162 : i32 to vector<16xi32>
      %select_n3A_1164 = arith.select %eq3A_1161, %add3A_20, %broadcast_in_dim3A_1163 : vector<16xi1>, vector<16xi32>
      %eq3A_1165 = vector.broadcast %reduce_max3A_1159 : f32 to vector<16xf32>
      %eq3A_1166 = arith.cmpf oeq, %select_n3A_1113, %eq3A_1165 : vector<16xf32>
      %jit3A_1167 = arith.constant 1073741824 : i32
      %broadcast_in_dim3A_1168 = vector.broadcast %jit3A_1167 : i32 to vector<16xi32>
      %select_n3A_1169 = arith.select %eq3A_1166, %add3A_23, %broadcast_in_dim3A_1168 : vector<16xi1>, vector<16xi32>
      %min3A_1170 = arith.minsi %select_n3A_1164, %select_n3A_1169 : vector<16xi32>
      %eq3A_1171 = vector.broadcast %reduce_max3A_1159 : f32 to vector<16xf32>
      %eq3A_1172 = arith.cmpf oeq, %select_n3A_1118, %eq3A_1171 : vector<16xf32>
      %jit3A_1173 = arith.constant 1073741824 : i32
      %broadcast_in_dim3A_1174 = vector.broadcast %jit3A_1173 : i32 to vector<16xi32>
      %select_n3A_1175 = arith.select %eq3A_1172, %add3A_26, %broadcast_in_dim3A_1174 : vector<16xi1>, vector<16xi32>
      %min3A_1176 = arith.minsi %min3A_1170, %select_n3A_1175 : vector<16xi32>
      %eq3A_1177 = vector.broadcast %reduce_max3A_1159 : f32 to vector<16xf32>
      %eq3A_1178 = arith.cmpf oeq, %select_n3A_1123, %eq3A_1177 : vector<16xf32>
      %jit3A_1179 = arith.constant 1073741824 : i32
      %broadcast_in_dim3A_1180 = vector.broadcast %jit3A_1179 : i32 to vector<16xi32>
      %select_n3A_1181 = arith.select %eq3A_1178, %add3A_29, %broadcast_in_dim3A_1180 : vector<16xi1>, vector<16xi32>
      %min3A_1182 = arith.minsi %min3A_1176, %select_n3A_1181 : vector<16xi32>
      %eq3A_1183 = vector.broadcast %reduce_max3A_1159 : f32 to vector<16xf32>
      %eq3A_1184 = arith.cmpf oeq, %select_n3A_1128, %eq3A_1183 : vector<16xf32>
      %jit3A_1185 = arith.constant 1073741824 : i32
      %broadcast_in_dim3A_1186 = vector.broadcast %jit3A_1185 : i32 to vector<16xi32>
      %select_n3A_1187 = arith.select %eq3A_1184, %add3A_32, %broadcast_in_dim3A_1186 : vector<16xi1>, vector<16xi32>
      %min3A_1188 = arith.minsi %min3A_1182, %select_n3A_1187 : vector<16xi32>
      %eq3A_1189 = vector.broadcast %reduce_max3A_1159 : f32 to vector<16xf32>
      %eq3A_1190 = arith.cmpf oeq, %select_n3A_1133, %eq3A_1189 : vector<16xf32>
      %jit3A_1191 = arith.constant 1073741824 : i32
      %broadcast_in_dim3A_1192 = vector.broadcast %jit3A_1191 : i32 to vector<16xi32>
      %select_n3A_1193 = arith.select %eq3A_1190, %add3A_35, %broadcast_in_dim3A_1192 : vector<16xi1>, vector<16xi32>
      %min3A_1194 = arith.minsi %min3A_1188, %select_n3A_1193 : vector<16xi32>
      %eq3A_1195 = vector.broadcast %reduce_max3A_1159 : f32 to vector<16xf32>
      %eq3A_1196 = arith.cmpf oeq, %select_n3A_1138, %eq3A_1195 : vector<16xf32>
      %jit3A_1197 = arith.constant 1073741824 : i32
      %broadcast_in_dim3A_1198 = vector.broadcast %jit3A_1197 : i32 to vector<16xi32>
      %select_n3A_1199 = arith.select %eq3A_1196, %add3A_38, %broadcast_in_dim3A_1198 : vector<16xi1>, vector<16xi32>
      %min3A_1200 = arith.minsi %min3A_1194, %select_n3A_1199 : vector<16xi32>
      %eq3A_1201 = vector.broadcast %reduce_max3A_1159 : f32 to vector<16xf32>
      %eq3A_1202 = arith.cmpf oeq, %select_n3A_1143, %eq3A_1201 : vector<16xf32>
      %jit3A_1203 = arith.constant 1073741824 : i32
      %broadcast_in_dim3A_1204 = vector.broadcast %jit3A_1203 : i32 to vector<16xi32>
      %select_n3A_1205 = arith.select %eq3A_1202, %add3A_41, %broadcast_in_dim3A_1204 : vector<16xi1>, vector<16xi32>
      %min3A_1206 = arith.minsi %min3A_1200, %select_n3A_1205 : vector<16xi32>
      %reduce_min3A_1207 = arith.constant true
      %reduce_min3A_1208 = vector.broadcast %reduce_min3A_1207 : i1 to vector<16xi1>
      %reduce_min3A_1209 = arith.constant -2147483648 : i32
      %reduce_min3A_1210 = vector.broadcast %reduce_min3A_1209 : i32 to vector<16xi32>
      %reduce_min3A_1211 = arith.xori %min3A_1206, %reduce_min3A_1210 : vector<16xi32>
      %reduce_min3A_1212 = tpu.scan <min>, %reduce_min3A_1211 masked %reduce_min3A_1208 : vector<16xi32>, vector<16xi1> -> vector<16xi32>
      %reduce_min3A_1213 = arith.xori %reduce_min3A_1212, %reduce_min3A_1210 : vector<16xi32>
      %reduce_min3A_1214 = vector.extract %reduce_min3A_1213[15] : i32 from vector<16xi32>
      %eq3A_1215 = vector.broadcast %reduce_min3A_1214 : i32 to vector<16xi32>
      %eq3A_1216 = arith.cmpi eq, %add3A_20, %eq3A_1215 : vector<16xi32>
      %jit3A_1217 = arith.constant -1.000000e+00 : f32
      %broadcast_in_dim3A_1218 = vector.broadcast %jit3A_1217 : f32 to vector<16xf32>
      %select_n3A_1219 = arith.select %eq3A_1216, %broadcast_in_dim3A_1218, %select_n3A_1108 : vector<16xi1>, vector<16xf32>
      %eq3A_1220 = vector.broadcast %reduce_min3A_1214 : i32 to vector<16xi32>
      %eq3A_1221 = arith.cmpi eq, %add3A_23, %eq3A_1220 : vector<16xi32>
      %jit3A_1222 = arith.constant -1.000000e+00 : f32
      %broadcast_in_dim3A_1223 = vector.broadcast %jit3A_1222 : f32 to vector<16xf32>
      %select_n3A_1224 = arith.select %eq3A_1221, %broadcast_in_dim3A_1223, %select_n3A_1113 : vector<16xi1>, vector<16xf32>
      %eq3A_1225 = vector.broadcast %reduce_min3A_1214 : i32 to vector<16xi32>
      %eq3A_1226 = arith.cmpi eq, %add3A_26, %eq3A_1225 : vector<16xi32>
      %jit3A_1227 = arith.constant -1.000000e+00 : f32
      %broadcast_in_dim3A_1228 = vector.broadcast %jit3A_1227 : f32 to vector<16xf32>
      %select_n3A_1229 = arith.select %eq3A_1226, %broadcast_in_dim3A_1228, %select_n3A_1118 : vector<16xi1>, vector<16xf32>
      %eq3A_1230 = vector.broadcast %reduce_min3A_1214 : i32 to vector<16xi32>
      %eq3A_1231 = arith.cmpi eq, %add3A_29, %eq3A_1230 : vector<16xi32>
      %jit3A_1232 = arith.constant -1.000000e+00 : f32
      %broadcast_in_dim3A_1233 = vector.broadcast %jit3A_1232 : f32 to vector<16xf32>
      %select_n3A_1234 = arith.select %eq3A_1231, %broadcast_in_dim3A_1233, %select_n3A_1123 : vector<16xi1>, vector<16xf32>
      %eq3A_1235 = vector.broadcast %reduce_min3A_1214 : i32 to vector<16xi32>
      %eq3A_1236 = arith.cmpi eq, %add3A_32, %eq3A_1235 : vector<16xi32>
      %jit3A_1237 = arith.constant -1.000000e+00 : f32
      %broadcast_in_dim3A_1238 = vector.broadcast %jit3A_1237 : f32 to vector<16xf32>
      %select_n3A_1239 = arith.select %eq3A_1236, %broadcast_in_dim3A_1238, %select_n3A_1128 : vector<16xi1>, vector<16xf32>
      %eq3A_1240 = vector.broadcast %reduce_min3A_1214 : i32 to vector<16xi32>
      %eq3A_1241 = arith.cmpi eq, %add3A_35, %eq3A_1240 : vector<16xi32>
      %jit3A_1242 = arith.constant -1.000000e+00 : f32
      %broadcast_in_dim3A_1243 = vector.broadcast %jit3A_1242 : f32 to vector<16xf32>
      %select_n3A_1244 = arith.select %eq3A_1241, %broadcast_in_dim3A_1243, %select_n3A_1133 : vector<16xi1>, vector<16xf32>
      %eq3A_1245 = vector.broadcast %reduce_min3A_1214 : i32 to vector<16xi32>
      %eq3A_1246 = arith.cmpi eq, %add3A_38, %eq3A_1245 : vector<16xi32>
      %jit3A_1247 = arith.constant -1.000000e+00 : f32
      %broadcast_in_dim3A_1248 = vector.broadcast %jit3A_1247 : f32 to vector<16xf32>
      %select_n3A_1249 = arith.select %eq3A_1246, %broadcast_in_dim3A_1248, %select_n3A_1138 : vector<16xi1>, vector<16xf32>
      %eq3A_1250 = vector.broadcast %reduce_min3A_1214 : i32 to vector<16xi32>
      %eq3A_1251 = arith.cmpi eq, %add3A_41, %eq3A_1250 : vector<16xi32>
      %jit3A_1252 = arith.constant -1.000000e+00 : f32
      %broadcast_in_dim3A_1253 = vector.broadcast %jit3A_1252 : f32 to vector<16xf32>
      %select_n3A_1254 = arith.select %eq3A_1251, %broadcast_in_dim3A_1253, %select_n3A_1143 : vector<16xi1>, vector<16xf32>
      %eq3A_1255 = arith.constant 10 : i32
      %eq3A_1256 = vector.broadcast %eq3A_1255 : i32 to vector<16xi32>
      %eq3A_1257 = arith.cmpi eq, %iota3A, %eq3A_1256 : vector<16xi32>
      %broadcast_in_dim3A_1258 = vector.broadcast %reduce_max3A_1159 : f32 to vector<16xf32>
      %select_n3A_1259 = arith.select %eq3A_1257, %broadcast_in_dim3A_1258, %select_n3A_1148 : vector<16xi1>, vector<16xf32>
      %max3A_1260 = arith.maximumf %select_n3A_1219, %select_n3A_1224 : vector<16xf32>
      %max3A_1261 = arith.maximumf %max3A_1260, %select_n3A_1229 : vector<16xf32>
      %max3A_1262 = arith.maximumf %max3A_1261, %select_n3A_1234 : vector<16xf32>
      %max3A_1263 = arith.maximumf %max3A_1262, %select_n3A_1239 : vector<16xf32>
      %max3A_1264 = arith.maximumf %max3A_1263, %select_n3A_1244 : vector<16xf32>
      %max3A_1265 = arith.maximumf %max3A_1264, %select_n3A_1249 : vector<16xf32>
      %max3A_1266 = arith.maximumf %max3A_1265, %select_n3A_1254 : vector<16xf32>
      %reduce_max3A_1267 = arith.constant true
      %reduce_max3A_1268 = vector.broadcast %reduce_max3A_1267 : i1 to vector<16xi1>
      %reduce_max3A_1269 = tpu.scan <max>, %max3A_1266 masked %reduce_max3A_1268 : vector<16xf32>, vector<16xi1> -> vector<16xf32>
      %reduce_max3A_1270 = vector.extract %reduce_max3A_1269[15] : f32 from vector<16xf32>
      %eq3A_1271 = vector.broadcast %reduce_max3A_1270 : f32 to vector<16xf32>
      %eq3A_1272 = arith.cmpf oeq, %select_n3A_1219, %eq3A_1271 : vector<16xf32>
      %jit3A_1273 = arith.constant 1073741824 : i32
      %broadcast_in_dim3A_1274 = vector.broadcast %jit3A_1273 : i32 to vector<16xi32>
      %select_n3A_1275 = arith.select %eq3A_1272, %add3A_20, %broadcast_in_dim3A_1274 : vector<16xi1>, vector<16xi32>
      %eq3A_1276 = vector.broadcast %reduce_max3A_1270 : f32 to vector<16xf32>
      %eq3A_1277 = arith.cmpf oeq, %select_n3A_1224, %eq3A_1276 : vector<16xf32>
      %jit3A_1278 = arith.constant 1073741824 : i32
      %broadcast_in_dim3A_1279 = vector.broadcast %jit3A_1278 : i32 to vector<16xi32>
      %select_n3A_1280 = arith.select %eq3A_1277, %add3A_23, %broadcast_in_dim3A_1279 : vector<16xi1>, vector<16xi32>
      %min3A_1281 = arith.minsi %select_n3A_1275, %select_n3A_1280 : vector<16xi32>
      %eq3A_1282 = vector.broadcast %reduce_max3A_1270 : f32 to vector<16xf32>
      %eq3A_1283 = arith.cmpf oeq, %select_n3A_1229, %eq3A_1282 : vector<16xf32>
      %jit3A_1284 = arith.constant 1073741824 : i32
      %broadcast_in_dim3A_1285 = vector.broadcast %jit3A_1284 : i32 to vector<16xi32>
      %select_n3A_1286 = arith.select %eq3A_1283, %add3A_26, %broadcast_in_dim3A_1285 : vector<16xi1>, vector<16xi32>
      %min3A_1287 = arith.minsi %min3A_1281, %select_n3A_1286 : vector<16xi32>
      %eq3A_1288 = vector.broadcast %reduce_max3A_1270 : f32 to vector<16xf32>
      %eq3A_1289 = arith.cmpf oeq, %select_n3A_1234, %eq3A_1288 : vector<16xf32>
      %jit3A_1290 = arith.constant 1073741824 : i32
      %broadcast_in_dim3A_1291 = vector.broadcast %jit3A_1290 : i32 to vector<16xi32>
      %select_n3A_1292 = arith.select %eq3A_1289, %add3A_29, %broadcast_in_dim3A_1291 : vector<16xi1>, vector<16xi32>
      %min3A_1293 = arith.minsi %min3A_1287, %select_n3A_1292 : vector<16xi32>
      %eq3A_1294 = vector.broadcast %reduce_max3A_1270 : f32 to vector<16xf32>
      %eq3A_1295 = arith.cmpf oeq, %select_n3A_1239, %eq3A_1294 : vector<16xf32>
      %jit3A_1296 = arith.constant 1073741824 : i32
      %broadcast_in_dim3A_1297 = vector.broadcast %jit3A_1296 : i32 to vector<16xi32>
      %select_n3A_1298 = arith.select %eq3A_1295, %add3A_32, %broadcast_in_dim3A_1297 : vector<16xi1>, vector<16xi32>
      %min3A_1299 = arith.minsi %min3A_1293, %select_n3A_1298 : vector<16xi32>
      %eq3A_1300 = vector.broadcast %reduce_max3A_1270 : f32 to vector<16xf32>
      %eq3A_1301 = arith.cmpf oeq, %select_n3A_1244, %eq3A_1300 : vector<16xf32>
      %jit3A_1302 = arith.constant 1073741824 : i32
      %broadcast_in_dim3A_1303 = vector.broadcast %jit3A_1302 : i32 to vector<16xi32>
      %select_n3A_1304 = arith.select %eq3A_1301, %add3A_35, %broadcast_in_dim3A_1303 : vector<16xi1>, vector<16xi32>
      %min3A_1305 = arith.minsi %min3A_1299, %select_n3A_1304 : vector<16xi32>
      %eq3A_1306 = vector.broadcast %reduce_max3A_1270 : f32 to vector<16xf32>
      %eq3A_1307 = arith.cmpf oeq, %select_n3A_1249, %eq3A_1306 : vector<16xf32>
      %jit3A_1308 = arith.constant 1073741824 : i32
      %broadcast_in_dim3A_1309 = vector.broadcast %jit3A_1308 : i32 to vector<16xi32>
      %select_n3A_1310 = arith.select %eq3A_1307, %add3A_38, %broadcast_in_dim3A_1309 : vector<16xi1>, vector<16xi32>
      %min3A_1311 = arith.minsi %min3A_1305, %select_n3A_1310 : vector<16xi32>
      %eq3A_1312 = vector.broadcast %reduce_max3A_1270 : f32 to vector<16xf32>
      %eq3A_1313 = arith.cmpf oeq, %select_n3A_1254, %eq3A_1312 : vector<16xf32>
      %jit3A_1314 = arith.constant 1073741824 : i32
      %broadcast_in_dim3A_1315 = vector.broadcast %jit3A_1314 : i32 to vector<16xi32>
      %select_n3A_1316 = arith.select %eq3A_1313, %add3A_41, %broadcast_in_dim3A_1315 : vector<16xi1>, vector<16xi32>
      %min3A_1317 = arith.minsi %min3A_1311, %select_n3A_1316 : vector<16xi32>
      %reduce_min3A_1318 = arith.constant true
      %reduce_min3A_1319 = vector.broadcast %reduce_min3A_1318 : i1 to vector<16xi1>
      %reduce_min3A_1320 = arith.constant -2147483648 : i32
      %reduce_min3A_1321 = vector.broadcast %reduce_min3A_1320 : i32 to vector<16xi32>
      %reduce_min3A_1322 = arith.xori %min3A_1317, %reduce_min3A_1321 : vector<16xi32>
      %reduce_min3A_1323 = tpu.scan <min>, %reduce_min3A_1322 masked %reduce_min3A_1319 : vector<16xi32>, vector<16xi1> -> vector<16xi32>
      %reduce_min3A_1324 = arith.xori %reduce_min3A_1323, %reduce_min3A_1321 : vector<16xi32>
      %reduce_min3A_1325 = vector.extract %reduce_min3A_1324[15] : i32 from vector<16xi32>
      %eq3A_1326 = vector.broadcast %reduce_min3A_1325 : i32 to vector<16xi32>
      %eq3A_1327 = arith.cmpi eq, %add3A_20, %eq3A_1326 : vector<16xi32>
      %jit3A_1328 = arith.constant -1.000000e+00 : f32
      %broadcast_in_dim3A_1329 = vector.broadcast %jit3A_1328 : f32 to vector<16xf32>
      %select_n3A_1330 = arith.select %eq3A_1327, %broadcast_in_dim3A_1329, %select_n3A_1219 : vector<16xi1>, vector<16xf32>
      %eq3A_1331 = vector.broadcast %reduce_min3A_1325 : i32 to vector<16xi32>
      %eq3A_1332 = arith.cmpi eq, %add3A_23, %eq3A_1331 : vector<16xi32>
      %jit3A_1333 = arith.constant -1.000000e+00 : f32
      %broadcast_in_dim3A_1334 = vector.broadcast %jit3A_1333 : f32 to vector<16xf32>
      %select_n3A_1335 = arith.select %eq3A_1332, %broadcast_in_dim3A_1334, %select_n3A_1224 : vector<16xi1>, vector<16xf32>
      %eq3A_1336 = vector.broadcast %reduce_min3A_1325 : i32 to vector<16xi32>
      %eq3A_1337 = arith.cmpi eq, %add3A_26, %eq3A_1336 : vector<16xi32>
      %jit3A_1338 = arith.constant -1.000000e+00 : f32
      %broadcast_in_dim3A_1339 = vector.broadcast %jit3A_1338 : f32 to vector<16xf32>
      %select_n3A_1340 = arith.select %eq3A_1337, %broadcast_in_dim3A_1339, %select_n3A_1229 : vector<16xi1>, vector<16xf32>
      %eq3A_1341 = vector.broadcast %reduce_min3A_1325 : i32 to vector<16xi32>
      %eq3A_1342 = arith.cmpi eq, %add3A_29, %eq3A_1341 : vector<16xi32>
      %jit3A_1343 = arith.constant -1.000000e+00 : f32
      %broadcast_in_dim3A_1344 = vector.broadcast %jit3A_1343 : f32 to vector<16xf32>
      %select_n3A_1345 = arith.select %eq3A_1342, %broadcast_in_dim3A_1344, %select_n3A_1234 : vector<16xi1>, vector<16xf32>
      %eq3A_1346 = vector.broadcast %reduce_min3A_1325 : i32 to vector<16xi32>
      %eq3A_1347 = arith.cmpi eq, %add3A_32, %eq3A_1346 : vector<16xi32>
      %jit3A_1348 = arith.constant -1.000000e+00 : f32
      %broadcast_in_dim3A_1349 = vector.broadcast %jit3A_1348 : f32 to vector<16xf32>
      %select_n3A_1350 = arith.select %eq3A_1347, %broadcast_in_dim3A_1349, %select_n3A_1239 : vector<16xi1>, vector<16xf32>
      %eq3A_1351 = vector.broadcast %reduce_min3A_1325 : i32 to vector<16xi32>
      %eq3A_1352 = arith.cmpi eq, %add3A_35, %eq3A_1351 : vector<16xi32>
      %jit3A_1353 = arith.constant -1.000000e+00 : f32
      %broadcast_in_dim3A_1354 = vector.broadcast %jit3A_1353 : f32 to vector<16xf32>
      %select_n3A_1355 = arith.select %eq3A_1352, %broadcast_in_dim3A_1354, %select_n3A_1244 : vector<16xi1>, vector<16xf32>
      %eq3A_1356 = vector.broadcast %reduce_min3A_1325 : i32 to vector<16xi32>
      %eq3A_1357 = arith.cmpi eq, %add3A_38, %eq3A_1356 : vector<16xi32>
      %jit3A_1358 = arith.constant -1.000000e+00 : f32
      %broadcast_in_dim3A_1359 = vector.broadcast %jit3A_1358 : f32 to vector<16xf32>
      %select_n3A_1360 = arith.select %eq3A_1357, %broadcast_in_dim3A_1359, %select_n3A_1249 : vector<16xi1>, vector<16xf32>
      %eq3A_1361 = vector.broadcast %reduce_min3A_1325 : i32 to vector<16xi32>
      %eq3A_1362 = arith.cmpi eq, %add3A_41, %eq3A_1361 : vector<16xi32>
      %jit3A_1363 = arith.constant -1.000000e+00 : f32
      %broadcast_in_dim3A_1364 = vector.broadcast %jit3A_1363 : f32 to vector<16xf32>
      %select_n3A_1365 = arith.select %eq3A_1362, %broadcast_in_dim3A_1364, %select_n3A_1254 : vector<16xi1>, vector<16xf32>
      %eq3A_1366 = arith.constant 11 : i32
      %eq3A_1367 = vector.broadcast %eq3A_1366 : i32 to vector<16xi32>
      %eq3A_1368 = arith.cmpi eq, %iota3A, %eq3A_1367 : vector<16xi32>
      %broadcast_in_dim3A_1369 = vector.broadcast %reduce_max3A_1270 : f32 to vector<16xf32>
      %select_n3A_1370 = arith.select %eq3A_1368, %broadcast_in_dim3A_1369, %select_n3A_1259 : vector<16xi1>, vector<16xf32>
      %max3A_1371 = arith.maximumf %select_n3A_1330, %select_n3A_1335 : vector<16xf32>
      %max3A_1372 = arith.maximumf %max3A_1371, %select_n3A_1340 : vector<16xf32>
      %max3A_1373 = arith.maximumf %max3A_1372, %select_n3A_1345 : vector<16xf32>
      %max3A_1374 = arith.maximumf %max3A_1373, %select_n3A_1350 : vector<16xf32>
      %max3A_1375 = arith.maximumf %max3A_1374, %select_n3A_1355 : vector<16xf32>
      %max3A_1376 = arith.maximumf %max3A_1375, %select_n3A_1360 : vector<16xf32>
      %max3A_1377 = arith.maximumf %max3A_1376, %select_n3A_1365 : vector<16xf32>
      %reduce_max3A_1378 = arith.constant true
      %reduce_max3A_1379 = vector.broadcast %reduce_max3A_1378 : i1 to vector<16xi1>
      %reduce_max3A_1380 = tpu.scan <max>, %max3A_1377 masked %reduce_max3A_1379 : vector<16xf32>, vector<16xi1> -> vector<16xf32>
      %reduce_max3A_1381 = vector.extract %reduce_max3A_1380[15] : f32 from vector<16xf32>
      %eq3A_1382 = vector.broadcast %reduce_max3A_1381 : f32 to vector<16xf32>
      %eq3A_1383 = arith.cmpf oeq, %select_n3A_1330, %eq3A_1382 : vector<16xf32>
      %jit3A_1384 = arith.constant 1073741824 : i32
      %broadcast_in_dim3A_1385 = vector.broadcast %jit3A_1384 : i32 to vector<16xi32>
      %select_n3A_1386 = arith.select %eq3A_1383, %add3A_20, %broadcast_in_dim3A_1385 : vector<16xi1>, vector<16xi32>
      %eq3A_1387 = vector.broadcast %reduce_max3A_1381 : f32 to vector<16xf32>
      %eq3A_1388 = arith.cmpf oeq, %select_n3A_1335, %eq3A_1387 : vector<16xf32>
      %jit3A_1389 = arith.constant 1073741824 : i32
      %broadcast_in_dim3A_1390 = vector.broadcast %jit3A_1389 : i32 to vector<16xi32>
      %select_n3A_1391 = arith.select %eq3A_1388, %add3A_23, %broadcast_in_dim3A_1390 : vector<16xi1>, vector<16xi32>
      %min3A_1392 = arith.minsi %select_n3A_1386, %select_n3A_1391 : vector<16xi32>
      %eq3A_1393 = vector.broadcast %reduce_max3A_1381 : f32 to vector<16xf32>
      %eq3A_1394 = arith.cmpf oeq, %select_n3A_1340, %eq3A_1393 : vector<16xf32>
      %jit3A_1395 = arith.constant 1073741824 : i32
      %broadcast_in_dim3A_1396 = vector.broadcast %jit3A_1395 : i32 to vector<16xi32>
      %select_n3A_1397 = arith.select %eq3A_1394, %add3A_26, %broadcast_in_dim3A_1396 : vector<16xi1>, vector<16xi32>
      %min3A_1398 = arith.minsi %min3A_1392, %select_n3A_1397 : vector<16xi32>
      %eq3A_1399 = vector.broadcast %reduce_max3A_1381 : f32 to vector<16xf32>
      %eq3A_1400 = arith.cmpf oeq, %select_n3A_1345, %eq3A_1399 : vector<16xf32>
      %jit3A_1401 = arith.constant 1073741824 : i32
      %broadcast_in_dim3A_1402 = vector.broadcast %jit3A_1401 : i32 to vector<16xi32>
      %select_n3A_1403 = arith.select %eq3A_1400, %add3A_29, %broadcast_in_dim3A_1402 : vector<16xi1>, vector<16xi32>
      %min3A_1404 = arith.minsi %min3A_1398, %select_n3A_1403 : vector<16xi32>
      %eq3A_1405 = vector.broadcast %reduce_max3A_1381 : f32 to vector<16xf32>
      %eq3A_1406 = arith.cmpf oeq, %select_n3A_1350, %eq3A_1405 : vector<16xf32>
      %jit3A_1407 = arith.constant 1073741824 : i32
      %broadcast_in_dim3A_1408 = vector.broadcast %jit3A_1407 : i32 to vector<16xi32>
      %select_n3A_1409 = arith.select %eq3A_1406, %add3A_32, %broadcast_in_dim3A_1408 : vector<16xi1>, vector<16xi32>
      %min3A_1410 = arith.minsi %min3A_1404, %select_n3A_1409 : vector<16xi32>
      %eq3A_1411 = vector.broadcast %reduce_max3A_1381 : f32 to vector<16xf32>
      %eq3A_1412 = arith.cmpf oeq, %select_n3A_1355, %eq3A_1411 : vector<16xf32>
      %jit3A_1413 = arith.constant 1073741824 : i32
      %broadcast_in_dim3A_1414 = vector.broadcast %jit3A_1413 : i32 to vector<16xi32>
      %select_n3A_1415 = arith.select %eq3A_1412, %add3A_35, %broadcast_in_dim3A_1414 : vector<16xi1>, vector<16xi32>
      %min3A_1416 = arith.minsi %min3A_1410, %select_n3A_1415 : vector<16xi32>
      %eq3A_1417 = vector.broadcast %reduce_max3A_1381 : f32 to vector<16xf32>
      %eq3A_1418 = arith.cmpf oeq, %select_n3A_1360, %eq3A_1417 : vector<16xf32>
      %jit3A_1419 = arith.constant 1073741824 : i32
      %broadcast_in_dim3A_1420 = vector.broadcast %jit3A_1419 : i32 to vector<16xi32>
      %select_n3A_1421 = arith.select %eq3A_1418, %add3A_38, %broadcast_in_dim3A_1420 : vector<16xi1>, vector<16xi32>
      %min3A_1422 = arith.minsi %min3A_1416, %select_n3A_1421 : vector<16xi32>
      %eq3A_1423 = vector.broadcast %reduce_max3A_1381 : f32 to vector<16xf32>
      %eq3A_1424 = arith.cmpf oeq, %select_n3A_1365, %eq3A_1423 : vector<16xf32>
      %jit3A_1425 = arith.constant 1073741824 : i32
      %broadcast_in_dim3A_1426 = vector.broadcast %jit3A_1425 : i32 to vector<16xi32>
      %select_n3A_1427 = arith.select %eq3A_1424, %add3A_41, %broadcast_in_dim3A_1426 : vector<16xi1>, vector<16xi32>
      %min3A_1428 = arith.minsi %min3A_1422, %select_n3A_1427 : vector<16xi32>
      %reduce_min3A_1429 = arith.constant true
      %reduce_min3A_1430 = vector.broadcast %reduce_min3A_1429 : i1 to vector<16xi1>
      %reduce_min3A_1431 = arith.constant -2147483648 : i32
      %reduce_min3A_1432 = vector.broadcast %reduce_min3A_1431 : i32 to vector<16xi32>
      %reduce_min3A_1433 = arith.xori %min3A_1428, %reduce_min3A_1432 : vector<16xi32>
      %reduce_min3A_1434 = tpu.scan <min>, %reduce_min3A_1433 masked %reduce_min3A_1430 : vector<16xi32>, vector<16xi1> -> vector<16xi32>
      %reduce_min3A_1435 = arith.xori %reduce_min3A_1434, %reduce_min3A_1432 : vector<16xi32>
      %reduce_min3A_1436 = vector.extract %reduce_min3A_1435[15] : i32 from vector<16xi32>
      %eq3A_1437 = vector.broadcast %reduce_min3A_1436 : i32 to vector<16xi32>
      %eq3A_1438 = arith.cmpi eq, %add3A_20, %eq3A_1437 : vector<16xi32>
      %jit3A_1439 = arith.constant -1.000000e+00 : f32
      %broadcast_in_dim3A_1440 = vector.broadcast %jit3A_1439 : f32 to vector<16xf32>
      %select_n3A_1441 = arith.select %eq3A_1438, %broadcast_in_dim3A_1440, %select_n3A_1330 : vector<16xi1>, vector<16xf32>
      %eq3A_1442 = vector.broadcast %reduce_min3A_1436 : i32 to vector<16xi32>
      %eq3A_1443 = arith.cmpi eq, %add3A_23, %eq3A_1442 : vector<16xi32>
      %jit3A_1444 = arith.constant -1.000000e+00 : f32
      %broadcast_in_dim3A_1445 = vector.broadcast %jit3A_1444 : f32 to vector<16xf32>
      %select_n3A_1446 = arith.select %eq3A_1443, %broadcast_in_dim3A_1445, %select_n3A_1335 : vector<16xi1>, vector<16xf32>
      %eq3A_1447 = vector.broadcast %reduce_min3A_1436 : i32 to vector<16xi32>
      %eq3A_1448 = arith.cmpi eq, %add3A_26, %eq3A_1447 : vector<16xi32>
      %jit3A_1449 = arith.constant -1.000000e+00 : f32
      %broadcast_in_dim3A_1450 = vector.broadcast %jit3A_1449 : f32 to vector<16xf32>
      %select_n3A_1451 = arith.select %eq3A_1448, %broadcast_in_dim3A_1450, %select_n3A_1340 : vector<16xi1>, vector<16xf32>
      %eq3A_1452 = vector.broadcast %reduce_min3A_1436 : i32 to vector<16xi32>
      %eq3A_1453 = arith.cmpi eq, %add3A_29, %eq3A_1452 : vector<16xi32>
      %jit3A_1454 = arith.constant -1.000000e+00 : f32
      %broadcast_in_dim3A_1455 = vector.broadcast %jit3A_1454 : f32 to vector<16xf32>
      %select_n3A_1456 = arith.select %eq3A_1453, %broadcast_in_dim3A_1455, %select_n3A_1345 : vector<16xi1>, vector<16xf32>
      %eq3A_1457 = vector.broadcast %reduce_min3A_1436 : i32 to vector<16xi32>
      %eq3A_1458 = arith.cmpi eq, %add3A_32, %eq3A_1457 : vector<16xi32>
      %jit3A_1459 = arith.constant -1.000000e+00 : f32
      %broadcast_in_dim3A_1460 = vector.broadcast %jit3A_1459 : f32 to vector<16xf32>
      %select_n3A_1461 = arith.select %eq3A_1458, %broadcast_in_dim3A_1460, %select_n3A_1350 : vector<16xi1>, vector<16xf32>
      %eq3A_1462 = vector.broadcast %reduce_min3A_1436 : i32 to vector<16xi32>
      %eq3A_1463 = arith.cmpi eq, %add3A_35, %eq3A_1462 : vector<16xi32>
      %jit3A_1464 = arith.constant -1.000000e+00 : f32
      %broadcast_in_dim3A_1465 = vector.broadcast %jit3A_1464 : f32 to vector<16xf32>
      %select_n3A_1466 = arith.select %eq3A_1463, %broadcast_in_dim3A_1465, %select_n3A_1355 : vector<16xi1>, vector<16xf32>
      %eq3A_1467 = vector.broadcast %reduce_min3A_1436 : i32 to vector<16xi32>
      %eq3A_1468 = arith.cmpi eq, %add3A_38, %eq3A_1467 : vector<16xi32>
      %jit3A_1469 = arith.constant -1.000000e+00 : f32
      %broadcast_in_dim3A_1470 = vector.broadcast %jit3A_1469 : f32 to vector<16xf32>
      %select_n3A_1471 = arith.select %eq3A_1468, %broadcast_in_dim3A_1470, %select_n3A_1360 : vector<16xi1>, vector<16xf32>
      %eq3A_1472 = vector.broadcast %reduce_min3A_1436 : i32 to vector<16xi32>
      %eq3A_1473 = arith.cmpi eq, %add3A_41, %eq3A_1472 : vector<16xi32>
      %jit3A_1474 = arith.constant -1.000000e+00 : f32
      %broadcast_in_dim3A_1475 = vector.broadcast %jit3A_1474 : f32 to vector<16xf32>
      %select_n3A_1476 = arith.select %eq3A_1473, %broadcast_in_dim3A_1475, %select_n3A_1365 : vector<16xi1>, vector<16xf32>
      %eq3A_1477 = arith.constant 12 : i32
      %eq3A_1478 = vector.broadcast %eq3A_1477 : i32 to vector<16xi32>
      %eq3A_1479 = arith.cmpi eq, %iota3A, %eq3A_1478 : vector<16xi32>
      %broadcast_in_dim3A_1480 = vector.broadcast %reduce_max3A_1381 : f32 to vector<16xf32>
      %select_n3A_1481 = arith.select %eq3A_1479, %broadcast_in_dim3A_1480, %select_n3A_1370 : vector<16xi1>, vector<16xf32>
      %max3A_1482 = arith.maximumf %select_n3A_1441, %select_n3A_1446 : vector<16xf32>
      %max3A_1483 = arith.maximumf %max3A_1482, %select_n3A_1451 : vector<16xf32>
      %max3A_1484 = arith.maximumf %max3A_1483, %select_n3A_1456 : vector<16xf32>
      %max3A_1485 = arith.maximumf %max3A_1484, %select_n3A_1461 : vector<16xf32>
      %max3A_1486 = arith.maximumf %max3A_1485, %select_n3A_1466 : vector<16xf32>
      %max3A_1487 = arith.maximumf %max3A_1486, %select_n3A_1471 : vector<16xf32>
      %max3A_1488 = arith.maximumf %max3A_1487, %select_n3A_1476 : vector<16xf32>
      %reduce_max3A_1489 = arith.constant true
      %reduce_max3A_1490 = vector.broadcast %reduce_max3A_1489 : i1 to vector<16xi1>
      %reduce_max3A_1491 = tpu.scan <max>, %max3A_1488 masked %reduce_max3A_1490 : vector<16xf32>, vector<16xi1> -> vector<16xf32>
      %reduce_max3A_1492 = vector.extract %reduce_max3A_1491[15] : f32 from vector<16xf32>
      %eq3A_1493 = vector.broadcast %reduce_max3A_1492 : f32 to vector<16xf32>
      %eq3A_1494 = arith.cmpf oeq, %select_n3A_1441, %eq3A_1493 : vector<16xf32>
      %jit3A_1495 = arith.constant 1073741824 : i32
      %broadcast_in_dim3A_1496 = vector.broadcast %jit3A_1495 : i32 to vector<16xi32>
      %select_n3A_1497 = arith.select %eq3A_1494, %add3A_20, %broadcast_in_dim3A_1496 : vector<16xi1>, vector<16xi32>
      %eq3A_1498 = vector.broadcast %reduce_max3A_1492 : f32 to vector<16xf32>
      %eq3A_1499 = arith.cmpf oeq, %select_n3A_1446, %eq3A_1498 : vector<16xf32>
      %jit3A_1500 = arith.constant 1073741824 : i32
      %broadcast_in_dim3A_1501 = vector.broadcast %jit3A_1500 : i32 to vector<16xi32>
      %select_n3A_1502 = arith.select %eq3A_1499, %add3A_23, %broadcast_in_dim3A_1501 : vector<16xi1>, vector<16xi32>
      %min3A_1503 = arith.minsi %select_n3A_1497, %select_n3A_1502 : vector<16xi32>
      %eq3A_1504 = vector.broadcast %reduce_max3A_1492 : f32 to vector<16xf32>
      %eq3A_1505 = arith.cmpf oeq, %select_n3A_1451, %eq3A_1504 : vector<16xf32>
      %jit3A_1506 = arith.constant 1073741824 : i32
      %broadcast_in_dim3A_1507 = vector.broadcast %jit3A_1506 : i32 to vector<16xi32>
      %select_n3A_1508 = arith.select %eq3A_1505, %add3A_26, %broadcast_in_dim3A_1507 : vector<16xi1>, vector<16xi32>
      %min3A_1509 = arith.minsi %min3A_1503, %select_n3A_1508 : vector<16xi32>
      %eq3A_1510 = vector.broadcast %reduce_max3A_1492 : f32 to vector<16xf32>
      %eq3A_1511 = arith.cmpf oeq, %select_n3A_1456, %eq3A_1510 : vector<16xf32>
      %jit3A_1512 = arith.constant 1073741824 : i32
      %broadcast_in_dim3A_1513 = vector.broadcast %jit3A_1512 : i32 to vector<16xi32>
      %select_n3A_1514 = arith.select %eq3A_1511, %add3A_29, %broadcast_in_dim3A_1513 : vector<16xi1>, vector<16xi32>
      %min3A_1515 = arith.minsi %min3A_1509, %select_n3A_1514 : vector<16xi32>
      %eq3A_1516 = vector.broadcast %reduce_max3A_1492 : f32 to vector<16xf32>
      %eq3A_1517 = arith.cmpf oeq, %select_n3A_1461, %eq3A_1516 : vector<16xf32>
      %jit3A_1518 = arith.constant 1073741824 : i32
      %broadcast_in_dim3A_1519 = vector.broadcast %jit3A_1518 : i32 to vector<16xi32>
      %select_n3A_1520 = arith.select %eq3A_1517, %add3A_32, %broadcast_in_dim3A_1519 : vector<16xi1>, vector<16xi32>
      %min3A_1521 = arith.minsi %min3A_1515, %select_n3A_1520 : vector<16xi32>
      %eq3A_1522 = vector.broadcast %reduce_max3A_1492 : f32 to vector<16xf32>
      %eq3A_1523 = arith.cmpf oeq, %select_n3A_1466, %eq3A_1522 : vector<16xf32>
      %jit3A_1524 = arith.constant 1073741824 : i32
      %broadcast_in_dim3A_1525 = vector.broadcast %jit3A_1524 : i32 to vector<16xi32>
      %select_n3A_1526 = arith.select %eq3A_1523, %add3A_35, %broadcast_in_dim3A_1525 : vector<16xi1>, vector<16xi32>
      %min3A_1527 = arith.minsi %min3A_1521, %select_n3A_1526 : vector<16xi32>
      %eq3A_1528 = vector.broadcast %reduce_max3A_1492 : f32 to vector<16xf32>
      %eq3A_1529 = arith.cmpf oeq, %select_n3A_1471, %eq3A_1528 : vector<16xf32>
      %jit3A_1530 = arith.constant 1073741824 : i32
      %broadcast_in_dim3A_1531 = vector.broadcast %jit3A_1530 : i32 to vector<16xi32>
      %select_n3A_1532 = arith.select %eq3A_1529, %add3A_38, %broadcast_in_dim3A_1531 : vector<16xi1>, vector<16xi32>
      %min3A_1533 = arith.minsi %min3A_1527, %select_n3A_1532 : vector<16xi32>
      %eq3A_1534 = vector.broadcast %reduce_max3A_1492 : f32 to vector<16xf32>
      %eq3A_1535 = arith.cmpf oeq, %select_n3A_1476, %eq3A_1534 : vector<16xf32>
      %jit3A_1536 = arith.constant 1073741824 : i32
      %broadcast_in_dim3A_1537 = vector.broadcast %jit3A_1536 : i32 to vector<16xi32>
      %select_n3A_1538 = arith.select %eq3A_1535, %add3A_41, %broadcast_in_dim3A_1537 : vector<16xi1>, vector<16xi32>
      %min3A_1539 = arith.minsi %min3A_1533, %select_n3A_1538 : vector<16xi32>
      %reduce_min3A_1540 = arith.constant true
      %reduce_min3A_1541 = vector.broadcast %reduce_min3A_1540 : i1 to vector<16xi1>
      %reduce_min3A_1542 = arith.constant -2147483648 : i32
      %reduce_min3A_1543 = vector.broadcast %reduce_min3A_1542 : i32 to vector<16xi32>
      %reduce_min3A_1544 = arith.xori %min3A_1539, %reduce_min3A_1543 : vector<16xi32>
      %reduce_min3A_1545 = tpu.scan <min>, %reduce_min3A_1544 masked %reduce_min3A_1541 : vector<16xi32>, vector<16xi1> -> vector<16xi32>
      %reduce_min3A_1546 = arith.xori %reduce_min3A_1545, %reduce_min3A_1543 : vector<16xi32>
      %reduce_min3A_1547 = vector.extract %reduce_min3A_1546[15] : i32 from vector<16xi32>
      %eq3A_1548 = vector.broadcast %reduce_min3A_1547 : i32 to vector<16xi32>
      %eq3A_1549 = arith.cmpi eq, %add3A_20, %eq3A_1548 : vector<16xi32>
      %jit3A_1550 = arith.constant -1.000000e+00 : f32
      %broadcast_in_dim3A_1551 = vector.broadcast %jit3A_1550 : f32 to vector<16xf32>
      %select_n3A_1552 = arith.select %eq3A_1549, %broadcast_in_dim3A_1551, %select_n3A_1441 : vector<16xi1>, vector<16xf32>
      %eq3A_1553 = vector.broadcast %reduce_min3A_1547 : i32 to vector<16xi32>
      %eq3A_1554 = arith.cmpi eq, %add3A_23, %eq3A_1553 : vector<16xi32>
      %jit3A_1555 = arith.constant -1.000000e+00 : f32
      %broadcast_in_dim3A_1556 = vector.broadcast %jit3A_1555 : f32 to vector<16xf32>
      %select_n3A_1557 = arith.select %eq3A_1554, %broadcast_in_dim3A_1556, %select_n3A_1446 : vector<16xi1>, vector<16xf32>
      %eq3A_1558 = vector.broadcast %reduce_min3A_1547 : i32 to vector<16xi32>
      %eq3A_1559 = arith.cmpi eq, %add3A_26, %eq3A_1558 : vector<16xi32>
      %jit3A_1560 = arith.constant -1.000000e+00 : f32
      %broadcast_in_dim3A_1561 = vector.broadcast %jit3A_1560 : f32 to vector<16xf32>
      %select_n3A_1562 = arith.select %eq3A_1559, %broadcast_in_dim3A_1561, %select_n3A_1451 : vector<16xi1>, vector<16xf32>
      %eq3A_1563 = vector.broadcast %reduce_min3A_1547 : i32 to vector<16xi32>
      %eq3A_1564 = arith.cmpi eq, %add3A_29, %eq3A_1563 : vector<16xi32>
      %jit3A_1565 = arith.constant -1.000000e+00 : f32
      %broadcast_in_dim3A_1566 = vector.broadcast %jit3A_1565 : f32 to vector<16xf32>
      %select_n3A_1567 = arith.select %eq3A_1564, %broadcast_in_dim3A_1566, %select_n3A_1456 : vector<16xi1>, vector<16xf32>
      %eq3A_1568 = vector.broadcast %reduce_min3A_1547 : i32 to vector<16xi32>
      %eq3A_1569 = arith.cmpi eq, %add3A_32, %eq3A_1568 : vector<16xi32>
      %jit3A_1570 = arith.constant -1.000000e+00 : f32
      %broadcast_in_dim3A_1571 = vector.broadcast %jit3A_1570 : f32 to vector<16xf32>
      %select_n3A_1572 = arith.select %eq3A_1569, %broadcast_in_dim3A_1571, %select_n3A_1461 : vector<16xi1>, vector<16xf32>
      %eq3A_1573 = vector.broadcast %reduce_min3A_1547 : i32 to vector<16xi32>
      %eq3A_1574 = arith.cmpi eq, %add3A_35, %eq3A_1573 : vector<16xi32>
      %jit3A_1575 = arith.constant -1.000000e+00 : f32
      %broadcast_in_dim3A_1576 = vector.broadcast %jit3A_1575 : f32 to vector<16xf32>
      %select_n3A_1577 = arith.select %eq3A_1574, %broadcast_in_dim3A_1576, %select_n3A_1466 : vector<16xi1>, vector<16xf32>
      %eq3A_1578 = vector.broadcast %reduce_min3A_1547 : i32 to vector<16xi32>
      %eq3A_1579 = arith.cmpi eq, %add3A_38, %eq3A_1578 : vector<16xi32>
      %jit3A_1580 = arith.constant -1.000000e+00 : f32
      %broadcast_in_dim3A_1581 = vector.broadcast %jit3A_1580 : f32 to vector<16xf32>
      %select_n3A_1582 = arith.select %eq3A_1579, %broadcast_in_dim3A_1581, %select_n3A_1471 : vector<16xi1>, vector<16xf32>
      %eq3A_1583 = vector.broadcast %reduce_min3A_1547 : i32 to vector<16xi32>
      %eq3A_1584 = arith.cmpi eq, %add3A_41, %eq3A_1583 : vector<16xi32>
      %jit3A_1585 = arith.constant -1.000000e+00 : f32
      %broadcast_in_dim3A_1586 = vector.broadcast %jit3A_1585 : f32 to vector<16xf32>
      %select_n3A_1587 = arith.select %eq3A_1584, %broadcast_in_dim3A_1586, %select_n3A_1476 : vector<16xi1>, vector<16xf32>
      %eq3A_1588 = arith.constant 13 : i32
      %eq3A_1589 = vector.broadcast %eq3A_1588 : i32 to vector<16xi32>
      %eq3A_1590 = arith.cmpi eq, %iota3A, %eq3A_1589 : vector<16xi32>
      %broadcast_in_dim3A_1591 = vector.broadcast %reduce_max3A_1492 : f32 to vector<16xf32>
      %select_n3A_1592 = arith.select %eq3A_1590, %broadcast_in_dim3A_1591, %select_n3A_1481 : vector<16xi1>, vector<16xf32>
      %max3A_1593 = arith.maximumf %select_n3A_1552, %select_n3A_1557 : vector<16xf32>
      %max3A_1594 = arith.maximumf %max3A_1593, %select_n3A_1562 : vector<16xf32>
      %max3A_1595 = arith.maximumf %max3A_1594, %select_n3A_1567 : vector<16xf32>
      %max3A_1596 = arith.maximumf %max3A_1595, %select_n3A_1572 : vector<16xf32>
      %max3A_1597 = arith.maximumf %max3A_1596, %select_n3A_1577 : vector<16xf32>
      %max3A_1598 = arith.maximumf %max3A_1597, %select_n3A_1582 : vector<16xf32>
      %max3A_1599 = arith.maximumf %max3A_1598, %select_n3A_1587 : vector<16xf32>
      %reduce_max3A_1600 = arith.constant true
      %reduce_max3A_1601 = vector.broadcast %reduce_max3A_1600 : i1 to vector<16xi1>
      %reduce_max3A_1602 = tpu.scan <max>, %max3A_1599 masked %reduce_max3A_1601 : vector<16xf32>, vector<16xi1> -> vector<16xf32>
      %reduce_max3A_1603 = vector.extract %reduce_max3A_1602[15] : f32 from vector<16xf32>
      %eq3A_1604 = vector.broadcast %reduce_max3A_1603 : f32 to vector<16xf32>
      %eq3A_1605 = arith.cmpf oeq, %select_n3A_1552, %eq3A_1604 : vector<16xf32>
      %jit3A_1606 = arith.constant 1073741824 : i32
      %broadcast_in_dim3A_1607 = vector.broadcast %jit3A_1606 : i32 to vector<16xi32>
      %select_n3A_1608 = arith.select %eq3A_1605, %add3A_20, %broadcast_in_dim3A_1607 : vector<16xi1>, vector<16xi32>
      %eq3A_1609 = vector.broadcast %reduce_max3A_1603 : f32 to vector<16xf32>
      %eq3A_1610 = arith.cmpf oeq, %select_n3A_1557, %eq3A_1609 : vector<16xf32>
      %jit3A_1611 = arith.constant 1073741824 : i32
      %broadcast_in_dim3A_1612 = vector.broadcast %jit3A_1611 : i32 to vector<16xi32>
      %select_n3A_1613 = arith.select %eq3A_1610, %add3A_23, %broadcast_in_dim3A_1612 : vector<16xi1>, vector<16xi32>
      %min3A_1614 = arith.minsi %select_n3A_1608, %select_n3A_1613 : vector<16xi32>
      %eq3A_1615 = vector.broadcast %reduce_max3A_1603 : f32 to vector<16xf32>
      %eq3A_1616 = arith.cmpf oeq, %select_n3A_1562, %eq3A_1615 : vector<16xf32>
      %jit3A_1617 = arith.constant 1073741824 : i32
      %broadcast_in_dim3A_1618 = vector.broadcast %jit3A_1617 : i32 to vector<16xi32>
      %select_n3A_1619 = arith.select %eq3A_1616, %add3A_26, %broadcast_in_dim3A_1618 : vector<16xi1>, vector<16xi32>
      %min3A_1620 = arith.minsi %min3A_1614, %select_n3A_1619 : vector<16xi32>
      %eq3A_1621 = vector.broadcast %reduce_max3A_1603 : f32 to vector<16xf32>
      %eq3A_1622 = arith.cmpf oeq, %select_n3A_1567, %eq3A_1621 : vector<16xf32>
      %jit3A_1623 = arith.constant 1073741824 : i32
      %broadcast_in_dim3A_1624 = vector.broadcast %jit3A_1623 : i32 to vector<16xi32>
      %select_n3A_1625 = arith.select %eq3A_1622, %add3A_29, %broadcast_in_dim3A_1624 : vector<16xi1>, vector<16xi32>
      %min3A_1626 = arith.minsi %min3A_1620, %select_n3A_1625 : vector<16xi32>
      %eq3A_1627 = vector.broadcast %reduce_max3A_1603 : f32 to vector<16xf32>
      %eq3A_1628 = arith.cmpf oeq, %select_n3A_1572, %eq3A_1627 : vector<16xf32>
      %jit3A_1629 = arith.constant 1073741824 : i32
      %broadcast_in_dim3A_1630 = vector.broadcast %jit3A_1629 : i32 to vector<16xi32>
      %select_n3A_1631 = arith.select %eq3A_1628, %add3A_32, %broadcast_in_dim3A_1630 : vector<16xi1>, vector<16xi32>
      %min3A_1632 = arith.minsi %min3A_1626, %select_n3A_1631 : vector<16xi32>
      %eq3A_1633 = vector.broadcast %reduce_max3A_1603 : f32 to vector<16xf32>
      %eq3A_1634 = arith.cmpf oeq, %select_n3A_1577, %eq3A_1633 : vector<16xf32>
      %jit3A_1635 = arith.constant 1073741824 : i32
      %broadcast_in_dim3A_1636 = vector.broadcast %jit3A_1635 : i32 to vector<16xi32>
      %select_n3A_1637 = arith.select %eq3A_1634, %add3A_35, %broadcast_in_dim3A_1636 : vector<16xi1>, vector<16xi32>
      %min3A_1638 = arith.minsi %min3A_1632, %select_n3A_1637 : vector<16xi32>
      %eq3A_1639 = vector.broadcast %reduce_max3A_1603 : f32 to vector<16xf32>
      %eq3A_1640 = arith.cmpf oeq, %select_n3A_1582, %eq3A_1639 : vector<16xf32>
      %jit3A_1641 = arith.constant 1073741824 : i32
      %broadcast_in_dim3A_1642 = vector.broadcast %jit3A_1641 : i32 to vector<16xi32>
      %select_n3A_1643 = arith.select %eq3A_1640, %add3A_38, %broadcast_in_dim3A_1642 : vector<16xi1>, vector<16xi32>
      %min3A_1644 = arith.minsi %min3A_1638, %select_n3A_1643 : vector<16xi32>
      %eq3A_1645 = vector.broadcast %reduce_max3A_1603 : f32 to vector<16xf32>
      %eq3A_1646 = arith.cmpf oeq, %select_n3A_1587, %eq3A_1645 : vector<16xf32>
      %jit3A_1647 = arith.constant 1073741824 : i32
      %broadcast_in_dim3A_1648 = vector.broadcast %jit3A_1647 : i32 to vector<16xi32>
      %select_n3A_1649 = arith.select %eq3A_1646, %add3A_41, %broadcast_in_dim3A_1648 : vector<16xi1>, vector<16xi32>
      %min3A_1650 = arith.minsi %min3A_1644, %select_n3A_1649 : vector<16xi32>
      %reduce_min3A_1651 = arith.constant true
      %reduce_min3A_1652 = vector.broadcast %reduce_min3A_1651 : i1 to vector<16xi1>
      %reduce_min3A_1653 = arith.constant -2147483648 : i32
      %reduce_min3A_1654 = vector.broadcast %reduce_min3A_1653 : i32 to vector<16xi32>
      %reduce_min3A_1655 = arith.xori %min3A_1650, %reduce_min3A_1654 : vector<16xi32>
      %reduce_min3A_1656 = tpu.scan <min>, %reduce_min3A_1655 masked %reduce_min3A_1652 : vector<16xi32>, vector<16xi1> -> vector<16xi32>
      %reduce_min3A_1657 = arith.xori %reduce_min3A_1656, %reduce_min3A_1654 : vector<16xi32>
      %reduce_min3A_1658 = vector.extract %reduce_min3A_1657[15] : i32 from vector<16xi32>
      %eq3A_1659 = vector.broadcast %reduce_min3A_1658 : i32 to vector<16xi32>
      %eq3A_1660 = arith.cmpi eq, %add3A_20, %eq3A_1659 : vector<16xi32>
      %jit3A_1661 = arith.constant -1.000000e+00 : f32
      %broadcast_in_dim3A_1662 = vector.broadcast %jit3A_1661 : f32 to vector<16xf32>
      %select_n3A_1663 = arith.select %eq3A_1660, %broadcast_in_dim3A_1662, %select_n3A_1552 : vector<16xi1>, vector<16xf32>
      %eq3A_1664 = vector.broadcast %reduce_min3A_1658 : i32 to vector<16xi32>
      %eq3A_1665 = arith.cmpi eq, %add3A_23, %eq3A_1664 : vector<16xi32>
      %jit3A_1666 = arith.constant -1.000000e+00 : f32
      %broadcast_in_dim3A_1667 = vector.broadcast %jit3A_1666 : f32 to vector<16xf32>
      %select_n3A_1668 = arith.select %eq3A_1665, %broadcast_in_dim3A_1667, %select_n3A_1557 : vector<16xi1>, vector<16xf32>
      %eq3A_1669 = vector.broadcast %reduce_min3A_1658 : i32 to vector<16xi32>
      %eq3A_1670 = arith.cmpi eq, %add3A_26, %eq3A_1669 : vector<16xi32>
      %jit3A_1671 = arith.constant -1.000000e+00 : f32
      %broadcast_in_dim3A_1672 = vector.broadcast %jit3A_1671 : f32 to vector<16xf32>
      %select_n3A_1673 = arith.select %eq3A_1670, %broadcast_in_dim3A_1672, %select_n3A_1562 : vector<16xi1>, vector<16xf32>
      %eq3A_1674 = vector.broadcast %reduce_min3A_1658 : i32 to vector<16xi32>
      %eq3A_1675 = arith.cmpi eq, %add3A_29, %eq3A_1674 : vector<16xi32>
      %jit3A_1676 = arith.constant -1.000000e+00 : f32
      %broadcast_in_dim3A_1677 = vector.broadcast %jit3A_1676 : f32 to vector<16xf32>
      %select_n3A_1678 = arith.select %eq3A_1675, %broadcast_in_dim3A_1677, %select_n3A_1567 : vector<16xi1>, vector<16xf32>
      %eq3A_1679 = vector.broadcast %reduce_min3A_1658 : i32 to vector<16xi32>
      %eq3A_1680 = arith.cmpi eq, %add3A_32, %eq3A_1679 : vector<16xi32>
      %jit3A_1681 = arith.constant -1.000000e+00 : f32
      %broadcast_in_dim3A_1682 = vector.broadcast %jit3A_1681 : f32 to vector<16xf32>
      %select_n3A_1683 = arith.select %eq3A_1680, %broadcast_in_dim3A_1682, %select_n3A_1572 : vector<16xi1>, vector<16xf32>
      %eq3A_1684 = vector.broadcast %reduce_min3A_1658 : i32 to vector<16xi32>
      %eq3A_1685 = arith.cmpi eq, %add3A_35, %eq3A_1684 : vector<16xi32>
      %jit3A_1686 = arith.constant -1.000000e+00 : f32
      %broadcast_in_dim3A_1687 = vector.broadcast %jit3A_1686 : f32 to vector<16xf32>
      %select_n3A_1688 = arith.select %eq3A_1685, %broadcast_in_dim3A_1687, %select_n3A_1577 : vector<16xi1>, vector<16xf32>
      %eq3A_1689 = vector.broadcast %reduce_min3A_1658 : i32 to vector<16xi32>
      %eq3A_1690 = arith.cmpi eq, %add3A_38, %eq3A_1689 : vector<16xi32>
      %jit3A_1691 = arith.constant -1.000000e+00 : f32
      %broadcast_in_dim3A_1692 = vector.broadcast %jit3A_1691 : f32 to vector<16xf32>
      %select_n3A_1693 = arith.select %eq3A_1690, %broadcast_in_dim3A_1692, %select_n3A_1582 : vector<16xi1>, vector<16xf32>
      %eq3A_1694 = vector.broadcast %reduce_min3A_1658 : i32 to vector<16xi32>
      %eq3A_1695 = arith.cmpi eq, %add3A_41, %eq3A_1694 : vector<16xi32>
      %jit3A_1696 = arith.constant -1.000000e+00 : f32
      %broadcast_in_dim3A_1697 = vector.broadcast %jit3A_1696 : f32 to vector<16xf32>
      %select_n3A_1698 = arith.select %eq3A_1695, %broadcast_in_dim3A_1697, %select_n3A_1587 : vector<16xi1>, vector<16xf32>
      %eq3A_1699 = arith.constant 14 : i32
      %eq3A_1700 = vector.broadcast %eq3A_1699 : i32 to vector<16xi32>
      %eq3A_1701 = arith.cmpi eq, %iota3A, %eq3A_1700 : vector<16xi32>
      %broadcast_in_dim3A_1702 = vector.broadcast %reduce_max3A_1603 : f32 to vector<16xf32>
      %select_n3A_1703 = arith.select %eq3A_1701, %broadcast_in_dim3A_1702, %select_n3A_1592 : vector<16xi1>, vector<16xf32>
      %max3A_1704 = arith.maximumf %select_n3A_1663, %select_n3A_1668 : vector<16xf32>
      %max3A_1705 = arith.maximumf %max3A_1704, %select_n3A_1673 : vector<16xf32>
      %max3A_1706 = arith.maximumf %max3A_1705, %select_n3A_1678 : vector<16xf32>
      %max3A_1707 = arith.maximumf %max3A_1706, %select_n3A_1683 : vector<16xf32>
      %max3A_1708 = arith.maximumf %max3A_1707, %select_n3A_1688 : vector<16xf32>
      %max3A_1709 = arith.maximumf %max3A_1708, %select_n3A_1693 : vector<16xf32>
      %max3A_1710 = arith.maximumf %max3A_1709, %select_n3A_1698 : vector<16xf32>
      %reduce_max3A_1711 = arith.constant true
      %reduce_max3A_1712 = vector.broadcast %reduce_max3A_1711 : i1 to vector<16xi1>
      %reduce_max3A_1713 = tpu.scan <max>, %max3A_1710 masked %reduce_max3A_1712 : vector<16xf32>, vector<16xi1> -> vector<16xf32>
      %reduce_max3A_1714 = vector.extract %reduce_max3A_1713[15] : f32 from vector<16xf32>
      %eq3A_1715 = vector.broadcast %reduce_max3A_1714 : f32 to vector<16xf32>
      %eq3A_1716 = arith.cmpf oeq, %select_n3A_1663, %eq3A_1715 : vector<16xf32>
      %jit3A_1717 = arith.constant 1073741824 : i32
      %broadcast_in_dim3A_1718 = vector.broadcast %jit3A_1717 : i32 to vector<16xi32>
      %select_n3A_1719 = arith.select %eq3A_1716, %add3A_20, %broadcast_in_dim3A_1718 : vector<16xi1>, vector<16xi32>
      %eq3A_1720 = vector.broadcast %reduce_max3A_1714 : f32 to vector<16xf32>
      %eq3A_1721 = arith.cmpf oeq, %select_n3A_1668, %eq3A_1720 : vector<16xf32>
      %jit3A_1722 = arith.constant 1073741824 : i32
      %broadcast_in_dim3A_1723 = vector.broadcast %jit3A_1722 : i32 to vector<16xi32>
      %select_n3A_1724 = arith.select %eq3A_1721, %add3A_23, %broadcast_in_dim3A_1723 : vector<16xi1>, vector<16xi32>
      %min3A_1725 = arith.minsi %select_n3A_1719, %select_n3A_1724 : vector<16xi32>
      %eq3A_1726 = vector.broadcast %reduce_max3A_1714 : f32 to vector<16xf32>
      %eq3A_1727 = arith.cmpf oeq, %select_n3A_1673, %eq3A_1726 : vector<16xf32>
      %jit3A_1728 = arith.constant 1073741824 : i32
      %broadcast_in_dim3A_1729 = vector.broadcast %jit3A_1728 : i32 to vector<16xi32>
      %select_n3A_1730 = arith.select %eq3A_1727, %add3A_26, %broadcast_in_dim3A_1729 : vector<16xi1>, vector<16xi32>
      %min3A_1731 = arith.minsi %min3A_1725, %select_n3A_1730 : vector<16xi32>
      %eq3A_1732 = vector.broadcast %reduce_max3A_1714 : f32 to vector<16xf32>
      %eq3A_1733 = arith.cmpf oeq, %select_n3A_1678, %eq3A_1732 : vector<16xf32>
      %jit3A_1734 = arith.constant 1073741824 : i32
      %broadcast_in_dim3A_1735 = vector.broadcast %jit3A_1734 : i32 to vector<16xi32>
      %select_n3A_1736 = arith.select %eq3A_1733, %add3A_29, %broadcast_in_dim3A_1735 : vector<16xi1>, vector<16xi32>
      %min3A_1737 = arith.minsi %min3A_1731, %select_n3A_1736 : vector<16xi32>
      %eq3A_1738 = vector.broadcast %reduce_max3A_1714 : f32 to vector<16xf32>
      %eq3A_1739 = arith.cmpf oeq, %select_n3A_1683, %eq3A_1738 : vector<16xf32>
      %jit3A_1740 = arith.constant 1073741824 : i32
      %broadcast_in_dim3A_1741 = vector.broadcast %jit3A_1740 : i32 to vector<16xi32>
      %select_n3A_1742 = arith.select %eq3A_1739, %add3A_32, %broadcast_in_dim3A_1741 : vector<16xi1>, vector<16xi32>
      %min3A_1743 = arith.minsi %min3A_1737, %select_n3A_1742 : vector<16xi32>
      %eq3A_1744 = vector.broadcast %reduce_max3A_1714 : f32 to vector<16xf32>
      %eq3A_1745 = arith.cmpf oeq, %select_n3A_1688, %eq3A_1744 : vector<16xf32>
      %jit3A_1746 = arith.constant 1073741824 : i32
      %broadcast_in_dim3A_1747 = vector.broadcast %jit3A_1746 : i32 to vector<16xi32>
      %select_n3A_1748 = arith.select %eq3A_1745, %add3A_35, %broadcast_in_dim3A_1747 : vector<16xi1>, vector<16xi32>
      %min3A_1749 = arith.minsi %min3A_1743, %select_n3A_1748 : vector<16xi32>
      %eq3A_1750 = vector.broadcast %reduce_max3A_1714 : f32 to vector<16xf32>
      %eq3A_1751 = arith.cmpf oeq, %select_n3A_1693, %eq3A_1750 : vector<16xf32>
      %jit3A_1752 = arith.constant 1073741824 : i32
      %broadcast_in_dim3A_1753 = vector.broadcast %jit3A_1752 : i32 to vector<16xi32>
      %select_n3A_1754 = arith.select %eq3A_1751, %add3A_38, %broadcast_in_dim3A_1753 : vector<16xi1>, vector<16xi32>
      %min3A_1755 = arith.minsi %min3A_1749, %select_n3A_1754 : vector<16xi32>
      %eq3A_1756 = vector.broadcast %reduce_max3A_1714 : f32 to vector<16xf32>
      %eq3A_1757 = arith.cmpf oeq, %select_n3A_1698, %eq3A_1756 : vector<16xf32>
      %jit3A_1758 = arith.constant 1073741824 : i32
      %broadcast_in_dim3A_1759 = vector.broadcast %jit3A_1758 : i32 to vector<16xi32>
      %select_n3A_1760 = arith.select %eq3A_1757, %add3A_41, %broadcast_in_dim3A_1759 : vector<16xi1>, vector<16xi32>
      %min3A_1761 = arith.minsi %min3A_1755, %select_n3A_1760 : vector<16xi32>
      %reduce_min3A_1762 = arith.constant true
      %reduce_min3A_1763 = vector.broadcast %reduce_min3A_1762 : i1 to vector<16xi1>
      %reduce_min3A_1764 = arith.constant -2147483648 : i32
      %reduce_min3A_1765 = vector.broadcast %reduce_min3A_1764 : i32 to vector<16xi32>
      %reduce_min3A_1766 = arith.xori %min3A_1761, %reduce_min3A_1765 : vector<16xi32>
      %reduce_min3A_1767 = tpu.scan <min>, %reduce_min3A_1766 masked %reduce_min3A_1763 : vector<16xi32>, vector<16xi1> -> vector<16xi32>
      %reduce_min3A_1768 = arith.xori %reduce_min3A_1767, %reduce_min3A_1765 : vector<16xi32>
      %reduce_min3A_1769 = vector.extract %reduce_min3A_1768[15] : i32 from vector<16xi32>
      %eq3A_1770 = vector.broadcast %reduce_min3A_1769 : i32 to vector<16xi32>
      %eq3A_1771 = arith.cmpi eq, %add3A_20, %eq3A_1770 : vector<16xi32>
      %jit3A_1772 = arith.constant -1.000000e+00 : f32
      %broadcast_in_dim3A_1773 = vector.broadcast %jit3A_1772 : f32 to vector<16xf32>
      %select_n3A_1774 = arith.select %eq3A_1771, %broadcast_in_dim3A_1773, %select_n3A_1663 : vector<16xi1>, vector<16xf32>
      %eq3A_1775 = vector.broadcast %reduce_min3A_1769 : i32 to vector<16xi32>
      %eq3A_1776 = arith.cmpi eq, %add3A_23, %eq3A_1775 : vector<16xi32>
      %jit3A_1777 = arith.constant -1.000000e+00 : f32
      %broadcast_in_dim3A_1778 = vector.broadcast %jit3A_1777 : f32 to vector<16xf32>
      %select_n3A_1779 = arith.select %eq3A_1776, %broadcast_in_dim3A_1778, %select_n3A_1668 : vector<16xi1>, vector<16xf32>
      %eq3A_1780 = vector.broadcast %reduce_min3A_1769 : i32 to vector<16xi32>
      %eq3A_1781 = arith.cmpi eq, %add3A_26, %eq3A_1780 : vector<16xi32>
      %jit3A_1782 = arith.constant -1.000000e+00 : f32
      %broadcast_in_dim3A_1783 = vector.broadcast %jit3A_1782 : f32 to vector<16xf32>
      %select_n3A_1784 = arith.select %eq3A_1781, %broadcast_in_dim3A_1783, %select_n3A_1673 : vector<16xi1>, vector<16xf32>
      %eq3A_1785 = vector.broadcast %reduce_min3A_1769 : i32 to vector<16xi32>
      %eq3A_1786 = arith.cmpi eq, %add3A_29, %eq3A_1785 : vector<16xi32>
      %jit3A_1787 = arith.constant -1.000000e+00 : f32
      %broadcast_in_dim3A_1788 = vector.broadcast %jit3A_1787 : f32 to vector<16xf32>
      %select_n3A_1789 = arith.select %eq3A_1786, %broadcast_in_dim3A_1788, %select_n3A_1678 : vector<16xi1>, vector<16xf32>
      %eq3A_1790 = vector.broadcast %reduce_min3A_1769 : i32 to vector<16xi32>
      %eq3A_1791 = arith.cmpi eq, %add3A_32, %eq3A_1790 : vector<16xi32>
      %jit3A_1792 = arith.constant -1.000000e+00 : f32
      %broadcast_in_dim3A_1793 = vector.broadcast %jit3A_1792 : f32 to vector<16xf32>
      %select_n3A_1794 = arith.select %eq3A_1791, %broadcast_in_dim3A_1793, %select_n3A_1683 : vector<16xi1>, vector<16xf32>
      %eq3A_1795 = vector.broadcast %reduce_min3A_1769 : i32 to vector<16xi32>
      %eq3A_1796 = arith.cmpi eq, %add3A_35, %eq3A_1795 : vector<16xi32>
      %jit3A_1797 = arith.constant -1.000000e+00 : f32
      %broadcast_in_dim3A_1798 = vector.broadcast %jit3A_1797 : f32 to vector<16xf32>
      %select_n3A_1799 = arith.select %eq3A_1796, %broadcast_in_dim3A_1798, %select_n3A_1688 : vector<16xi1>, vector<16xf32>
      %eq3A_1800 = vector.broadcast %reduce_min3A_1769 : i32 to vector<16xi32>
      %eq3A_1801 = arith.cmpi eq, %add3A_38, %eq3A_1800 : vector<16xi32>
      %jit3A_1802 = arith.constant -1.000000e+00 : f32
      %broadcast_in_dim3A_1803 = vector.broadcast %jit3A_1802 : f32 to vector<16xf32>
      %select_n3A_1804 = arith.select %eq3A_1801, %broadcast_in_dim3A_1803, %select_n3A_1693 : vector<16xi1>, vector<16xf32>
      %eq3A_1805 = vector.broadcast %reduce_min3A_1769 : i32 to vector<16xi32>
      %eq3A_1806 = arith.cmpi eq, %add3A_41, %eq3A_1805 : vector<16xi32>
      %jit3A_1807 = arith.constant -1.000000e+00 : f32
      %broadcast_in_dim3A_1808 = vector.broadcast %jit3A_1807 : f32 to vector<16xf32>
      %select_n3A_1809 = arith.select %eq3A_1806, %broadcast_in_dim3A_1808, %select_n3A_1698 : vector<16xi1>, vector<16xf32>
      %eq3A_1810 = arith.constant 15 : i32
      %eq3A_1811 = vector.broadcast %eq3A_1810 : i32 to vector<16xi32>
      %eq3A_1812 = arith.cmpi eq, %iota3A, %eq3A_1811 : vector<16xi32>
      %broadcast_in_dim3A_1813 = vector.broadcast %reduce_max3A_1714 : f32 to vector<16xf32>
      %select_n3A_1814 = arith.select %eq3A_1812, %broadcast_in_dim3A_1813, %select_n3A_1703 : vector<16xi1>, vector<16xf32>
      %max3A_1815 = arith.maximumf %select_n3A_1774, %select_n3A_1779 : vector<16xf32>
      %max3A_1816 = arith.maximumf %max3A_1815, %select_n3A_1784 : vector<16xf32>
      %max3A_1817 = arith.maximumf %max3A_1816, %select_n3A_1789 : vector<16xf32>
      %max3A_1818 = arith.maximumf %max3A_1817, %select_n3A_1794 : vector<16xf32>
      %max3A_1819 = arith.maximumf %max3A_1818, %select_n3A_1799 : vector<16xf32>
      %max3A_1820 = arith.maximumf %max3A_1819, %select_n3A_1804 : vector<16xf32>
      %max3A_1821 = arith.maximumf %max3A_1820, %select_n3A_1809 : vector<16xf32>
      %reduce_max3A_1822 = arith.constant true
      %reduce_max3A_1823 = vector.broadcast %reduce_max3A_1822 : i1 to vector<16xi1>
      %reduce_max3A_1824 = tpu.scan <max>, %max3A_1821 masked %reduce_max3A_1823 : vector<16xf32>, vector<16xi1> -> vector<16xf32>
      %reduce_max3A_1825 = vector.extract %reduce_max3A_1824[15] : f32 from vector<16xf32>
      %eq3A_1826 = vector.broadcast %reduce_max3A_1825 : f32 to vector<16xf32>
      %eq3A_1827 = arith.cmpf oeq, %select_n3A_1774, %eq3A_1826 : vector<16xf32>
      %jit3A_1828 = arith.constant 1073741824 : i32
      %broadcast_in_dim3A_1829 = vector.broadcast %jit3A_1828 : i32 to vector<16xi32>
      %select_n3A_1830 = arith.select %eq3A_1827, %add3A_20, %broadcast_in_dim3A_1829 : vector<16xi1>, vector<16xi32>
      %eq3A_1831 = vector.broadcast %reduce_max3A_1825 : f32 to vector<16xf32>
      %eq3A_1832 = arith.cmpf oeq, %select_n3A_1779, %eq3A_1831 : vector<16xf32>
      %jit3A_1833 = arith.constant 1073741824 : i32
      %broadcast_in_dim3A_1834 = vector.broadcast %jit3A_1833 : i32 to vector<16xi32>
      %select_n3A_1835 = arith.select %eq3A_1832, %add3A_23, %broadcast_in_dim3A_1834 : vector<16xi1>, vector<16xi32>
      %min3A_1836 = arith.minsi %select_n3A_1830, %select_n3A_1835 : vector<16xi32>
      %eq3A_1837 = vector.broadcast %reduce_max3A_1825 : f32 to vector<16xf32>
      %eq3A_1838 = arith.cmpf oeq, %select_n3A_1784, %eq3A_1837 : vector<16xf32>
      %jit3A_1839 = arith.constant 1073741824 : i32
      %broadcast_in_dim3A_1840 = vector.broadcast %jit3A_1839 : i32 to vector<16xi32>
      %select_n3A_1841 = arith.select %eq3A_1838, %add3A_26, %broadcast_in_dim3A_1840 : vector<16xi1>, vector<16xi32>
      %min3A_1842 = arith.minsi %min3A_1836, %select_n3A_1841 : vector<16xi32>
      %eq3A_1843 = vector.broadcast %reduce_max3A_1825 : f32 to vector<16xf32>
      %eq3A_1844 = arith.cmpf oeq, %select_n3A_1789, %eq3A_1843 : vector<16xf32>
      %jit3A_1845 = arith.constant 1073741824 : i32
      %broadcast_in_dim3A_1846 = vector.broadcast %jit3A_1845 : i32 to vector<16xi32>
      %select_n3A_1847 = arith.select %eq3A_1844, %add3A_29, %broadcast_in_dim3A_1846 : vector<16xi1>, vector<16xi32>
      %min3A_1848 = arith.minsi %min3A_1842, %select_n3A_1847 : vector<16xi32>
      %eq3A_1849 = vector.broadcast %reduce_max3A_1825 : f32 to vector<16xf32>
      %eq3A_1850 = arith.cmpf oeq, %select_n3A_1794, %eq3A_1849 : vector<16xf32>
      %jit3A_1851 = arith.constant 1073741824 : i32
      %broadcast_in_dim3A_1852 = vector.broadcast %jit3A_1851 : i32 to vector<16xi32>
      %select_n3A_1853 = arith.select %eq3A_1850, %add3A_32, %broadcast_in_dim3A_1852 : vector<16xi1>, vector<16xi32>
      %min3A_1854 = arith.minsi %min3A_1848, %select_n3A_1853 : vector<16xi32>
      %eq3A_1855 = vector.broadcast %reduce_max3A_1825 : f32 to vector<16xf32>
      %eq3A_1856 = arith.cmpf oeq, %select_n3A_1799, %eq3A_1855 : vector<16xf32>
      %jit3A_1857 = arith.constant 1073741824 : i32
      %broadcast_in_dim3A_1858 = vector.broadcast %jit3A_1857 : i32 to vector<16xi32>
      %select_n3A_1859 = arith.select %eq3A_1856, %add3A_35, %broadcast_in_dim3A_1858 : vector<16xi1>, vector<16xi32>
      %min3A_1860 = arith.minsi %min3A_1854, %select_n3A_1859 : vector<16xi32>
      %eq3A_1861 = vector.broadcast %reduce_max3A_1825 : f32 to vector<16xf32>
      %eq3A_1862 = arith.cmpf oeq, %select_n3A_1804, %eq3A_1861 : vector<16xf32>
      %jit3A_1863 = arith.constant 1073741824 : i32
      %broadcast_in_dim3A_1864 = vector.broadcast %jit3A_1863 : i32 to vector<16xi32>
      %select_n3A_1865 = arith.select %eq3A_1862, %add3A_38, %broadcast_in_dim3A_1864 : vector<16xi1>, vector<16xi32>
      %min3A_1866 = arith.minsi %min3A_1860, %select_n3A_1865 : vector<16xi32>
      %eq3A_1867 = vector.broadcast %reduce_max3A_1825 : f32 to vector<16xf32>
      %eq3A_1868 = arith.cmpf oeq, %select_n3A_1809, %eq3A_1867 : vector<16xf32>
      %jit3A_1869 = arith.constant 1073741824 : i32
      %broadcast_in_dim3A_1870 = vector.broadcast %jit3A_1869 : i32 to vector<16xi32>
      %select_n3A_1871 = arith.select %eq3A_1868, %add3A_41, %broadcast_in_dim3A_1870 : vector<16xi1>, vector<16xi32>
      %min3A_1872 = arith.minsi %min3A_1866, %select_n3A_1871 : vector<16xi32>
      %reduce_min3A_1873 = arith.constant true
      %reduce_min3A_1874 = vector.broadcast %reduce_min3A_1873 : i1 to vector<16xi1>
      %reduce_min3A_1875 = arith.constant -2147483648 : i32
      %reduce_min3A_1876 = vector.broadcast %reduce_min3A_1875 : i32 to vector<16xi32>
      %reduce_min3A_1877 = arith.xori %min3A_1872, %reduce_min3A_1876 : vector<16xi32>
      %reduce_min3A_1878 = tpu.scan <min>, %reduce_min3A_1877 masked %reduce_min3A_1874 : vector<16xi32>, vector<16xi1> -> vector<16xi32>
      %reduce_min3A_1879 = arith.xori %reduce_min3A_1878, %reduce_min3A_1876 : vector<16xi32>
      %reduce_min3A_1880 = vector.extract %reduce_min3A_1879[15] : i32 from vector<16xi32>
      %eq3A_1881 = vector.broadcast %reduce_min3A_1880 : i32 to vector<16xi32>
      %eq3A_1882 = arith.cmpi eq, %add3A_20, %eq3A_1881 : vector<16xi32>
      %jit3A_1883 = arith.constant -1.000000e+00 : f32
      %broadcast_in_dim3A_1884 = vector.broadcast %jit3A_1883 : f32 to vector<16xf32>
      %select_n3A_1885 = arith.select %eq3A_1882, %broadcast_in_dim3A_1884, %select_n3A_1774 : vector<16xi1>, vector<16xf32>
      %eq3A_1886 = vector.broadcast %reduce_min3A_1880 : i32 to vector<16xi32>
      %eq3A_1887 = arith.cmpi eq, %add3A_23, %eq3A_1886 : vector<16xi32>
      %jit3A_1888 = arith.constant -1.000000e+00 : f32
      %broadcast_in_dim3A_1889 = vector.broadcast %jit3A_1888 : f32 to vector<16xf32>
      %select_n3A_1890 = arith.select %eq3A_1887, %broadcast_in_dim3A_1889, %select_n3A_1779 : vector<16xi1>, vector<16xf32>
      %eq3A_1891 = vector.broadcast %reduce_min3A_1880 : i32 to vector<16xi32>
      %eq3A_1892 = arith.cmpi eq, %add3A_26, %eq3A_1891 : vector<16xi32>
      %jit3A_1893 = arith.constant -1.000000e+00 : f32
      %broadcast_in_dim3A_1894 = vector.broadcast %jit3A_1893 : f32 to vector<16xf32>
      %select_n3A_1895 = arith.select %eq3A_1892, %broadcast_in_dim3A_1894, %select_n3A_1784 : vector<16xi1>, vector<16xf32>
      %eq3A_1896 = vector.broadcast %reduce_min3A_1880 : i32 to vector<16xi32>
      %eq3A_1897 = arith.cmpi eq, %add3A_29, %eq3A_1896 : vector<16xi32>
      %jit3A_1898 = arith.constant -1.000000e+00 : f32
      %broadcast_in_dim3A_1899 = vector.broadcast %jit3A_1898 : f32 to vector<16xf32>
      %select_n3A_1900 = arith.select %eq3A_1897, %broadcast_in_dim3A_1899, %select_n3A_1789 : vector<16xi1>, vector<16xf32>
      %eq3A_1901 = vector.broadcast %reduce_min3A_1880 : i32 to vector<16xi32>
      %eq3A_1902 = arith.cmpi eq, %add3A_32, %eq3A_1901 : vector<16xi32>
      %jit3A_1903 = arith.constant -1.000000e+00 : f32
      %broadcast_in_dim3A_1904 = vector.broadcast %jit3A_1903 : f32 to vector<16xf32>
      %select_n3A_1905 = arith.select %eq3A_1902, %broadcast_in_dim3A_1904, %select_n3A_1794 : vector<16xi1>, vector<16xf32>
      %eq3A_1906 = vector.broadcast %reduce_min3A_1880 : i32 to vector<16xi32>
      %eq3A_1907 = arith.cmpi eq, %add3A_35, %eq3A_1906 : vector<16xi32>
      %jit3A_1908 = arith.constant -1.000000e+00 : f32
      %broadcast_in_dim3A_1909 = vector.broadcast %jit3A_1908 : f32 to vector<16xf32>
      %select_n3A_1910 = arith.select %eq3A_1907, %broadcast_in_dim3A_1909, %select_n3A_1799 : vector<16xi1>, vector<16xf32>
      %eq3A_1911 = vector.broadcast %reduce_min3A_1880 : i32 to vector<16xi32>
      %eq3A_1912 = arith.cmpi eq, %add3A_38, %eq3A_1911 : vector<16xi32>
      %jit3A_1913 = arith.constant -1.000000e+00 : f32
      %broadcast_in_dim3A_1914 = vector.broadcast %jit3A_1913 : f32 to vector<16xf32>
      %select_n3A_1915 = arith.select %eq3A_1912, %broadcast_in_dim3A_1914, %select_n3A_1804 : vector<16xi1>, vector<16xf32>
      %eq3A_1916 = vector.broadcast %reduce_min3A_1880 : i32 to vector<16xi32>
      %eq3A_1917 = arith.cmpi eq, %add3A_41, %eq3A_1916 : vector<16xi32>
      %jit3A_1918 = arith.constant -1.000000e+00 : f32
      %broadcast_in_dim3A_1919 = vector.broadcast %jit3A_1918 : f32 to vector<16xf32>
      %select_n3A_1920 = arith.select %eq3A_1917, %broadcast_in_dim3A_1919, %select_n3A_1809 : vector<16xi1>, vector<16xf32>
      %eq3A_1921 = arith.constant 0 : i32
      %eq3A_1922 = vector.broadcast %eq3A_1921 : i32 to vector<16xi32>
      %eq3A_1923 = arith.cmpi eq, %iota3A, %eq3A_1922 : vector<16xi32>
      %broadcast_in_dim3A_1924 = vector.broadcast %reduce_max3A_1825 : f32 to vector<16xf32>
      %select_n3A_1925 = arith.select %eq3A_1923, %broadcast_in_dim3A_1924, %broadcast_in_dim3A_44 : vector<16xi1>, vector<16xf32>
      %max3A_1926 = arith.maximumf %select_n3A_1885, %select_n3A_1890 : vector<16xf32>
      %max3A_1927 = arith.maximumf %max3A_1926, %select_n3A_1895 : vector<16xf32>
      %max3A_1928 = arith.maximumf %max3A_1927, %select_n3A_1900 : vector<16xf32>
      %max3A_1929 = arith.maximumf %max3A_1928, %select_n3A_1905 : vector<16xf32>
      %max3A_1930 = arith.maximumf %max3A_1929, %select_n3A_1910 : vector<16xf32>
      %max3A_1931 = arith.maximumf %max3A_1930, %select_n3A_1915 : vector<16xf32>
      %max3A_1932 = arith.maximumf %max3A_1931, %select_n3A_1920 : vector<16xf32>
      %reduce_max3A_1933 = arith.constant true
      %reduce_max3A_1934 = vector.broadcast %reduce_max3A_1933 : i1 to vector<16xi1>
      %reduce_max3A_1935 = tpu.scan <max>, %max3A_1932 masked %reduce_max3A_1934 : vector<16xf32>, vector<16xi1> -> vector<16xf32>
      %reduce_max3A_1936 = vector.extract %reduce_max3A_1935[15] : f32 from vector<16xf32>
      %eq3A_1937 = vector.broadcast %reduce_max3A_1936 : f32 to vector<16xf32>
      %eq3A_1938 = arith.cmpf oeq, %select_n3A_1885, %eq3A_1937 : vector<16xf32>
      %jit3A_1939 = arith.constant 1073741824 : i32
      %broadcast_in_dim3A_1940 = vector.broadcast %jit3A_1939 : i32 to vector<16xi32>
      %select_n3A_1941 = arith.select %eq3A_1938, %add3A_20, %broadcast_in_dim3A_1940 : vector<16xi1>, vector<16xi32>
      %eq3A_1942 = vector.broadcast %reduce_max3A_1936 : f32 to vector<16xf32>
      %eq3A_1943 = arith.cmpf oeq, %select_n3A_1890, %eq3A_1942 : vector<16xf32>
      %jit3A_1944 = arith.constant 1073741824 : i32
      %broadcast_in_dim3A_1945 = vector.broadcast %jit3A_1944 : i32 to vector<16xi32>
      %select_n3A_1946 = arith.select %eq3A_1943, %add3A_23, %broadcast_in_dim3A_1945 : vector<16xi1>, vector<16xi32>
      %min3A_1947 = arith.minsi %select_n3A_1941, %select_n3A_1946 : vector<16xi32>
      %eq3A_1948 = vector.broadcast %reduce_max3A_1936 : f32 to vector<16xf32>
      %eq3A_1949 = arith.cmpf oeq, %select_n3A_1895, %eq3A_1948 : vector<16xf32>
      %jit3A_1950 = arith.constant 1073741824 : i32
      %broadcast_in_dim3A_1951 = vector.broadcast %jit3A_1950 : i32 to vector<16xi32>
      %select_n3A_1952 = arith.select %eq3A_1949, %add3A_26, %broadcast_in_dim3A_1951 : vector<16xi1>, vector<16xi32>
      %min3A_1953 = arith.minsi %min3A_1947, %select_n3A_1952 : vector<16xi32>
      %eq3A_1954 = vector.broadcast %reduce_max3A_1936 : f32 to vector<16xf32>
      %eq3A_1955 = arith.cmpf oeq, %select_n3A_1900, %eq3A_1954 : vector<16xf32>
      %jit3A_1956 = arith.constant 1073741824 : i32
      %broadcast_in_dim3A_1957 = vector.broadcast %jit3A_1956 : i32 to vector<16xi32>
      %select_n3A_1958 = arith.select %eq3A_1955, %add3A_29, %broadcast_in_dim3A_1957 : vector<16xi1>, vector<16xi32>
      %min3A_1959 = arith.minsi %min3A_1953, %select_n3A_1958 : vector<16xi32>
      %eq3A_1960 = vector.broadcast %reduce_max3A_1936 : f32 to vector<16xf32>
      %eq3A_1961 = arith.cmpf oeq, %select_n3A_1905, %eq3A_1960 : vector<16xf32>
      %jit3A_1962 = arith.constant 1073741824 : i32
      %broadcast_in_dim3A_1963 = vector.broadcast %jit3A_1962 : i32 to vector<16xi32>
      %select_n3A_1964 = arith.select %eq3A_1961, %add3A_32, %broadcast_in_dim3A_1963 : vector<16xi1>, vector<16xi32>
      %min3A_1965 = arith.minsi %min3A_1959, %select_n3A_1964 : vector<16xi32>
      %eq3A_1966 = vector.broadcast %reduce_max3A_1936 : f32 to vector<16xf32>
      %eq3A_1967 = arith.cmpf oeq, %select_n3A_1910, %eq3A_1966 : vector<16xf32>
      %jit3A_1968 = arith.constant 1073741824 : i32
      %broadcast_in_dim3A_1969 = vector.broadcast %jit3A_1968 : i32 to vector<16xi32>
      %select_n3A_1970 = arith.select %eq3A_1967, %add3A_35, %broadcast_in_dim3A_1969 : vector<16xi1>, vector<16xi32>
      %min3A_1971 = arith.minsi %min3A_1965, %select_n3A_1970 : vector<16xi32>
      %eq3A_1972 = vector.broadcast %reduce_max3A_1936 : f32 to vector<16xf32>
      %eq3A_1973 = arith.cmpf oeq, %select_n3A_1915, %eq3A_1972 : vector<16xf32>
      %jit3A_1974 = arith.constant 1073741824 : i32
      %broadcast_in_dim3A_1975 = vector.broadcast %jit3A_1974 : i32 to vector<16xi32>
      %select_n3A_1976 = arith.select %eq3A_1973, %add3A_38, %broadcast_in_dim3A_1975 : vector<16xi1>, vector<16xi32>
      %min3A_1977 = arith.minsi %min3A_1971, %select_n3A_1976 : vector<16xi32>
      %eq3A_1978 = vector.broadcast %reduce_max3A_1936 : f32 to vector<16xf32>
      %eq3A_1979 = arith.cmpf oeq, %select_n3A_1920, %eq3A_1978 : vector<16xf32>
      %jit3A_1980 = arith.constant 1073741824 : i32
      %broadcast_in_dim3A_1981 = vector.broadcast %jit3A_1980 : i32 to vector<16xi32>
      %select_n3A_1982 = arith.select %eq3A_1979, %add3A_41, %broadcast_in_dim3A_1981 : vector<16xi1>, vector<16xi32>
      %min3A_1983 = arith.minsi %min3A_1977, %select_n3A_1982 : vector<16xi32>
      %reduce_min3A_1984 = arith.constant true
      %reduce_min3A_1985 = vector.broadcast %reduce_min3A_1984 : i1 to vector<16xi1>
      %reduce_min3A_1986 = arith.constant -2147483648 : i32
      %reduce_min3A_1987 = vector.broadcast %reduce_min3A_1986 : i32 to vector<16xi32>
      %reduce_min3A_1988 = arith.xori %min3A_1983, %reduce_min3A_1987 : vector<16xi32>
      %reduce_min3A_1989 = tpu.scan <min>, %reduce_min3A_1988 masked %reduce_min3A_1985 : vector<16xi32>, vector<16xi1> -> vector<16xi32>
      %reduce_min3A_1990 = arith.xori %reduce_min3A_1989, %reduce_min3A_1987 : vector<16xi32>
      %reduce_min3A_1991 = vector.extract %reduce_min3A_1990[15] : i32 from vector<16xi32>
      %eq3A_1992 = vector.broadcast %reduce_min3A_1991 : i32 to vector<16xi32>
      %eq3A_1993 = arith.cmpi eq, %add3A_20, %eq3A_1992 : vector<16xi32>
      %jit3A_1994 = arith.constant -1.000000e+00 : f32
      %broadcast_in_dim3A_1995 = vector.broadcast %jit3A_1994 : f32 to vector<16xf32>
      %select_n3A_1996 = arith.select %eq3A_1993, %broadcast_in_dim3A_1995, %select_n3A_1885 : vector<16xi1>, vector<16xf32>
      %eq3A_1997 = vector.broadcast %reduce_min3A_1991 : i32 to vector<16xi32>
      %eq3A_1998 = arith.cmpi eq, %add3A_23, %eq3A_1997 : vector<16xi32>
      %jit3A_1999 = arith.constant -1.000000e+00 : f32
      %broadcast_in_dim3A_2000 = vector.broadcast %jit3A_1999 : f32 to vector<16xf32>
      %select_n3A_2001 = arith.select %eq3A_1998, %broadcast_in_dim3A_2000, %select_n3A_1890 : vector<16xi1>, vector<16xf32>
      %eq3A_2002 = vector.broadcast %reduce_min3A_1991 : i32 to vector<16xi32>
      %eq3A_2003 = arith.cmpi eq, %add3A_26, %eq3A_2002 : vector<16xi32>
      %jit3A_2004 = arith.constant -1.000000e+00 : f32
      %broadcast_in_dim3A_2005 = vector.broadcast %jit3A_2004 : f32 to vector<16xf32>
      %select_n3A_2006 = arith.select %eq3A_2003, %broadcast_in_dim3A_2005, %select_n3A_1895 : vector<16xi1>, vector<16xf32>
      %eq3A_2007 = vector.broadcast %reduce_min3A_1991 : i32 to vector<16xi32>
      %eq3A_2008 = arith.cmpi eq, %add3A_29, %eq3A_2007 : vector<16xi32>
      %jit3A_2009 = arith.constant -1.000000e+00 : f32
      %broadcast_in_dim3A_2010 = vector.broadcast %jit3A_2009 : f32 to vector<16xf32>
      %select_n3A_2011 = arith.select %eq3A_2008, %broadcast_in_dim3A_2010, %select_n3A_1900 : vector<16xi1>, vector<16xf32>
      %eq3A_2012 = vector.broadcast %reduce_min3A_1991 : i32 to vector<16xi32>
      %eq3A_2013 = arith.cmpi eq, %add3A_32, %eq3A_2012 : vector<16xi32>
      %jit3A_2014 = arith.constant -1.000000e+00 : f32
      %broadcast_in_dim3A_2015 = vector.broadcast %jit3A_2014 : f32 to vector<16xf32>
      %select_n3A_2016 = arith.select %eq3A_2013, %broadcast_in_dim3A_2015, %select_n3A_1905 : vector<16xi1>, vector<16xf32>
      %eq3A_2017 = vector.broadcast %reduce_min3A_1991 : i32 to vector<16xi32>
      %eq3A_2018 = arith.cmpi eq, %add3A_35, %eq3A_2017 : vector<16xi32>
      %jit3A_2019 = arith.constant -1.000000e+00 : f32
      %broadcast_in_dim3A_2020 = vector.broadcast %jit3A_2019 : f32 to vector<16xf32>
      %select_n3A_2021 = arith.select %eq3A_2018, %broadcast_in_dim3A_2020, %select_n3A_1910 : vector<16xi1>, vector<16xf32>
      %eq3A_2022 = vector.broadcast %reduce_min3A_1991 : i32 to vector<16xi32>
      %eq3A_2023 = arith.cmpi eq, %add3A_38, %eq3A_2022 : vector<16xi32>
      %jit3A_2024 = arith.constant -1.000000e+00 : f32
      %broadcast_in_dim3A_2025 = vector.broadcast %jit3A_2024 : f32 to vector<16xf32>
      %select_n3A_2026 = arith.select %eq3A_2023, %broadcast_in_dim3A_2025, %select_n3A_1915 : vector<16xi1>, vector<16xf32>
      %eq3A_2027 = vector.broadcast %reduce_min3A_1991 : i32 to vector<16xi32>
      %eq3A_2028 = arith.cmpi eq, %add3A_41, %eq3A_2027 : vector<16xi32>
      %jit3A_2029 = arith.constant -1.000000e+00 : f32
      %broadcast_in_dim3A_2030 = vector.broadcast %jit3A_2029 : f32 to vector<16xf32>
      %select_n3A_2031 = arith.select %eq3A_2028, %broadcast_in_dim3A_2030, %select_n3A_1920 : vector<16xi1>, vector<16xf32>
      %eq3A_2032 = arith.constant 1 : i32
      %eq3A_2033 = vector.broadcast %eq3A_2032 : i32 to vector<16xi32>
      %eq3A_2034 = arith.cmpi eq, %iota3A, %eq3A_2033 : vector<16xi32>
      %broadcast_in_dim3A_2035 = vector.broadcast %reduce_max3A_1936 : f32 to vector<16xf32>
      %select_n3A_2036 = arith.select %eq3A_2034, %broadcast_in_dim3A_2035, %select_n3A_1925 : vector<16xi1>, vector<16xf32>
      %max3A_2037 = arith.maximumf %select_n3A_1996, %select_n3A_2001 : vector<16xf32>
      %max3A_2038 = arith.maximumf %max3A_2037, %select_n3A_2006 : vector<16xf32>
      %max3A_2039 = arith.maximumf %max3A_2038, %select_n3A_2011 : vector<16xf32>
      %max3A_2040 = arith.maximumf %max3A_2039, %select_n3A_2016 : vector<16xf32>
      %max3A_2041 = arith.maximumf %max3A_2040, %select_n3A_2021 : vector<16xf32>
      %max3A_2042 = arith.maximumf %max3A_2041, %select_n3A_2026 : vector<16xf32>
      %max3A_2043 = arith.maximumf %max3A_2042, %select_n3A_2031 : vector<16xf32>
      %reduce_max3A_2044 = arith.constant true
      %reduce_max3A_2045 = vector.broadcast %reduce_max3A_2044 : i1 to vector<16xi1>
      %reduce_max3A_2046 = tpu.scan <max>, %max3A_2043 masked %reduce_max3A_2045 : vector<16xf32>, vector<16xi1> -> vector<16xf32>
      %reduce_max3A_2047 = vector.extract %reduce_max3A_2046[15] : f32 from vector<16xf32>
      %eq3A_2048 = vector.broadcast %reduce_max3A_2047 : f32 to vector<16xf32>
      %eq3A_2049 = arith.cmpf oeq, %select_n3A_1996, %eq3A_2048 : vector<16xf32>
      %jit3A_2050 = arith.constant 1073741824 : i32
      %broadcast_in_dim3A_2051 = vector.broadcast %jit3A_2050 : i32 to vector<16xi32>
      %select_n3A_2052 = arith.select %eq3A_2049, %add3A_20, %broadcast_in_dim3A_2051 : vector<16xi1>, vector<16xi32>
      %eq3A_2053 = vector.broadcast %reduce_max3A_2047 : f32 to vector<16xf32>
      %eq3A_2054 = arith.cmpf oeq, %select_n3A_2001, %eq3A_2053 : vector<16xf32>
      %jit3A_2055 = arith.constant 1073741824 : i32
      %broadcast_in_dim3A_2056 = vector.broadcast %jit3A_2055 : i32 to vector<16xi32>
      %select_n3A_2057 = arith.select %eq3A_2054, %add3A_23, %broadcast_in_dim3A_2056 : vector<16xi1>, vector<16xi32>
      %min3A_2058 = arith.minsi %select_n3A_2052, %select_n3A_2057 : vector<16xi32>
      %eq3A_2059 = vector.broadcast %reduce_max3A_2047 : f32 to vector<16xf32>
      %eq3A_2060 = arith.cmpf oeq, %select_n3A_2006, %eq3A_2059 : vector<16xf32>
      %jit3A_2061 = arith.constant 1073741824 : i32
      %broadcast_in_dim3A_2062 = vector.broadcast %jit3A_2061 : i32 to vector<16xi32>
      %select_n3A_2063 = arith.select %eq3A_2060, %add3A_26, %broadcast_in_dim3A_2062 : vector<16xi1>, vector<16xi32>
      %min3A_2064 = arith.minsi %min3A_2058, %select_n3A_2063 : vector<16xi32>
      %eq3A_2065 = vector.broadcast %reduce_max3A_2047 : f32 to vector<16xf32>
      %eq3A_2066 = arith.cmpf oeq, %select_n3A_2011, %eq3A_2065 : vector<16xf32>
      %jit3A_2067 = arith.constant 1073741824 : i32
      %broadcast_in_dim3A_2068 = vector.broadcast %jit3A_2067 : i32 to vector<16xi32>
      %select_n3A_2069 = arith.select %eq3A_2066, %add3A_29, %broadcast_in_dim3A_2068 : vector<16xi1>, vector<16xi32>
      %min3A_2070 = arith.minsi %min3A_2064, %select_n3A_2069 : vector<16xi32>
      %eq3A_2071 = vector.broadcast %reduce_max3A_2047 : f32 to vector<16xf32>
      %eq3A_2072 = arith.cmpf oeq, %select_n3A_2016, %eq3A_2071 : vector<16xf32>
      %jit3A_2073 = arith.constant 1073741824 : i32
      %broadcast_in_dim3A_2074 = vector.broadcast %jit3A_2073 : i32 to vector<16xi32>
      %select_n3A_2075 = arith.select %eq3A_2072, %add3A_32, %broadcast_in_dim3A_2074 : vector<16xi1>, vector<16xi32>
      %min3A_2076 = arith.minsi %min3A_2070, %select_n3A_2075 : vector<16xi32>
      %eq3A_2077 = vector.broadcast %reduce_max3A_2047 : f32 to vector<16xf32>
      %eq3A_2078 = arith.cmpf oeq, %select_n3A_2021, %eq3A_2077 : vector<16xf32>
      %jit3A_2079 = arith.constant 1073741824 : i32
      %broadcast_in_dim3A_2080 = vector.broadcast %jit3A_2079 : i32 to vector<16xi32>
      %select_n3A_2081 = arith.select %eq3A_2078, %add3A_35, %broadcast_in_dim3A_2080 : vector<16xi1>, vector<16xi32>
      %min3A_2082 = arith.minsi %min3A_2076, %select_n3A_2081 : vector<16xi32>
      %eq3A_2083 = vector.broadcast %reduce_max3A_2047 : f32 to vector<16xf32>
      %eq3A_2084 = arith.cmpf oeq, %select_n3A_2026, %eq3A_2083 : vector<16xf32>
      %jit3A_2085 = arith.constant 1073741824 : i32
      %broadcast_in_dim3A_2086 = vector.broadcast %jit3A_2085 : i32 to vector<16xi32>
      %select_n3A_2087 = arith.select %eq3A_2084, %add3A_38, %broadcast_in_dim3A_2086 : vector<16xi1>, vector<16xi32>
      %min3A_2088 = arith.minsi %min3A_2082, %select_n3A_2087 : vector<16xi32>
      %eq3A_2089 = vector.broadcast %reduce_max3A_2047 : f32 to vector<16xf32>
      %eq3A_2090 = arith.cmpf oeq, %select_n3A_2031, %eq3A_2089 : vector<16xf32>
      %jit3A_2091 = arith.constant 1073741824 : i32
      %broadcast_in_dim3A_2092 = vector.broadcast %jit3A_2091 : i32 to vector<16xi32>
      %select_n3A_2093 = arith.select %eq3A_2090, %add3A_41, %broadcast_in_dim3A_2092 : vector<16xi1>, vector<16xi32>
      %min3A_2094 = arith.minsi %min3A_2088, %select_n3A_2093 : vector<16xi32>
      %reduce_min3A_2095 = arith.constant true
      %reduce_min3A_2096 = vector.broadcast %reduce_min3A_2095 : i1 to vector<16xi1>
      %reduce_min3A_2097 = arith.constant -2147483648 : i32
      %reduce_min3A_2098 = vector.broadcast %reduce_min3A_2097 : i32 to vector<16xi32>
      %reduce_min3A_2099 = arith.xori %min3A_2094, %reduce_min3A_2098 : vector<16xi32>
      %reduce_min3A_2100 = tpu.scan <min>, %reduce_min3A_2099 masked %reduce_min3A_2096 : vector<16xi32>, vector<16xi1> -> vector<16xi32>
      %reduce_min3A_2101 = arith.xori %reduce_min3A_2100, %reduce_min3A_2098 : vector<16xi32>
      %reduce_min3A_2102 = vector.extract %reduce_min3A_2101[15] : i32 from vector<16xi32>
      %eq3A_2103 = vector.broadcast %reduce_min3A_2102 : i32 to vector<16xi32>
      %eq3A_2104 = arith.cmpi eq, %add3A_20, %eq3A_2103 : vector<16xi32>
      %jit3A_2105 = arith.constant -1.000000e+00 : f32
      %broadcast_in_dim3A_2106 = vector.broadcast %jit3A_2105 : f32 to vector<16xf32>
      %select_n3A_2107 = arith.select %eq3A_2104, %broadcast_in_dim3A_2106, %select_n3A_1996 : vector<16xi1>, vector<16xf32>
      %eq3A_2108 = vector.broadcast %reduce_min3A_2102 : i32 to vector<16xi32>
      %eq3A_2109 = arith.cmpi eq, %add3A_23, %eq3A_2108 : vector<16xi32>
      %jit3A_2110 = arith.constant -1.000000e+00 : f32
      %broadcast_in_dim3A_2111 = vector.broadcast %jit3A_2110 : f32 to vector<16xf32>
      %select_n3A_2112 = arith.select %eq3A_2109, %broadcast_in_dim3A_2111, %select_n3A_2001 : vector<16xi1>, vector<16xf32>
      %eq3A_2113 = vector.broadcast %reduce_min3A_2102 : i32 to vector<16xi32>
      %eq3A_2114 = arith.cmpi eq, %add3A_26, %eq3A_2113 : vector<16xi32>
      %jit3A_2115 = arith.constant -1.000000e+00 : f32
      %broadcast_in_dim3A_2116 = vector.broadcast %jit3A_2115 : f32 to vector<16xf32>
      %select_n3A_2117 = arith.select %eq3A_2114, %broadcast_in_dim3A_2116, %select_n3A_2006 : vector<16xi1>, vector<16xf32>
      %eq3A_2118 = vector.broadcast %reduce_min3A_2102 : i32 to vector<16xi32>
      %eq3A_2119 = arith.cmpi eq, %add3A_29, %eq3A_2118 : vector<16xi32>
      %jit3A_2120 = arith.constant -1.000000e+00 : f32
      %broadcast_in_dim3A_2121 = vector.broadcast %jit3A_2120 : f32 to vector<16xf32>
      %select_n3A_2122 = arith.select %eq3A_2119, %broadcast_in_dim3A_2121, %select_n3A_2011 : vector<16xi1>, vector<16xf32>
      %eq3A_2123 = vector.broadcast %reduce_min3A_2102 : i32 to vector<16xi32>
      %eq3A_2124 = arith.cmpi eq, %add3A_32, %eq3A_2123 : vector<16xi32>
      %jit3A_2125 = arith.constant -1.000000e+00 : f32
      %broadcast_in_dim3A_2126 = vector.broadcast %jit3A_2125 : f32 to vector<16xf32>
      %select_n3A_2127 = arith.select %eq3A_2124, %broadcast_in_dim3A_2126, %select_n3A_2016 : vector<16xi1>, vector<16xf32>
      %eq3A_2128 = vector.broadcast %reduce_min3A_2102 : i32 to vector<16xi32>
      %eq3A_2129 = arith.cmpi eq, %add3A_35, %eq3A_2128 : vector<16xi32>
      %jit3A_2130 = arith.constant -1.000000e+00 : f32
      %broadcast_in_dim3A_2131 = vector.broadcast %jit3A_2130 : f32 to vector<16xf32>
      %select_n3A_2132 = arith.select %eq3A_2129, %broadcast_in_dim3A_2131, %select_n3A_2021 : vector<16xi1>, vector<16xf32>
      %eq3A_2133 = vector.broadcast %reduce_min3A_2102 : i32 to vector<16xi32>
      %eq3A_2134 = arith.cmpi eq, %add3A_38, %eq3A_2133 : vector<16xi32>
      %jit3A_2135 = arith.constant -1.000000e+00 : f32
      %broadcast_in_dim3A_2136 = vector.broadcast %jit3A_2135 : f32 to vector<16xf32>
      %select_n3A_2137 = arith.select %eq3A_2134, %broadcast_in_dim3A_2136, %select_n3A_2026 : vector<16xi1>, vector<16xf32>
      %eq3A_2138 = vector.broadcast %reduce_min3A_2102 : i32 to vector<16xi32>
      %eq3A_2139 = arith.cmpi eq, %add3A_41, %eq3A_2138 : vector<16xi32>
      %jit3A_2140 = arith.constant -1.000000e+00 : f32
      %broadcast_in_dim3A_2141 = vector.broadcast %jit3A_2140 : f32 to vector<16xf32>
      %select_n3A_2142 = arith.select %eq3A_2139, %broadcast_in_dim3A_2141, %select_n3A_2031 : vector<16xi1>, vector<16xf32>
      %eq3A_2143 = arith.constant 2 : i32
      %eq3A_2144 = vector.broadcast %eq3A_2143 : i32 to vector<16xi32>
      %eq3A_2145 = arith.cmpi eq, %iota3A, %eq3A_2144 : vector<16xi32>
      %broadcast_in_dim3A_2146 = vector.broadcast %reduce_max3A_2047 : f32 to vector<16xf32>
      %select_n3A_2147 = arith.select %eq3A_2145, %broadcast_in_dim3A_2146, %select_n3A_2036 : vector<16xi1>, vector<16xf32>
      %max3A_2148 = arith.maximumf %select_n3A_2107, %select_n3A_2112 : vector<16xf32>
      %max3A_2149 = arith.maximumf %max3A_2148, %select_n3A_2117 : vector<16xf32>
      %max3A_2150 = arith.maximumf %max3A_2149, %select_n3A_2122 : vector<16xf32>
      %max3A_2151 = arith.maximumf %max3A_2150, %select_n3A_2127 : vector<16xf32>
      %max3A_2152 = arith.maximumf %max3A_2151, %select_n3A_2132 : vector<16xf32>
      %max3A_2153 = arith.maximumf %max3A_2152, %select_n3A_2137 : vector<16xf32>
      %max3A_2154 = arith.maximumf %max3A_2153, %select_n3A_2142 : vector<16xf32>
      %reduce_max3A_2155 = arith.constant true
      %reduce_max3A_2156 = vector.broadcast %reduce_max3A_2155 : i1 to vector<16xi1>
      %reduce_max3A_2157 = tpu.scan <max>, %max3A_2154 masked %reduce_max3A_2156 : vector<16xf32>, vector<16xi1> -> vector<16xf32>
      %reduce_max3A_2158 = vector.extract %reduce_max3A_2157[15] : f32 from vector<16xf32>
      %eq3A_2159 = vector.broadcast %reduce_max3A_2158 : f32 to vector<16xf32>
      %eq3A_2160 = arith.cmpf oeq, %select_n3A_2107, %eq3A_2159 : vector<16xf32>
      %jit3A_2161 = arith.constant 1073741824 : i32
      %broadcast_in_dim3A_2162 = vector.broadcast %jit3A_2161 : i32 to vector<16xi32>
      %select_n3A_2163 = arith.select %eq3A_2160, %add3A_20, %broadcast_in_dim3A_2162 : vector<16xi1>, vector<16xi32>
      %eq3A_2164 = vector.broadcast %reduce_max3A_2158 : f32 to vector<16xf32>
      %eq3A_2165 = arith.cmpf oeq, %select_n3A_2112, %eq3A_2164 : vector<16xf32>
      %jit3A_2166 = arith.constant 1073741824 : i32
      %broadcast_in_dim3A_2167 = vector.broadcast %jit3A_2166 : i32 to vector<16xi32>
      %select_n3A_2168 = arith.select %eq3A_2165, %add3A_23, %broadcast_in_dim3A_2167 : vector<16xi1>, vector<16xi32>
      %min3A_2169 = arith.minsi %select_n3A_2163, %select_n3A_2168 : vector<16xi32>
      %eq3A_2170 = vector.broadcast %reduce_max3A_2158 : f32 to vector<16xf32>
      %eq3A_2171 = arith.cmpf oeq, %select_n3A_2117, %eq3A_2170 : vector<16xf32>
      %jit3A_2172 = arith.constant 1073741824 : i32
      %broadcast_in_dim3A_2173 = vector.broadcast %jit3A_2172 : i32 to vector<16xi32>
      %select_n3A_2174 = arith.select %eq3A_2171, %add3A_26, %broadcast_in_dim3A_2173 : vector<16xi1>, vector<16xi32>
      %min3A_2175 = arith.minsi %min3A_2169, %select_n3A_2174 : vector<16xi32>
      %eq3A_2176 = vector.broadcast %reduce_max3A_2158 : f32 to vector<16xf32>
      %eq3A_2177 = arith.cmpf oeq, %select_n3A_2122, %eq3A_2176 : vector<16xf32>
      %jit3A_2178 = arith.constant 1073741824 : i32
      %broadcast_in_dim3A_2179 = vector.broadcast %jit3A_2178 : i32 to vector<16xi32>
      %select_n3A_2180 = arith.select %eq3A_2177, %add3A_29, %broadcast_in_dim3A_2179 : vector<16xi1>, vector<16xi32>
      %min3A_2181 = arith.minsi %min3A_2175, %select_n3A_2180 : vector<16xi32>
      %eq3A_2182 = vector.broadcast %reduce_max3A_2158 : f32 to vector<16xf32>
      %eq3A_2183 = arith.cmpf oeq, %select_n3A_2127, %eq3A_2182 : vector<16xf32>
      %jit3A_2184 = arith.constant 1073741824 : i32
      %broadcast_in_dim3A_2185 = vector.broadcast %jit3A_2184 : i32 to vector<16xi32>
      %select_n3A_2186 = arith.select %eq3A_2183, %add3A_32, %broadcast_in_dim3A_2185 : vector<16xi1>, vector<16xi32>
      %min3A_2187 = arith.minsi %min3A_2181, %select_n3A_2186 : vector<16xi32>
      %eq3A_2188 = vector.broadcast %reduce_max3A_2158 : f32 to vector<16xf32>
      %eq3A_2189 = arith.cmpf oeq, %select_n3A_2132, %eq3A_2188 : vector<16xf32>
      %jit3A_2190 = arith.constant 1073741824 : i32
      %broadcast_in_dim3A_2191 = vector.broadcast %jit3A_2190 : i32 to vector<16xi32>
      %select_n3A_2192 = arith.select %eq3A_2189, %add3A_35, %broadcast_in_dim3A_2191 : vector<16xi1>, vector<16xi32>
      %min3A_2193 = arith.minsi %min3A_2187, %select_n3A_2192 : vector<16xi32>
      %eq3A_2194 = vector.broadcast %reduce_max3A_2158 : f32 to vector<16xf32>
      %eq3A_2195 = arith.cmpf oeq, %select_n3A_2137, %eq3A_2194 : vector<16xf32>
      %jit3A_2196 = arith.constant 1073741824 : i32
      %broadcast_in_dim3A_2197 = vector.broadcast %jit3A_2196 : i32 to vector<16xi32>
      %select_n3A_2198 = arith.select %eq3A_2195, %add3A_38, %broadcast_in_dim3A_2197 : vector<16xi1>, vector<16xi32>
      %min3A_2199 = arith.minsi %min3A_2193, %select_n3A_2198 : vector<16xi32>
      %eq3A_2200 = vector.broadcast %reduce_max3A_2158 : f32 to vector<16xf32>
      %eq3A_2201 = arith.cmpf oeq, %select_n3A_2142, %eq3A_2200 : vector<16xf32>
      %jit3A_2202 = arith.constant 1073741824 : i32
      %broadcast_in_dim3A_2203 = vector.broadcast %jit3A_2202 : i32 to vector<16xi32>
      %select_n3A_2204 = arith.select %eq3A_2201, %add3A_41, %broadcast_in_dim3A_2203 : vector<16xi1>, vector<16xi32>
      %min3A_2205 = arith.minsi %min3A_2199, %select_n3A_2204 : vector<16xi32>
      %reduce_min3A_2206 = arith.constant true
      %reduce_min3A_2207 = vector.broadcast %reduce_min3A_2206 : i1 to vector<16xi1>
      %reduce_min3A_2208 = arith.constant -2147483648 : i32
      %reduce_min3A_2209 = vector.broadcast %reduce_min3A_2208 : i32 to vector<16xi32>
      %reduce_min3A_2210 = arith.xori %min3A_2205, %reduce_min3A_2209 : vector<16xi32>
      %reduce_min3A_2211 = tpu.scan <min>, %reduce_min3A_2210 masked %reduce_min3A_2207 : vector<16xi32>, vector<16xi1> -> vector<16xi32>
      %reduce_min3A_2212 = arith.xori %reduce_min3A_2211, %reduce_min3A_2209 : vector<16xi32>
      %reduce_min3A_2213 = vector.extract %reduce_min3A_2212[15] : i32 from vector<16xi32>
      %eq3A_2214 = vector.broadcast %reduce_min3A_2213 : i32 to vector<16xi32>
      %eq3A_2215 = arith.cmpi eq, %add3A_20, %eq3A_2214 : vector<16xi32>
      %jit3A_2216 = arith.constant -1.000000e+00 : f32
      %broadcast_in_dim3A_2217 = vector.broadcast %jit3A_2216 : f32 to vector<16xf32>
      %select_n3A_2218 = arith.select %eq3A_2215, %broadcast_in_dim3A_2217, %select_n3A_2107 : vector<16xi1>, vector<16xf32>
      %eq3A_2219 = vector.broadcast %reduce_min3A_2213 : i32 to vector<16xi32>
      %eq3A_2220 = arith.cmpi eq, %add3A_23, %eq3A_2219 : vector<16xi32>
      %jit3A_2221 = arith.constant -1.000000e+00 : f32
      %broadcast_in_dim3A_2222 = vector.broadcast %jit3A_2221 : f32 to vector<16xf32>
      %select_n3A_2223 = arith.select %eq3A_2220, %broadcast_in_dim3A_2222, %select_n3A_2112 : vector<16xi1>, vector<16xf32>
      %eq3A_2224 = vector.broadcast %reduce_min3A_2213 : i32 to vector<16xi32>
      %eq3A_2225 = arith.cmpi eq, %add3A_26, %eq3A_2224 : vector<16xi32>
      %jit3A_2226 = arith.constant -1.000000e+00 : f32
      %broadcast_in_dim3A_2227 = vector.broadcast %jit3A_2226 : f32 to vector<16xf32>
      %select_n3A_2228 = arith.select %eq3A_2225, %broadcast_in_dim3A_2227, %select_n3A_2117 : vector<16xi1>, vector<16xf32>
      %eq3A_2229 = vector.broadcast %reduce_min3A_2213 : i32 to vector<16xi32>
      %eq3A_2230 = arith.cmpi eq, %add3A_29, %eq3A_2229 : vector<16xi32>
      %jit3A_2231 = arith.constant -1.000000e+00 : f32
      %broadcast_in_dim3A_2232 = vector.broadcast %jit3A_2231 : f32 to vector<16xf32>
      %select_n3A_2233 = arith.select %eq3A_2230, %broadcast_in_dim3A_2232, %select_n3A_2122 : vector<16xi1>, vector<16xf32>
      %eq3A_2234 = vector.broadcast %reduce_min3A_2213 : i32 to vector<16xi32>
      %eq3A_2235 = arith.cmpi eq, %add3A_32, %eq3A_2234 : vector<16xi32>
      %jit3A_2236 = arith.constant -1.000000e+00 : f32
      %broadcast_in_dim3A_2237 = vector.broadcast %jit3A_2236 : f32 to vector<16xf32>
      %select_n3A_2238 = arith.select %eq3A_2235, %broadcast_in_dim3A_2237, %select_n3A_2127 : vector<16xi1>, vector<16xf32>
      %eq3A_2239 = vector.broadcast %reduce_min3A_2213 : i32 to vector<16xi32>
      %eq3A_2240 = arith.cmpi eq, %add3A_35, %eq3A_2239 : vector<16xi32>
      %jit3A_2241 = arith.constant -1.000000e+00 : f32
      %broadcast_in_dim3A_2242 = vector.broadcast %jit3A_2241 : f32 to vector<16xf32>
      %select_n3A_2243 = arith.select %eq3A_2240, %broadcast_in_dim3A_2242, %select_n3A_2132 : vector<16xi1>, vector<16xf32>
      %eq3A_2244 = vector.broadcast %reduce_min3A_2213 : i32 to vector<16xi32>
      %eq3A_2245 = arith.cmpi eq, %add3A_38, %eq3A_2244 : vector<16xi32>
      %jit3A_2246 = arith.constant -1.000000e+00 : f32
      %broadcast_in_dim3A_2247 = vector.broadcast %jit3A_2246 : f32 to vector<16xf32>
      %select_n3A_2248 = arith.select %eq3A_2245, %broadcast_in_dim3A_2247, %select_n3A_2137 : vector<16xi1>, vector<16xf32>
      %eq3A_2249 = vector.broadcast %reduce_min3A_2213 : i32 to vector<16xi32>
      %eq3A_2250 = arith.cmpi eq, %add3A_41, %eq3A_2249 : vector<16xi32>
      %jit3A_2251 = arith.constant -1.000000e+00 : f32
      %broadcast_in_dim3A_2252 = vector.broadcast %jit3A_2251 : f32 to vector<16xf32>
      %select_n3A_2253 = arith.select %eq3A_2250, %broadcast_in_dim3A_2252, %select_n3A_2142 : vector<16xi1>, vector<16xf32>
      %eq3A_2254 = arith.constant 3 : i32
      %eq3A_2255 = vector.broadcast %eq3A_2254 : i32 to vector<16xi32>
      %eq3A_2256 = arith.cmpi eq, %iota3A, %eq3A_2255 : vector<16xi32>
      %broadcast_in_dim3A_2257 = vector.broadcast %reduce_max3A_2158 : f32 to vector<16xf32>
      %select_n3A_2258 = arith.select %eq3A_2256, %broadcast_in_dim3A_2257, %select_n3A_2147 : vector<16xi1>, vector<16xf32>
      %max3A_2259 = arith.maximumf %select_n3A_2218, %select_n3A_2223 : vector<16xf32>
      %max3A_2260 = arith.maximumf %max3A_2259, %select_n3A_2228 : vector<16xf32>
      %max3A_2261 = arith.maximumf %max3A_2260, %select_n3A_2233 : vector<16xf32>
      %max3A_2262 = arith.maximumf %max3A_2261, %select_n3A_2238 : vector<16xf32>
      %max3A_2263 = arith.maximumf %max3A_2262, %select_n3A_2243 : vector<16xf32>
      %max3A_2264 = arith.maximumf %max3A_2263, %select_n3A_2248 : vector<16xf32>
      %max3A_2265 = arith.maximumf %max3A_2264, %select_n3A_2253 : vector<16xf32>
      %reduce_max3A_2266 = arith.constant true
      %reduce_max3A_2267 = vector.broadcast %reduce_max3A_2266 : i1 to vector<16xi1>
      %reduce_max3A_2268 = tpu.scan <max>, %max3A_2265 masked %reduce_max3A_2267 : vector<16xf32>, vector<16xi1> -> vector<16xf32>
      %reduce_max3A_2269 = vector.extract %reduce_max3A_2268[15] : f32 from vector<16xf32>
      %eq3A_2270 = vector.broadcast %reduce_max3A_2269 : f32 to vector<16xf32>
      %eq3A_2271 = arith.cmpf oeq, %select_n3A_2218, %eq3A_2270 : vector<16xf32>
      %jit3A_2272 = arith.constant 1073741824 : i32
      %broadcast_in_dim3A_2273 = vector.broadcast %jit3A_2272 : i32 to vector<16xi32>
      %select_n3A_2274 = arith.select %eq3A_2271, %add3A_20, %broadcast_in_dim3A_2273 : vector<16xi1>, vector<16xi32>
      %eq3A_2275 = vector.broadcast %reduce_max3A_2269 : f32 to vector<16xf32>
      %eq3A_2276 = arith.cmpf oeq, %select_n3A_2223, %eq3A_2275 : vector<16xf32>
      %jit3A_2277 = arith.constant 1073741824 : i32
      %broadcast_in_dim3A_2278 = vector.broadcast %jit3A_2277 : i32 to vector<16xi32>
      %select_n3A_2279 = arith.select %eq3A_2276, %add3A_23, %broadcast_in_dim3A_2278 : vector<16xi1>, vector<16xi32>
      %min3A_2280 = arith.minsi %select_n3A_2274, %select_n3A_2279 : vector<16xi32>
      %eq3A_2281 = vector.broadcast %reduce_max3A_2269 : f32 to vector<16xf32>
      %eq3A_2282 = arith.cmpf oeq, %select_n3A_2228, %eq3A_2281 : vector<16xf32>
      %jit3A_2283 = arith.constant 1073741824 : i32
      %broadcast_in_dim3A_2284 = vector.broadcast %jit3A_2283 : i32 to vector<16xi32>
      %select_n3A_2285 = arith.select %eq3A_2282, %add3A_26, %broadcast_in_dim3A_2284 : vector<16xi1>, vector<16xi32>
      %min3A_2286 = arith.minsi %min3A_2280, %select_n3A_2285 : vector<16xi32>
      %eq3A_2287 = vector.broadcast %reduce_max3A_2269 : f32 to vector<16xf32>
      %eq3A_2288 = arith.cmpf oeq, %select_n3A_2233, %eq3A_2287 : vector<16xf32>
      %jit3A_2289 = arith.constant 1073741824 : i32
      %broadcast_in_dim3A_2290 = vector.broadcast %jit3A_2289 : i32 to vector<16xi32>
      %select_n3A_2291 = arith.select %eq3A_2288, %add3A_29, %broadcast_in_dim3A_2290 : vector<16xi1>, vector<16xi32>
      %min3A_2292 = arith.minsi %min3A_2286, %select_n3A_2291 : vector<16xi32>
      %eq3A_2293 = vector.broadcast %reduce_max3A_2269 : f32 to vector<16xf32>
      %eq3A_2294 = arith.cmpf oeq, %select_n3A_2238, %eq3A_2293 : vector<16xf32>
      %jit3A_2295 = arith.constant 1073741824 : i32
      %broadcast_in_dim3A_2296 = vector.broadcast %jit3A_2295 : i32 to vector<16xi32>
      %select_n3A_2297 = arith.select %eq3A_2294, %add3A_32, %broadcast_in_dim3A_2296 : vector<16xi1>, vector<16xi32>
      %min3A_2298 = arith.minsi %min3A_2292, %select_n3A_2297 : vector<16xi32>
      %eq3A_2299 = vector.broadcast %reduce_max3A_2269 : f32 to vector<16xf32>
      %eq3A_2300 = arith.cmpf oeq, %select_n3A_2243, %eq3A_2299 : vector<16xf32>
      %jit3A_2301 = arith.constant 1073741824 : i32
      %broadcast_in_dim3A_2302 = vector.broadcast %jit3A_2301 : i32 to vector<16xi32>
      %select_n3A_2303 = arith.select %eq3A_2300, %add3A_35, %broadcast_in_dim3A_2302 : vector<16xi1>, vector<16xi32>
      %min3A_2304 = arith.minsi %min3A_2298, %select_n3A_2303 : vector<16xi32>
      %eq3A_2305 = vector.broadcast %reduce_max3A_2269 : f32 to vector<16xf32>
      %eq3A_2306 = arith.cmpf oeq, %select_n3A_2248, %eq3A_2305 : vector<16xf32>
      %jit3A_2307 = arith.constant 1073741824 : i32
      %broadcast_in_dim3A_2308 = vector.broadcast %jit3A_2307 : i32 to vector<16xi32>
      %select_n3A_2309 = arith.select %eq3A_2306, %add3A_38, %broadcast_in_dim3A_2308 : vector<16xi1>, vector<16xi32>
      %min3A_2310 = arith.minsi %min3A_2304, %select_n3A_2309 : vector<16xi32>
      %eq3A_2311 = vector.broadcast %reduce_max3A_2269 : f32 to vector<16xf32>
      %eq3A_2312 = arith.cmpf oeq, %select_n3A_2253, %eq3A_2311 : vector<16xf32>
      %jit3A_2313 = arith.constant 1073741824 : i32
      %broadcast_in_dim3A_2314 = vector.broadcast %jit3A_2313 : i32 to vector<16xi32>
      %select_n3A_2315 = arith.select %eq3A_2312, %add3A_41, %broadcast_in_dim3A_2314 : vector<16xi1>, vector<16xi32>
      %min3A_2316 = arith.minsi %min3A_2310, %select_n3A_2315 : vector<16xi32>
      %reduce_min3A_2317 = arith.constant true
      %reduce_min3A_2318 = vector.broadcast %reduce_min3A_2317 : i1 to vector<16xi1>
      %reduce_min3A_2319 = arith.constant -2147483648 : i32
      %reduce_min3A_2320 = vector.broadcast %reduce_min3A_2319 : i32 to vector<16xi32>
      %reduce_min3A_2321 = arith.xori %min3A_2316, %reduce_min3A_2320 : vector<16xi32>
      %reduce_min3A_2322 = tpu.scan <min>, %reduce_min3A_2321 masked %reduce_min3A_2318 : vector<16xi32>, vector<16xi1> -> vector<16xi32>
      %reduce_min3A_2323 = arith.xori %reduce_min3A_2322, %reduce_min3A_2320 : vector<16xi32>
      %reduce_min3A_2324 = vector.extract %reduce_min3A_2323[15] : i32 from vector<16xi32>
      %eq3A_2325 = vector.broadcast %reduce_min3A_2324 : i32 to vector<16xi32>
      %eq3A_2326 = arith.cmpi eq, %add3A_20, %eq3A_2325 : vector<16xi32>
      %jit3A_2327 = arith.constant -1.000000e+00 : f32
      %broadcast_in_dim3A_2328 = vector.broadcast %jit3A_2327 : f32 to vector<16xf32>
      %select_n3A_2329 = arith.select %eq3A_2326, %broadcast_in_dim3A_2328, %select_n3A_2218 : vector<16xi1>, vector<16xf32>
      %eq3A_2330 = vector.broadcast %reduce_min3A_2324 : i32 to vector<16xi32>
      %eq3A_2331 = arith.cmpi eq, %add3A_23, %eq3A_2330 : vector<16xi32>
      %jit3A_2332 = arith.constant -1.000000e+00 : f32
      %broadcast_in_dim3A_2333 = vector.broadcast %jit3A_2332 : f32 to vector<16xf32>
      %select_n3A_2334 = arith.select %eq3A_2331, %broadcast_in_dim3A_2333, %select_n3A_2223 : vector<16xi1>, vector<16xf32>
      %eq3A_2335 = vector.broadcast %reduce_min3A_2324 : i32 to vector<16xi32>
      %eq3A_2336 = arith.cmpi eq, %add3A_26, %eq3A_2335 : vector<16xi32>
      %jit3A_2337 = arith.constant -1.000000e+00 : f32
      %broadcast_in_dim3A_2338 = vector.broadcast %jit3A_2337 : f32 to vector<16xf32>
      %select_n3A_2339 = arith.select %eq3A_2336, %broadcast_in_dim3A_2338, %select_n3A_2228 : vector<16xi1>, vector<16xf32>
      %eq3A_2340 = vector.broadcast %reduce_min3A_2324 : i32 to vector<16xi32>
      %eq3A_2341 = arith.cmpi eq, %add3A_29, %eq3A_2340 : vector<16xi32>
      %jit3A_2342 = arith.constant -1.000000e+00 : f32
      %broadcast_in_dim3A_2343 = vector.broadcast %jit3A_2342 : f32 to vector<16xf32>
      %select_n3A_2344 = arith.select %eq3A_2341, %broadcast_in_dim3A_2343, %select_n3A_2233 : vector<16xi1>, vector<16xf32>
      %eq3A_2345 = vector.broadcast %reduce_min3A_2324 : i32 to vector<16xi32>
      %eq3A_2346 = arith.cmpi eq, %add3A_32, %eq3A_2345 : vector<16xi32>
      %jit3A_2347 = arith.constant -1.000000e+00 : f32
      %broadcast_in_dim3A_2348 = vector.broadcast %jit3A_2347 : f32 to vector<16xf32>
      %select_n3A_2349 = arith.select %eq3A_2346, %broadcast_in_dim3A_2348, %select_n3A_2238 : vector<16xi1>, vector<16xf32>
      %eq3A_2350 = vector.broadcast %reduce_min3A_2324 : i32 to vector<16xi32>
      %eq3A_2351 = arith.cmpi eq, %add3A_35, %eq3A_2350 : vector<16xi32>
      %jit3A_2352 = arith.constant -1.000000e+00 : f32
      %broadcast_in_dim3A_2353 = vector.broadcast %jit3A_2352 : f32 to vector<16xf32>
      %select_n3A_2354 = arith.select %eq3A_2351, %broadcast_in_dim3A_2353, %select_n3A_2243 : vector<16xi1>, vector<16xf32>
      %eq3A_2355 = vector.broadcast %reduce_min3A_2324 : i32 to vector<16xi32>
      %eq3A_2356 = arith.cmpi eq, %add3A_38, %eq3A_2355 : vector<16xi32>
      %jit3A_2357 = arith.constant -1.000000e+00 : f32
      %broadcast_in_dim3A_2358 = vector.broadcast %jit3A_2357 : f32 to vector<16xf32>
      %select_n3A_2359 = arith.select %eq3A_2356, %broadcast_in_dim3A_2358, %select_n3A_2248 : vector<16xi1>, vector<16xf32>
      %eq3A_2360 = vector.broadcast %reduce_min3A_2324 : i32 to vector<16xi32>
      %eq3A_2361 = arith.cmpi eq, %add3A_41, %eq3A_2360 : vector<16xi32>
      %jit3A_2362 = arith.constant -1.000000e+00 : f32
      %broadcast_in_dim3A_2363 = vector.broadcast %jit3A_2362 : f32 to vector<16xf32>
      %select_n3A_2364 = arith.select %eq3A_2361, %broadcast_in_dim3A_2363, %select_n3A_2253 : vector<16xi1>, vector<16xf32>
      %eq3A_2365 = arith.constant 4 : i32
      %eq3A_2366 = vector.broadcast %eq3A_2365 : i32 to vector<16xi32>
      %eq3A_2367 = arith.cmpi eq, %iota3A, %eq3A_2366 : vector<16xi32>
      %broadcast_in_dim3A_2368 = vector.broadcast %reduce_max3A_2269 : f32 to vector<16xf32>
      %select_n3A_2369 = arith.select %eq3A_2367, %broadcast_in_dim3A_2368, %select_n3A_2258 : vector<16xi1>, vector<16xf32>
      %max3A_2370 = arith.maximumf %select_n3A_2329, %select_n3A_2334 : vector<16xf32>
      %max3A_2371 = arith.maximumf %max3A_2370, %select_n3A_2339 : vector<16xf32>
      %max3A_2372 = arith.maximumf %max3A_2371, %select_n3A_2344 : vector<16xf32>
      %max3A_2373 = arith.maximumf %max3A_2372, %select_n3A_2349 : vector<16xf32>
      %max3A_2374 = arith.maximumf %max3A_2373, %select_n3A_2354 : vector<16xf32>
      %max3A_2375 = arith.maximumf %max3A_2374, %select_n3A_2359 : vector<16xf32>
      %max3A_2376 = arith.maximumf %max3A_2375, %select_n3A_2364 : vector<16xf32>
      %reduce_max3A_2377 = arith.constant true
      %reduce_max3A_2378 = vector.broadcast %reduce_max3A_2377 : i1 to vector<16xi1>
      %reduce_max3A_2379 = tpu.scan <max>, %max3A_2376 masked %reduce_max3A_2378 : vector<16xf32>, vector<16xi1> -> vector<16xf32>
      %reduce_max3A_2380 = vector.extract %reduce_max3A_2379[15] : f32 from vector<16xf32>
      %eq3A_2381 = vector.broadcast %reduce_max3A_2380 : f32 to vector<16xf32>
      %eq3A_2382 = arith.cmpf oeq, %select_n3A_2329, %eq3A_2381 : vector<16xf32>
      %jit3A_2383 = arith.constant 1073741824 : i32
      %broadcast_in_dim3A_2384 = vector.broadcast %jit3A_2383 : i32 to vector<16xi32>
      %select_n3A_2385 = arith.select %eq3A_2382, %add3A_20, %broadcast_in_dim3A_2384 : vector<16xi1>, vector<16xi32>
      %eq3A_2386 = vector.broadcast %reduce_max3A_2380 : f32 to vector<16xf32>
      %eq3A_2387 = arith.cmpf oeq, %select_n3A_2334, %eq3A_2386 : vector<16xf32>
      %jit3A_2388 = arith.constant 1073741824 : i32
      %broadcast_in_dim3A_2389 = vector.broadcast %jit3A_2388 : i32 to vector<16xi32>
      %select_n3A_2390 = arith.select %eq3A_2387, %add3A_23, %broadcast_in_dim3A_2389 : vector<16xi1>, vector<16xi32>
      %min3A_2391 = arith.minsi %select_n3A_2385, %select_n3A_2390 : vector<16xi32>
      %eq3A_2392 = vector.broadcast %reduce_max3A_2380 : f32 to vector<16xf32>
      %eq3A_2393 = arith.cmpf oeq, %select_n3A_2339, %eq3A_2392 : vector<16xf32>
      %jit3A_2394 = arith.constant 1073741824 : i32
      %broadcast_in_dim3A_2395 = vector.broadcast %jit3A_2394 : i32 to vector<16xi32>
      %select_n3A_2396 = arith.select %eq3A_2393, %add3A_26, %broadcast_in_dim3A_2395 : vector<16xi1>, vector<16xi32>
      %min3A_2397 = arith.minsi %min3A_2391, %select_n3A_2396 : vector<16xi32>
      %eq3A_2398 = vector.broadcast %reduce_max3A_2380 : f32 to vector<16xf32>
      %eq3A_2399 = arith.cmpf oeq, %select_n3A_2344, %eq3A_2398 : vector<16xf32>
      %jit3A_2400 = arith.constant 1073741824 : i32
      %broadcast_in_dim3A_2401 = vector.broadcast %jit3A_2400 : i32 to vector<16xi32>
      %select_n3A_2402 = arith.select %eq3A_2399, %add3A_29, %broadcast_in_dim3A_2401 : vector<16xi1>, vector<16xi32>
      %min3A_2403 = arith.minsi %min3A_2397, %select_n3A_2402 : vector<16xi32>
      %eq3A_2404 = vector.broadcast %reduce_max3A_2380 : f32 to vector<16xf32>
      %eq3A_2405 = arith.cmpf oeq, %select_n3A_2349, %eq3A_2404 : vector<16xf32>
      %jit3A_2406 = arith.constant 1073741824 : i32
      %broadcast_in_dim3A_2407 = vector.broadcast %jit3A_2406 : i32 to vector<16xi32>
      %select_n3A_2408 = arith.select %eq3A_2405, %add3A_32, %broadcast_in_dim3A_2407 : vector<16xi1>, vector<16xi32>
      %min3A_2409 = arith.minsi %min3A_2403, %select_n3A_2408 : vector<16xi32>
      %eq3A_2410 = vector.broadcast %reduce_max3A_2380 : f32 to vector<16xf32>
      %eq3A_2411 = arith.cmpf oeq, %select_n3A_2354, %eq3A_2410 : vector<16xf32>
      %jit3A_2412 = arith.constant 1073741824 : i32
      %broadcast_in_dim3A_2413 = vector.broadcast %jit3A_2412 : i32 to vector<16xi32>
      %select_n3A_2414 = arith.select %eq3A_2411, %add3A_35, %broadcast_in_dim3A_2413 : vector<16xi1>, vector<16xi32>
      %min3A_2415 = arith.minsi %min3A_2409, %select_n3A_2414 : vector<16xi32>
      %eq3A_2416 = vector.broadcast %reduce_max3A_2380 : f32 to vector<16xf32>
      %eq3A_2417 = arith.cmpf oeq, %select_n3A_2359, %eq3A_2416 : vector<16xf32>
      %jit3A_2418 = arith.constant 1073741824 : i32
      %broadcast_in_dim3A_2419 = vector.broadcast %jit3A_2418 : i32 to vector<16xi32>
      %select_n3A_2420 = arith.select %eq3A_2417, %add3A_38, %broadcast_in_dim3A_2419 : vector<16xi1>, vector<16xi32>
      %min3A_2421 = arith.minsi %min3A_2415, %select_n3A_2420 : vector<16xi32>
      %eq3A_2422 = vector.broadcast %reduce_max3A_2380 : f32 to vector<16xf32>
      %eq3A_2423 = arith.cmpf oeq, %select_n3A_2364, %eq3A_2422 : vector<16xf32>
      %jit3A_2424 = arith.constant 1073741824 : i32
      %broadcast_in_dim3A_2425 = vector.broadcast %jit3A_2424 : i32 to vector<16xi32>
      %select_n3A_2426 = arith.select %eq3A_2423, %add3A_41, %broadcast_in_dim3A_2425 : vector<16xi1>, vector<16xi32>
      %min3A_2427 = arith.minsi %min3A_2421, %select_n3A_2426 : vector<16xi32>
      %reduce_min3A_2428 = arith.constant true
      %reduce_min3A_2429 = vector.broadcast %reduce_min3A_2428 : i1 to vector<16xi1>
      %reduce_min3A_2430 = arith.constant -2147483648 : i32
      %reduce_min3A_2431 = vector.broadcast %reduce_min3A_2430 : i32 to vector<16xi32>
      %reduce_min3A_2432 = arith.xori %min3A_2427, %reduce_min3A_2431 : vector<16xi32>
      %reduce_min3A_2433 = tpu.scan <min>, %reduce_min3A_2432 masked %reduce_min3A_2429 : vector<16xi32>, vector<16xi1> -> vector<16xi32>
      %reduce_min3A_2434 = arith.xori %reduce_min3A_2433, %reduce_min3A_2431 : vector<16xi32>
      %reduce_min3A_2435 = vector.extract %reduce_min3A_2434[15] : i32 from vector<16xi32>
      %eq3A_2436 = vector.broadcast %reduce_min3A_2435 : i32 to vector<16xi32>
      %eq3A_2437 = arith.cmpi eq, %add3A_20, %eq3A_2436 : vector<16xi32>
      %jit3A_2438 = arith.constant -1.000000e+00 : f32
      %broadcast_in_dim3A_2439 = vector.broadcast %jit3A_2438 : f32 to vector<16xf32>
      %select_n3A_2440 = arith.select %eq3A_2437, %broadcast_in_dim3A_2439, %select_n3A_2329 : vector<16xi1>, vector<16xf32>
      %eq3A_2441 = vector.broadcast %reduce_min3A_2435 : i32 to vector<16xi32>
      %eq3A_2442 = arith.cmpi eq, %add3A_23, %eq3A_2441 : vector<16xi32>
      %jit3A_2443 = arith.constant -1.000000e+00 : f32
      %broadcast_in_dim3A_2444 = vector.broadcast %jit3A_2443 : f32 to vector<16xf32>
      %select_n3A_2445 = arith.select %eq3A_2442, %broadcast_in_dim3A_2444, %select_n3A_2334 : vector<16xi1>, vector<16xf32>
      %eq3A_2446 = vector.broadcast %reduce_min3A_2435 : i32 to vector<16xi32>
      %eq3A_2447 = arith.cmpi eq, %add3A_26, %eq3A_2446 : vector<16xi32>
      %jit3A_2448 = arith.constant -1.000000e+00 : f32
      %broadcast_in_dim3A_2449 = vector.broadcast %jit3A_2448 : f32 to vector<16xf32>
      %select_n3A_2450 = arith.select %eq3A_2447, %broadcast_in_dim3A_2449, %select_n3A_2339 : vector<16xi1>, vector<16xf32>
      %eq3A_2451 = vector.broadcast %reduce_min3A_2435 : i32 to vector<16xi32>
      %eq3A_2452 = arith.cmpi eq, %add3A_29, %eq3A_2451 : vector<16xi32>
      %jit3A_2453 = arith.constant -1.000000e+00 : f32
      %broadcast_in_dim3A_2454 = vector.broadcast %jit3A_2453 : f32 to vector<16xf32>
      %select_n3A_2455 = arith.select %eq3A_2452, %broadcast_in_dim3A_2454, %select_n3A_2344 : vector<16xi1>, vector<16xf32>
      %eq3A_2456 = vector.broadcast %reduce_min3A_2435 : i32 to vector<16xi32>
      %eq3A_2457 = arith.cmpi eq, %add3A_32, %eq3A_2456 : vector<16xi32>
      %jit3A_2458 = arith.constant -1.000000e+00 : f32
      %broadcast_in_dim3A_2459 = vector.broadcast %jit3A_2458 : f32 to vector<16xf32>
      %select_n3A_2460 = arith.select %eq3A_2457, %broadcast_in_dim3A_2459, %select_n3A_2349 : vector<16xi1>, vector<16xf32>
      %eq3A_2461 = vector.broadcast %reduce_min3A_2435 : i32 to vector<16xi32>
      %eq3A_2462 = arith.cmpi eq, %add3A_35, %eq3A_2461 : vector<16xi32>
      %jit3A_2463 = arith.constant -1.000000e+00 : f32
      %broadcast_in_dim3A_2464 = vector.broadcast %jit3A_2463 : f32 to vector<16xf32>
      %select_n3A_2465 = arith.select %eq3A_2462, %broadcast_in_dim3A_2464, %select_n3A_2354 : vector<16xi1>, vector<16xf32>
      %eq3A_2466 = vector.broadcast %reduce_min3A_2435 : i32 to vector<16xi32>
      %eq3A_2467 = arith.cmpi eq, %add3A_38, %eq3A_2466 : vector<16xi32>
      %jit3A_2468 = arith.constant -1.000000e+00 : f32
      %broadcast_in_dim3A_2469 = vector.broadcast %jit3A_2468 : f32 to vector<16xf32>
      %select_n3A_2470 = arith.select %eq3A_2467, %broadcast_in_dim3A_2469, %select_n3A_2359 : vector<16xi1>, vector<16xf32>
      %eq3A_2471 = vector.broadcast %reduce_min3A_2435 : i32 to vector<16xi32>
      %eq3A_2472 = arith.cmpi eq, %add3A_41, %eq3A_2471 : vector<16xi32>
      %jit3A_2473 = arith.constant -1.000000e+00 : f32
      %broadcast_in_dim3A_2474 = vector.broadcast %jit3A_2473 : f32 to vector<16xf32>
      %select_n3A_2475 = arith.select %eq3A_2472, %broadcast_in_dim3A_2474, %select_n3A_2364 : vector<16xi1>, vector<16xf32>
      %eq3A_2476 = arith.constant 5 : i32
      %eq3A_2477 = vector.broadcast %eq3A_2476 : i32 to vector<16xi32>
      %eq3A_2478 = arith.cmpi eq, %iota3A, %eq3A_2477 : vector<16xi32>
      %broadcast_in_dim3A_2479 = vector.broadcast %reduce_max3A_2380 : f32 to vector<16xf32>
      %select_n3A_2480 = arith.select %eq3A_2478, %broadcast_in_dim3A_2479, %select_n3A_2369 : vector<16xi1>, vector<16xf32>
      %max3A_2481 = arith.maximumf %select_n3A_2440, %select_n3A_2445 : vector<16xf32>
      %max3A_2482 = arith.maximumf %max3A_2481, %select_n3A_2450 : vector<16xf32>
      %max3A_2483 = arith.maximumf %max3A_2482, %select_n3A_2455 : vector<16xf32>
      %max3A_2484 = arith.maximumf %max3A_2483, %select_n3A_2460 : vector<16xf32>
      %max3A_2485 = arith.maximumf %max3A_2484, %select_n3A_2465 : vector<16xf32>
      %max3A_2486 = arith.maximumf %max3A_2485, %select_n3A_2470 : vector<16xf32>
      %max3A_2487 = arith.maximumf %max3A_2486, %select_n3A_2475 : vector<16xf32>
      %reduce_max3A_2488 = arith.constant true
      %reduce_max3A_2489 = vector.broadcast %reduce_max3A_2488 : i1 to vector<16xi1>
      %reduce_max3A_2490 = tpu.scan <max>, %max3A_2487 masked %reduce_max3A_2489 : vector<16xf32>, vector<16xi1> -> vector<16xf32>
      %reduce_max3A_2491 = vector.extract %reduce_max3A_2490[15] : f32 from vector<16xf32>
      %eq3A_2492 = vector.broadcast %reduce_max3A_2491 : f32 to vector<16xf32>
      %eq3A_2493 = arith.cmpf oeq, %select_n3A_2440, %eq3A_2492 : vector<16xf32>
      %jit3A_2494 = arith.constant 1073741824 : i32
      %broadcast_in_dim3A_2495 = vector.broadcast %jit3A_2494 : i32 to vector<16xi32>
      %select_n3A_2496 = arith.select %eq3A_2493, %add3A_20, %broadcast_in_dim3A_2495 : vector<16xi1>, vector<16xi32>
      %eq3A_2497 = vector.broadcast %reduce_max3A_2491 : f32 to vector<16xf32>
      %eq3A_2498 = arith.cmpf oeq, %select_n3A_2445, %eq3A_2497 : vector<16xf32>
      %jit3A_2499 = arith.constant 1073741824 : i32
      %broadcast_in_dim3A_2500 = vector.broadcast %jit3A_2499 : i32 to vector<16xi32>
      %select_n3A_2501 = arith.select %eq3A_2498, %add3A_23, %broadcast_in_dim3A_2500 : vector<16xi1>, vector<16xi32>
      %min3A_2502 = arith.minsi %select_n3A_2496, %select_n3A_2501 : vector<16xi32>
      %eq3A_2503 = vector.broadcast %reduce_max3A_2491 : f32 to vector<16xf32>
      %eq3A_2504 = arith.cmpf oeq, %select_n3A_2450, %eq3A_2503 : vector<16xf32>
      %jit3A_2505 = arith.constant 1073741824 : i32
      %broadcast_in_dim3A_2506 = vector.broadcast %jit3A_2505 : i32 to vector<16xi32>
      %select_n3A_2507 = arith.select %eq3A_2504, %add3A_26, %broadcast_in_dim3A_2506 : vector<16xi1>, vector<16xi32>
      %min3A_2508 = arith.minsi %min3A_2502, %select_n3A_2507 : vector<16xi32>
      %eq3A_2509 = vector.broadcast %reduce_max3A_2491 : f32 to vector<16xf32>
      %eq3A_2510 = arith.cmpf oeq, %select_n3A_2455, %eq3A_2509 : vector<16xf32>
      %jit3A_2511 = arith.constant 1073741824 : i32
      %broadcast_in_dim3A_2512 = vector.broadcast %jit3A_2511 : i32 to vector<16xi32>
      %select_n3A_2513 = arith.select %eq3A_2510, %add3A_29, %broadcast_in_dim3A_2512 : vector<16xi1>, vector<16xi32>
      %min3A_2514 = arith.minsi %min3A_2508, %select_n3A_2513 : vector<16xi32>
      %eq3A_2515 = vector.broadcast %reduce_max3A_2491 : f32 to vector<16xf32>
      %eq3A_2516 = arith.cmpf oeq, %select_n3A_2460, %eq3A_2515 : vector<16xf32>
      %jit3A_2517 = arith.constant 1073741824 : i32
      %broadcast_in_dim3A_2518 = vector.broadcast %jit3A_2517 : i32 to vector<16xi32>
      %select_n3A_2519 = arith.select %eq3A_2516, %add3A_32, %broadcast_in_dim3A_2518 : vector<16xi1>, vector<16xi32>
      %min3A_2520 = arith.minsi %min3A_2514, %select_n3A_2519 : vector<16xi32>
      %eq3A_2521 = vector.broadcast %reduce_max3A_2491 : f32 to vector<16xf32>
      %eq3A_2522 = arith.cmpf oeq, %select_n3A_2465, %eq3A_2521 : vector<16xf32>
      %jit3A_2523 = arith.constant 1073741824 : i32
      %broadcast_in_dim3A_2524 = vector.broadcast %jit3A_2523 : i32 to vector<16xi32>
      %select_n3A_2525 = arith.select %eq3A_2522, %add3A_35, %broadcast_in_dim3A_2524 : vector<16xi1>, vector<16xi32>
      %min3A_2526 = arith.minsi %min3A_2520, %select_n3A_2525 : vector<16xi32>
      %eq3A_2527 = vector.broadcast %reduce_max3A_2491 : f32 to vector<16xf32>
      %eq3A_2528 = arith.cmpf oeq, %select_n3A_2470, %eq3A_2527 : vector<16xf32>
      %jit3A_2529 = arith.constant 1073741824 : i32
      %broadcast_in_dim3A_2530 = vector.broadcast %jit3A_2529 : i32 to vector<16xi32>
      %select_n3A_2531 = arith.select %eq3A_2528, %add3A_38, %broadcast_in_dim3A_2530 : vector<16xi1>, vector<16xi32>
      %min3A_2532 = arith.minsi %min3A_2526, %select_n3A_2531 : vector<16xi32>
      %eq3A_2533 = vector.broadcast %reduce_max3A_2491 : f32 to vector<16xf32>
      %eq3A_2534 = arith.cmpf oeq, %select_n3A_2475, %eq3A_2533 : vector<16xf32>
      %jit3A_2535 = arith.constant 1073741824 : i32
      %broadcast_in_dim3A_2536 = vector.broadcast %jit3A_2535 : i32 to vector<16xi32>
      %select_n3A_2537 = arith.select %eq3A_2534, %add3A_41, %broadcast_in_dim3A_2536 : vector<16xi1>, vector<16xi32>
      %min3A_2538 = arith.minsi %min3A_2532, %select_n3A_2537 : vector<16xi32>
      %reduce_min3A_2539 = arith.constant true
      %reduce_min3A_2540 = vector.broadcast %reduce_min3A_2539 : i1 to vector<16xi1>
      %reduce_min3A_2541 = arith.constant -2147483648 : i32
      %reduce_min3A_2542 = vector.broadcast %reduce_min3A_2541 : i32 to vector<16xi32>
      %reduce_min3A_2543 = arith.xori %min3A_2538, %reduce_min3A_2542 : vector<16xi32>
      %reduce_min3A_2544 = tpu.scan <min>, %reduce_min3A_2543 masked %reduce_min3A_2540 : vector<16xi32>, vector<16xi1> -> vector<16xi32>
      %reduce_min3A_2545 = arith.xori %reduce_min3A_2544, %reduce_min3A_2542 : vector<16xi32>
      %reduce_min3A_2546 = vector.extract %reduce_min3A_2545[15] : i32 from vector<16xi32>
      %eq3A_2547 = vector.broadcast %reduce_min3A_2546 : i32 to vector<16xi32>
      %eq3A_2548 = arith.cmpi eq, %add3A_20, %eq3A_2547 : vector<16xi32>
      %jit3A_2549 = arith.constant -1.000000e+00 : f32
      %broadcast_in_dim3A_2550 = vector.broadcast %jit3A_2549 : f32 to vector<16xf32>
      %select_n3A_2551 = arith.select %eq3A_2548, %broadcast_in_dim3A_2550, %select_n3A_2440 : vector<16xi1>, vector<16xf32>
      %eq3A_2552 = vector.broadcast %reduce_min3A_2546 : i32 to vector<16xi32>
      %eq3A_2553 = arith.cmpi eq, %add3A_23, %eq3A_2552 : vector<16xi32>
      %jit3A_2554 = arith.constant -1.000000e+00 : f32
      %broadcast_in_dim3A_2555 = vector.broadcast %jit3A_2554 : f32 to vector<16xf32>
      %select_n3A_2556 = arith.select %eq3A_2553, %broadcast_in_dim3A_2555, %select_n3A_2445 : vector<16xi1>, vector<16xf32>
      %eq3A_2557 = vector.broadcast %reduce_min3A_2546 : i32 to vector<16xi32>
      %eq3A_2558 = arith.cmpi eq, %add3A_26, %eq3A_2557 : vector<16xi32>
      %jit3A_2559 = arith.constant -1.000000e+00 : f32
      %broadcast_in_dim3A_2560 = vector.broadcast %jit3A_2559 : f32 to vector<16xf32>
      %select_n3A_2561 = arith.select %eq3A_2558, %broadcast_in_dim3A_2560, %select_n3A_2450 : vector<16xi1>, vector<16xf32>
      %eq3A_2562 = vector.broadcast %reduce_min3A_2546 : i32 to vector<16xi32>
      %eq3A_2563 = arith.cmpi eq, %add3A_29, %eq3A_2562 : vector<16xi32>
      %jit3A_2564 = arith.constant -1.000000e+00 : f32
      %broadcast_in_dim3A_2565 = vector.broadcast %jit3A_2564 : f32 to vector<16xf32>
      %select_n3A_2566 = arith.select %eq3A_2563, %broadcast_in_dim3A_2565, %select_n3A_2455 : vector<16xi1>, vector<16xf32>
      %eq3A_2567 = vector.broadcast %reduce_min3A_2546 : i32 to vector<16xi32>
      %eq3A_2568 = arith.cmpi eq, %add3A_32, %eq3A_2567 : vector<16xi32>
      %jit3A_2569 = arith.constant -1.000000e+00 : f32
      %broadcast_in_dim3A_2570 = vector.broadcast %jit3A_2569 : f32 to vector<16xf32>
      %select_n3A_2571 = arith.select %eq3A_2568, %broadcast_in_dim3A_2570, %select_n3A_2460 : vector<16xi1>, vector<16xf32>
      %eq3A_2572 = vector.broadcast %reduce_min3A_2546 : i32 to vector<16xi32>
      %eq3A_2573 = arith.cmpi eq, %add3A_35, %eq3A_2572 : vector<16xi32>
      %jit3A_2574 = arith.constant -1.000000e+00 : f32
      %broadcast_in_dim3A_2575 = vector.broadcast %jit3A_2574 : f32 to vector<16xf32>
      %select_n3A_2576 = arith.select %eq3A_2573, %broadcast_in_dim3A_2575, %select_n3A_2465 : vector<16xi1>, vector<16xf32>
      %eq3A_2577 = vector.broadcast %reduce_min3A_2546 : i32 to vector<16xi32>
      %eq3A_2578 = arith.cmpi eq, %add3A_38, %eq3A_2577 : vector<16xi32>
      %jit3A_2579 = arith.constant -1.000000e+00 : f32
      %broadcast_in_dim3A_2580 = vector.broadcast %jit3A_2579 : f32 to vector<16xf32>
      %select_n3A_2581 = arith.select %eq3A_2578, %broadcast_in_dim3A_2580, %select_n3A_2470 : vector<16xi1>, vector<16xf32>
      %eq3A_2582 = vector.broadcast %reduce_min3A_2546 : i32 to vector<16xi32>
      %eq3A_2583 = arith.cmpi eq, %add3A_41, %eq3A_2582 : vector<16xi32>
      %jit3A_2584 = arith.constant -1.000000e+00 : f32
      %broadcast_in_dim3A_2585 = vector.broadcast %jit3A_2584 : f32 to vector<16xf32>
      %select_n3A_2586 = arith.select %eq3A_2583, %broadcast_in_dim3A_2585, %select_n3A_2475 : vector<16xi1>, vector<16xf32>
      %eq3A_2587 = arith.constant 6 : i32
      %eq3A_2588 = vector.broadcast %eq3A_2587 : i32 to vector<16xi32>
      %eq3A_2589 = arith.cmpi eq, %iota3A, %eq3A_2588 : vector<16xi32>
      %broadcast_in_dim3A_2590 = vector.broadcast %reduce_max3A_2491 : f32 to vector<16xf32>
      %select_n3A_2591 = arith.select %eq3A_2589, %broadcast_in_dim3A_2590, %select_n3A_2480 : vector<16xi1>, vector<16xf32>
      %max3A_2592 = arith.maximumf %select_n3A_2551, %select_n3A_2556 : vector<16xf32>
      %max3A_2593 = arith.maximumf %max3A_2592, %select_n3A_2561 : vector<16xf32>
      %max3A_2594 = arith.maximumf %max3A_2593, %select_n3A_2566 : vector<16xf32>
      %max3A_2595 = arith.maximumf %max3A_2594, %select_n3A_2571 : vector<16xf32>
      %max3A_2596 = arith.maximumf %max3A_2595, %select_n3A_2576 : vector<16xf32>
      %max3A_2597 = arith.maximumf %max3A_2596, %select_n3A_2581 : vector<16xf32>
      %max3A_2598 = arith.maximumf %max3A_2597, %select_n3A_2586 : vector<16xf32>
      %reduce_max3A_2599 = arith.constant true
      %reduce_max3A_2600 = vector.broadcast %reduce_max3A_2599 : i1 to vector<16xi1>
      %reduce_max3A_2601 = tpu.scan <max>, %max3A_2598 masked %reduce_max3A_2600 : vector<16xf32>, vector<16xi1> -> vector<16xf32>
      %reduce_max3A_2602 = vector.extract %reduce_max3A_2601[15] : f32 from vector<16xf32>
      %eq3A_2603 = vector.broadcast %reduce_max3A_2602 : f32 to vector<16xf32>
      %eq3A_2604 = arith.cmpf oeq, %select_n3A_2551, %eq3A_2603 : vector<16xf32>
      %jit3A_2605 = arith.constant 1073741824 : i32
      %broadcast_in_dim3A_2606 = vector.broadcast %jit3A_2605 : i32 to vector<16xi32>
      %select_n3A_2607 = arith.select %eq3A_2604, %add3A_20, %broadcast_in_dim3A_2606 : vector<16xi1>, vector<16xi32>
      %eq3A_2608 = vector.broadcast %reduce_max3A_2602 : f32 to vector<16xf32>
      %eq3A_2609 = arith.cmpf oeq, %select_n3A_2556, %eq3A_2608 : vector<16xf32>
      %jit3A_2610 = arith.constant 1073741824 : i32
      %broadcast_in_dim3A_2611 = vector.broadcast %jit3A_2610 : i32 to vector<16xi32>
      %select_n3A_2612 = arith.select %eq3A_2609, %add3A_23, %broadcast_in_dim3A_2611 : vector<16xi1>, vector<16xi32>
      %min3A_2613 = arith.minsi %select_n3A_2607, %select_n3A_2612 : vector<16xi32>
      %eq3A_2614 = vector.broadcast %reduce_max3A_2602 : f32 to vector<16xf32>
      %eq3A_2615 = arith.cmpf oeq, %select_n3A_2561, %eq3A_2614 : vector<16xf32>
      %jit3A_2616 = arith.constant 1073741824 : i32
      %broadcast_in_dim3A_2617 = vector.broadcast %jit3A_2616 : i32 to vector<16xi32>
      %select_n3A_2618 = arith.select %eq3A_2615, %add3A_26, %broadcast_in_dim3A_2617 : vector<16xi1>, vector<16xi32>
      %min3A_2619 = arith.minsi %min3A_2613, %select_n3A_2618 : vector<16xi32>
      %eq3A_2620 = vector.broadcast %reduce_max3A_2602 : f32 to vector<16xf32>
      %eq3A_2621 = arith.cmpf oeq, %select_n3A_2566, %eq3A_2620 : vector<16xf32>
      %jit3A_2622 = arith.constant 1073741824 : i32
      %broadcast_in_dim3A_2623 = vector.broadcast %jit3A_2622 : i32 to vector<16xi32>
      %select_n3A_2624 = arith.select %eq3A_2621, %add3A_29, %broadcast_in_dim3A_2623 : vector<16xi1>, vector<16xi32>
      %min3A_2625 = arith.minsi %min3A_2619, %select_n3A_2624 : vector<16xi32>
      %eq3A_2626 = vector.broadcast %reduce_max3A_2602 : f32 to vector<16xf32>
      %eq3A_2627 = arith.cmpf oeq, %select_n3A_2571, %eq3A_2626 : vector<16xf32>
      %jit3A_2628 = arith.constant 1073741824 : i32
      %broadcast_in_dim3A_2629 = vector.broadcast %jit3A_2628 : i32 to vector<16xi32>
      %select_n3A_2630 = arith.select %eq3A_2627, %add3A_32, %broadcast_in_dim3A_2629 : vector<16xi1>, vector<16xi32>
      %min3A_2631 = arith.minsi %min3A_2625, %select_n3A_2630 : vector<16xi32>
      %eq3A_2632 = vector.broadcast %reduce_max3A_2602 : f32 to vector<16xf32>
      %eq3A_2633 = arith.cmpf oeq, %select_n3A_2576, %eq3A_2632 : vector<16xf32>
      %jit3A_2634 = arith.constant 1073741824 : i32
      %broadcast_in_dim3A_2635 = vector.broadcast %jit3A_2634 : i32 to vector<16xi32>
      %select_n3A_2636 = arith.select %eq3A_2633, %add3A_35, %broadcast_in_dim3A_2635 : vector<16xi1>, vector<16xi32>
      %min3A_2637 = arith.minsi %min3A_2631, %select_n3A_2636 : vector<16xi32>
      %eq3A_2638 = vector.broadcast %reduce_max3A_2602 : f32 to vector<16xf32>
      %eq3A_2639 = arith.cmpf oeq, %select_n3A_2581, %eq3A_2638 : vector<16xf32>
      %jit3A_2640 = arith.constant 1073741824 : i32
      %broadcast_in_dim3A_2641 = vector.broadcast %jit3A_2640 : i32 to vector<16xi32>
      %select_n3A_2642 = arith.select %eq3A_2639, %add3A_38, %broadcast_in_dim3A_2641 : vector<16xi1>, vector<16xi32>
      %min3A_2643 = arith.minsi %min3A_2637, %select_n3A_2642 : vector<16xi32>
      %eq3A_2644 = vector.broadcast %reduce_max3A_2602 : f32 to vector<16xf32>
      %eq3A_2645 = arith.cmpf oeq, %select_n3A_2586, %eq3A_2644 : vector<16xf32>
      %jit3A_2646 = arith.constant 1073741824 : i32
      %broadcast_in_dim3A_2647 = vector.broadcast %jit3A_2646 : i32 to vector<16xi32>
      %select_n3A_2648 = arith.select %eq3A_2645, %add3A_41, %broadcast_in_dim3A_2647 : vector<16xi1>, vector<16xi32>
      %min3A_2649 = arith.minsi %min3A_2643, %select_n3A_2648 : vector<16xi32>
      %reduce_min3A_2650 = arith.constant true
      %reduce_min3A_2651 = vector.broadcast %reduce_min3A_2650 : i1 to vector<16xi1>
      %reduce_min3A_2652 = arith.constant -2147483648 : i32
      %reduce_min3A_2653 = vector.broadcast %reduce_min3A_2652 : i32 to vector<16xi32>
      %reduce_min3A_2654 = arith.xori %min3A_2649, %reduce_min3A_2653 : vector<16xi32>
      %reduce_min3A_2655 = tpu.scan <min>, %reduce_min3A_2654 masked %reduce_min3A_2651 : vector<16xi32>, vector<16xi1> -> vector<16xi32>
      %reduce_min3A_2656 = arith.xori %reduce_min3A_2655, %reduce_min3A_2653 : vector<16xi32>
      %reduce_min3A_2657 = vector.extract %reduce_min3A_2656[15] : i32 from vector<16xi32>
      %eq3A_2658 = vector.broadcast %reduce_min3A_2657 : i32 to vector<16xi32>
      %eq3A_2659 = arith.cmpi eq, %add3A_20, %eq3A_2658 : vector<16xi32>
      %jit3A_2660 = arith.constant -1.000000e+00 : f32
      %broadcast_in_dim3A_2661 = vector.broadcast %jit3A_2660 : f32 to vector<16xf32>
      %select_n3A_2662 = arith.select %eq3A_2659, %broadcast_in_dim3A_2661, %select_n3A_2551 : vector<16xi1>, vector<16xf32>
      %eq3A_2663 = vector.broadcast %reduce_min3A_2657 : i32 to vector<16xi32>
      %eq3A_2664 = arith.cmpi eq, %add3A_23, %eq3A_2663 : vector<16xi32>
      %jit3A_2665 = arith.constant -1.000000e+00 : f32
      %broadcast_in_dim3A_2666 = vector.broadcast %jit3A_2665 : f32 to vector<16xf32>
      %select_n3A_2667 = arith.select %eq3A_2664, %broadcast_in_dim3A_2666, %select_n3A_2556 : vector<16xi1>, vector<16xf32>
      %eq3A_2668 = vector.broadcast %reduce_min3A_2657 : i32 to vector<16xi32>
      %eq3A_2669 = arith.cmpi eq, %add3A_26, %eq3A_2668 : vector<16xi32>
      %jit3A_2670 = arith.constant -1.000000e+00 : f32
      %broadcast_in_dim3A_2671 = vector.broadcast %jit3A_2670 : f32 to vector<16xf32>
      %select_n3A_2672 = arith.select %eq3A_2669, %broadcast_in_dim3A_2671, %select_n3A_2561 : vector<16xi1>, vector<16xf32>
      %eq3A_2673 = vector.broadcast %reduce_min3A_2657 : i32 to vector<16xi32>
      %eq3A_2674 = arith.cmpi eq, %add3A_29, %eq3A_2673 : vector<16xi32>
      %jit3A_2675 = arith.constant -1.000000e+00 : f32
      %broadcast_in_dim3A_2676 = vector.broadcast %jit3A_2675 : f32 to vector<16xf32>
      %select_n3A_2677 = arith.select %eq3A_2674, %broadcast_in_dim3A_2676, %select_n3A_2566 : vector<16xi1>, vector<16xf32>
      %eq3A_2678 = vector.broadcast %reduce_min3A_2657 : i32 to vector<16xi32>
      %eq3A_2679 = arith.cmpi eq, %add3A_32, %eq3A_2678 : vector<16xi32>
      %jit3A_2680 = arith.constant -1.000000e+00 : f32
      %broadcast_in_dim3A_2681 = vector.broadcast %jit3A_2680 : f32 to vector<16xf32>
      %select_n3A_2682 = arith.select %eq3A_2679, %broadcast_in_dim3A_2681, %select_n3A_2571 : vector<16xi1>, vector<16xf32>
      %eq3A_2683 = vector.broadcast %reduce_min3A_2657 : i32 to vector<16xi32>
      %eq3A_2684 = arith.cmpi eq, %add3A_35, %eq3A_2683 : vector<16xi32>
      %jit3A_2685 = arith.constant -1.000000e+00 : f32
      %broadcast_in_dim3A_2686 = vector.broadcast %jit3A_2685 : f32 to vector<16xf32>
      %select_n3A_2687 = arith.select %eq3A_2684, %broadcast_in_dim3A_2686, %select_n3A_2576 : vector<16xi1>, vector<16xf32>
      %eq3A_2688 = vector.broadcast %reduce_min3A_2657 : i32 to vector<16xi32>
      %eq3A_2689 = arith.cmpi eq, %add3A_38, %eq3A_2688 : vector<16xi32>
      %jit3A_2690 = arith.constant -1.000000e+00 : f32
      %broadcast_in_dim3A_2691 = vector.broadcast %jit3A_2690 : f32 to vector<16xf32>
      %select_n3A_2692 = arith.select %eq3A_2689, %broadcast_in_dim3A_2691, %select_n3A_2581 : vector<16xi1>, vector<16xf32>
      %eq3A_2693 = vector.broadcast %reduce_min3A_2657 : i32 to vector<16xi32>
      %eq3A_2694 = arith.cmpi eq, %add3A_41, %eq3A_2693 : vector<16xi32>
      %jit3A_2695 = arith.constant -1.000000e+00 : f32
      %broadcast_in_dim3A_2696 = vector.broadcast %jit3A_2695 : f32 to vector<16xf32>
      %select_n3A_2697 = arith.select %eq3A_2694, %broadcast_in_dim3A_2696, %select_n3A_2586 : vector<16xi1>, vector<16xf32>
      %eq3A_2698 = arith.constant 7 : i32
      %eq3A_2699 = vector.broadcast %eq3A_2698 : i32 to vector<16xi32>
      %eq3A_2700 = arith.cmpi eq, %iota3A, %eq3A_2699 : vector<16xi32>
      %broadcast_in_dim3A_2701 = vector.broadcast %reduce_max3A_2602 : f32 to vector<16xf32>
      %select_n3A_2702 = arith.select %eq3A_2700, %broadcast_in_dim3A_2701, %select_n3A_2591 : vector<16xi1>, vector<16xf32>
      %max3A_2703 = arith.maximumf %select_n3A_2662, %select_n3A_2667 : vector<16xf32>
      %max3A_2704 = arith.maximumf %max3A_2703, %select_n3A_2672 : vector<16xf32>
      %max3A_2705 = arith.maximumf %max3A_2704, %select_n3A_2677 : vector<16xf32>
      %max3A_2706 = arith.maximumf %max3A_2705, %select_n3A_2682 : vector<16xf32>
      %max3A_2707 = arith.maximumf %max3A_2706, %select_n3A_2687 : vector<16xf32>
      %max3A_2708 = arith.maximumf %max3A_2707, %select_n3A_2692 : vector<16xf32>
      %max3A_2709 = arith.maximumf %max3A_2708, %select_n3A_2697 : vector<16xf32>
      %reduce_max3A_2710 = arith.constant true
      %reduce_max3A_2711 = vector.broadcast %reduce_max3A_2710 : i1 to vector<16xi1>
      %reduce_max3A_2712 = tpu.scan <max>, %max3A_2709 masked %reduce_max3A_2711 : vector<16xf32>, vector<16xi1> -> vector<16xf32>
      %reduce_max3A_2713 = vector.extract %reduce_max3A_2712[15] : f32 from vector<16xf32>
      %eq3A_2714 = vector.broadcast %reduce_max3A_2713 : f32 to vector<16xf32>
      %eq3A_2715 = arith.cmpf oeq, %select_n3A_2662, %eq3A_2714 : vector<16xf32>
      %jit3A_2716 = arith.constant 1073741824 : i32
      %broadcast_in_dim3A_2717 = vector.broadcast %jit3A_2716 : i32 to vector<16xi32>
      %select_n3A_2718 = arith.select %eq3A_2715, %add3A_20, %broadcast_in_dim3A_2717 : vector<16xi1>, vector<16xi32>
      %eq3A_2719 = vector.broadcast %reduce_max3A_2713 : f32 to vector<16xf32>
      %eq3A_2720 = arith.cmpf oeq, %select_n3A_2667, %eq3A_2719 : vector<16xf32>
      %jit3A_2721 = arith.constant 1073741824 : i32
      %broadcast_in_dim3A_2722 = vector.broadcast %jit3A_2721 : i32 to vector<16xi32>
      %select_n3A_2723 = arith.select %eq3A_2720, %add3A_23, %broadcast_in_dim3A_2722 : vector<16xi1>, vector<16xi32>
      %min3A_2724 = arith.minsi %select_n3A_2718, %select_n3A_2723 : vector<16xi32>
      %eq3A_2725 = vector.broadcast %reduce_max3A_2713 : f32 to vector<16xf32>
      %eq3A_2726 = arith.cmpf oeq, %select_n3A_2672, %eq3A_2725 : vector<16xf32>
      %jit3A_2727 = arith.constant 1073741824 : i32
      %broadcast_in_dim3A_2728 = vector.broadcast %jit3A_2727 : i32 to vector<16xi32>
      %select_n3A_2729 = arith.select %eq3A_2726, %add3A_26, %broadcast_in_dim3A_2728 : vector<16xi1>, vector<16xi32>
      %min3A_2730 = arith.minsi %min3A_2724, %select_n3A_2729 : vector<16xi32>
      %eq3A_2731 = vector.broadcast %reduce_max3A_2713 : f32 to vector<16xf32>
      %eq3A_2732 = arith.cmpf oeq, %select_n3A_2677, %eq3A_2731 : vector<16xf32>
      %jit3A_2733 = arith.constant 1073741824 : i32
      %broadcast_in_dim3A_2734 = vector.broadcast %jit3A_2733 : i32 to vector<16xi32>
      %select_n3A_2735 = arith.select %eq3A_2732, %add3A_29, %broadcast_in_dim3A_2734 : vector<16xi1>, vector<16xi32>
      %min3A_2736 = arith.minsi %min3A_2730, %select_n3A_2735 : vector<16xi32>
      %eq3A_2737 = vector.broadcast %reduce_max3A_2713 : f32 to vector<16xf32>
      %eq3A_2738 = arith.cmpf oeq, %select_n3A_2682, %eq3A_2737 : vector<16xf32>
      %jit3A_2739 = arith.constant 1073741824 : i32
      %broadcast_in_dim3A_2740 = vector.broadcast %jit3A_2739 : i32 to vector<16xi32>
      %select_n3A_2741 = arith.select %eq3A_2738, %add3A_32, %broadcast_in_dim3A_2740 : vector<16xi1>, vector<16xi32>
      %min3A_2742 = arith.minsi %min3A_2736, %select_n3A_2741 : vector<16xi32>
      %eq3A_2743 = vector.broadcast %reduce_max3A_2713 : f32 to vector<16xf32>
      %eq3A_2744 = arith.cmpf oeq, %select_n3A_2687, %eq3A_2743 : vector<16xf32>
      %jit3A_2745 = arith.constant 1073741824 : i32
      %broadcast_in_dim3A_2746 = vector.broadcast %jit3A_2745 : i32 to vector<16xi32>
      %select_n3A_2747 = arith.select %eq3A_2744, %add3A_35, %broadcast_in_dim3A_2746 : vector<16xi1>, vector<16xi32>
      %min3A_2748 = arith.minsi %min3A_2742, %select_n3A_2747 : vector<16xi32>
      %eq3A_2749 = vector.broadcast %reduce_max3A_2713 : f32 to vector<16xf32>
      %eq3A_2750 = arith.cmpf oeq, %select_n3A_2692, %eq3A_2749 : vector<16xf32>
      %jit3A_2751 = arith.constant 1073741824 : i32
      %broadcast_in_dim3A_2752 = vector.broadcast %jit3A_2751 : i32 to vector<16xi32>
      %select_n3A_2753 = arith.select %eq3A_2750, %add3A_38, %broadcast_in_dim3A_2752 : vector<16xi1>, vector<16xi32>
      %min3A_2754 = arith.minsi %min3A_2748, %select_n3A_2753 : vector<16xi32>
      %eq3A_2755 = vector.broadcast %reduce_max3A_2713 : f32 to vector<16xf32>
      %eq3A_2756 = arith.cmpf oeq, %select_n3A_2697, %eq3A_2755 : vector<16xf32>
      %jit3A_2757 = arith.constant 1073741824 : i32
      %broadcast_in_dim3A_2758 = vector.broadcast %jit3A_2757 : i32 to vector<16xi32>
      %select_n3A_2759 = arith.select %eq3A_2756, %add3A_41, %broadcast_in_dim3A_2758 : vector<16xi1>, vector<16xi32>
      %min3A_2760 = arith.minsi %min3A_2754, %select_n3A_2759 : vector<16xi32>
      %reduce_min3A_2761 = arith.constant true
      %reduce_min3A_2762 = vector.broadcast %reduce_min3A_2761 : i1 to vector<16xi1>
      %reduce_min3A_2763 = arith.constant -2147483648 : i32
      %reduce_min3A_2764 = vector.broadcast %reduce_min3A_2763 : i32 to vector<16xi32>
      %reduce_min3A_2765 = arith.xori %min3A_2760, %reduce_min3A_2764 : vector<16xi32>
      %reduce_min3A_2766 = tpu.scan <min>, %reduce_min3A_2765 masked %reduce_min3A_2762 : vector<16xi32>, vector<16xi1> -> vector<16xi32>
      %reduce_min3A_2767 = arith.xori %reduce_min3A_2766, %reduce_min3A_2764 : vector<16xi32>
      %reduce_min3A_2768 = vector.extract %reduce_min3A_2767[15] : i32 from vector<16xi32>
      %eq3A_2769 = vector.broadcast %reduce_min3A_2768 : i32 to vector<16xi32>
      %eq3A_2770 = arith.cmpi eq, %add3A_20, %eq3A_2769 : vector<16xi32>
      %jit3A_2771 = arith.constant -1.000000e+00 : f32
      %broadcast_in_dim3A_2772 = vector.broadcast %jit3A_2771 : f32 to vector<16xf32>
      %select_n3A_2773 = arith.select %eq3A_2770, %broadcast_in_dim3A_2772, %select_n3A_2662 : vector<16xi1>, vector<16xf32>
      %eq3A_2774 = vector.broadcast %reduce_min3A_2768 : i32 to vector<16xi32>
      %eq3A_2775 = arith.cmpi eq, %add3A_23, %eq3A_2774 : vector<16xi32>
      %jit3A_2776 = arith.constant -1.000000e+00 : f32
      %broadcast_in_dim3A_2777 = vector.broadcast %jit3A_2776 : f32 to vector<16xf32>
      %select_n3A_2778 = arith.select %eq3A_2775, %broadcast_in_dim3A_2777, %select_n3A_2667 : vector<16xi1>, vector<16xf32>
      %eq3A_2779 = vector.broadcast %reduce_min3A_2768 : i32 to vector<16xi32>
      %eq3A_2780 = arith.cmpi eq, %add3A_26, %eq3A_2779 : vector<16xi32>
      %jit3A_2781 = arith.constant -1.000000e+00 : f32
      %broadcast_in_dim3A_2782 = vector.broadcast %jit3A_2781 : f32 to vector<16xf32>
      %select_n3A_2783 = arith.select %eq3A_2780, %broadcast_in_dim3A_2782, %select_n3A_2672 : vector<16xi1>, vector<16xf32>
      %eq3A_2784 = vector.broadcast %reduce_min3A_2768 : i32 to vector<16xi32>
      %eq3A_2785 = arith.cmpi eq, %add3A_29, %eq3A_2784 : vector<16xi32>
      %jit3A_2786 = arith.constant -1.000000e+00 : f32
      %broadcast_in_dim3A_2787 = vector.broadcast %jit3A_2786 : f32 to vector<16xf32>
      %select_n3A_2788 = arith.select %eq3A_2785, %broadcast_in_dim3A_2787, %select_n3A_2677 : vector<16xi1>, vector<16xf32>
      %eq3A_2789 = vector.broadcast %reduce_min3A_2768 : i32 to vector<16xi32>
      %eq3A_2790 = arith.cmpi eq, %add3A_32, %eq3A_2789 : vector<16xi32>
      %jit3A_2791 = arith.constant -1.000000e+00 : f32
      %broadcast_in_dim3A_2792 = vector.broadcast %jit3A_2791 : f32 to vector<16xf32>
      %select_n3A_2793 = arith.select %eq3A_2790, %broadcast_in_dim3A_2792, %select_n3A_2682 : vector<16xi1>, vector<16xf32>
      %eq3A_2794 = vector.broadcast %reduce_min3A_2768 : i32 to vector<16xi32>
      %eq3A_2795 = arith.cmpi eq, %add3A_35, %eq3A_2794 : vector<16xi32>
      %jit3A_2796 = arith.constant -1.000000e+00 : f32
      %broadcast_in_dim3A_2797 = vector.broadcast %jit3A_2796 : f32 to vector<16xf32>
      %select_n3A_2798 = arith.select %eq3A_2795, %broadcast_in_dim3A_2797, %select_n3A_2687 : vector<16xi1>, vector<16xf32>
      %eq3A_2799 = vector.broadcast %reduce_min3A_2768 : i32 to vector<16xi32>
      %eq3A_2800 = arith.cmpi eq, %add3A_38, %eq3A_2799 : vector<16xi32>
      %jit3A_2801 = arith.constant -1.000000e+00 : f32
      %broadcast_in_dim3A_2802 = vector.broadcast %jit3A_2801 : f32 to vector<16xf32>
      %select_n3A_2803 = arith.select %eq3A_2800, %broadcast_in_dim3A_2802, %select_n3A_2692 : vector<16xi1>, vector<16xf32>
      %eq3A_2804 = vector.broadcast %reduce_min3A_2768 : i32 to vector<16xi32>
      %eq3A_2805 = arith.cmpi eq, %add3A_41, %eq3A_2804 : vector<16xi32>
      %jit3A_2806 = arith.constant -1.000000e+00 : f32
      %broadcast_in_dim3A_2807 = vector.broadcast %jit3A_2806 : f32 to vector<16xf32>
      %select_n3A_2808 = arith.select %eq3A_2805, %broadcast_in_dim3A_2807, %select_n3A_2697 : vector<16xi1>, vector<16xf32>
      %eq3A_2809 = arith.constant 8 : i32
      %eq3A_2810 = vector.broadcast %eq3A_2809 : i32 to vector<16xi32>
      %eq3A_2811 = arith.cmpi eq, %iota3A, %eq3A_2810 : vector<16xi32>
      %broadcast_in_dim3A_2812 = vector.broadcast %reduce_max3A_2713 : f32 to vector<16xf32>
      %select_n3A_2813 = arith.select %eq3A_2811, %broadcast_in_dim3A_2812, %select_n3A_2702 : vector<16xi1>, vector<16xf32>
      %max3A_2814 = arith.maximumf %select_n3A_2773, %select_n3A_2778 : vector<16xf32>
      %max3A_2815 = arith.maximumf %max3A_2814, %select_n3A_2783 : vector<16xf32>
      %max3A_2816 = arith.maximumf %max3A_2815, %select_n3A_2788 : vector<16xf32>
      %max3A_2817 = arith.maximumf %max3A_2816, %select_n3A_2793 : vector<16xf32>
      %max3A_2818 = arith.maximumf %max3A_2817, %select_n3A_2798 : vector<16xf32>
      %max3A_2819 = arith.maximumf %max3A_2818, %select_n3A_2803 : vector<16xf32>
      %max3A_2820 = arith.maximumf %max3A_2819, %select_n3A_2808 : vector<16xf32>
      %reduce_max3A_2821 = arith.constant true
      %reduce_max3A_2822 = vector.broadcast %reduce_max3A_2821 : i1 to vector<16xi1>
      %reduce_max3A_2823 = tpu.scan <max>, %max3A_2820 masked %reduce_max3A_2822 : vector<16xf32>, vector<16xi1> -> vector<16xf32>
      %reduce_max3A_2824 = vector.extract %reduce_max3A_2823[15] : f32 from vector<16xf32>
      %eq3A_2825 = vector.broadcast %reduce_max3A_2824 : f32 to vector<16xf32>
      %eq3A_2826 = arith.cmpf oeq, %select_n3A_2773, %eq3A_2825 : vector<16xf32>
      %jit3A_2827 = arith.constant 1073741824 : i32
      %broadcast_in_dim3A_2828 = vector.broadcast %jit3A_2827 : i32 to vector<16xi32>
      %select_n3A_2829 = arith.select %eq3A_2826, %add3A_20, %broadcast_in_dim3A_2828 : vector<16xi1>, vector<16xi32>
      %eq3A_2830 = vector.broadcast %reduce_max3A_2824 : f32 to vector<16xf32>
      %eq3A_2831 = arith.cmpf oeq, %select_n3A_2778, %eq3A_2830 : vector<16xf32>
      %jit3A_2832 = arith.constant 1073741824 : i32
      %broadcast_in_dim3A_2833 = vector.broadcast %jit3A_2832 : i32 to vector<16xi32>
      %select_n3A_2834 = arith.select %eq3A_2831, %add3A_23, %broadcast_in_dim3A_2833 : vector<16xi1>, vector<16xi32>
      %min3A_2835 = arith.minsi %select_n3A_2829, %select_n3A_2834 : vector<16xi32>
      %eq3A_2836 = vector.broadcast %reduce_max3A_2824 : f32 to vector<16xf32>
      %eq3A_2837 = arith.cmpf oeq, %select_n3A_2783, %eq3A_2836 : vector<16xf32>
      %jit3A_2838 = arith.constant 1073741824 : i32
      %broadcast_in_dim3A_2839 = vector.broadcast %jit3A_2838 : i32 to vector<16xi32>
      %select_n3A_2840 = arith.select %eq3A_2837, %add3A_26, %broadcast_in_dim3A_2839 : vector<16xi1>, vector<16xi32>
      %min3A_2841 = arith.minsi %min3A_2835, %select_n3A_2840 : vector<16xi32>
      %eq3A_2842 = vector.broadcast %reduce_max3A_2824 : f32 to vector<16xf32>
      %eq3A_2843 = arith.cmpf oeq, %select_n3A_2788, %eq3A_2842 : vector<16xf32>
      %jit3A_2844 = arith.constant 1073741824 : i32
      %broadcast_in_dim3A_2845 = vector.broadcast %jit3A_2844 : i32 to vector<16xi32>
      %select_n3A_2846 = arith.select %eq3A_2843, %add3A_29, %broadcast_in_dim3A_2845 : vector<16xi1>, vector<16xi32>
      %min3A_2847 = arith.minsi %min3A_2841, %select_n3A_2846 : vector<16xi32>
      %eq3A_2848 = vector.broadcast %reduce_max3A_2824 : f32 to vector<16xf32>
      %eq3A_2849 = arith.cmpf oeq, %select_n3A_2793, %eq3A_2848 : vector<16xf32>
      %jit3A_2850 = arith.constant 1073741824 : i32
      %broadcast_in_dim3A_2851 = vector.broadcast %jit3A_2850 : i32 to vector<16xi32>
      %select_n3A_2852 = arith.select %eq3A_2849, %add3A_32, %broadcast_in_dim3A_2851 : vector<16xi1>, vector<16xi32>
      %min3A_2853 = arith.minsi %min3A_2847, %select_n3A_2852 : vector<16xi32>
      %eq3A_2854 = vector.broadcast %reduce_max3A_2824 : f32 to vector<16xf32>
      %eq3A_2855 = arith.cmpf oeq, %select_n3A_2798, %eq3A_2854 : vector<16xf32>
      %jit3A_2856 = arith.constant 1073741824 : i32
      %broadcast_in_dim3A_2857 = vector.broadcast %jit3A_2856 : i32 to vector<16xi32>
      %select_n3A_2858 = arith.select %eq3A_2855, %add3A_35, %broadcast_in_dim3A_2857 : vector<16xi1>, vector<16xi32>
      %min3A_2859 = arith.minsi %min3A_2853, %select_n3A_2858 : vector<16xi32>
      %eq3A_2860 = vector.broadcast %reduce_max3A_2824 : f32 to vector<16xf32>
      %eq3A_2861 = arith.cmpf oeq, %select_n3A_2803, %eq3A_2860 : vector<16xf32>
      %jit3A_2862 = arith.constant 1073741824 : i32
      %broadcast_in_dim3A_2863 = vector.broadcast %jit3A_2862 : i32 to vector<16xi32>
      %select_n3A_2864 = arith.select %eq3A_2861, %add3A_38, %broadcast_in_dim3A_2863 : vector<16xi1>, vector<16xi32>
      %min3A_2865 = arith.minsi %min3A_2859, %select_n3A_2864 : vector<16xi32>
      %eq3A_2866 = vector.broadcast %reduce_max3A_2824 : f32 to vector<16xf32>
      %eq3A_2867 = arith.cmpf oeq, %select_n3A_2808, %eq3A_2866 : vector<16xf32>
      %jit3A_2868 = arith.constant 1073741824 : i32
      %broadcast_in_dim3A_2869 = vector.broadcast %jit3A_2868 : i32 to vector<16xi32>
      %select_n3A_2870 = arith.select %eq3A_2867, %add3A_41, %broadcast_in_dim3A_2869 : vector<16xi1>, vector<16xi32>
      %min3A_2871 = arith.minsi %min3A_2865, %select_n3A_2870 : vector<16xi32>
      %reduce_min3A_2872 = arith.constant true
      %reduce_min3A_2873 = vector.broadcast %reduce_min3A_2872 : i1 to vector<16xi1>
      %reduce_min3A_2874 = arith.constant -2147483648 : i32
      %reduce_min3A_2875 = vector.broadcast %reduce_min3A_2874 : i32 to vector<16xi32>
      %reduce_min3A_2876 = arith.xori %min3A_2871, %reduce_min3A_2875 : vector<16xi32>
      %reduce_min3A_2877 = tpu.scan <min>, %reduce_min3A_2876 masked %reduce_min3A_2873 : vector<16xi32>, vector<16xi1> -> vector<16xi32>
      %reduce_min3A_2878 = arith.xori %reduce_min3A_2877, %reduce_min3A_2875 : vector<16xi32>
      %reduce_min3A_2879 = vector.extract %reduce_min3A_2878[15] : i32 from vector<16xi32>
      %eq3A_2880 = vector.broadcast %reduce_min3A_2879 : i32 to vector<16xi32>
      %eq3A_2881 = arith.cmpi eq, %add3A_20, %eq3A_2880 : vector<16xi32>
      %jit3A_2882 = arith.constant -1.000000e+00 : f32
      %broadcast_in_dim3A_2883 = vector.broadcast %jit3A_2882 : f32 to vector<16xf32>
      %select_n3A_2884 = arith.select %eq3A_2881, %broadcast_in_dim3A_2883, %select_n3A_2773 : vector<16xi1>, vector<16xf32>
      %eq3A_2885 = vector.broadcast %reduce_min3A_2879 : i32 to vector<16xi32>
      %eq3A_2886 = arith.cmpi eq, %add3A_23, %eq3A_2885 : vector<16xi32>
      %jit3A_2887 = arith.constant -1.000000e+00 : f32
      %broadcast_in_dim3A_2888 = vector.broadcast %jit3A_2887 : f32 to vector<16xf32>
      %select_n3A_2889 = arith.select %eq3A_2886, %broadcast_in_dim3A_2888, %select_n3A_2778 : vector<16xi1>, vector<16xf32>
      %eq3A_2890 = vector.broadcast %reduce_min3A_2879 : i32 to vector<16xi32>
      %eq3A_2891 = arith.cmpi eq, %add3A_26, %eq3A_2890 : vector<16xi32>
      %jit3A_2892 = arith.constant -1.000000e+00 : f32
      %broadcast_in_dim3A_2893 = vector.broadcast %jit3A_2892 : f32 to vector<16xf32>
      %select_n3A_2894 = arith.select %eq3A_2891, %broadcast_in_dim3A_2893, %select_n3A_2783 : vector<16xi1>, vector<16xf32>
      %eq3A_2895 = vector.broadcast %reduce_min3A_2879 : i32 to vector<16xi32>
      %eq3A_2896 = arith.cmpi eq, %add3A_29, %eq3A_2895 : vector<16xi32>
      %jit3A_2897 = arith.constant -1.000000e+00 : f32
      %broadcast_in_dim3A_2898 = vector.broadcast %jit3A_2897 : f32 to vector<16xf32>
      %select_n3A_2899 = arith.select %eq3A_2896, %broadcast_in_dim3A_2898, %select_n3A_2788 : vector<16xi1>, vector<16xf32>
      %eq3A_2900 = vector.broadcast %reduce_min3A_2879 : i32 to vector<16xi32>
      %eq3A_2901 = arith.cmpi eq, %add3A_32, %eq3A_2900 : vector<16xi32>
      %jit3A_2902 = arith.constant -1.000000e+00 : f32
      %broadcast_in_dim3A_2903 = vector.broadcast %jit3A_2902 : f32 to vector<16xf32>
      %select_n3A_2904 = arith.select %eq3A_2901, %broadcast_in_dim3A_2903, %select_n3A_2793 : vector<16xi1>, vector<16xf32>
      %eq3A_2905 = vector.broadcast %reduce_min3A_2879 : i32 to vector<16xi32>
      %eq3A_2906 = arith.cmpi eq, %add3A_35, %eq3A_2905 : vector<16xi32>
      %jit3A_2907 = arith.constant -1.000000e+00 : f32
      %broadcast_in_dim3A_2908 = vector.broadcast %jit3A_2907 : f32 to vector<16xf32>
      %select_n3A_2909 = arith.select %eq3A_2906, %broadcast_in_dim3A_2908, %select_n3A_2798 : vector<16xi1>, vector<16xf32>
      %eq3A_2910 = vector.broadcast %reduce_min3A_2879 : i32 to vector<16xi32>
      %eq3A_2911 = arith.cmpi eq, %add3A_38, %eq3A_2910 : vector<16xi32>
      %jit3A_2912 = arith.constant -1.000000e+00 : f32
      %broadcast_in_dim3A_2913 = vector.broadcast %jit3A_2912 : f32 to vector<16xf32>
      %select_n3A_2914 = arith.select %eq3A_2911, %broadcast_in_dim3A_2913, %select_n3A_2803 : vector<16xi1>, vector<16xf32>
      %eq3A_2915 = vector.broadcast %reduce_min3A_2879 : i32 to vector<16xi32>
      %eq3A_2916 = arith.cmpi eq, %add3A_41, %eq3A_2915 : vector<16xi32>
      %jit3A_2917 = arith.constant -1.000000e+00 : f32
      %broadcast_in_dim3A_2918 = vector.broadcast %jit3A_2917 : f32 to vector<16xf32>
      %select_n3A_2919 = arith.select %eq3A_2916, %broadcast_in_dim3A_2918, %select_n3A_2808 : vector<16xi1>, vector<16xf32>
      %eq3A_2920 = arith.constant 9 : i32
      %eq3A_2921 = vector.broadcast %eq3A_2920 : i32 to vector<16xi32>
      %eq3A_2922 = arith.cmpi eq, %iota3A, %eq3A_2921 : vector<16xi32>
      %broadcast_in_dim3A_2923 = vector.broadcast %reduce_max3A_2824 : f32 to vector<16xf32>
      %select_n3A_2924 = arith.select %eq3A_2922, %broadcast_in_dim3A_2923, %select_n3A_2813 : vector<16xi1>, vector<16xf32>
      %max3A_2925 = arith.maximumf %select_n3A_2884, %select_n3A_2889 : vector<16xf32>
      %max3A_2926 = arith.maximumf %max3A_2925, %select_n3A_2894 : vector<16xf32>
      %max3A_2927 = arith.maximumf %max3A_2926, %select_n3A_2899 : vector<16xf32>
      %max3A_2928 = arith.maximumf %max3A_2927, %select_n3A_2904 : vector<16xf32>
      %max3A_2929 = arith.maximumf %max3A_2928, %select_n3A_2909 : vector<16xf32>
      %max3A_2930 = arith.maximumf %max3A_2929, %select_n3A_2914 : vector<16xf32>
      %max3A_2931 = arith.maximumf %max3A_2930, %select_n3A_2919 : vector<16xf32>
      %reduce_max3A_2932 = arith.constant true
      %reduce_max3A_2933 = vector.broadcast %reduce_max3A_2932 : i1 to vector<16xi1>
      %reduce_max3A_2934 = tpu.scan <max>, %max3A_2931 masked %reduce_max3A_2933 : vector<16xf32>, vector<16xi1> -> vector<16xf32>
      %reduce_max3A_2935 = vector.extract %reduce_max3A_2934[15] : f32 from vector<16xf32>
      %eq3A_2936 = vector.broadcast %reduce_max3A_2935 : f32 to vector<16xf32>
      %eq3A_2937 = arith.cmpf oeq, %select_n3A_2884, %eq3A_2936 : vector<16xf32>
      %jit3A_2938 = arith.constant 1073741824 : i32
      %broadcast_in_dim3A_2939 = vector.broadcast %jit3A_2938 : i32 to vector<16xi32>
      %select_n3A_2940 = arith.select %eq3A_2937, %add3A_20, %broadcast_in_dim3A_2939 : vector<16xi1>, vector<16xi32>
      %eq3A_2941 = vector.broadcast %reduce_max3A_2935 : f32 to vector<16xf32>
      %eq3A_2942 = arith.cmpf oeq, %select_n3A_2889, %eq3A_2941 : vector<16xf32>
      %jit3A_2943 = arith.constant 1073741824 : i32
      %broadcast_in_dim3A_2944 = vector.broadcast %jit3A_2943 : i32 to vector<16xi32>
      %select_n3A_2945 = arith.select %eq3A_2942, %add3A_23, %broadcast_in_dim3A_2944 : vector<16xi1>, vector<16xi32>
      %min3A_2946 = arith.minsi %select_n3A_2940, %select_n3A_2945 : vector<16xi32>
      %eq3A_2947 = vector.broadcast %reduce_max3A_2935 : f32 to vector<16xf32>
      %eq3A_2948 = arith.cmpf oeq, %select_n3A_2894, %eq3A_2947 : vector<16xf32>
      %jit3A_2949 = arith.constant 1073741824 : i32
      %broadcast_in_dim3A_2950 = vector.broadcast %jit3A_2949 : i32 to vector<16xi32>
      %select_n3A_2951 = arith.select %eq3A_2948, %add3A_26, %broadcast_in_dim3A_2950 : vector<16xi1>, vector<16xi32>
      %min3A_2952 = arith.minsi %min3A_2946, %select_n3A_2951 : vector<16xi32>
      %eq3A_2953 = vector.broadcast %reduce_max3A_2935 : f32 to vector<16xf32>
      %eq3A_2954 = arith.cmpf oeq, %select_n3A_2899, %eq3A_2953 : vector<16xf32>
      %jit3A_2955 = arith.constant 1073741824 : i32
      %broadcast_in_dim3A_2956 = vector.broadcast %jit3A_2955 : i32 to vector<16xi32>
      %select_n3A_2957 = arith.select %eq3A_2954, %add3A_29, %broadcast_in_dim3A_2956 : vector<16xi1>, vector<16xi32>
      %min3A_2958 = arith.minsi %min3A_2952, %select_n3A_2957 : vector<16xi32>
      %eq3A_2959 = vector.broadcast %reduce_max3A_2935 : f32 to vector<16xf32>
      %eq3A_2960 = arith.cmpf oeq, %select_n3A_2904, %eq3A_2959 : vector<16xf32>
      %jit3A_2961 = arith.constant 1073741824 : i32
      %broadcast_in_dim3A_2962 = vector.broadcast %jit3A_2961 : i32 to vector<16xi32>
      %select_n3A_2963 = arith.select %eq3A_2960, %add3A_32, %broadcast_in_dim3A_2962 : vector<16xi1>, vector<16xi32>
      %min3A_2964 = arith.minsi %min3A_2958, %select_n3A_2963 : vector<16xi32>
      %eq3A_2965 = vector.broadcast %reduce_max3A_2935 : f32 to vector<16xf32>
      %eq3A_2966 = arith.cmpf oeq, %select_n3A_2909, %eq3A_2965 : vector<16xf32>
      %jit3A_2967 = arith.constant 1073741824 : i32
      %broadcast_in_dim3A_2968 = vector.broadcast %jit3A_2967 : i32 to vector<16xi32>
      %select_n3A_2969 = arith.select %eq3A_2966, %add3A_35, %broadcast_in_dim3A_2968 : vector<16xi1>, vector<16xi32>
      %min3A_2970 = arith.minsi %min3A_2964, %select_n3A_2969 : vector<16xi32>
      %eq3A_2971 = vector.broadcast %reduce_max3A_2935 : f32 to vector<16xf32>
      %eq3A_2972 = arith.cmpf oeq, %select_n3A_2914, %eq3A_2971 : vector<16xf32>
      %jit3A_2973 = arith.constant 1073741824 : i32
      %broadcast_in_dim3A_2974 = vector.broadcast %jit3A_2973 : i32 to vector<16xi32>
      %select_n3A_2975 = arith.select %eq3A_2972, %add3A_38, %broadcast_in_dim3A_2974 : vector<16xi1>, vector<16xi32>
      %min3A_2976 = arith.minsi %min3A_2970, %select_n3A_2975 : vector<16xi32>
      %eq3A_2977 = vector.broadcast %reduce_max3A_2935 : f32 to vector<16xf32>
      %eq3A_2978 = arith.cmpf oeq, %select_n3A_2919, %eq3A_2977 : vector<16xf32>
      %jit3A_2979 = arith.constant 1073741824 : i32
      %broadcast_in_dim3A_2980 = vector.broadcast %jit3A_2979 : i32 to vector<16xi32>
      %select_n3A_2981 = arith.select %eq3A_2978, %add3A_41, %broadcast_in_dim3A_2980 : vector<16xi1>, vector<16xi32>
      %min3A_2982 = arith.minsi %min3A_2976, %select_n3A_2981 : vector<16xi32>
      %reduce_min3A_2983 = arith.constant true
      %reduce_min3A_2984 = vector.broadcast %reduce_min3A_2983 : i1 to vector<16xi1>
      %reduce_min3A_2985 = arith.constant -2147483648 : i32
      %reduce_min3A_2986 = vector.broadcast %reduce_min3A_2985 : i32 to vector<16xi32>
      %reduce_min3A_2987 = arith.xori %min3A_2982, %reduce_min3A_2986 : vector<16xi32>
      %reduce_min3A_2988 = tpu.scan <min>, %reduce_min3A_2987 masked %reduce_min3A_2984 : vector<16xi32>, vector<16xi1> -> vector<16xi32>
      %reduce_min3A_2989 = arith.xori %reduce_min3A_2988, %reduce_min3A_2986 : vector<16xi32>
      %reduce_min3A_2990 = vector.extract %reduce_min3A_2989[15] : i32 from vector<16xi32>
      %eq3A_2991 = vector.broadcast %reduce_min3A_2990 : i32 to vector<16xi32>
      %eq3A_2992 = arith.cmpi eq, %add3A_20, %eq3A_2991 : vector<16xi32>
      %jit3A_2993 = arith.constant -1.000000e+00 : f32
      %broadcast_in_dim3A_2994 = vector.broadcast %jit3A_2993 : f32 to vector<16xf32>
      %select_n3A_2995 = arith.select %eq3A_2992, %broadcast_in_dim3A_2994, %select_n3A_2884 : vector<16xi1>, vector<16xf32>
      %eq3A_2996 = vector.broadcast %reduce_min3A_2990 : i32 to vector<16xi32>
      %eq3A_2997 = arith.cmpi eq, %add3A_23, %eq3A_2996 : vector<16xi32>
      %jit3A_2998 = arith.constant -1.000000e+00 : f32
      %broadcast_in_dim3A_2999 = vector.broadcast %jit3A_2998 : f32 to vector<16xf32>
      %select_n3A_3000 = arith.select %eq3A_2997, %broadcast_in_dim3A_2999, %select_n3A_2889 : vector<16xi1>, vector<16xf32>
      %eq3A_3001 = vector.broadcast %reduce_min3A_2990 : i32 to vector<16xi32>
      %eq3A_3002 = arith.cmpi eq, %add3A_26, %eq3A_3001 : vector<16xi32>
      %jit3A_3003 = arith.constant -1.000000e+00 : f32
      %broadcast_in_dim3A_3004 = vector.broadcast %jit3A_3003 : f32 to vector<16xf32>
      %select_n3A_3005 = arith.select %eq3A_3002, %broadcast_in_dim3A_3004, %select_n3A_2894 : vector<16xi1>, vector<16xf32>
      %eq3A_3006 = vector.broadcast %reduce_min3A_2990 : i32 to vector<16xi32>
      %eq3A_3007 = arith.cmpi eq, %add3A_29, %eq3A_3006 : vector<16xi32>
      %jit3A_3008 = arith.constant -1.000000e+00 : f32
      %broadcast_in_dim3A_3009 = vector.broadcast %jit3A_3008 : f32 to vector<16xf32>
      %select_n3A_3010 = arith.select %eq3A_3007, %broadcast_in_dim3A_3009, %select_n3A_2899 : vector<16xi1>, vector<16xf32>
      %eq3A_3011 = vector.broadcast %reduce_min3A_2990 : i32 to vector<16xi32>
      %eq3A_3012 = arith.cmpi eq, %add3A_32, %eq3A_3011 : vector<16xi32>
      %jit3A_3013 = arith.constant -1.000000e+00 : f32
      %broadcast_in_dim3A_3014 = vector.broadcast %jit3A_3013 : f32 to vector<16xf32>
      %select_n3A_3015 = arith.select %eq3A_3012, %broadcast_in_dim3A_3014, %select_n3A_2904 : vector<16xi1>, vector<16xf32>
      %eq3A_3016 = vector.broadcast %reduce_min3A_2990 : i32 to vector<16xi32>
      %eq3A_3017 = arith.cmpi eq, %add3A_35, %eq3A_3016 : vector<16xi32>
      %jit3A_3018 = arith.constant -1.000000e+00 : f32
      %broadcast_in_dim3A_3019 = vector.broadcast %jit3A_3018 : f32 to vector<16xf32>
      %select_n3A_3020 = arith.select %eq3A_3017, %broadcast_in_dim3A_3019, %select_n3A_2909 : vector<16xi1>, vector<16xf32>
      %eq3A_3021 = vector.broadcast %reduce_min3A_2990 : i32 to vector<16xi32>
      %eq3A_3022 = arith.cmpi eq, %add3A_38, %eq3A_3021 : vector<16xi32>
      %jit3A_3023 = arith.constant -1.000000e+00 : f32
      %broadcast_in_dim3A_3024 = vector.broadcast %jit3A_3023 : f32 to vector<16xf32>
      %select_n3A_3025 = arith.select %eq3A_3022, %broadcast_in_dim3A_3024, %select_n3A_2914 : vector<16xi1>, vector<16xf32>
      %eq3A_3026 = vector.broadcast %reduce_min3A_2990 : i32 to vector<16xi32>
      %eq3A_3027 = arith.cmpi eq, %add3A_41, %eq3A_3026 : vector<16xi32>
      %jit3A_3028 = arith.constant -1.000000e+00 : f32
      %broadcast_in_dim3A_3029 = vector.broadcast %jit3A_3028 : f32 to vector<16xf32>
      %select_n3A_3030 = arith.select %eq3A_3027, %broadcast_in_dim3A_3029, %select_n3A_2919 : vector<16xi1>, vector<16xf32>
      %eq3A_3031 = arith.constant 10 : i32
      %eq3A_3032 = vector.broadcast %eq3A_3031 : i32 to vector<16xi32>
      %eq3A_3033 = arith.cmpi eq, %iota3A, %eq3A_3032 : vector<16xi32>
      %broadcast_in_dim3A_3034 = vector.broadcast %reduce_max3A_2935 : f32 to vector<16xf32>
      %select_n3A_3035 = arith.select %eq3A_3033, %broadcast_in_dim3A_3034, %select_n3A_2924 : vector<16xi1>, vector<16xf32>
      %max3A_3036 = arith.maximumf %select_n3A_2995, %select_n3A_3000 : vector<16xf32>
      %max3A_3037 = arith.maximumf %max3A_3036, %select_n3A_3005 : vector<16xf32>
      %max3A_3038 = arith.maximumf %max3A_3037, %select_n3A_3010 : vector<16xf32>
      %max3A_3039 = arith.maximumf %max3A_3038, %select_n3A_3015 : vector<16xf32>
      %max3A_3040 = arith.maximumf %max3A_3039, %select_n3A_3020 : vector<16xf32>
      %max3A_3041 = arith.maximumf %max3A_3040, %select_n3A_3025 : vector<16xf32>
      %max3A_3042 = arith.maximumf %max3A_3041, %select_n3A_3030 : vector<16xf32>
      %reduce_max3A_3043 = arith.constant true
      %reduce_max3A_3044 = vector.broadcast %reduce_max3A_3043 : i1 to vector<16xi1>
      %reduce_max3A_3045 = tpu.scan <max>, %max3A_3042 masked %reduce_max3A_3044 : vector<16xf32>, vector<16xi1> -> vector<16xf32>
      %reduce_max3A_3046 = vector.extract %reduce_max3A_3045[15] : f32 from vector<16xf32>
      %eq3A_3047 = vector.broadcast %reduce_max3A_3046 : f32 to vector<16xf32>
      %eq3A_3048 = arith.cmpf oeq, %select_n3A_2995, %eq3A_3047 : vector<16xf32>
      %jit3A_3049 = arith.constant 1073741824 : i32
      %broadcast_in_dim3A_3050 = vector.broadcast %jit3A_3049 : i32 to vector<16xi32>
      %select_n3A_3051 = arith.select %eq3A_3048, %add3A_20, %broadcast_in_dim3A_3050 : vector<16xi1>, vector<16xi32>
      %eq3A_3052 = vector.broadcast %reduce_max3A_3046 : f32 to vector<16xf32>
      %eq3A_3053 = arith.cmpf oeq, %select_n3A_3000, %eq3A_3052 : vector<16xf32>
      %jit3A_3054 = arith.constant 1073741824 : i32
      %broadcast_in_dim3A_3055 = vector.broadcast %jit3A_3054 : i32 to vector<16xi32>
      %select_n3A_3056 = arith.select %eq3A_3053, %add3A_23, %broadcast_in_dim3A_3055 : vector<16xi1>, vector<16xi32>
      %min3A_3057 = arith.minsi %select_n3A_3051, %select_n3A_3056 : vector<16xi32>
      %eq3A_3058 = vector.broadcast %reduce_max3A_3046 : f32 to vector<16xf32>
      %eq3A_3059 = arith.cmpf oeq, %select_n3A_3005, %eq3A_3058 : vector<16xf32>
      %jit3A_3060 = arith.constant 1073741824 : i32
      %broadcast_in_dim3A_3061 = vector.broadcast %jit3A_3060 : i32 to vector<16xi32>
      %select_n3A_3062 = arith.select %eq3A_3059, %add3A_26, %broadcast_in_dim3A_3061 : vector<16xi1>, vector<16xi32>
      %min3A_3063 = arith.minsi %min3A_3057, %select_n3A_3062 : vector<16xi32>
      %eq3A_3064 = vector.broadcast %reduce_max3A_3046 : f32 to vector<16xf32>
      %eq3A_3065 = arith.cmpf oeq, %select_n3A_3010, %eq3A_3064 : vector<16xf32>
      %jit3A_3066 = arith.constant 1073741824 : i32
      %broadcast_in_dim3A_3067 = vector.broadcast %jit3A_3066 : i32 to vector<16xi32>
      %select_n3A_3068 = arith.select %eq3A_3065, %add3A_29, %broadcast_in_dim3A_3067 : vector<16xi1>, vector<16xi32>
      %min3A_3069 = arith.minsi %min3A_3063, %select_n3A_3068 : vector<16xi32>
      %eq3A_3070 = vector.broadcast %reduce_max3A_3046 : f32 to vector<16xf32>
      %eq3A_3071 = arith.cmpf oeq, %select_n3A_3015, %eq3A_3070 : vector<16xf32>
      %jit3A_3072 = arith.constant 1073741824 : i32
      %broadcast_in_dim3A_3073 = vector.broadcast %jit3A_3072 : i32 to vector<16xi32>
      %select_n3A_3074 = arith.select %eq3A_3071, %add3A_32, %broadcast_in_dim3A_3073 : vector<16xi1>, vector<16xi32>
      %min3A_3075 = arith.minsi %min3A_3069, %select_n3A_3074 : vector<16xi32>
      %eq3A_3076 = vector.broadcast %reduce_max3A_3046 : f32 to vector<16xf32>
      %eq3A_3077 = arith.cmpf oeq, %select_n3A_3020, %eq3A_3076 : vector<16xf32>
      %jit3A_3078 = arith.constant 1073741824 : i32
      %broadcast_in_dim3A_3079 = vector.broadcast %jit3A_3078 : i32 to vector<16xi32>
      %select_n3A_3080 = arith.select %eq3A_3077, %add3A_35, %broadcast_in_dim3A_3079 : vector<16xi1>, vector<16xi32>
      %min3A_3081 = arith.minsi %min3A_3075, %select_n3A_3080 : vector<16xi32>
      %eq3A_3082 = vector.broadcast %reduce_max3A_3046 : f32 to vector<16xf32>
      %eq3A_3083 = arith.cmpf oeq, %select_n3A_3025, %eq3A_3082 : vector<16xf32>
      %jit3A_3084 = arith.constant 1073741824 : i32
      %broadcast_in_dim3A_3085 = vector.broadcast %jit3A_3084 : i32 to vector<16xi32>
      %select_n3A_3086 = arith.select %eq3A_3083, %add3A_38, %broadcast_in_dim3A_3085 : vector<16xi1>, vector<16xi32>
      %min3A_3087 = arith.minsi %min3A_3081, %select_n3A_3086 : vector<16xi32>
      %eq3A_3088 = vector.broadcast %reduce_max3A_3046 : f32 to vector<16xf32>
      %eq3A_3089 = arith.cmpf oeq, %select_n3A_3030, %eq3A_3088 : vector<16xf32>
      %jit3A_3090 = arith.constant 1073741824 : i32
      %broadcast_in_dim3A_3091 = vector.broadcast %jit3A_3090 : i32 to vector<16xi32>
      %select_n3A_3092 = arith.select %eq3A_3089, %add3A_41, %broadcast_in_dim3A_3091 : vector<16xi1>, vector<16xi32>
      %min3A_3093 = arith.minsi %min3A_3087, %select_n3A_3092 : vector<16xi32>
      %reduce_min3A_3094 = arith.constant true
      %reduce_min3A_3095 = vector.broadcast %reduce_min3A_3094 : i1 to vector<16xi1>
      %reduce_min3A_3096 = arith.constant -2147483648 : i32
      %reduce_min3A_3097 = vector.broadcast %reduce_min3A_3096 : i32 to vector<16xi32>
      %reduce_min3A_3098 = arith.xori %min3A_3093, %reduce_min3A_3097 : vector<16xi32>
      %reduce_min3A_3099 = tpu.scan <min>, %reduce_min3A_3098 masked %reduce_min3A_3095 : vector<16xi32>, vector<16xi1> -> vector<16xi32>
      %reduce_min3A_3100 = arith.xori %reduce_min3A_3099, %reduce_min3A_3097 : vector<16xi32>
      %reduce_min3A_3101 = vector.extract %reduce_min3A_3100[15] : i32 from vector<16xi32>
      %eq3A_3102 = vector.broadcast %reduce_min3A_3101 : i32 to vector<16xi32>
      %eq3A_3103 = arith.cmpi eq, %add3A_20, %eq3A_3102 : vector<16xi32>
      %jit3A_3104 = arith.constant -1.000000e+00 : f32
      %broadcast_in_dim3A_3105 = vector.broadcast %jit3A_3104 : f32 to vector<16xf32>
      %select_n3A_3106 = arith.select %eq3A_3103, %broadcast_in_dim3A_3105, %select_n3A_2995 : vector<16xi1>, vector<16xf32>
      %eq3A_3107 = vector.broadcast %reduce_min3A_3101 : i32 to vector<16xi32>
      %eq3A_3108 = arith.cmpi eq, %add3A_23, %eq3A_3107 : vector<16xi32>
      %jit3A_3109 = arith.constant -1.000000e+00 : f32
      %broadcast_in_dim3A_3110 = vector.broadcast %jit3A_3109 : f32 to vector<16xf32>
      %select_n3A_3111 = arith.select %eq3A_3108, %broadcast_in_dim3A_3110, %select_n3A_3000 : vector<16xi1>, vector<16xf32>
      %eq3A_3112 = vector.broadcast %reduce_min3A_3101 : i32 to vector<16xi32>
      %eq3A_3113 = arith.cmpi eq, %add3A_26, %eq3A_3112 : vector<16xi32>
      %jit3A_3114 = arith.constant -1.000000e+00 : f32
      %broadcast_in_dim3A_3115 = vector.broadcast %jit3A_3114 : f32 to vector<16xf32>
      %select_n3A_3116 = arith.select %eq3A_3113, %broadcast_in_dim3A_3115, %select_n3A_3005 : vector<16xi1>, vector<16xf32>
      %eq3A_3117 = vector.broadcast %reduce_min3A_3101 : i32 to vector<16xi32>
      %eq3A_3118 = arith.cmpi eq, %add3A_29, %eq3A_3117 : vector<16xi32>
      %jit3A_3119 = arith.constant -1.000000e+00 : f32
      %broadcast_in_dim3A_3120 = vector.broadcast %jit3A_3119 : f32 to vector<16xf32>
      %select_n3A_3121 = arith.select %eq3A_3118, %broadcast_in_dim3A_3120, %select_n3A_3010 : vector<16xi1>, vector<16xf32>
      %eq3A_3122 = vector.broadcast %reduce_min3A_3101 : i32 to vector<16xi32>
      %eq3A_3123 = arith.cmpi eq, %add3A_32, %eq3A_3122 : vector<16xi32>
      %jit3A_3124 = arith.constant -1.000000e+00 : f32
      %broadcast_in_dim3A_3125 = vector.broadcast %jit3A_3124 : f32 to vector<16xf32>
      %select_n3A_3126 = arith.select %eq3A_3123, %broadcast_in_dim3A_3125, %select_n3A_3015 : vector<16xi1>, vector<16xf32>
      %eq3A_3127 = vector.broadcast %reduce_min3A_3101 : i32 to vector<16xi32>
      %eq3A_3128 = arith.cmpi eq, %add3A_35, %eq3A_3127 : vector<16xi32>
      %jit3A_3129 = arith.constant -1.000000e+00 : f32
      %broadcast_in_dim3A_3130 = vector.broadcast %jit3A_3129 : f32 to vector<16xf32>
      %select_n3A_3131 = arith.select %eq3A_3128, %broadcast_in_dim3A_3130, %select_n3A_3020 : vector<16xi1>, vector<16xf32>
      %eq3A_3132 = vector.broadcast %reduce_min3A_3101 : i32 to vector<16xi32>
      %eq3A_3133 = arith.cmpi eq, %add3A_38, %eq3A_3132 : vector<16xi32>
      %jit3A_3134 = arith.constant -1.000000e+00 : f32
      %broadcast_in_dim3A_3135 = vector.broadcast %jit3A_3134 : f32 to vector<16xf32>
      %select_n3A_3136 = arith.select %eq3A_3133, %broadcast_in_dim3A_3135, %select_n3A_3025 : vector<16xi1>, vector<16xf32>
      %eq3A_3137 = vector.broadcast %reduce_min3A_3101 : i32 to vector<16xi32>
      %eq3A_3138 = arith.cmpi eq, %add3A_41, %eq3A_3137 : vector<16xi32>
      %jit3A_3139 = arith.constant -1.000000e+00 : f32
      %broadcast_in_dim3A_3140 = vector.broadcast %jit3A_3139 : f32 to vector<16xf32>
      %select_n3A_3141 = arith.select %eq3A_3138, %broadcast_in_dim3A_3140, %select_n3A_3030 : vector<16xi1>, vector<16xf32>
      %eq3A_3142 = arith.constant 11 : i32
      %eq3A_3143 = vector.broadcast %eq3A_3142 : i32 to vector<16xi32>
      %eq3A_3144 = arith.cmpi eq, %iota3A, %eq3A_3143 : vector<16xi32>
      %broadcast_in_dim3A_3145 = vector.broadcast %reduce_max3A_3046 : f32 to vector<16xf32>
      %select_n3A_3146 = arith.select %eq3A_3144, %broadcast_in_dim3A_3145, %select_n3A_3035 : vector<16xi1>, vector<16xf32>
      %max3A_3147 = arith.maximumf %select_n3A_3106, %select_n3A_3111 : vector<16xf32>
      %max3A_3148 = arith.maximumf %max3A_3147, %select_n3A_3116 : vector<16xf32>
      %max3A_3149 = arith.maximumf %max3A_3148, %select_n3A_3121 : vector<16xf32>
      %max3A_3150 = arith.maximumf %max3A_3149, %select_n3A_3126 : vector<16xf32>
      %max3A_3151 = arith.maximumf %max3A_3150, %select_n3A_3131 : vector<16xf32>
      %max3A_3152 = arith.maximumf %max3A_3151, %select_n3A_3136 : vector<16xf32>
      %max3A_3153 = arith.maximumf %max3A_3152, %select_n3A_3141 : vector<16xf32>
      %reduce_max3A_3154 = arith.constant true
      %reduce_max3A_3155 = vector.broadcast %reduce_max3A_3154 : i1 to vector<16xi1>
      %reduce_max3A_3156 = tpu.scan <max>, %max3A_3153 masked %reduce_max3A_3155 : vector<16xf32>, vector<16xi1> -> vector<16xf32>
      %reduce_max3A_3157 = vector.extract %reduce_max3A_3156[15] : f32 from vector<16xf32>
      %eq3A_3158 = vector.broadcast %reduce_max3A_3157 : f32 to vector<16xf32>
      %eq3A_3159 = arith.cmpf oeq, %select_n3A_3106, %eq3A_3158 : vector<16xf32>
      %jit3A_3160 = arith.constant 1073741824 : i32
      %broadcast_in_dim3A_3161 = vector.broadcast %jit3A_3160 : i32 to vector<16xi32>
      %select_n3A_3162 = arith.select %eq3A_3159, %add3A_20, %broadcast_in_dim3A_3161 : vector<16xi1>, vector<16xi32>
      %eq3A_3163 = vector.broadcast %reduce_max3A_3157 : f32 to vector<16xf32>
      %eq3A_3164 = arith.cmpf oeq, %select_n3A_3111, %eq3A_3163 : vector<16xf32>
      %jit3A_3165 = arith.constant 1073741824 : i32
      %broadcast_in_dim3A_3166 = vector.broadcast %jit3A_3165 : i32 to vector<16xi32>
      %select_n3A_3167 = arith.select %eq3A_3164, %add3A_23, %broadcast_in_dim3A_3166 : vector<16xi1>, vector<16xi32>
      %min3A_3168 = arith.minsi %select_n3A_3162, %select_n3A_3167 : vector<16xi32>
      %eq3A_3169 = vector.broadcast %reduce_max3A_3157 : f32 to vector<16xf32>
      %eq3A_3170 = arith.cmpf oeq, %select_n3A_3116, %eq3A_3169 : vector<16xf32>
      %jit3A_3171 = arith.constant 1073741824 : i32
      %broadcast_in_dim3A_3172 = vector.broadcast %jit3A_3171 : i32 to vector<16xi32>
      %select_n3A_3173 = arith.select %eq3A_3170, %add3A_26, %broadcast_in_dim3A_3172 : vector<16xi1>, vector<16xi32>
      %min3A_3174 = arith.minsi %min3A_3168, %select_n3A_3173 : vector<16xi32>
      %eq3A_3175 = vector.broadcast %reduce_max3A_3157 : f32 to vector<16xf32>
      %eq3A_3176 = arith.cmpf oeq, %select_n3A_3121, %eq3A_3175 : vector<16xf32>
      %jit3A_3177 = arith.constant 1073741824 : i32
      %broadcast_in_dim3A_3178 = vector.broadcast %jit3A_3177 : i32 to vector<16xi32>
      %select_n3A_3179 = arith.select %eq3A_3176, %add3A_29, %broadcast_in_dim3A_3178 : vector<16xi1>, vector<16xi32>
      %min3A_3180 = arith.minsi %min3A_3174, %select_n3A_3179 : vector<16xi32>
      %eq3A_3181 = vector.broadcast %reduce_max3A_3157 : f32 to vector<16xf32>
      %eq3A_3182 = arith.cmpf oeq, %select_n3A_3126, %eq3A_3181 : vector<16xf32>
      %jit3A_3183 = arith.constant 1073741824 : i32
      %broadcast_in_dim3A_3184 = vector.broadcast %jit3A_3183 : i32 to vector<16xi32>
      %select_n3A_3185 = arith.select %eq3A_3182, %add3A_32, %broadcast_in_dim3A_3184 : vector<16xi1>, vector<16xi32>
      %min3A_3186 = arith.minsi %min3A_3180, %select_n3A_3185 : vector<16xi32>
      %eq3A_3187 = vector.broadcast %reduce_max3A_3157 : f32 to vector<16xf32>
      %eq3A_3188 = arith.cmpf oeq, %select_n3A_3131, %eq3A_3187 : vector<16xf32>
      %jit3A_3189 = arith.constant 1073741824 : i32
      %broadcast_in_dim3A_3190 = vector.broadcast %jit3A_3189 : i32 to vector<16xi32>
      %select_n3A_3191 = arith.select %eq3A_3188, %add3A_35, %broadcast_in_dim3A_3190 : vector<16xi1>, vector<16xi32>
      %min3A_3192 = arith.minsi %min3A_3186, %select_n3A_3191 : vector<16xi32>
      %eq3A_3193 = vector.broadcast %reduce_max3A_3157 : f32 to vector<16xf32>
      %eq3A_3194 = arith.cmpf oeq, %select_n3A_3136, %eq3A_3193 : vector<16xf32>
      %jit3A_3195 = arith.constant 1073741824 : i32
      %broadcast_in_dim3A_3196 = vector.broadcast %jit3A_3195 : i32 to vector<16xi32>
      %select_n3A_3197 = arith.select %eq3A_3194, %add3A_38, %broadcast_in_dim3A_3196 : vector<16xi1>, vector<16xi32>
      %min3A_3198 = arith.minsi %min3A_3192, %select_n3A_3197 : vector<16xi32>
      %eq3A_3199 = vector.broadcast %reduce_max3A_3157 : f32 to vector<16xf32>
      %eq3A_3200 = arith.cmpf oeq, %select_n3A_3141, %eq3A_3199 : vector<16xf32>
      %jit3A_3201 = arith.constant 1073741824 : i32
      %broadcast_in_dim3A_3202 = vector.broadcast %jit3A_3201 : i32 to vector<16xi32>
      %select_n3A_3203 = arith.select %eq3A_3200, %add3A_41, %broadcast_in_dim3A_3202 : vector<16xi1>, vector<16xi32>
      %min3A_3204 = arith.minsi %min3A_3198, %select_n3A_3203 : vector<16xi32>
      %reduce_min3A_3205 = arith.constant true
      %reduce_min3A_3206 = vector.broadcast %reduce_min3A_3205 : i1 to vector<16xi1>
      %reduce_min3A_3207 = arith.constant -2147483648 : i32
      %reduce_min3A_3208 = vector.broadcast %reduce_min3A_3207 : i32 to vector<16xi32>
      %reduce_min3A_3209 = arith.xori %min3A_3204, %reduce_min3A_3208 : vector<16xi32>
      %reduce_min3A_3210 = tpu.scan <min>, %reduce_min3A_3209 masked %reduce_min3A_3206 : vector<16xi32>, vector<16xi1> -> vector<16xi32>
      %reduce_min3A_3211 = arith.xori %reduce_min3A_3210, %reduce_min3A_3208 : vector<16xi32>
      %reduce_min3A_3212 = vector.extract %reduce_min3A_3211[15] : i32 from vector<16xi32>
      %eq3A_3213 = vector.broadcast %reduce_min3A_3212 : i32 to vector<16xi32>
      %eq3A_3214 = arith.cmpi eq, %add3A_20, %eq3A_3213 : vector<16xi32>
      %jit3A_3215 = arith.constant -1.000000e+00 : f32
      %broadcast_in_dim3A_3216 = vector.broadcast %jit3A_3215 : f32 to vector<16xf32>
      %select_n3A_3217 = arith.select %eq3A_3214, %broadcast_in_dim3A_3216, %select_n3A_3106 : vector<16xi1>, vector<16xf32>
      %eq3A_3218 = vector.broadcast %reduce_min3A_3212 : i32 to vector<16xi32>
      %eq3A_3219 = arith.cmpi eq, %add3A_23, %eq3A_3218 : vector<16xi32>
      %jit3A_3220 = arith.constant -1.000000e+00 : f32
      %broadcast_in_dim3A_3221 = vector.broadcast %jit3A_3220 : f32 to vector<16xf32>
      %select_n3A_3222 = arith.select %eq3A_3219, %broadcast_in_dim3A_3221, %select_n3A_3111 : vector<16xi1>, vector<16xf32>
      %eq3A_3223 = vector.broadcast %reduce_min3A_3212 : i32 to vector<16xi32>
      %eq3A_3224 = arith.cmpi eq, %add3A_26, %eq3A_3223 : vector<16xi32>
      %jit3A_3225 = arith.constant -1.000000e+00 : f32
      %broadcast_in_dim3A_3226 = vector.broadcast %jit3A_3225 : f32 to vector<16xf32>
      %select_n3A_3227 = arith.select %eq3A_3224, %broadcast_in_dim3A_3226, %select_n3A_3116 : vector<16xi1>, vector<16xf32>
      %eq3A_3228 = vector.broadcast %reduce_min3A_3212 : i32 to vector<16xi32>
      %eq3A_3229 = arith.cmpi eq, %add3A_29, %eq3A_3228 : vector<16xi32>
      %jit3A_3230 = arith.constant -1.000000e+00 : f32
      %broadcast_in_dim3A_3231 = vector.broadcast %jit3A_3230 : f32 to vector<16xf32>
      %select_n3A_3232 = arith.select %eq3A_3229, %broadcast_in_dim3A_3231, %select_n3A_3121 : vector<16xi1>, vector<16xf32>
      %eq3A_3233 = vector.broadcast %reduce_min3A_3212 : i32 to vector<16xi32>
      %eq3A_3234 = arith.cmpi eq, %add3A_32, %eq3A_3233 : vector<16xi32>
      %jit3A_3235 = arith.constant -1.000000e+00 : f32
      %broadcast_in_dim3A_3236 = vector.broadcast %jit3A_3235 : f32 to vector<16xf32>
      %select_n3A_3237 = arith.select %eq3A_3234, %broadcast_in_dim3A_3236, %select_n3A_3126 : vector<16xi1>, vector<16xf32>
      %eq3A_3238 = vector.broadcast %reduce_min3A_3212 : i32 to vector<16xi32>
      %eq3A_3239 = arith.cmpi eq, %add3A_35, %eq3A_3238 : vector<16xi32>
      %jit3A_3240 = arith.constant -1.000000e+00 : f32
      %broadcast_in_dim3A_3241 = vector.broadcast %jit3A_3240 : f32 to vector<16xf32>
      %select_n3A_3242 = arith.select %eq3A_3239, %broadcast_in_dim3A_3241, %select_n3A_3131 : vector<16xi1>, vector<16xf32>
      %eq3A_3243 = vector.broadcast %reduce_min3A_3212 : i32 to vector<16xi32>
      %eq3A_3244 = arith.cmpi eq, %add3A_38, %eq3A_3243 : vector<16xi32>
      %jit3A_3245 = arith.constant -1.000000e+00 : f32
      %broadcast_in_dim3A_3246 = vector.broadcast %jit3A_3245 : f32 to vector<16xf32>
      %select_n3A_3247 = arith.select %eq3A_3244, %broadcast_in_dim3A_3246, %select_n3A_3136 : vector<16xi1>, vector<16xf32>
      %eq3A_3248 = vector.broadcast %reduce_min3A_3212 : i32 to vector<16xi32>
      %eq3A_3249 = arith.cmpi eq, %add3A_41, %eq3A_3248 : vector<16xi32>
      %jit3A_3250 = arith.constant -1.000000e+00 : f32
      %broadcast_in_dim3A_3251 = vector.broadcast %jit3A_3250 : f32 to vector<16xf32>
      %select_n3A_3252 = arith.select %eq3A_3249, %broadcast_in_dim3A_3251, %select_n3A_3141 : vector<16xi1>, vector<16xf32>
      %eq3A_3253 = arith.constant 12 : i32
      %eq3A_3254 = vector.broadcast %eq3A_3253 : i32 to vector<16xi32>
      %eq3A_3255 = arith.cmpi eq, %iota3A, %eq3A_3254 : vector<16xi32>
      %broadcast_in_dim3A_3256 = vector.broadcast %reduce_max3A_3157 : f32 to vector<16xf32>
      %select_n3A_3257 = arith.select %eq3A_3255, %broadcast_in_dim3A_3256, %select_n3A_3146 : vector<16xi1>, vector<16xf32>
      %max3A_3258 = arith.maximumf %select_n3A_3217, %select_n3A_3222 : vector<16xf32>
      %max3A_3259 = arith.maximumf %max3A_3258, %select_n3A_3227 : vector<16xf32>
      %max3A_3260 = arith.maximumf %max3A_3259, %select_n3A_3232 : vector<16xf32>
      %max3A_3261 = arith.maximumf %max3A_3260, %select_n3A_3237 : vector<16xf32>
      %max3A_3262 = arith.maximumf %max3A_3261, %select_n3A_3242 : vector<16xf32>
      %max3A_3263 = arith.maximumf %max3A_3262, %select_n3A_3247 : vector<16xf32>
      %max3A_3264 = arith.maximumf %max3A_3263, %select_n3A_3252 : vector<16xf32>
      %reduce_max3A_3265 = arith.constant true
      %reduce_max3A_3266 = vector.broadcast %reduce_max3A_3265 : i1 to vector<16xi1>
      %reduce_max3A_3267 = tpu.scan <max>, %max3A_3264 masked %reduce_max3A_3266 : vector<16xf32>, vector<16xi1> -> vector<16xf32>
      %reduce_max3A_3268 = vector.extract %reduce_max3A_3267[15] : f32 from vector<16xf32>
      %eq3A_3269 = vector.broadcast %reduce_max3A_3268 : f32 to vector<16xf32>
      %eq3A_3270 = arith.cmpf oeq, %select_n3A_3217, %eq3A_3269 : vector<16xf32>
      %jit3A_3271 = arith.constant 1073741824 : i32
      %broadcast_in_dim3A_3272 = vector.broadcast %jit3A_3271 : i32 to vector<16xi32>
      %select_n3A_3273 = arith.select %eq3A_3270, %add3A_20, %broadcast_in_dim3A_3272 : vector<16xi1>, vector<16xi32>
      %eq3A_3274 = vector.broadcast %reduce_max3A_3268 : f32 to vector<16xf32>
      %eq3A_3275 = arith.cmpf oeq, %select_n3A_3222, %eq3A_3274 : vector<16xf32>
      %jit3A_3276 = arith.constant 1073741824 : i32
      %broadcast_in_dim3A_3277 = vector.broadcast %jit3A_3276 : i32 to vector<16xi32>
      %select_n3A_3278 = arith.select %eq3A_3275, %add3A_23, %broadcast_in_dim3A_3277 : vector<16xi1>, vector<16xi32>
      %min3A_3279 = arith.minsi %select_n3A_3273, %select_n3A_3278 : vector<16xi32>
      %eq3A_3280 = vector.broadcast %reduce_max3A_3268 : f32 to vector<16xf32>
      %eq3A_3281 = arith.cmpf oeq, %select_n3A_3227, %eq3A_3280 : vector<16xf32>
      %jit3A_3282 = arith.constant 1073741824 : i32
      %broadcast_in_dim3A_3283 = vector.broadcast %jit3A_3282 : i32 to vector<16xi32>
      %select_n3A_3284 = arith.select %eq3A_3281, %add3A_26, %broadcast_in_dim3A_3283 : vector<16xi1>, vector<16xi32>
      %min3A_3285 = arith.minsi %min3A_3279, %select_n3A_3284 : vector<16xi32>
      %eq3A_3286 = vector.broadcast %reduce_max3A_3268 : f32 to vector<16xf32>
      %eq3A_3287 = arith.cmpf oeq, %select_n3A_3232, %eq3A_3286 : vector<16xf32>
      %jit3A_3288 = arith.constant 1073741824 : i32
      %broadcast_in_dim3A_3289 = vector.broadcast %jit3A_3288 : i32 to vector<16xi32>
      %select_n3A_3290 = arith.select %eq3A_3287, %add3A_29, %broadcast_in_dim3A_3289 : vector<16xi1>, vector<16xi32>
      %min3A_3291 = arith.minsi %min3A_3285, %select_n3A_3290 : vector<16xi32>
      %eq3A_3292 = vector.broadcast %reduce_max3A_3268 : f32 to vector<16xf32>
      %eq3A_3293 = arith.cmpf oeq, %select_n3A_3237, %eq3A_3292 : vector<16xf32>
      %jit3A_3294 = arith.constant 1073741824 : i32
      %broadcast_in_dim3A_3295 = vector.broadcast %jit3A_3294 : i32 to vector<16xi32>
      %select_n3A_3296 = arith.select %eq3A_3293, %add3A_32, %broadcast_in_dim3A_3295 : vector<16xi1>, vector<16xi32>
      %min3A_3297 = arith.minsi %min3A_3291, %select_n3A_3296 : vector<16xi32>
      %eq3A_3298 = vector.broadcast %reduce_max3A_3268 : f32 to vector<16xf32>
      %eq3A_3299 = arith.cmpf oeq, %select_n3A_3242, %eq3A_3298 : vector<16xf32>
      %jit3A_3300 = arith.constant 1073741824 : i32
      %broadcast_in_dim3A_3301 = vector.broadcast %jit3A_3300 : i32 to vector<16xi32>
      %select_n3A_3302 = arith.select %eq3A_3299, %add3A_35, %broadcast_in_dim3A_3301 : vector<16xi1>, vector<16xi32>
      %min3A_3303 = arith.minsi %min3A_3297, %select_n3A_3302 : vector<16xi32>
      %eq3A_3304 = vector.broadcast %reduce_max3A_3268 : f32 to vector<16xf32>
      %eq3A_3305 = arith.cmpf oeq, %select_n3A_3247, %eq3A_3304 : vector<16xf32>
      %jit3A_3306 = arith.constant 1073741824 : i32
      %broadcast_in_dim3A_3307 = vector.broadcast %jit3A_3306 : i32 to vector<16xi32>
      %select_n3A_3308 = arith.select %eq3A_3305, %add3A_38, %broadcast_in_dim3A_3307 : vector<16xi1>, vector<16xi32>
      %min3A_3309 = arith.minsi %min3A_3303, %select_n3A_3308 : vector<16xi32>
      %eq3A_3310 = vector.broadcast %reduce_max3A_3268 : f32 to vector<16xf32>
      %eq3A_3311 = arith.cmpf oeq, %select_n3A_3252, %eq3A_3310 : vector<16xf32>
      %jit3A_3312 = arith.constant 1073741824 : i32
      %broadcast_in_dim3A_3313 = vector.broadcast %jit3A_3312 : i32 to vector<16xi32>
      %select_n3A_3314 = arith.select %eq3A_3311, %add3A_41, %broadcast_in_dim3A_3313 : vector<16xi1>, vector<16xi32>
      %min3A_3315 = arith.minsi %min3A_3309, %select_n3A_3314 : vector<16xi32>
      %reduce_min3A_3316 = arith.constant true
      %reduce_min3A_3317 = vector.broadcast %reduce_min3A_3316 : i1 to vector<16xi1>
      %reduce_min3A_3318 = arith.constant -2147483648 : i32
      %reduce_min3A_3319 = vector.broadcast %reduce_min3A_3318 : i32 to vector<16xi32>
      %reduce_min3A_3320 = arith.xori %min3A_3315, %reduce_min3A_3319 : vector<16xi32>
      %reduce_min3A_3321 = tpu.scan <min>, %reduce_min3A_3320 masked %reduce_min3A_3317 : vector<16xi32>, vector<16xi1> -> vector<16xi32>
      %reduce_min3A_3322 = arith.xori %reduce_min3A_3321, %reduce_min3A_3319 : vector<16xi32>
      %reduce_min3A_3323 = vector.extract %reduce_min3A_3322[15] : i32 from vector<16xi32>
      %eq3A_3324 = vector.broadcast %reduce_min3A_3323 : i32 to vector<16xi32>
      %eq3A_3325 = arith.cmpi eq, %add3A_20, %eq3A_3324 : vector<16xi32>
      %jit3A_3326 = arith.constant -1.000000e+00 : f32
      %broadcast_in_dim3A_3327 = vector.broadcast %jit3A_3326 : f32 to vector<16xf32>
      %select_n3A_3328 = arith.select %eq3A_3325, %broadcast_in_dim3A_3327, %select_n3A_3217 : vector<16xi1>, vector<16xf32>
      %eq3A_3329 = vector.broadcast %reduce_min3A_3323 : i32 to vector<16xi32>
      %eq3A_3330 = arith.cmpi eq, %add3A_23, %eq3A_3329 : vector<16xi32>
      %jit3A_3331 = arith.constant -1.000000e+00 : f32
      %broadcast_in_dim3A_3332 = vector.broadcast %jit3A_3331 : f32 to vector<16xf32>
      %select_n3A_3333 = arith.select %eq3A_3330, %broadcast_in_dim3A_3332, %select_n3A_3222 : vector<16xi1>, vector<16xf32>
      %eq3A_3334 = vector.broadcast %reduce_min3A_3323 : i32 to vector<16xi32>
      %eq3A_3335 = arith.cmpi eq, %add3A_26, %eq3A_3334 : vector<16xi32>
      %jit3A_3336 = arith.constant -1.000000e+00 : f32
      %broadcast_in_dim3A_3337 = vector.broadcast %jit3A_3336 : f32 to vector<16xf32>
      %select_n3A_3338 = arith.select %eq3A_3335, %broadcast_in_dim3A_3337, %select_n3A_3227 : vector<16xi1>, vector<16xf32>
      %eq3A_3339 = vector.broadcast %reduce_min3A_3323 : i32 to vector<16xi32>
      %eq3A_3340 = arith.cmpi eq, %add3A_29, %eq3A_3339 : vector<16xi32>
      %jit3A_3341 = arith.constant -1.000000e+00 : f32
      %broadcast_in_dim3A_3342 = vector.broadcast %jit3A_3341 : f32 to vector<16xf32>
      %select_n3A_3343 = arith.select %eq3A_3340, %broadcast_in_dim3A_3342, %select_n3A_3232 : vector<16xi1>, vector<16xf32>
      %eq3A_3344 = vector.broadcast %reduce_min3A_3323 : i32 to vector<16xi32>
      %eq3A_3345 = arith.cmpi eq, %add3A_32, %eq3A_3344 : vector<16xi32>
      %jit3A_3346 = arith.constant -1.000000e+00 : f32
      %broadcast_in_dim3A_3347 = vector.broadcast %jit3A_3346 : f32 to vector<16xf32>
      %select_n3A_3348 = arith.select %eq3A_3345, %broadcast_in_dim3A_3347, %select_n3A_3237 : vector<16xi1>, vector<16xf32>
      %eq3A_3349 = vector.broadcast %reduce_min3A_3323 : i32 to vector<16xi32>
      %eq3A_3350 = arith.cmpi eq, %add3A_35, %eq3A_3349 : vector<16xi32>
      %jit3A_3351 = arith.constant -1.000000e+00 : f32
      %broadcast_in_dim3A_3352 = vector.broadcast %jit3A_3351 : f32 to vector<16xf32>
      %select_n3A_3353 = arith.select %eq3A_3350, %broadcast_in_dim3A_3352, %select_n3A_3242 : vector<16xi1>, vector<16xf32>
      %eq3A_3354 = vector.broadcast %reduce_min3A_3323 : i32 to vector<16xi32>
      %eq3A_3355 = arith.cmpi eq, %add3A_38, %eq3A_3354 : vector<16xi32>
      %jit3A_3356 = arith.constant -1.000000e+00 : f32
      %broadcast_in_dim3A_3357 = vector.broadcast %jit3A_3356 : f32 to vector<16xf32>
      %select_n3A_3358 = arith.select %eq3A_3355, %broadcast_in_dim3A_3357, %select_n3A_3247 : vector<16xi1>, vector<16xf32>
      %eq3A_3359 = vector.broadcast %reduce_min3A_3323 : i32 to vector<16xi32>
      %eq3A_3360 = arith.cmpi eq, %add3A_41, %eq3A_3359 : vector<16xi32>
      %jit3A_3361 = arith.constant -1.000000e+00 : f32
      %broadcast_in_dim3A_3362 = vector.broadcast %jit3A_3361 : f32 to vector<16xf32>
      %select_n3A_3363 = arith.select %eq3A_3360, %broadcast_in_dim3A_3362, %select_n3A_3252 : vector<16xi1>, vector<16xf32>
      %eq3A_3364 = arith.constant 13 : i32
      %eq3A_3365 = vector.broadcast %eq3A_3364 : i32 to vector<16xi32>
      %eq3A_3366 = arith.cmpi eq, %iota3A, %eq3A_3365 : vector<16xi32>
      %broadcast_in_dim3A_3367 = vector.broadcast %reduce_max3A_3268 : f32 to vector<16xf32>
      %select_n3A_3368 = arith.select %eq3A_3366, %broadcast_in_dim3A_3367, %select_n3A_3257 : vector<16xi1>, vector<16xf32>
      %max3A_3369 = arith.maximumf %select_n3A_3328, %select_n3A_3333 : vector<16xf32>
      %max3A_3370 = arith.maximumf %max3A_3369, %select_n3A_3338 : vector<16xf32>
      %max3A_3371 = arith.maximumf %max3A_3370, %select_n3A_3343 : vector<16xf32>
      %max3A_3372 = arith.maximumf %max3A_3371, %select_n3A_3348 : vector<16xf32>
      %max3A_3373 = arith.maximumf %max3A_3372, %select_n3A_3353 : vector<16xf32>
      %max3A_3374 = arith.maximumf %max3A_3373, %select_n3A_3358 : vector<16xf32>
      %max3A_3375 = arith.maximumf %max3A_3374, %select_n3A_3363 : vector<16xf32>
      %reduce_max3A_3376 = arith.constant true
      %reduce_max3A_3377 = vector.broadcast %reduce_max3A_3376 : i1 to vector<16xi1>
      %reduce_max3A_3378 = tpu.scan <max>, %max3A_3375 masked %reduce_max3A_3377 : vector<16xf32>, vector<16xi1> -> vector<16xf32>
      %reduce_max3A_3379 = vector.extract %reduce_max3A_3378[15] : f32 from vector<16xf32>
      %eq3A_3380 = vector.broadcast %reduce_max3A_3379 : f32 to vector<16xf32>
      %eq3A_3381 = arith.cmpf oeq, %select_n3A_3328, %eq3A_3380 : vector<16xf32>
      %jit3A_3382 = arith.constant 1073741824 : i32
      %broadcast_in_dim3A_3383 = vector.broadcast %jit3A_3382 : i32 to vector<16xi32>
      %select_n3A_3384 = arith.select %eq3A_3381, %add3A_20, %broadcast_in_dim3A_3383 : vector<16xi1>, vector<16xi32>
      %eq3A_3385 = vector.broadcast %reduce_max3A_3379 : f32 to vector<16xf32>
      %eq3A_3386 = arith.cmpf oeq, %select_n3A_3333, %eq3A_3385 : vector<16xf32>
      %jit3A_3387 = arith.constant 1073741824 : i32
      %broadcast_in_dim3A_3388 = vector.broadcast %jit3A_3387 : i32 to vector<16xi32>
      %select_n3A_3389 = arith.select %eq3A_3386, %add3A_23, %broadcast_in_dim3A_3388 : vector<16xi1>, vector<16xi32>
      %min3A_3390 = arith.minsi %select_n3A_3384, %select_n3A_3389 : vector<16xi32>
      %eq3A_3391 = vector.broadcast %reduce_max3A_3379 : f32 to vector<16xf32>
      %eq3A_3392 = arith.cmpf oeq, %select_n3A_3338, %eq3A_3391 : vector<16xf32>
      %jit3A_3393 = arith.constant 1073741824 : i32
      %broadcast_in_dim3A_3394 = vector.broadcast %jit3A_3393 : i32 to vector<16xi32>
      %select_n3A_3395 = arith.select %eq3A_3392, %add3A_26, %broadcast_in_dim3A_3394 : vector<16xi1>, vector<16xi32>
      %min3A_3396 = arith.minsi %min3A_3390, %select_n3A_3395 : vector<16xi32>
      %eq3A_3397 = vector.broadcast %reduce_max3A_3379 : f32 to vector<16xf32>
      %eq3A_3398 = arith.cmpf oeq, %select_n3A_3343, %eq3A_3397 : vector<16xf32>
      %jit3A_3399 = arith.constant 1073741824 : i32
      %broadcast_in_dim3A_3400 = vector.broadcast %jit3A_3399 : i32 to vector<16xi32>
      %select_n3A_3401 = arith.select %eq3A_3398, %add3A_29, %broadcast_in_dim3A_3400 : vector<16xi1>, vector<16xi32>
      %min3A_3402 = arith.minsi %min3A_3396, %select_n3A_3401 : vector<16xi32>
      %eq3A_3403 = vector.broadcast %reduce_max3A_3379 : f32 to vector<16xf32>
      %eq3A_3404 = arith.cmpf oeq, %select_n3A_3348, %eq3A_3403 : vector<16xf32>
      %jit3A_3405 = arith.constant 1073741824 : i32
      %broadcast_in_dim3A_3406 = vector.broadcast %jit3A_3405 : i32 to vector<16xi32>
      %select_n3A_3407 = arith.select %eq3A_3404, %add3A_32, %broadcast_in_dim3A_3406 : vector<16xi1>, vector<16xi32>
      %min3A_3408 = arith.minsi %min3A_3402, %select_n3A_3407 : vector<16xi32>
      %eq3A_3409 = vector.broadcast %reduce_max3A_3379 : f32 to vector<16xf32>
      %eq3A_3410 = arith.cmpf oeq, %select_n3A_3353, %eq3A_3409 : vector<16xf32>
      %jit3A_3411 = arith.constant 1073741824 : i32
      %broadcast_in_dim3A_3412 = vector.broadcast %jit3A_3411 : i32 to vector<16xi32>
      %select_n3A_3413 = arith.select %eq3A_3410, %add3A_35, %broadcast_in_dim3A_3412 : vector<16xi1>, vector<16xi32>
      %min3A_3414 = arith.minsi %min3A_3408, %select_n3A_3413 : vector<16xi32>
      %eq3A_3415 = vector.broadcast %reduce_max3A_3379 : f32 to vector<16xf32>
      %eq3A_3416 = arith.cmpf oeq, %select_n3A_3358, %eq3A_3415 : vector<16xf32>
      %jit3A_3417 = arith.constant 1073741824 : i32
      %broadcast_in_dim3A_3418 = vector.broadcast %jit3A_3417 : i32 to vector<16xi32>
      %select_n3A_3419 = arith.select %eq3A_3416, %add3A_38, %broadcast_in_dim3A_3418 : vector<16xi1>, vector<16xi32>
      %min3A_3420 = arith.minsi %min3A_3414, %select_n3A_3419 : vector<16xi32>
      %eq3A_3421 = vector.broadcast %reduce_max3A_3379 : f32 to vector<16xf32>
      %eq3A_3422 = arith.cmpf oeq, %select_n3A_3363, %eq3A_3421 : vector<16xf32>
      %jit3A_3423 = arith.constant 1073741824 : i32
      %broadcast_in_dim3A_3424 = vector.broadcast %jit3A_3423 : i32 to vector<16xi32>
      %select_n3A_3425 = arith.select %eq3A_3422, %add3A_41, %broadcast_in_dim3A_3424 : vector<16xi1>, vector<16xi32>
      %min3A_3426 = arith.minsi %min3A_3420, %select_n3A_3425 : vector<16xi32>
      %reduce_min3A_3427 = arith.constant true
      %reduce_min3A_3428 = vector.broadcast %reduce_min3A_3427 : i1 to vector<16xi1>
      %reduce_min3A_3429 = arith.constant -2147483648 : i32
      %reduce_min3A_3430 = vector.broadcast %reduce_min3A_3429 : i32 to vector<16xi32>
      %reduce_min3A_3431 = arith.xori %min3A_3426, %reduce_min3A_3430 : vector<16xi32>
      %reduce_min3A_3432 = tpu.scan <min>, %reduce_min3A_3431 masked %reduce_min3A_3428 : vector<16xi32>, vector<16xi1> -> vector<16xi32>
      %reduce_min3A_3433 = arith.xori %reduce_min3A_3432, %reduce_min3A_3430 : vector<16xi32>
      %reduce_min3A_3434 = vector.extract %reduce_min3A_3433[15] : i32 from vector<16xi32>
      %eq3A_3435 = vector.broadcast %reduce_min3A_3434 : i32 to vector<16xi32>
      %eq3A_3436 = arith.cmpi eq, %add3A_20, %eq3A_3435 : vector<16xi32>
      %jit3A_3437 = arith.constant -1.000000e+00 : f32
      %broadcast_in_dim3A_3438 = vector.broadcast %jit3A_3437 : f32 to vector<16xf32>
      %select_n3A_3439 = arith.select %eq3A_3436, %broadcast_in_dim3A_3438, %select_n3A_3328 : vector<16xi1>, vector<16xf32>
      %eq3A_3440 = vector.broadcast %reduce_min3A_3434 : i32 to vector<16xi32>
      %eq3A_3441 = arith.cmpi eq, %add3A_23, %eq3A_3440 : vector<16xi32>
      %jit3A_3442 = arith.constant -1.000000e+00 : f32
      %broadcast_in_dim3A_3443 = vector.broadcast %jit3A_3442 : f32 to vector<16xf32>
      %select_n3A_3444 = arith.select %eq3A_3441, %broadcast_in_dim3A_3443, %select_n3A_3333 : vector<16xi1>, vector<16xf32>
      %eq3A_3445 = vector.broadcast %reduce_min3A_3434 : i32 to vector<16xi32>
      %eq3A_3446 = arith.cmpi eq, %add3A_26, %eq3A_3445 : vector<16xi32>
      %jit3A_3447 = arith.constant -1.000000e+00 : f32
      %broadcast_in_dim3A_3448 = vector.broadcast %jit3A_3447 : f32 to vector<16xf32>
      %select_n3A_3449 = arith.select %eq3A_3446, %broadcast_in_dim3A_3448, %select_n3A_3338 : vector<16xi1>, vector<16xf32>
      %eq3A_3450 = vector.broadcast %reduce_min3A_3434 : i32 to vector<16xi32>
      %eq3A_3451 = arith.cmpi eq, %add3A_29, %eq3A_3450 : vector<16xi32>
      %jit3A_3452 = arith.constant -1.000000e+00 : f32
      %broadcast_in_dim3A_3453 = vector.broadcast %jit3A_3452 : f32 to vector<16xf32>
      %select_n3A_3454 = arith.select %eq3A_3451, %broadcast_in_dim3A_3453, %select_n3A_3343 : vector<16xi1>, vector<16xf32>
      %eq3A_3455 = vector.broadcast %reduce_min3A_3434 : i32 to vector<16xi32>
      %eq3A_3456 = arith.cmpi eq, %add3A_32, %eq3A_3455 : vector<16xi32>
      %jit3A_3457 = arith.constant -1.000000e+00 : f32
      %broadcast_in_dim3A_3458 = vector.broadcast %jit3A_3457 : f32 to vector<16xf32>
      %select_n3A_3459 = arith.select %eq3A_3456, %broadcast_in_dim3A_3458, %select_n3A_3348 : vector<16xi1>, vector<16xf32>
      %eq3A_3460 = vector.broadcast %reduce_min3A_3434 : i32 to vector<16xi32>
      %eq3A_3461 = arith.cmpi eq, %add3A_35, %eq3A_3460 : vector<16xi32>
      %jit3A_3462 = arith.constant -1.000000e+00 : f32
      %broadcast_in_dim3A_3463 = vector.broadcast %jit3A_3462 : f32 to vector<16xf32>
      %select_n3A_3464 = arith.select %eq3A_3461, %broadcast_in_dim3A_3463, %select_n3A_3353 : vector<16xi1>, vector<16xf32>
      %eq3A_3465 = vector.broadcast %reduce_min3A_3434 : i32 to vector<16xi32>
      %eq3A_3466 = arith.cmpi eq, %add3A_38, %eq3A_3465 : vector<16xi32>
      %jit3A_3467 = arith.constant -1.000000e+00 : f32
      %broadcast_in_dim3A_3468 = vector.broadcast %jit3A_3467 : f32 to vector<16xf32>
      %select_n3A_3469 = arith.select %eq3A_3466, %broadcast_in_dim3A_3468, %select_n3A_3358 : vector<16xi1>, vector<16xf32>
      %eq3A_3470 = vector.broadcast %reduce_min3A_3434 : i32 to vector<16xi32>
      %eq3A_3471 = arith.cmpi eq, %add3A_41, %eq3A_3470 : vector<16xi32>
      %jit3A_3472 = arith.constant -1.000000e+00 : f32
      %broadcast_in_dim3A_3473 = vector.broadcast %jit3A_3472 : f32 to vector<16xf32>
      %select_n3A_3474 = arith.select %eq3A_3471, %broadcast_in_dim3A_3473, %select_n3A_3363 : vector<16xi1>, vector<16xf32>
      %eq3A_3475 = arith.constant 14 : i32
      %eq3A_3476 = vector.broadcast %eq3A_3475 : i32 to vector<16xi32>
      %eq3A_3477 = arith.cmpi eq, %iota3A, %eq3A_3476 : vector<16xi32>
      %broadcast_in_dim3A_3478 = vector.broadcast %reduce_max3A_3379 : f32 to vector<16xf32>
      %select_n3A_3479 = arith.select %eq3A_3477, %broadcast_in_dim3A_3478, %select_n3A_3368 : vector<16xi1>, vector<16xf32>
      %max3A_3480 = arith.maximumf %select_n3A_3439, %select_n3A_3444 : vector<16xf32>
      %max3A_3481 = arith.maximumf %max3A_3480, %select_n3A_3449 : vector<16xf32>
      %max3A_3482 = arith.maximumf %max3A_3481, %select_n3A_3454 : vector<16xf32>
      %max3A_3483 = arith.maximumf %max3A_3482, %select_n3A_3459 : vector<16xf32>
      %max3A_3484 = arith.maximumf %max3A_3483, %select_n3A_3464 : vector<16xf32>
      %max3A_3485 = arith.maximumf %max3A_3484, %select_n3A_3469 : vector<16xf32>
      %max3A_3486 = arith.maximumf %max3A_3485, %select_n3A_3474 : vector<16xf32>
      %reduce_max3A_3487 = arith.constant true
      %reduce_max3A_3488 = vector.broadcast %reduce_max3A_3487 : i1 to vector<16xi1>
      %reduce_max3A_3489 = tpu.scan <max>, %max3A_3486 masked %reduce_max3A_3488 : vector<16xf32>, vector<16xi1> -> vector<16xf32>
      %reduce_max3A_3490 = vector.extract %reduce_max3A_3489[15] : f32 from vector<16xf32>
      %eq3A_3491 = vector.broadcast %reduce_max3A_3490 : f32 to vector<16xf32>
      %eq3A_3492 = arith.cmpf oeq, %select_n3A_3439, %eq3A_3491 : vector<16xf32>
      %jit3A_3493 = arith.constant 1073741824 : i32
      %broadcast_in_dim3A_3494 = vector.broadcast %jit3A_3493 : i32 to vector<16xi32>
      %select_n3A_3495 = arith.select %eq3A_3492, %add3A_20, %broadcast_in_dim3A_3494 : vector<16xi1>, vector<16xi32>
      %eq3A_3496 = vector.broadcast %reduce_max3A_3490 : f32 to vector<16xf32>
      %eq3A_3497 = arith.cmpf oeq, %select_n3A_3444, %eq3A_3496 : vector<16xf32>
      %jit3A_3498 = arith.constant 1073741824 : i32
      %broadcast_in_dim3A_3499 = vector.broadcast %jit3A_3498 : i32 to vector<16xi32>
      %select_n3A_3500 = arith.select %eq3A_3497, %add3A_23, %broadcast_in_dim3A_3499 : vector<16xi1>, vector<16xi32>
      %min3A_3501 = arith.minsi %select_n3A_3495, %select_n3A_3500 : vector<16xi32>
      %eq3A_3502 = vector.broadcast %reduce_max3A_3490 : f32 to vector<16xf32>
      %eq3A_3503 = arith.cmpf oeq, %select_n3A_3449, %eq3A_3502 : vector<16xf32>
      %jit3A_3504 = arith.constant 1073741824 : i32
      %broadcast_in_dim3A_3505 = vector.broadcast %jit3A_3504 : i32 to vector<16xi32>
      %select_n3A_3506 = arith.select %eq3A_3503, %add3A_26, %broadcast_in_dim3A_3505 : vector<16xi1>, vector<16xi32>
      %min3A_3507 = arith.minsi %min3A_3501, %select_n3A_3506 : vector<16xi32>
      %eq3A_3508 = vector.broadcast %reduce_max3A_3490 : f32 to vector<16xf32>
      %eq3A_3509 = arith.cmpf oeq, %select_n3A_3454, %eq3A_3508 : vector<16xf32>
      %jit3A_3510 = arith.constant 1073741824 : i32
      %broadcast_in_dim3A_3511 = vector.broadcast %jit3A_3510 : i32 to vector<16xi32>
      %select_n3A_3512 = arith.select %eq3A_3509, %add3A_29, %broadcast_in_dim3A_3511 : vector<16xi1>, vector<16xi32>
      %min3A_3513 = arith.minsi %min3A_3507, %select_n3A_3512 : vector<16xi32>
      %eq3A_3514 = vector.broadcast %reduce_max3A_3490 : f32 to vector<16xf32>
      %eq3A_3515 = arith.cmpf oeq, %select_n3A_3459, %eq3A_3514 : vector<16xf32>
      %jit3A_3516 = arith.constant 1073741824 : i32
      %broadcast_in_dim3A_3517 = vector.broadcast %jit3A_3516 : i32 to vector<16xi32>
      %select_n3A_3518 = arith.select %eq3A_3515, %add3A_32, %broadcast_in_dim3A_3517 : vector<16xi1>, vector<16xi32>
      %min3A_3519 = arith.minsi %min3A_3513, %select_n3A_3518 : vector<16xi32>
      %eq3A_3520 = vector.broadcast %reduce_max3A_3490 : f32 to vector<16xf32>
      %eq3A_3521 = arith.cmpf oeq, %select_n3A_3464, %eq3A_3520 : vector<16xf32>
      %jit3A_3522 = arith.constant 1073741824 : i32
      %broadcast_in_dim3A_3523 = vector.broadcast %jit3A_3522 : i32 to vector<16xi32>
      %select_n3A_3524 = arith.select %eq3A_3521, %add3A_35, %broadcast_in_dim3A_3523 : vector<16xi1>, vector<16xi32>
      %min3A_3525 = arith.minsi %min3A_3519, %select_n3A_3524 : vector<16xi32>
      %eq3A_3526 = vector.broadcast %reduce_max3A_3490 : f32 to vector<16xf32>
      %eq3A_3527 = arith.cmpf oeq, %select_n3A_3469, %eq3A_3526 : vector<16xf32>
      %jit3A_3528 = arith.constant 1073741824 : i32
      %broadcast_in_dim3A_3529 = vector.broadcast %jit3A_3528 : i32 to vector<16xi32>
      %select_n3A_3530 = arith.select %eq3A_3527, %add3A_38, %broadcast_in_dim3A_3529 : vector<16xi1>, vector<16xi32>
      %min3A_3531 = arith.minsi %min3A_3525, %select_n3A_3530 : vector<16xi32>
      %eq3A_3532 = vector.broadcast %reduce_max3A_3490 : f32 to vector<16xf32>
      %eq3A_3533 = arith.cmpf oeq, %select_n3A_3474, %eq3A_3532 : vector<16xf32>
      %jit3A_3534 = arith.constant 1073741824 : i32
      %broadcast_in_dim3A_3535 = vector.broadcast %jit3A_3534 : i32 to vector<16xi32>
      %select_n3A_3536 = arith.select %eq3A_3533, %add3A_41, %broadcast_in_dim3A_3535 : vector<16xi1>, vector<16xi32>
      %min3A_3537 = arith.minsi %min3A_3531, %select_n3A_3536 : vector<16xi32>
      %reduce_min3A_3538 = arith.constant true
      %reduce_min3A_3539 = vector.broadcast %reduce_min3A_3538 : i1 to vector<16xi1>
      %reduce_min3A_3540 = arith.constant -2147483648 : i32
      %reduce_min3A_3541 = vector.broadcast %reduce_min3A_3540 : i32 to vector<16xi32>
      %reduce_min3A_3542 = arith.xori %min3A_3537, %reduce_min3A_3541 : vector<16xi32>
      %reduce_min3A_3543 = tpu.scan <min>, %reduce_min3A_3542 masked %reduce_min3A_3539 : vector<16xi32>, vector<16xi1> -> vector<16xi32>
      %reduce_min3A_3544 = arith.xori %reduce_min3A_3543, %reduce_min3A_3541 : vector<16xi32>
      %reduce_min3A_3545 = vector.extract %reduce_min3A_3544[15] : i32 from vector<16xi32>
      %eq3A_3546 = vector.broadcast %reduce_min3A_3545 : i32 to vector<16xi32>
      %eq3A_3547 = arith.cmpi eq, %add3A_20, %eq3A_3546 : vector<16xi32>
      %jit3A_3548 = arith.constant -1.000000e+00 : f32
      %broadcast_in_dim3A_3549 = vector.broadcast %jit3A_3548 : f32 to vector<16xf32>
      %select_n3A_3550 = arith.select %eq3A_3547, %broadcast_in_dim3A_3549, %select_n3A_3439 : vector<16xi1>, vector<16xf32>
      %eq3A_3551 = vector.broadcast %reduce_min3A_3545 : i32 to vector<16xi32>
      %eq3A_3552 = arith.cmpi eq, %add3A_23, %eq3A_3551 : vector<16xi32>
      %jit3A_3553 = arith.constant -1.000000e+00 : f32
      %broadcast_in_dim3A_3554 = vector.broadcast %jit3A_3553 : f32 to vector<16xf32>
      %select_n3A_3555 = arith.select %eq3A_3552, %broadcast_in_dim3A_3554, %select_n3A_3444 : vector<16xi1>, vector<16xf32>
      %eq3A_3556 = vector.broadcast %reduce_min3A_3545 : i32 to vector<16xi32>
      %eq3A_3557 = arith.cmpi eq, %add3A_26, %eq3A_3556 : vector<16xi32>
      %jit3A_3558 = arith.constant -1.000000e+00 : f32
      %broadcast_in_dim3A_3559 = vector.broadcast %jit3A_3558 : f32 to vector<16xf32>
      %select_n3A_3560 = arith.select %eq3A_3557, %broadcast_in_dim3A_3559, %select_n3A_3449 : vector<16xi1>, vector<16xf32>
      %eq3A_3561 = vector.broadcast %reduce_min3A_3545 : i32 to vector<16xi32>
      %eq3A_3562 = arith.cmpi eq, %add3A_29, %eq3A_3561 : vector<16xi32>
      %jit3A_3563 = arith.constant -1.000000e+00 : f32
      %broadcast_in_dim3A_3564 = vector.broadcast %jit3A_3563 : f32 to vector<16xf32>
      %select_n3A_3565 = arith.select %eq3A_3562, %broadcast_in_dim3A_3564, %select_n3A_3454 : vector<16xi1>, vector<16xf32>
      %eq3A_3566 = vector.broadcast %reduce_min3A_3545 : i32 to vector<16xi32>
      %eq3A_3567 = arith.cmpi eq, %add3A_32, %eq3A_3566 : vector<16xi32>
      %jit3A_3568 = arith.constant -1.000000e+00 : f32
      %broadcast_in_dim3A_3569 = vector.broadcast %jit3A_3568 : f32 to vector<16xf32>
      %select_n3A_3570 = arith.select %eq3A_3567, %broadcast_in_dim3A_3569, %select_n3A_3459 : vector<16xi1>, vector<16xf32>
      %eq3A_3571 = vector.broadcast %reduce_min3A_3545 : i32 to vector<16xi32>
      %eq3A_3572 = arith.cmpi eq, %add3A_35, %eq3A_3571 : vector<16xi32>
      %jit3A_3573 = arith.constant -1.000000e+00 : f32
      %broadcast_in_dim3A_3574 = vector.broadcast %jit3A_3573 : f32 to vector<16xf32>
      %select_n3A_3575 = arith.select %eq3A_3572, %broadcast_in_dim3A_3574, %select_n3A_3464 : vector<16xi1>, vector<16xf32>
      %eq3A_3576 = vector.broadcast %reduce_min3A_3545 : i32 to vector<16xi32>
      %eq3A_3577 = arith.cmpi eq, %add3A_38, %eq3A_3576 : vector<16xi32>
      %jit3A_3578 = arith.constant -1.000000e+00 : f32
      %broadcast_in_dim3A_3579 = vector.broadcast %jit3A_3578 : f32 to vector<16xf32>
      %select_n3A_3580 = arith.select %eq3A_3577, %broadcast_in_dim3A_3579, %select_n3A_3469 : vector<16xi1>, vector<16xf32>
      %eq3A_3581 = vector.broadcast %reduce_min3A_3545 : i32 to vector<16xi32>
      %eq3A_3582 = arith.cmpi eq, %add3A_41, %eq3A_3581 : vector<16xi32>
      %jit3A_3583 = arith.constant -1.000000e+00 : f32
      %broadcast_in_dim3A_3584 = vector.broadcast %jit3A_3583 : f32 to vector<16xf32>
      %select_n3A_3585 = arith.select %eq3A_3582, %broadcast_in_dim3A_3584, %select_n3A_3474 : vector<16xi1>, vector<16xf32>
      %eq3A_3586 = arith.constant 15 : i32
      %eq3A_3587 = vector.broadcast %eq3A_3586 : i32 to vector<16xi32>
      %eq3A_3588 = arith.cmpi eq, %iota3A, %eq3A_3587 : vector<16xi32>
      %broadcast_in_dim3A_3589 = vector.broadcast %reduce_max3A_3490 : f32 to vector<16xf32>
      %select_n3A_3590 = arith.select %eq3A_3588, %broadcast_in_dim3A_3589, %select_n3A_3479 : vector<16xi1>, vector<16xf32>
      %swap3A = arith.constant 0 : index
      %swap3A_3591 = tpu.vector_load %arg5[%swap3A] {strides = array<i32>} : memref<32xf32, #tpu.memory_space<vmem>>, vector<16xf32>,
      tpu.vector_store %arg5[%swap3A], %select_n3A_1814 {strides = array<i32>} : memref<32xf32, #tpu.memory_space<vmem>>, vector<16xf32>,
      %swap3A_3592 = arith.constant 16 : index
      %swap3A_3593 = tpu.vector_load %arg5[%swap3A_3592] {strides = array<i32>} : memref<32xf32, #tpu.memory_space<vmem>>, vector<16xf32>,
      tpu.vector_store %arg5[%swap3A_3592], %select_n3A_3590 {strides = array<i32>} : memref<32xf32, #tpu.memory_space<vmem>>, vector<16xf32>,
      "tpu.region"() ({
        %run_scoped3A = tpu.sem_alloc : memref<!tpu.dma_semaphore, #tpu.memory_space<semaphore_mem>>
        tpu.enqueue_dma source(%arg5 : memref<32xf32, #tpu.memory_space<vmem>>) target(%arg3 : memref<32xf32, #tpu.memory_space<hbm>>) target_semaphore(%run_scoped3A : memref<!tpu.dma_semaphore, #tpu.memory_space<semaphore_mem>>)
        tpu.wait_dma2 semaphore(%run_scoped3A : memref<!tpu.dma_semaphore, #tpu.memory_space<semaphore_mem>>) src(%arg5 : memref<32xf32, #tpu.memory_space<vmem>>) dst(%arg3 : memref<32xf32, #tpu.memory_space<hbm>>)
        tpu.yield
      }) : () -> ()
    } else {
    }
    return
  }
}

module attributes {stable_mosaic.version = 14 : i64} {
  func.func @_mse_manual_body(%arg0: memref<128x2048x128xf32, #tpu.memory_space<any>>, %arg1: memref<128x2048x128xf32, #tpu.memory_space<any>>, %arg2: memref<128xf32, #tpu.memory_space<smem>>, %arg3: memref<6x2048x128xf32, #tpu.memory_space<vmem>>, %arg4: memref<6x2048x128xf32, #tpu.memory_space<vmem>>, %arg5: memref<6x!tpu.dma_semaphore, #tpu.memory_space<semaphore_mem>>, %arg6: memref<6x!tpu.dma_semaphore, #tpu.memory_space<semaphore_mem>>) attributes {dimension_semantics = [], scalar_prefetch = 0 : i64, scratch_operands = 4 : i64, tpu.core_type = #tpu.core_type<tc>} {
    %dma_start3A = arith.constant 0 : i32
    %dma_start3A_0 = arith.constant 0 : i32
    %dma_start3A_1 = arith.constant 0 : i32
    %dma_start3A_2 = tpu.memref_slice %arg5[%dma_start3A_1] : memref<6x!tpu.dma_semaphore, #tpu.memory_space<semaphore_mem>> -> memref<1x!tpu.dma_semaphore, #tpu.memory_space<semaphore_mem>>
    %dma_start3A_3 = tpu.memref_squeeze %dma_start3A_2 : memref<1x!tpu.dma_semaphore, #tpu.memory_space<semaphore_mem>> -> memref<!tpu.dma_semaphore, #tpu.memory_space<semaphore_mem>>
    %dma_start3A_4 = arith.constant 0 : i32
    %dma_start3A_5 = arith.constant 0 : i32
    %dma_start3A_6 = tpu.memref_slice %arg3[%dma_start3A_0, %dma_start3A_4, %dma_start3A_5] : memref<6x2048x128xf32, #tpu.memory_space<vmem>> -> memref<1x1024x128xf32, #tpu.memory_space<vmem>>
    %dma_start3A_7 = tpu.memref_squeeze %dma_start3A_6 : memref<1x1024x128xf32, #tpu.memory_space<vmem>> -> memref<1024x128xf32, #tpu.memory_space<vmem>>
    %dma_start3A_8 = arith.constant 0 : i32
    %dma_start3A_9 = arith.constant 0 : i32
    %dma_start3A_10 = tpu.memref_slice %arg0[%dma_start3A, %dma_start3A_8, %dma_start3A_9] : memref<128x2048x128xf32, #tpu.memory_space<any>> -> memref<1x1024x128xf32, #tpu.memory_space<any>>
    %dma_start3A_11 = tpu.memref_squeeze %dma_start3A_10 : memref<1x1024x128xf32, #tpu.memory_space<any>> -> memref<1024x128xf32, #tpu.memory_space<any>>
    tpu.enqueue_dma source(%dma_start3A_11 : memref<1024x128xf32, #tpu.memory_space<any>>) target(%dma_start3A_7 : memref<1024x128xf32, #tpu.memory_space<vmem>>) target_semaphore(%dma_start3A_3 : memref<!tpu.dma_semaphore, #tpu.memory_space<semaphore_mem>>)
    %dma_start3A_12 = arith.constant 0 : i32
    %dma_start3A_13 = arith.constant 0 : i32
    %dma_start3A_14 = arith.constant 0 : i32
    %dma_start3A_15 = tpu.memref_slice %arg5[%dma_start3A_14] : memref<6x!tpu.dma_semaphore, #tpu.memory_space<semaphore_mem>> -> memref<1x!tpu.dma_semaphore, #tpu.memory_space<semaphore_mem>>
    %dma_start3A_16 = tpu.memref_squeeze %dma_start3A_15 : memref<1x!tpu.dma_semaphore, #tpu.memory_space<semaphore_mem>> -> memref<!tpu.dma_semaphore, #tpu.memory_space<semaphore_mem>>
    %dma_start3A_17 = arith.constant 1024 : i32
    %dma_start3A_18 = arith.constant 0 : i32
    %dma_start3A_19 = tpu.memref_slice %arg3[%dma_start3A_13, %dma_start3A_17, %dma_start3A_18] : memref<6x2048x128xf32, #tpu.memory_space<vmem>> -> memref<1x1024x128xf32, #tpu.memory_space<vmem>>
    %dma_start3A_20 = tpu.memref_squeeze %dma_start3A_19 : memref<1x1024x128xf32, #tpu.memory_space<vmem>> -> memref<1024x128xf32, #tpu.memory_space<vmem>>
    %dma_start3A_21 = arith.constant 1024 : i32
    %dma_start3A_22 = arith.constant 0 : i32
    %dma_start3A_23 = tpu.memref_slice %arg0[%dma_start3A_12, %dma_start3A_21, %dma_start3A_22] : memref<128x2048x128xf32, #tpu.memory_space<any>> -> memref<1x1024x128xf32, #tpu.memory_space<any>>
    %dma_start3A_24 = tpu.memref_squeeze %dma_start3A_23 : memref<1x1024x128xf32, #tpu.memory_space<any>> -> memref<1024x128xf32, #tpu.memory_space<any>>
    tpu.enqueue_dma source(%dma_start3A_24 : memref<1024x128xf32, #tpu.memory_space<any>>) target(%dma_start3A_20 : memref<1024x128xf32, #tpu.memory_space<vmem>>) target_semaphore(%dma_start3A_16 : memref<!tpu.dma_semaphore, #tpu.memory_space<semaphore_mem>>)
    %dma_start3A_25 = arith.constant 0 : i32
    %dma_start3A_26 = arith.constant 0 : i32
    %dma_start3A_27 = arith.constant 0 : i32
    %dma_start3A_28 = tpu.memref_slice %arg6[%dma_start3A_27] : memref<6x!tpu.dma_semaphore, #tpu.memory_space<semaphore_mem>> -> memref<1x!tpu.dma_semaphore, #tpu.memory_space<semaphore_mem>>
    %dma_start3A_29 = tpu.memref_squeeze %dma_start3A_28 : memref<1x!tpu.dma_semaphore, #tpu.memory_space<semaphore_mem>> -> memref<!tpu.dma_semaphore, #tpu.memory_space<semaphore_mem>>
    %dma_start3A_30 = arith.constant 0 : i32
    %dma_start3A_31 = arith.constant 0 : i32
    %dma_start3A_32 = tpu.memref_slice %arg4[%dma_start3A_26, %dma_start3A_30, %dma_start3A_31] : memref<6x2048x128xf32, #tpu.memory_space<vmem>> -> memref<1x1024x128xf32, #tpu.memory_space<vmem>>
    %dma_start3A_33 = tpu.memref_squeeze %dma_start3A_32 : memref<1x1024x128xf32, #tpu.memory_space<vmem>> -> memref<1024x128xf32, #tpu.memory_space<vmem>>
    %dma_start3A_34 = arith.constant 0 : i32
    %dma_start3A_35 = arith.constant 0 : i32
    %dma_start3A_36 = tpu.memref_slice %arg1[%dma_start3A_25, %dma_start3A_34, %dma_start3A_35] : memref<128x2048x128xf32, #tpu.memory_space<any>> -> memref<1x1024x128xf32, #tpu.memory_space<any>>
    %dma_start3A_37 = tpu.memref_squeeze %dma_start3A_36 : memref<1x1024x128xf32, #tpu.memory_space<any>> -> memref<1024x128xf32, #tpu.memory_space<any>>
    tpu.enqueue_dma source(%dma_start3A_37 : memref<1024x128xf32, #tpu.memory_space<any>>) target(%dma_start3A_33 : memref<1024x128xf32, #tpu.memory_space<vmem>>) target_semaphore(%dma_start3A_29 : memref<!tpu.dma_semaphore, #tpu.memory_space<semaphore_mem>>)
    %dma_start3A_38 = arith.constant 0 : i32
    %dma_start3A_39 = arith.constant 0 : i32
    %dma_start3A_40 = arith.constant 0 : i32
    %dma_start3A_41 = tpu.memref_slice %arg6[%dma_start3A_40] : memref<6x!tpu.dma_semaphore, #tpu.memory_space<semaphore_mem>> -> memref<1x!tpu.dma_semaphore, #tpu.memory_space<semaphore_mem>>
    %dma_start3A_42 = tpu.memref_squeeze %dma_start3A_41 : memref<1x!tpu.dma_semaphore, #tpu.memory_space<semaphore_mem>> -> memref<!tpu.dma_semaphore, #tpu.memory_space<semaphore_mem>>
    %dma_start3A_43 = arith.constant 1024 : i32
    %dma_start3A_44 = arith.constant 0 : i32
    %dma_start3A_45 = tpu.memref_slice %arg4[%dma_start3A_39, %dma_start3A_43, %dma_start3A_44] : memref<6x2048x128xf32, #tpu.memory_space<vmem>> -> memref<1x1024x128xf32, #tpu.memory_space<vmem>>
    %dma_start3A_46 = tpu.memref_squeeze %dma_start3A_45 : memref<1x1024x128xf32, #tpu.memory_space<vmem>> -> memref<1024x128xf32, #tpu.memory_space<vmem>>
    %dma_start3A_47 = arith.constant 1024 : i32
    %dma_start3A_48 = arith.constant 0 : i32
    %dma_start3A_49 = tpu.memref_slice %arg1[%dma_start3A_38, %dma_start3A_47, %dma_start3A_48] : memref<128x2048x128xf32, #tpu.memory_space<any>> -> memref<1x1024x128xf32, #tpu.memory_space<any>>
    %dma_start3A_50 = tpu.memref_squeeze %dma_start3A_49 : memref<1x1024x128xf32, #tpu.memory_space<any>> -> memref<1024x128xf32, #tpu.memory_space<any>>
    tpu.enqueue_dma source(%dma_start3A_50 : memref<1024x128xf32, #tpu.memory_space<any>>) target(%dma_start3A_46 : memref<1024x128xf32, #tpu.memory_space<vmem>>) target_semaphore(%dma_start3A_42 : memref<!tpu.dma_semaphore, #tpu.memory_space<semaphore_mem>>)
    %dma_start3A_51 = arith.constant 1 : i32
    %dma_start3A_52 = arith.constant 1 : i32
    %dma_start3A_53 = arith.constant 1 : i32
    %dma_start3A_54 = tpu.memref_slice %arg5[%dma_start3A_53] : memref<6x!tpu.dma_semaphore, #tpu.memory_space<semaphore_mem>> -> memref<1x!tpu.dma_semaphore, #tpu.memory_space<semaphore_mem>>
    %dma_start3A_55 = tpu.memref_squeeze %dma_start3A_54 : memref<1x!tpu.dma_semaphore, #tpu.memory_space<semaphore_mem>> -> memref<!tpu.dma_semaphore, #tpu.memory_space<semaphore_mem>>
    %dma_start3A_56 = arith.constant 0 : i32
    %dma_start3A_57 = arith.constant 0 : i32
    %dma_start3A_58 = tpu.memref_slice %arg3[%dma_start3A_52, %dma_start3A_56, %dma_start3A_57] : memref<6x2048x128xf32, #tpu.memory_space<vmem>> -> memref<1x1024x128xf32, #tpu.memory_space<vmem>>
    %dma_start3A_59 = tpu.memref_squeeze %dma_start3A_58 : memref<1x1024x128xf32, #tpu.memory_space<vmem>> -> memref<1024x128xf32, #tpu.memory_space<vmem>>
    %dma_start3A_60 = arith.constant 0 : i32
    %dma_start3A_61 = arith.constant 0 : i32
    %dma_start3A_62 = tpu.memref_slice %arg0[%dma_start3A_51, %dma_start3A_60, %dma_start3A_61] : memref<128x2048x128xf32, #tpu.memory_space<any>> -> memref<1x1024x128xf32, #tpu.memory_space<any>>
    %dma_start3A_63 = tpu.memref_squeeze %dma_start3A_62 : memref<1x1024x128xf32, #tpu.memory_space<any>> -> memref<1024x128xf32, #tpu.memory_space<any>>
    tpu.enqueue_dma source(%dma_start3A_63 : memref<1024x128xf32, #tpu.memory_space<any>>) target(%dma_start3A_59 : memref<1024x128xf32, #tpu.memory_space<vmem>>) target_semaphore(%dma_start3A_55 : memref<!tpu.dma_semaphore, #tpu.memory_space<semaphore_mem>>)
    %dma_start3A_64 = arith.constant 1 : i32
    %dma_start3A_65 = arith.constant 1 : i32
    %dma_start3A_66 = arith.constant 1 : i32
    %dma_start3A_67 = tpu.memref_slice %arg5[%dma_start3A_66] : memref<6x!tpu.dma_semaphore, #tpu.memory_space<semaphore_mem>> -> memref<1x!tpu.dma_semaphore, #tpu.memory_space<semaphore_mem>>
    %dma_start3A_68 = tpu.memref_squeeze %dma_start3A_67 : memref<1x!tpu.dma_semaphore, #tpu.memory_space<semaphore_mem>> -> memref<!tpu.dma_semaphore, #tpu.memory_space<semaphore_mem>>
    %dma_start3A_69 = arith.constant 1024 : i32
    %dma_start3A_70 = arith.constant 0 : i32
    %dma_start3A_71 = tpu.memref_slice %arg3[%dma_start3A_65, %dma_start3A_69, %dma_start3A_70] : memref<6x2048x128xf32, #tpu.memory_space<vmem>> -> memref<1x1024x128xf32, #tpu.memory_space<vmem>>
    %dma_start3A_72 = tpu.memref_squeeze %dma_start3A_71 : memref<1x1024x128xf32, #tpu.memory_space<vmem>> -> memref<1024x128xf32, #tpu.memory_space<vmem>>
    %dma_start3A_73 = arith.constant 1024 : i32
    %dma_start3A_74 = arith.constant 0 : i32
    %dma_start3A_75 = tpu.memref_slice %arg0[%dma_start3A_64, %dma_start3A_73, %dma_start3A_74] : memref<128x2048x128xf32, #tpu.memory_space<any>> -> memref<1x1024x128xf32, #tpu.memory_space<any>>
    %dma_start3A_76 = tpu.memref_squeeze %dma_start3A_75 : memref<1x1024x128xf32, #tpu.memory_space<any>> -> memref<1024x128xf32, #tpu.memory_space<any>>
    tpu.enqueue_dma source(%dma_start3A_76 : memref<1024x128xf32, #tpu.memory_space<any>>) target(%dma_start3A_72 : memref<1024x128xf32, #tpu.memory_space<vmem>>) target_semaphore(%dma_start3A_68 : memref<!tpu.dma_semaphore, #tpu.memory_space<semaphore_mem>>)
    %dma_start3A_77 = arith.constant 1 : i32
    %dma_start3A_78 = arith.constant 1 : i32
    %dma_start3A_79 = arith.constant 1 : i32
    %dma_start3A_80 = tpu.memref_slice %arg6[%dma_start3A_79] : memref<6x!tpu.dma_semaphore, #tpu.memory_space<semaphore_mem>> -> memref<1x!tpu.dma_semaphore, #tpu.memory_space<semaphore_mem>>
    %dma_start3A_81 = tpu.memref_squeeze %dma_start3A_80 : memref<1x!tpu.dma_semaphore, #tpu.memory_space<semaphore_mem>> -> memref<!tpu.dma_semaphore, #tpu.memory_space<semaphore_mem>>
    %dma_start3A_82 = arith.constant 0 : i32
    %dma_start3A_83 = arith.constant 0 : i32
    %dma_start3A_84 = tpu.memref_slice %arg4[%dma_start3A_78, %dma_start3A_82, %dma_start3A_83] : memref<6x2048x128xf32, #tpu.memory_space<vmem>> -> memref<1x1024x128xf32, #tpu.memory_space<vmem>>
    %dma_start3A_85 = tpu.memref_squeeze %dma_start3A_84 : memref<1x1024x128xf32, #tpu.memory_space<vmem>> -> memref<1024x128xf32, #tpu.memory_space<vmem>>
    %dma_start3A_86 = arith.constant 0 : i32
    %dma_start3A_87 = arith.constant 0 : i32
    %dma_start3A_88 = tpu.memref_slice %arg1[%dma_start3A_77, %dma_start3A_86, %dma_start3A_87] : memref<128x2048x128xf32, #tpu.memory_space<any>> -> memref<1x1024x128xf32, #tpu.memory_space<any>>
    %dma_start3A_89 = tpu.memref_squeeze %dma_start3A_88 : memref<1x1024x128xf32, #tpu.memory_space<any>> -> memref<1024x128xf32, #tpu.memory_space<any>>
    tpu.enqueue_dma source(%dma_start3A_89 : memref<1024x128xf32, #tpu.memory_space<any>>) target(%dma_start3A_85 : memref<1024x128xf32, #tpu.memory_space<vmem>>) target_semaphore(%dma_start3A_81 : memref<!tpu.dma_semaphore, #tpu.memory_space<semaphore_mem>>)
    %dma_start3A_90 = arith.constant 1 : i32
    %dma_start3A_91 = arith.constant 1 : i32
    %dma_start3A_92 = arith.constant 1 : i32
    %dma_start3A_93 = tpu.memref_slice %arg6[%dma_start3A_92] : memref<6x!tpu.dma_semaphore, #tpu.memory_space<semaphore_mem>> -> memref<1x!tpu.dma_semaphore, #tpu.memory_space<semaphore_mem>>
    %dma_start3A_94 = tpu.memref_squeeze %dma_start3A_93 : memref<1x!tpu.dma_semaphore, #tpu.memory_space<semaphore_mem>> -> memref<!tpu.dma_semaphore, #tpu.memory_space<semaphore_mem>>
    %dma_start3A_95 = arith.constant 1024 : i32
    %dma_start3A_96 = arith.constant 0 : i32
    %dma_start3A_97 = tpu.memref_slice %arg4[%dma_start3A_91, %dma_start3A_95, %dma_start3A_96] : memref<6x2048x128xf32, #tpu.memory_space<vmem>> -> memref<1x1024x128xf32, #tpu.memory_space<vmem>>
    %dma_start3A_98 = tpu.memref_squeeze %dma_start3A_97 : memref<1x1024x128xf32, #tpu.memory_space<vmem>> -> memref<1024x128xf32, #tpu.memory_space<vmem>>
    %dma_start3A_99 = arith.constant 1024 : i32
    %dma_start3A_100 = arith.constant 0 : i32
    %dma_start3A_101 = tpu.memref_slice %arg1[%dma_start3A_90, %dma_start3A_99, %dma_start3A_100] : memref<128x2048x128xf32, #tpu.memory_space<any>> -> memref<1x1024x128xf32, #tpu.memory_space<any>>
    %dma_start3A_102 = tpu.memref_squeeze %dma_start3A_101 : memref<1x1024x128xf32, #tpu.memory_space<any>> -> memref<1024x128xf32, #tpu.memory_space<any>>
    tpu.enqueue_dma source(%dma_start3A_102 : memref<1024x128xf32, #tpu.memory_space<any>>) target(%dma_start3A_98 : memref<1024x128xf32, #tpu.memory_space<vmem>>) target_semaphore(%dma_start3A_94 : memref<!tpu.dma_semaphore, #tpu.memory_space<semaphore_mem>>)
    %dma_start3A_103 = arith.constant 2 : i32
    %dma_start3A_104 = arith.constant 2 : i32
    %dma_start3A_105 = arith.constant 2 : i32
    %dma_start3A_106 = tpu.memref_slice %arg5[%dma_start3A_105] : memref<6x!tpu.dma_semaphore, #tpu.memory_space<semaphore_mem>> -> memref<1x!tpu.dma_semaphore, #tpu.memory_space<semaphore_mem>>
    %dma_start3A_107 = tpu.memref_squeeze %dma_start3A_106 : memref<1x!tpu.dma_semaphore, #tpu.memory_space<semaphore_mem>> -> memref<!tpu.dma_semaphore, #tpu.memory_space<semaphore_mem>>
    %dma_start3A_108 = arith.constant 0 : i32
    %dma_start3A_109 = arith.constant 0 : i32
    %dma_start3A_110 = tpu.memref_slice %arg3[%dma_start3A_104, %dma_start3A_108, %dma_start3A_109] : memref<6x2048x128xf32, #tpu.memory_space<vmem>> -> memref<1x1024x128xf32, #tpu.memory_space<vmem>>
    %dma_start3A_111 = tpu.memref_squeeze %dma_start3A_110 : memref<1x1024x128xf32, #tpu.memory_space<vmem>> -> memref<1024x128xf32, #tpu.memory_space<vmem>>
    %dma_start3A_112 = arith.constant 0 : i32
    %dma_start3A_113 = arith.constant 0 : i32
    %dma_start3A_114 = tpu.memref_slice %arg0[%dma_start3A_103, %dma_start3A_112, %dma_start3A_113] : memref<128x2048x128xf32, #tpu.memory_space<any>> -> memref<1x1024x128xf32, #tpu.memory_space<any>>
    %dma_start3A_115 = tpu.memref_squeeze %dma_start3A_114 : memref<1x1024x128xf32, #tpu.memory_space<any>> -> memref<1024x128xf32, #tpu.memory_space<any>>
    tpu.enqueue_dma source(%dma_start3A_115 : memref<1024x128xf32, #tpu.memory_space<any>>) target(%dma_start3A_111 : memref<1024x128xf32, #tpu.memory_space<vmem>>) target_semaphore(%dma_start3A_107 : memref<!tpu.dma_semaphore, #tpu.memory_space<semaphore_mem>>)
    %dma_start3A_116 = arith.constant 2 : i32
    %dma_start3A_117 = arith.constant 2 : i32
    %dma_start3A_118 = arith.constant 2 : i32
    %dma_start3A_119 = tpu.memref_slice %arg5[%dma_start3A_118] : memref<6x!tpu.dma_semaphore, #tpu.memory_space<semaphore_mem>> -> memref<1x!tpu.dma_semaphore, #tpu.memory_space<semaphore_mem>>
    %dma_start3A_120 = tpu.memref_squeeze %dma_start3A_119 : memref<1x!tpu.dma_semaphore, #tpu.memory_space<semaphore_mem>> -> memref<!tpu.dma_semaphore, #tpu.memory_space<semaphore_mem>>
    %dma_start3A_121 = arith.constant 1024 : i32
    %dma_start3A_122 = arith.constant 0 : i32
    %dma_start3A_123 = tpu.memref_slice %arg3[%dma_start3A_117, %dma_start3A_121, %dma_start3A_122] : memref<6x2048x128xf32, #tpu.memory_space<vmem>> -> memref<1x1024x128xf32, #tpu.memory_space<vmem>>
    %dma_start3A_124 = tpu.memref_squeeze %dma_start3A_123 : memref<1x1024x128xf32, #tpu.memory_space<vmem>> -> memref<1024x128xf32, #tpu.memory_space<vmem>>
    %dma_start3A_125 = arith.constant 1024 : i32
    %dma_start3A_126 = arith.constant 0 : i32
    %dma_start3A_127 = tpu.memref_slice %arg0[%dma_start3A_116, %dma_start3A_125, %dma_start3A_126] : memref<128x2048x128xf32, #tpu.memory_space<any>> -> memref<1x1024x128xf32, #tpu.memory_space<any>>
    %dma_start3A_128 = tpu.memref_squeeze %dma_start3A_127 : memref<1x1024x128xf32, #tpu.memory_space<any>> -> memref<1024x128xf32, #tpu.memory_space<any>>
    tpu.enqueue_dma source(%dma_start3A_128 : memref<1024x128xf32, #tpu.memory_space<any>>) target(%dma_start3A_124 : memref<1024x128xf32, #tpu.memory_space<vmem>>) target_semaphore(%dma_start3A_120 : memref<!tpu.dma_semaphore, #tpu.memory_space<semaphore_mem>>)
    %dma_start3A_129 = arith.constant 2 : i32
    %dma_start3A_130 = arith.constant 2 : i32
    %dma_start3A_131 = arith.constant 2 : i32
    %dma_start3A_132 = tpu.memref_slice %arg6[%dma_start3A_131] : memref<6x!tpu.dma_semaphore, #tpu.memory_space<semaphore_mem>> -> memref<1x!tpu.dma_semaphore, #tpu.memory_space<semaphore_mem>>
    %dma_start3A_133 = tpu.memref_squeeze %dma_start3A_132 : memref<1x!tpu.dma_semaphore, #tpu.memory_space<semaphore_mem>> -> memref<!tpu.dma_semaphore, #tpu.memory_space<semaphore_mem>>
    %dma_start3A_134 = arith.constant 0 : i32
    %dma_start3A_135 = arith.constant 0 : i32
    %dma_start3A_136 = tpu.memref_slice %arg4[%dma_start3A_130, %dma_start3A_134, %dma_start3A_135] : memref<6x2048x128xf32, #tpu.memory_space<vmem>> -> memref<1x1024x128xf32, #tpu.memory_space<vmem>>
    %dma_start3A_137 = tpu.memref_squeeze %dma_start3A_136 : memref<1x1024x128xf32, #tpu.memory_space<vmem>> -> memref<1024x128xf32, #tpu.memory_space<vmem>>
    %dma_start3A_138 = arith.constant 0 : i32
    %dma_start3A_139 = arith.constant 0 : i32
    %dma_start3A_140 = tpu.memref_slice %arg1[%dma_start3A_129, %dma_start3A_138, %dma_start3A_139] : memref<128x2048x128xf32, #tpu.memory_space<any>> -> memref<1x1024x128xf32, #tpu.memory_space<any>>
    %dma_start3A_141 = tpu.memref_squeeze %dma_start3A_140 : memref<1x1024x128xf32, #tpu.memory_space<any>> -> memref<1024x128xf32, #tpu.memory_space<any>>
    tpu.enqueue_dma source(%dma_start3A_141 : memref<1024x128xf32, #tpu.memory_space<any>>) target(%dma_start3A_137 : memref<1024x128xf32, #tpu.memory_space<vmem>>) target_semaphore(%dma_start3A_133 : memref<!tpu.dma_semaphore, #tpu.memory_space<semaphore_mem>>)
    %dma_start3A_142 = arith.constant 2 : i32
    %dma_start3A_143 = arith.constant 2 : i32
    %dma_start3A_144 = arith.constant 2 : i32
    %dma_start3A_145 = tpu.memref_slice %arg6[%dma_start3A_144] : memref<6x!tpu.dma_semaphore, #tpu.memory_space<semaphore_mem>> -> memref<1x!tpu.dma_semaphore, #tpu.memory_space<semaphore_mem>>
    %dma_start3A_146 = tpu.memref_squeeze %dma_start3A_145 : memref<1x!tpu.dma_semaphore, #tpu.memory_space<semaphore_mem>> -> memref<!tpu.dma_semaphore, #tpu.memory_space<semaphore_mem>>
    %dma_start3A_147 = arith.constant 1024 : i32
    %dma_start3A_148 = arith.constant 0 : i32
    %dma_start3A_149 = tpu.memref_slice %arg4[%dma_start3A_143, %dma_start3A_147, %dma_start3A_148] : memref<6x2048x128xf32, #tpu.memory_space<vmem>> -> memref<1x1024x128xf32, #tpu.memory_space<vmem>>
    %dma_start3A_150 = tpu.memref_squeeze %dma_start3A_149 : memref<1x1024x128xf32, #tpu.memory_space<vmem>> -> memref<1024x128xf32, #tpu.memory_space<vmem>>
    %dma_start3A_151 = arith.constant 1024 : i32
    %dma_start3A_152 = arith.constant 0 : i32
    %dma_start3A_153 = tpu.memref_slice %arg1[%dma_start3A_142, %dma_start3A_151, %dma_start3A_152] : memref<128x2048x128xf32, #tpu.memory_space<any>> -> memref<1x1024x128xf32, #tpu.memory_space<any>>
    %dma_start3A_154 = tpu.memref_squeeze %dma_start3A_153 : memref<1x1024x128xf32, #tpu.memory_space<any>> -> memref<1024x128xf32, #tpu.memory_space<any>>
    tpu.enqueue_dma source(%dma_start3A_154 : memref<1024x128xf32, #tpu.memory_space<any>>) target(%dma_start3A_150 : memref<1024x128xf32, #tpu.memory_space<vmem>>) target_semaphore(%dma_start3A_146 : memref<!tpu.dma_semaphore, #tpu.memory_space<semaphore_mem>>)
    %dma_start3A_155 = arith.constant 3 : i32
    %dma_start3A_156 = arith.constant 3 : i32
    %dma_start3A_157 = arith.constant 3 : i32
    %dma_start3A_158 = tpu.memref_slice %arg5[%dma_start3A_157] : memref<6x!tpu.dma_semaphore, #tpu.memory_space<semaphore_mem>> -> memref<1x!tpu.dma_semaphore, #tpu.memory_space<semaphore_mem>>
    %dma_start3A_159 = tpu.memref_squeeze %dma_start3A_158 : memref<1x!tpu.dma_semaphore, #tpu.memory_space<semaphore_mem>> -> memref<!tpu.dma_semaphore, #tpu.memory_space<semaphore_mem>>
    %dma_start3A_160 = arith.constant 0 : i32
    %dma_start3A_161 = arith.constant 0 : i32
    %dma_start3A_162 = tpu.memref_slice %arg3[%dma_start3A_156, %dma_start3A_160, %dma_start3A_161] : memref<6x2048x128xf32, #tpu.memory_space<vmem>> -> memref<1x1024x128xf32, #tpu.memory_space<vmem>>
    %dma_start3A_163 = tpu.memref_squeeze %dma_start3A_162 : memref<1x1024x128xf32, #tpu.memory_space<vmem>> -> memref<1024x128xf32, #tpu.memory_space<vmem>>
    %dma_start3A_164 = arith.constant 0 : i32
    %dma_start3A_165 = arith.constant 0 : i32
    %dma_start3A_166 = tpu.memref_slice %arg0[%dma_start3A_155, %dma_start3A_164, %dma_start3A_165] : memref<128x2048x128xf32, #tpu.memory_space<any>> -> memref<1x1024x128xf32, #tpu.memory_space<any>>
    %dma_start3A_167 = tpu.memref_squeeze %dma_start3A_166 : memref<1x1024x128xf32, #tpu.memory_space<any>> -> memref<1024x128xf32, #tpu.memory_space<any>>
    tpu.enqueue_dma source(%dma_start3A_167 : memref<1024x128xf32, #tpu.memory_space<any>>) target(%dma_start3A_163 : memref<1024x128xf32, #tpu.memory_space<vmem>>) target_semaphore(%dma_start3A_159 : memref<!tpu.dma_semaphore, #tpu.memory_space<semaphore_mem>>)
    %dma_start3A_168 = arith.constant 3 : i32
    %dma_start3A_169 = arith.constant 3 : i32
    %dma_start3A_170 = arith.constant 3 : i32
    %dma_start3A_171 = tpu.memref_slice %arg5[%dma_start3A_170] : memref<6x!tpu.dma_semaphore, #tpu.memory_space<semaphore_mem>> -> memref<1x!tpu.dma_semaphore, #tpu.memory_space<semaphore_mem>>
    %dma_start3A_172 = tpu.memref_squeeze %dma_start3A_171 : memref<1x!tpu.dma_semaphore, #tpu.memory_space<semaphore_mem>> -> memref<!tpu.dma_semaphore, #tpu.memory_space<semaphore_mem>>
    %dma_start3A_173 = arith.constant 1024 : i32
    %dma_start3A_174 = arith.constant 0 : i32
    %dma_start3A_175 = tpu.memref_slice %arg3[%dma_start3A_169, %dma_start3A_173, %dma_start3A_174] : memref<6x2048x128xf32, #tpu.memory_space<vmem>> -> memref<1x1024x128xf32, #tpu.memory_space<vmem>>
    %dma_start3A_176 = tpu.memref_squeeze %dma_start3A_175 : memref<1x1024x128xf32, #tpu.memory_space<vmem>> -> memref<1024x128xf32, #tpu.memory_space<vmem>>
    %dma_start3A_177 = arith.constant 1024 : i32
    %dma_start3A_178 = arith.constant 0 : i32
    %dma_start3A_179 = tpu.memref_slice %arg0[%dma_start3A_168, %dma_start3A_177, %dma_start3A_178] : memref<128x2048x128xf32, #tpu.memory_space<any>> -> memref<1x1024x128xf32, #tpu.memory_space<any>>
    %dma_start3A_180 = tpu.memref_squeeze %dma_start3A_179 : memref<1x1024x128xf32, #tpu.memory_space<any>> -> memref<1024x128xf32, #tpu.memory_space<any>>
    tpu.enqueue_dma source(%dma_start3A_180 : memref<1024x128xf32, #tpu.memory_space<any>>) target(%dma_start3A_176 : memref<1024x128xf32, #tpu.memory_space<vmem>>) target_semaphore(%dma_start3A_172 : memref<!tpu.dma_semaphore, #tpu.memory_space<semaphore_mem>>)
    %dma_start3A_181 = arith.constant 3 : i32
    %dma_start3A_182 = arith.constant 3 : i32
    %dma_start3A_183 = arith.constant 3 : i32
    %dma_start3A_184 = tpu.memref_slice %arg6[%dma_start3A_183] : memref<6x!tpu.dma_semaphore, #tpu.memory_space<semaphore_mem>> -> memref<1x!tpu.dma_semaphore, #tpu.memory_space<semaphore_mem>>
    %dma_start3A_185 = tpu.memref_squeeze %dma_start3A_184 : memref<1x!tpu.dma_semaphore, #tpu.memory_space<semaphore_mem>> -> memref<!tpu.dma_semaphore, #tpu.memory_space<semaphore_mem>>
    %dma_start3A_186 = arith.constant 0 : i32
    %dma_start3A_187 = arith.constant 0 : i32
    %dma_start3A_188 = tpu.memref_slice %arg4[%dma_start3A_182, %dma_start3A_186, %dma_start3A_187] : memref<6x2048x128xf32, #tpu.memory_space<vmem>> -> memref<1x1024x128xf32, #tpu.memory_space<vmem>>
    %dma_start3A_189 = tpu.memref_squeeze %dma_start3A_188 : memref<1x1024x128xf32, #tpu.memory_space<vmem>> -> memref<1024x128xf32, #tpu.memory_space<vmem>>
    %dma_start3A_190 = arith.constant 0 : i32
    %dma_start3A_191 = arith.constant 0 : i32
    %dma_start3A_192 = tpu.memref_slice %arg1[%dma_start3A_181, %dma_start3A_190, %dma_start3A_191] : memref<128x2048x128xf32, #tpu.memory_space<any>> -> memref<1x1024x128xf32, #tpu.memory_space<any>>
    %dma_start3A_193 = tpu.memref_squeeze %dma_start3A_192 : memref<1x1024x128xf32, #tpu.memory_space<any>> -> memref<1024x128xf32, #tpu.memory_space<any>>
    tpu.enqueue_dma source(%dma_start3A_193 : memref<1024x128xf32, #tpu.memory_space<any>>) target(%dma_start3A_189 : memref<1024x128xf32, #tpu.memory_space<vmem>>) target_semaphore(%dma_start3A_185 : memref<!tpu.dma_semaphore, #tpu.memory_space<semaphore_mem>>)
    %dma_start3A_194 = arith.constant 3 : i32
    %dma_start3A_195 = arith.constant 3 : i32
    %dma_start3A_196 = arith.constant 3 : i32
    %dma_start3A_197 = tpu.memref_slice %arg6[%dma_start3A_196] : memref<6x!tpu.dma_semaphore, #tpu.memory_space<semaphore_mem>> -> memref<1x!tpu.dma_semaphore, #tpu.memory_space<semaphore_mem>>
    %dma_start3A_198 = tpu.memref_squeeze %dma_start3A_197 : memref<1x!tpu.dma_semaphore, #tpu.memory_space<semaphore_mem>> -> memref<!tpu.dma_semaphore, #tpu.memory_space<semaphore_mem>>
    %dma_start3A_199 = arith.constant 1024 : i32
    %dma_start3A_200 = arith.constant 0 : i32
    %dma_start3A_201 = tpu.memref_slice %arg4[%dma_start3A_195, %dma_start3A_199, %dma_start3A_200] : memref<6x2048x128xf32, #tpu.memory_space<vmem>> -> memref<1x1024x128xf32, #tpu.memory_space<vmem>>
    %dma_start3A_202 = tpu.memref_squeeze %dma_start3A_201 : memref<1x1024x128xf32, #tpu.memory_space<vmem>> -> memref<1024x128xf32, #tpu.memory_space<vmem>>
    %dma_start3A_203 = arith.constant 1024 : i32
    %dma_start3A_204 = arith.constant 0 : i32
    %dma_start3A_205 = tpu.memref_slice %arg1[%dma_start3A_194, %dma_start3A_203, %dma_start3A_204] : memref<128x2048x128xf32, #tpu.memory_space<any>> -> memref<1x1024x128xf32, #tpu.memory_space<any>>
    %dma_start3A_206 = tpu.memref_squeeze %dma_start3A_205 : memref<1x1024x128xf32, #tpu.memory_space<any>> -> memref<1024x128xf32, #tpu.memory_space<any>>
    tpu.enqueue_dma source(%dma_start3A_206 : memref<1024x128xf32, #tpu.memory_space<any>>) target(%dma_start3A_202 : memref<1024x128xf32, #tpu.memory_space<vmem>>) target_semaphore(%dma_start3A_198 : memref<!tpu.dma_semaphore, #tpu.memory_space<semaphore_mem>>)
    %dma_start3A_207 = arith.constant 4 : i32
    %dma_start3A_208 = arith.constant 4 : i32
    %dma_start3A_209 = arith.constant 4 : i32
    %dma_start3A_210 = tpu.memref_slice %arg5[%dma_start3A_209] : memref<6x!tpu.dma_semaphore, #tpu.memory_space<semaphore_mem>> -> memref<1x!tpu.dma_semaphore, #tpu.memory_space<semaphore_mem>>
    %dma_start3A_211 = tpu.memref_squeeze %dma_start3A_210 : memref<1x!tpu.dma_semaphore, #tpu.memory_space<semaphore_mem>> -> memref<!tpu.dma_semaphore, #tpu.memory_space<semaphore_mem>>
    %dma_start3A_212 = arith.constant 0 : i32
    %dma_start3A_213 = arith.constant 0 : i32
    %dma_start3A_214 = tpu.memref_slice %arg3[%dma_start3A_208, %dma_start3A_212, %dma_start3A_213] : memref<6x2048x128xf32, #tpu.memory_space<vmem>> -> memref<1x1024x128xf32, #tpu.memory_space<vmem>>
    %dma_start3A_215 = tpu.memref_squeeze %dma_start3A_214 : memref<1x1024x128xf32, #tpu.memory_space<vmem>> -> memref<1024x128xf32, #tpu.memory_space<vmem>>
    %dma_start3A_216 = arith.constant 0 : i32
    %dma_start3A_217 = arith.constant 0 : i32
    %dma_start3A_218 = tpu.memref_slice %arg0[%dma_start3A_207, %dma_start3A_216, %dma_start3A_217] : memref<128x2048x128xf32, #tpu.memory_space<any>> -> memref<1x1024x128xf32, #tpu.memory_space<any>>
    %dma_start3A_219 = tpu.memref_squeeze %dma_start3A_218 : memref<1x1024x128xf32, #tpu.memory_space<any>> -> memref<1024x128xf32, #tpu.memory_space<any>>
    tpu.enqueue_dma source(%dma_start3A_219 : memref<1024x128xf32, #tpu.memory_space<any>>) target(%dma_start3A_215 : memref<1024x128xf32, #tpu.memory_space<vmem>>) target_semaphore(%dma_start3A_211 : memref<!tpu.dma_semaphore, #tpu.memory_space<semaphore_mem>>)
    %dma_start3A_220 = arith.constant 4 : i32
    %dma_start3A_221 = arith.constant 4 : i32
    %dma_start3A_222 = arith.constant 4 : i32
    %dma_start3A_223 = tpu.memref_slice %arg5[%dma_start3A_222] : memref<6x!tpu.dma_semaphore, #tpu.memory_space<semaphore_mem>> -> memref<1x!tpu.dma_semaphore, #tpu.memory_space<semaphore_mem>>
    %dma_start3A_224 = tpu.memref_squeeze %dma_start3A_223 : memref<1x!tpu.dma_semaphore, #tpu.memory_space<semaphore_mem>> -> memref<!tpu.dma_semaphore, #tpu.memory_space<semaphore_mem>>
    %dma_start3A_225 = arith.constant 1024 : i32
    %dma_start3A_226 = arith.constant 0 : i32
    %dma_start3A_227 = tpu.memref_slice %arg3[%dma_start3A_221, %dma_start3A_225, %dma_start3A_226] : memref<6x2048x128xf32, #tpu.memory_space<vmem>> -> memref<1x1024x128xf32, #tpu.memory_space<vmem>>
    %dma_start3A_228 = tpu.memref_squeeze %dma_start3A_227 : memref<1x1024x128xf32, #tpu.memory_space<vmem>> -> memref<1024x128xf32, #tpu.memory_space<vmem>>
    %dma_start3A_229 = arith.constant 1024 : i32
    %dma_start3A_230 = arith.constant 0 : i32
    %dma_start3A_231 = tpu.memref_slice %arg0[%dma_start3A_220, %dma_start3A_229, %dma_start3A_230] : memref<128x2048x128xf32, #tpu.memory_space<any>> -> memref<1x1024x128xf32, #tpu.memory_space<any>>
    %dma_start3A_232 = tpu.memref_squeeze %dma_start3A_231 : memref<1x1024x128xf32, #tpu.memory_space<any>> -> memref<1024x128xf32, #tpu.memory_space<any>>
    tpu.enqueue_dma source(%dma_start3A_232 : memref<1024x128xf32, #tpu.memory_space<any>>) target(%dma_start3A_228 : memref<1024x128xf32, #tpu.memory_space<vmem>>) target_semaphore(%dma_start3A_224 : memref<!tpu.dma_semaphore, #tpu.memory_space<semaphore_mem>>)
    %dma_start3A_233 = arith.constant 4 : i32
    %dma_start3A_234 = arith.constant 4 : i32
    %dma_start3A_235 = arith.constant 4 : i32
    %dma_start3A_236 = tpu.memref_slice %arg6[%dma_start3A_235] : memref<6x!tpu.dma_semaphore, #tpu.memory_space<semaphore_mem>> -> memref<1x!tpu.dma_semaphore, #tpu.memory_space<semaphore_mem>>
    %dma_start3A_237 = tpu.memref_squeeze %dma_start3A_236 : memref<1x!tpu.dma_semaphore, #tpu.memory_space<semaphore_mem>> -> memref<!tpu.dma_semaphore, #tpu.memory_space<semaphore_mem>>
    %dma_start3A_238 = arith.constant 0 : i32
    %dma_start3A_239 = arith.constant 0 : i32
    %dma_start3A_240 = tpu.memref_slice %arg4[%dma_start3A_234, %dma_start3A_238, %dma_start3A_239] : memref<6x2048x128xf32, #tpu.memory_space<vmem>> -> memref<1x1024x128xf32, #tpu.memory_space<vmem>>
    %dma_start3A_241 = tpu.memref_squeeze %dma_start3A_240 : memref<1x1024x128xf32, #tpu.memory_space<vmem>> -> memref<1024x128xf32, #tpu.memory_space<vmem>>
    %dma_start3A_242 = arith.constant 0 : i32
    %dma_start3A_243 = arith.constant 0 : i32
    %dma_start3A_244 = tpu.memref_slice %arg1[%dma_start3A_233, %dma_start3A_242, %dma_start3A_243] : memref<128x2048x128xf32, #tpu.memory_space<any>> -> memref<1x1024x128xf32, #tpu.memory_space<any>>
    %dma_start3A_245 = tpu.memref_squeeze %dma_start3A_244 : memref<1x1024x128xf32, #tpu.memory_space<any>> -> memref<1024x128xf32, #tpu.memory_space<any>>
    tpu.enqueue_dma source(%dma_start3A_245 : memref<1024x128xf32, #tpu.memory_space<any>>) target(%dma_start3A_241 : memref<1024x128xf32, #tpu.memory_space<vmem>>) target_semaphore(%dma_start3A_237 : memref<!tpu.dma_semaphore, #tpu.memory_space<semaphore_mem>>)
    %dma_start3A_246 = arith.constant 4 : i32
    %dma_start3A_247 = arith.constant 4 : i32
    %dma_start3A_248 = arith.constant 4 : i32
    %dma_start3A_249 = tpu.memref_slice %arg6[%dma_start3A_248] : memref<6x!tpu.dma_semaphore, #tpu.memory_space<semaphore_mem>> -> memref<1x!tpu.dma_semaphore, #tpu.memory_space<semaphore_mem>>
    %dma_start3A_250 = tpu.memref_squeeze %dma_start3A_249 : memref<1x!tpu.dma_semaphore, #tpu.memory_space<semaphore_mem>> -> memref<!tpu.dma_semaphore, #tpu.memory_space<semaphore_mem>>
    %dma_start3A_251 = arith.constant 1024 : i32
    %dma_start3A_252 = arith.constant 0 : i32
    %dma_start3A_253 = tpu.memref_slice %arg4[%dma_start3A_247, %dma_start3A_251, %dma_start3A_252] : memref<6x2048x128xf32, #tpu.memory_space<vmem>> -> memref<1x1024x128xf32, #tpu.memory_space<vmem>>
    %dma_start3A_254 = tpu.memref_squeeze %dma_start3A_253 : memref<1x1024x128xf32, #tpu.memory_space<vmem>> -> memref<1024x128xf32, #tpu.memory_space<vmem>>
    %dma_start3A_255 = arith.constant 1024 : i32
    %dma_start3A_256 = arith.constant 0 : i32
    %dma_start3A_257 = tpu.memref_slice %arg1[%dma_start3A_246, %dma_start3A_255, %dma_start3A_256] : memref<128x2048x128xf32, #tpu.memory_space<any>> -> memref<1x1024x128xf32, #tpu.memory_space<any>>
    %dma_start3A_258 = tpu.memref_squeeze %dma_start3A_257 : memref<1x1024x128xf32, #tpu.memory_space<any>> -> memref<1024x128xf32, #tpu.memory_space<any>>
    tpu.enqueue_dma source(%dma_start3A_258 : memref<1024x128xf32, #tpu.memory_space<any>>) target(%dma_start3A_254 : memref<1024x128xf32, #tpu.memory_space<vmem>>) target_semaphore(%dma_start3A_250 : memref<!tpu.dma_semaphore, #tpu.memory_space<semaphore_mem>>)
    %dma_start3A_259 = arith.constant 5 : i32
    %dma_start3A_260 = arith.constant 5 : i32
    %dma_start3A_261 = arith.constant 5 : i32
    %dma_start3A_262 = tpu.memref_slice %arg5[%dma_start3A_261] : memref<6x!tpu.dma_semaphore, #tpu.memory_space<semaphore_mem>> -> memref<1x!tpu.dma_semaphore, #tpu.memory_space<semaphore_mem>>
    %dma_start3A_263 = tpu.memref_squeeze %dma_start3A_262 : memref<1x!tpu.dma_semaphore, #tpu.memory_space<semaphore_mem>> -> memref<!tpu.dma_semaphore, #tpu.memory_space<semaphore_mem>>
    %dma_start3A_264 = arith.constant 0 : i32
    %dma_start3A_265 = arith.constant 0 : i32
    %dma_start3A_266 = tpu.memref_slice %arg3[%dma_start3A_260, %dma_start3A_264, %dma_start3A_265] : memref<6x2048x128xf32, #tpu.memory_space<vmem>> -> memref<1x1024x128xf32, #tpu.memory_space<vmem>>
    %dma_start3A_267 = tpu.memref_squeeze %dma_start3A_266 : memref<1x1024x128xf32, #tpu.memory_space<vmem>> -> memref<1024x128xf32, #tpu.memory_space<vmem>>
    %dma_start3A_268 = arith.constant 0 : i32
    %dma_start3A_269 = arith.constant 0 : i32
    %dma_start3A_270 = tpu.memref_slice %arg0[%dma_start3A_259, %dma_start3A_268, %dma_start3A_269] : memref<128x2048x128xf32, #tpu.memory_space<any>> -> memref<1x1024x128xf32, #tpu.memory_space<any>>
    %dma_start3A_271 = tpu.memref_squeeze %dma_start3A_270 : memref<1x1024x128xf32, #tpu.memory_space<any>> -> memref<1024x128xf32, #tpu.memory_space<any>>
    tpu.enqueue_dma source(%dma_start3A_271 : memref<1024x128xf32, #tpu.memory_space<any>>) target(%dma_start3A_267 : memref<1024x128xf32, #tpu.memory_space<vmem>>) target_semaphore(%dma_start3A_263 : memref<!tpu.dma_semaphore, #tpu.memory_space<semaphore_mem>>)
    %dma_start3A_272 = arith.constant 5 : i32
    %dma_start3A_273 = arith.constant 5 : i32
    %dma_start3A_274 = arith.constant 5 : i32
    %dma_start3A_275 = tpu.memref_slice %arg5[%dma_start3A_274] : memref<6x!tpu.dma_semaphore, #tpu.memory_space<semaphore_mem>> -> memref<1x!tpu.dma_semaphore, #tpu.memory_space<semaphore_mem>>
    %dma_start3A_276 = tpu.memref_squeeze %dma_start3A_275 : memref<1x!tpu.dma_semaphore, #tpu.memory_space<semaphore_mem>> -> memref<!tpu.dma_semaphore, #tpu.memory_space<semaphore_mem>>
    %dma_start3A_277 = arith.constant 1024 : i32
    %dma_start3A_278 = arith.constant 0 : i32
    %dma_start3A_279 = tpu.memref_slice %arg3[%dma_start3A_273, %dma_start3A_277, %dma_start3A_278] : memref<6x2048x128xf32, #tpu.memory_space<vmem>> -> memref<1x1024x128xf32, #tpu.memory_space<vmem>>
    %dma_start3A_280 = tpu.memref_squeeze %dma_start3A_279 : memref<1x1024x128xf32, #tpu.memory_space<vmem>> -> memref<1024x128xf32, #tpu.memory_space<vmem>>
    %dma_start3A_281 = arith.constant 1024 : i32
    %dma_start3A_282 = arith.constant 0 : i32
    %dma_start3A_283 = tpu.memref_slice %arg0[%dma_start3A_272, %dma_start3A_281, %dma_start3A_282] : memref<128x2048x128xf32, #tpu.memory_space<any>> -> memref<1x1024x128xf32, #tpu.memory_space<any>>
    %dma_start3A_284 = tpu.memref_squeeze %dma_start3A_283 : memref<1x1024x128xf32, #tpu.memory_space<any>> -> memref<1024x128xf32, #tpu.memory_space<any>>
    tpu.enqueue_dma source(%dma_start3A_284 : memref<1024x128xf32, #tpu.memory_space<any>>) target(%dma_start3A_280 : memref<1024x128xf32, #tpu.memory_space<vmem>>) target_semaphore(%dma_start3A_276 : memref<!tpu.dma_semaphore, #tpu.memory_space<semaphore_mem>>)
    %dma_start3A_285 = arith.constant 5 : i32
    %dma_start3A_286 = arith.constant 5 : i32
    %dma_start3A_287 = arith.constant 5 : i32
    %dma_start3A_288 = tpu.memref_slice %arg6[%dma_start3A_287] : memref<6x!tpu.dma_semaphore, #tpu.memory_space<semaphore_mem>> -> memref<1x!tpu.dma_semaphore, #tpu.memory_space<semaphore_mem>>
    %dma_start3A_289 = tpu.memref_squeeze %dma_start3A_288 : memref<1x!tpu.dma_semaphore, #tpu.memory_space<semaphore_mem>> -> memref<!tpu.dma_semaphore, #tpu.memory_space<semaphore_mem>>
    %dma_start3A_290 = arith.constant 0 : i32
    %dma_start3A_291 = arith.constant 0 : i32
    %dma_start3A_292 = tpu.memref_slice %arg4[%dma_start3A_286, %dma_start3A_290, %dma_start3A_291] : memref<6x2048x128xf32, #tpu.memory_space<vmem>> -> memref<1x1024x128xf32, #tpu.memory_space<vmem>>
    %dma_start3A_293 = tpu.memref_squeeze %dma_start3A_292 : memref<1x1024x128xf32, #tpu.memory_space<vmem>> -> memref<1024x128xf32, #tpu.memory_space<vmem>>
    %dma_start3A_294 = arith.constant 0 : i32
    %dma_start3A_295 = arith.constant 0 : i32
    %dma_start3A_296 = tpu.memref_slice %arg1[%dma_start3A_285, %dma_start3A_294, %dma_start3A_295] : memref<128x2048x128xf32, #tpu.memory_space<any>> -> memref<1x1024x128xf32, #tpu.memory_space<any>>
    %dma_start3A_297 = tpu.memref_squeeze %dma_start3A_296 : memref<1x1024x128xf32, #tpu.memory_space<any>> -> memref<1024x128xf32, #tpu.memory_space<any>>
    tpu.enqueue_dma source(%dma_start3A_297 : memref<1024x128xf32, #tpu.memory_space<any>>) target(%dma_start3A_293 : memref<1024x128xf32, #tpu.memory_space<vmem>>) target_semaphore(%dma_start3A_289 : memref<!tpu.dma_semaphore, #tpu.memory_space<semaphore_mem>>)
    %dma_start3A_298 = arith.constant 5 : i32
    %dma_start3A_299 = arith.constant 5 : i32
    %dma_start3A_300 = arith.constant 5 : i32
    %dma_start3A_301 = tpu.memref_slice %arg6[%dma_start3A_300] : memref<6x!tpu.dma_semaphore, #tpu.memory_space<semaphore_mem>> -> memref<1x!tpu.dma_semaphore, #tpu.memory_space<semaphore_mem>>
    %dma_start3A_302 = tpu.memref_squeeze %dma_start3A_301 : memref<1x!tpu.dma_semaphore, #tpu.memory_space<semaphore_mem>> -> memref<!tpu.dma_semaphore, #tpu.memory_space<semaphore_mem>>
    %dma_start3A_303 = arith.constant 1024 : i32
    %dma_start3A_304 = arith.constant 0 : i32
    %dma_start3A_305 = tpu.memref_slice %arg4[%dma_start3A_299, %dma_start3A_303, %dma_start3A_304] : memref<6x2048x128xf32, #tpu.memory_space<vmem>> -> memref<1x1024x128xf32, #tpu.memory_space<vmem>>
    %dma_start3A_306 = tpu.memref_squeeze %dma_start3A_305 : memref<1x1024x128xf32, #tpu.memory_space<vmem>> -> memref<1024x128xf32, #tpu.memory_space<vmem>>
    %dma_start3A_307 = arith.constant 1024 : i32
    %dma_start3A_308 = arith.constant 0 : i32
    %dma_start3A_309 = tpu.memref_slice %arg1[%dma_start3A_298, %dma_start3A_307, %dma_start3A_308] : memref<128x2048x128xf32, #tpu.memory_space<any>> -> memref<1x1024x128xf32, #tpu.memory_space<any>>
    %dma_start3A_310 = tpu.memref_squeeze %dma_start3A_309 : memref<1x1024x128xf32, #tpu.memory_space<any>> -> memref<1024x128xf32, #tpu.memory_space<any>>
    tpu.enqueue_dma source(%dma_start3A_310 : memref<1024x128xf32, #tpu.memory_space<any>>) target(%dma_start3A_306 : memref<1024x128xf32, #tpu.memory_space<vmem>>) target_semaphore(%dma_start3A_302 : memref<!tpu.dma_semaphore, #tpu.memory_space<semaphore_mem>>)
    %scan3A = arith.constant 0 : i32
    %scan3A_311 = arith.constant 128 : i32
    %scan3A_312 = arith.addi %scan3A, %scan3A_311 : i32
    %scan3A_313 = arith.constant 1 : i32
    scf.for %scan3A_315 = %scan3A to %scan3A_312 step %scan3A_313  : i32 {
      %rem3A = arith.constant 6 : i32
      %rem3A_316 = arith.remsi %scan3A_315, %rem3A : i32
      %dma_wait3A = tpu.memref_slice %arg5[%rem3A_316] : memref<6x!tpu.dma_semaphore, #tpu.memory_space<semaphore_mem>> -> memref<1x!tpu.dma_semaphore, #tpu.memory_space<semaphore_mem>>
      %dma_wait3A_317 = tpu.memref_squeeze %dma_wait3A : memref<1x!tpu.dma_semaphore, #tpu.memory_space<semaphore_mem>> -> memref<!tpu.dma_semaphore, #tpu.memory_space<semaphore_mem>>
      %dma_wait3A_318 = arith.constant 0 : i32
      %dma_wait3A_319 = arith.constant 0 : i32
      %dma_wait3A_320 = tpu.memref_slice %arg3[%rem3A_316, %dma_wait3A_318, %dma_wait3A_319] : memref<6x2048x128xf32, #tpu.memory_space<vmem>> -> memref<1x1024x128xf32, #tpu.memory_space<vmem>>
      %dma_wait3A_321 = tpu.memref_squeeze %dma_wait3A_320 : memref<1x1024x128xf32, #tpu.memory_space<vmem>> -> memref<1024x128xf32, #tpu.memory_space<vmem>>
      %dma_wait3A_322 = arith.constant 0 : i32
      %dma_wait3A_323 = arith.constant 0 : i32
      %dma_wait3A_324 = tpu.memref_slice %arg0[%scan3A_315, %dma_wait3A_322, %dma_wait3A_323] : memref<128x2048x128xf32, #tpu.memory_space<any>> -> memref<1x1024x128xf32, #tpu.memory_space<any>>
      %dma_wait3A_325 = tpu.memref_squeeze %dma_wait3A_324 : memref<1x1024x128xf32, #tpu.memory_space<any>> -> memref<1024x128xf32, #tpu.memory_space<any>>
      tpu.wait_dma2 semaphore(%dma_wait3A_317 : memref<!tpu.dma_semaphore, #tpu.memory_space<semaphore_mem>>) src(%dma_wait3A_325 : memref<1024x128xf32, #tpu.memory_space<any>>) dst(%dma_wait3A_321 : memref<1024x128xf32, #tpu.memory_space<vmem>>)
      %dma_wait3A_326 = tpu.memref_slice %arg5[%rem3A_316] : memref<6x!tpu.dma_semaphore, #tpu.memory_space<semaphore_mem>> -> memref<1x!tpu.dma_semaphore, #tpu.memory_space<semaphore_mem>>
      %dma_wait3A_327 = tpu.memref_squeeze %dma_wait3A_326 : memref<1x!tpu.dma_semaphore, #tpu.memory_space<semaphore_mem>> -> memref<!tpu.dma_semaphore, #tpu.memory_space<semaphore_mem>>
      %dma_wait3A_328 = arith.constant 1024 : i32
      %dma_wait3A_329 = arith.constant 0 : i32
      %dma_wait3A_330 = tpu.memref_slice %arg3[%rem3A_316, %dma_wait3A_328, %dma_wait3A_329] : memref<6x2048x128xf32, #tpu.memory_space<vmem>> -> memref<1x1024x128xf32, #tpu.memory_space<vmem>>
      %dma_wait3A_331 = tpu.memref_squeeze %dma_wait3A_330 : memref<1x1024x128xf32, #tpu.memory_space<vmem>> -> memref<1024x128xf32, #tpu.memory_space<vmem>>
      %dma_wait3A_332 = arith.constant 1024 : i32
      %dma_wait3A_333 = arith.constant 0 : i32
      %dma_wait3A_334 = tpu.memref_slice %arg0[%scan3A_315, %dma_wait3A_332, %dma_wait3A_333] : memref<128x2048x128xf32, #tpu.memory_space<any>> -> memref<1x1024x128xf32, #tpu.memory_space<any>>
      %dma_wait3A_335 = tpu.memref_squeeze %dma_wait3A_334 : memref<1x1024x128xf32, #tpu.memory_space<any>> -> memref<1024x128xf32, #tpu.memory_space<any>>
      tpu.wait_dma2 semaphore(%dma_wait3A_327 : memref<!tpu.dma_semaphore, #tpu.memory_space<semaphore_mem>>) src(%dma_wait3A_335 : memref<1024x128xf32, #tpu.memory_space<any>>) dst(%dma_wait3A_331 : memref<1024x128xf32, #tpu.memory_space<vmem>>)
      %dma_wait3A_336 = tpu.memref_slice %arg6[%rem3A_316] : memref<6x!tpu.dma_semaphore, #tpu.memory_space<semaphore_mem>> -> memref<1x!tpu.dma_semaphore, #tpu.memory_space<semaphore_mem>>
      %dma_wait3A_337 = tpu.memref_squeeze %dma_wait3A_336 : memref<1x!tpu.dma_semaphore, #tpu.memory_space<semaphore_mem>> -> memref<!tpu.dma_semaphore, #tpu.memory_space<semaphore_mem>>
      %dma_wait3A_338 = arith.constant 0 : i32
      %dma_wait3A_339 = arith.constant 0 : i32
      %dma_wait3A_340 = tpu.memref_slice %arg4[%rem3A_316, %dma_wait3A_338, %dma_wait3A_339] : memref<6x2048x128xf32, #tpu.memory_space<vmem>> -> memref<1x1024x128xf32, #tpu.memory_space<vmem>>
      %dma_wait3A_341 = tpu.memref_squeeze %dma_wait3A_340 : memref<1x1024x128xf32, #tpu.memory_space<vmem>> -> memref<1024x128xf32, #tpu.memory_space<vmem>>
      %dma_wait3A_342 = arith.constant 0 : i32
      %dma_wait3A_343 = arith.constant 0 : i32
      %dma_wait3A_344 = tpu.memref_slice %arg1[%scan3A_315, %dma_wait3A_342, %dma_wait3A_343] : memref<128x2048x128xf32, #tpu.memory_space<any>> -> memref<1x1024x128xf32, #tpu.memory_space<any>>
      %dma_wait3A_345 = tpu.memref_squeeze %dma_wait3A_344 : memref<1x1024x128xf32, #tpu.memory_space<any>> -> memref<1024x128xf32, #tpu.memory_space<any>>
      tpu.wait_dma2 semaphore(%dma_wait3A_337 : memref<!tpu.dma_semaphore, #tpu.memory_space<semaphore_mem>>) src(%dma_wait3A_345 : memref<1024x128xf32, #tpu.memory_space<any>>) dst(%dma_wait3A_341 : memref<1024x128xf32, #tpu.memory_space<vmem>>)
      %dma_wait3A_346 = tpu.memref_slice %arg6[%rem3A_316] : memref<6x!tpu.dma_semaphore, #tpu.memory_space<semaphore_mem>> -> memref<1x!tpu.dma_semaphore, #tpu.memory_space<semaphore_mem>>
      %dma_wait3A_347 = tpu.memref_squeeze %dma_wait3A_346 : memref<1x!tpu.dma_semaphore, #tpu.memory_space<semaphore_mem>> -> memref<!tpu.dma_semaphore, #tpu.memory_space<semaphore_mem>>
      %dma_wait3A_348 = arith.constant 1024 : i32
      %dma_wait3A_349 = arith.constant 0 : i32
      %dma_wait3A_350 = tpu.memref_slice %arg4[%rem3A_316, %dma_wait3A_348, %dma_wait3A_349] : memref<6x2048x128xf32, #tpu.memory_space<vmem>> -> memref<1x1024x128xf32, #tpu.memory_space<vmem>>
      %dma_wait3A_351 = tpu.memref_squeeze %dma_wait3A_350 : memref<1x1024x128xf32, #tpu.memory_space<vmem>> -> memref<1024x128xf32, #tpu.memory_space<vmem>>
      %dma_wait3A_352 = arith.constant 1024 : i32
      %dma_wait3A_353 = arith.constant 0 : i32
      %dma_wait3A_354 = tpu.memref_slice %arg1[%scan3A_315, %dma_wait3A_352, %dma_wait3A_353] : memref<128x2048x128xf32, #tpu.memory_space<any>> -> memref<1x1024x128xf32, #tpu.memory_space<any>>
      %dma_wait3A_355 = tpu.memref_squeeze %dma_wait3A_354 : memref<1x1024x128xf32, #tpu.memory_space<any>> -> memref<1024x128xf32, #tpu.memory_space<any>>
      tpu.wait_dma2 semaphore(%dma_wait3A_347 : memref<!tpu.dma_semaphore, #tpu.memory_space<semaphore_mem>>) src(%dma_wait3A_355 : memref<1024x128xf32, #tpu.memory_space<any>>) dst(%dma_wait3A_351 : memref<1024x128xf32, #tpu.memory_space<vmem>>)
      %get3A = arith.index_cast %rem3A_316 : i32 to index
      %get3A_356 = arith.constant 0 : index
      %get3A_357 = arith.constant 0 : index
      %get3A_358 = vector.load %arg3[%get3A, %get3A_356, %get3A_357] : memref<6x2048x128xf32, #tpu.memory_space<vmem>>, vector<1x2048x128xf32>
      %get3A_359 = vector.shape_cast %get3A_358 : vector<1x2048x128xf32> to vector<2048x128xf32>
      %get3A_360 = arith.index_cast %rem3A_316 : i32 to index
      %get3A_361 = arith.constant 0 : index
      %get3A_362 = arith.constant 0 : index
      %get3A_363 = vector.load %arg4[%get3A_360, %get3A_361, %get3A_362] : memref<6x2048x128xf32, #tpu.memory_space<vmem>>, vector<1x2048x128xf32>
      %get3A_364 = vector.shape_cast %get3A_363 : vector<1x2048x128xf32> to vector<2048x128xf32>
      %sub3A = arith.subf %get3A_359, %get3A_364 : vector<2048x128xf32>
      %mul3A = arith.mulf %sub3A, %sub3A : vector<2048x128xf32>
      %reduce_sum3A = vector.shape_cast %mul3A : vector<2048x128xf32> to vector<1x2048x128xf32>
      %reduce_sum3A_365 = arith.constant dense<0.000000e+00> : vector<1xf32>
      %reduce_sum3A_366 = vector.multi_reduction <add>, %reduce_sum3A, %reduce_sum3A_365 [1, 2] : vector<1x2048x128xf32> to vector<1xf32>
      %reduce_sum3A_367 = vector.shape_cast %reduce_sum3A_366 : vector<1xf32> to vector<1x1x1xf32>
      %reduce_sum3A_368 = vector.extract %reduce_sum3A_367[0, 0, 0] : f32 from vector<1x1x1xf32>
      %mul3A_369 = arith.constant 3.81469727E-6 : f32
      %mul3A_370 = arith.mulf %reduce_sum3A_368, %mul3A_369 : f32
      %swap3A = arith.index_cast %scan3A_315 : i32 to index
      %swap3A_371 = memref.load %arg2[%swap3A] : memref<128xf32, #tpu.memory_space<smem>>
      memref.store %mul3A_370, %arg2[%swap3A] : memref<128xf32, #tpu.memory_space<smem>>
      %add3A = arith.constant 6 : i32
      %add3A_372 = arith.addi %scan3A_315, %add3A : i32
      %lt3A = arith.constant 128 : i32
      %lt3A_373 = arith.cmpi slt, %add3A_372, %lt3A : i32
      %convert_element_type3A = arith.extui %lt3A_373 : i1 to i32
      %cond3A = arith.constant 0 : i32
      %cond3A_374 = arith.cmpi ne, %convert_element_type3A, %cond3A : i32
      scf.if %cond3A_374 {
        %add3A_375 = arith.constant 6 : i32
        %add3A_376 = arith.addi %scan3A_315, %add3A_375 : i32
        %dma_start3A_377 = tpu.memref_slice %arg5[%rem3A_316] : memref<6x!tpu.dma_semaphore, #tpu.memory_space<semaphore_mem>> -> memref<1x!tpu.dma_semaphore, #tpu.memory_space<semaphore_mem>>
        %dma_start3A_378 = tpu.memref_squeeze %dma_start3A_377 : memref<1x!tpu.dma_semaphore, #tpu.memory_space<semaphore_mem>> -> memref<!tpu.dma_semaphore, #tpu.memory_space<semaphore_mem>>
        %dma_start3A_379 = arith.constant 0 : i32
        %dma_start3A_380 = arith.constant 0 : i32
        %dma_start3A_381 = tpu.memref_slice %arg3[%rem3A_316, %dma_start3A_379, %dma_start3A_380] : memref<6x2048x128xf32, #tpu.memory_space<vmem>> -> memref<1x1024x128xf32, #tpu.memory_space<vmem>>
        %dma_start3A_382 = tpu.memref_squeeze %dma_start3A_381 : memref<1x1024x128xf32, #tpu.memory_space<vmem>> -> memref<1024x128xf32, #tpu.memory_space<vmem>>
        %dma_start3A_383 = arith.constant 0 : i32
        %dma_start3A_384 = arith.constant 0 : i32
        %dma_start3A_385 = tpu.memref_slice %arg0[%add3A_376, %dma_start3A_383, %dma_start3A_384] : memref<128x2048x128xf32, #tpu.memory_space<any>> -> memref<1x1024x128xf32, #tpu.memory_space<any>>
        %dma_start3A_386 = tpu.memref_squeeze %dma_start3A_385 : memref<1x1024x128xf32, #tpu.memory_space<any>> -> memref<1024x128xf32, #tpu.memory_space<any>>
        tpu.enqueue_dma source(%dma_start3A_386 : memref<1024x128xf32, #tpu.memory_space<any>>) target(%dma_start3A_382 : memref<1024x128xf32, #tpu.memory_space<vmem>>) target_semaphore(%dma_start3A_378 : memref<!tpu.dma_semaphore, #tpu.memory_space<semaphore_mem>>)
        %dma_start3A_387 = tpu.memref_slice %arg5[%rem3A_316] : memref<6x!tpu.dma_semaphore, #tpu.memory_space<semaphore_mem>> -> memref<1x!tpu.dma_semaphore, #tpu.memory_space<semaphore_mem>>
        %dma_start3A_388 = tpu.memref_squeeze %dma_start3A_387 : memref<1x!tpu.dma_semaphore, #tpu.memory_space<semaphore_mem>> -> memref<!tpu.dma_semaphore, #tpu.memory_space<semaphore_mem>>
        %dma_start3A_389 = arith.constant 1024 : i32
        %dma_start3A_390 = arith.constant 0 : i32
        %dma_start3A_391 = tpu.memref_slice %arg3[%rem3A_316, %dma_start3A_389, %dma_start3A_390] : memref<6x2048x128xf32, #tpu.memory_space<vmem>> -> memref<1x1024x128xf32, #tpu.memory_space<vmem>>
        %dma_start3A_392 = tpu.memref_squeeze %dma_start3A_391 : memref<1x1024x128xf32, #tpu.memory_space<vmem>> -> memref<1024x128xf32, #tpu.memory_space<vmem>>
        %dma_start3A_393 = arith.constant 1024 : i32
        %dma_start3A_394 = arith.constant 0 : i32
        %dma_start3A_395 = tpu.memref_slice %arg0[%add3A_376, %dma_start3A_393, %dma_start3A_394] : memref<128x2048x128xf32, #tpu.memory_space<any>> -> memref<1x1024x128xf32, #tpu.memory_space<any>>
        %dma_start3A_396 = tpu.memref_squeeze %dma_start3A_395 : memref<1x1024x128xf32, #tpu.memory_space<any>> -> memref<1024x128xf32, #tpu.memory_space<any>>
        tpu.enqueue_dma source(%dma_start3A_396 : memref<1024x128xf32, #tpu.memory_space<any>>) target(%dma_start3A_392 : memref<1024x128xf32, #tpu.memory_space<vmem>>) target_semaphore(%dma_start3A_388 : memref<!tpu.dma_semaphore, #tpu.memory_space<semaphore_mem>>)
        %dma_start3A_397 = tpu.memref_slice %arg6[%rem3A_316] : memref<6x!tpu.dma_semaphore, #tpu.memory_space<semaphore_mem>> -> memref<1x!tpu.dma_semaphore, #tpu.memory_space<semaphore_mem>>
        %dma_start3A_398 = tpu.memref_squeeze %dma_start3A_397 : memref<1x!tpu.dma_semaphore, #tpu.memory_space<semaphore_mem>> -> memref<!tpu.dma_semaphore, #tpu.memory_space<semaphore_mem>>
        %dma_start3A_399 = arith.constant 0 : i32
        %dma_start3A_400 = arith.constant 0 : i32
        %dma_start3A_401 = tpu.memref_slice %arg4[%rem3A_316, %dma_start3A_399, %dma_start3A_400] : memref<6x2048x128xf32, #tpu.memory_space<vmem>> -> memref<1x1024x128xf32, #tpu.memory_space<vmem>>
        %dma_start3A_402 = tpu.memref_squeeze %dma_start3A_401 : memref<1x1024x128xf32, #tpu.memory_space<vmem>> -> memref<1024x128xf32, #tpu.memory_space<vmem>>
        %dma_start3A_403 = arith.constant 0 : i32
        %dma_start3A_404 = arith.constant 0 : i32
        %dma_start3A_405 = tpu.memref_slice %arg1[%add3A_376, %dma_start3A_403, %dma_start3A_404] : memref<128x2048x128xf32, #tpu.memory_space<any>> -> memref<1x1024x128xf32, #tpu.memory_space<any>>
        %dma_start3A_406 = tpu.memref_squeeze %dma_start3A_405 : memref<1x1024x128xf32, #tpu.memory_space<any>> -> memref<1024x128xf32, #tpu.memory_space<any>>
        tpu.enqueue_dma source(%dma_start3A_406 : memref<1024x128xf32, #tpu.memory_space<any>>) target(%dma_start3A_402 : memref<1024x128xf32, #tpu.memory_space<vmem>>) target_semaphore(%dma_start3A_398 : memref<!tpu.dma_semaphore, #tpu.memory_space<semaphore_mem>>)
        %dma_start3A_407 = tpu.memref_slice %arg6[%rem3A_316] : memref<6x!tpu.dma_semaphore, #tpu.memory_space<semaphore_mem>> -> memref<1x!tpu.dma_semaphore, #tpu.memory_space<semaphore_mem>>
        %dma_start3A_408 = tpu.memref_squeeze %dma_start3A_407 : memref<1x!tpu.dma_semaphore, #tpu.memory_space<semaphore_mem>> -> memref<!tpu.dma_semaphore, #tpu.memory_space<semaphore_mem>>
        %dma_start3A_409 = arith.constant 1024 : i32
        %dma_start3A_410 = arith.constant 0 : i32
        %dma_start3A_411 = tpu.memref_slice %arg4[%rem3A_316, %dma_start3A_409, %dma_start3A_410] : memref<6x2048x128xf32, #tpu.memory_space<vmem>> -> memref<1x1024x128xf32, #tpu.memory_space<vmem>>
        %dma_start3A_412 = tpu.memref_squeeze %dma_start3A_411 : memref<1x1024x128xf32, #tpu.memory_space<vmem>> -> memref<1024x128xf32, #tpu.memory_space<vmem>>
        %dma_start3A_413 = arith.constant 1024 : i32
        %dma_start3A_414 = arith.constant 0 : i32
        %dma_start3A_415 = tpu.memref_slice %arg1[%add3A_376, %dma_start3A_413, %dma_start3A_414] : memref<128x2048x128xf32, #tpu.memory_space<any>> -> memref<1x1024x128xf32, #tpu.memory_space<any>>
        %dma_start3A_416 = tpu.memref_squeeze %dma_start3A_415 : memref<1x1024x128xf32, #tpu.memory_space<any>> -> memref<1024x128xf32, #tpu.memory_space<any>>
        tpu.enqueue_dma source(%dma_start3A_416 : memref<1024x128xf32, #tpu.memory_space<any>>) target(%dma_start3A_412 : memref<1024x128xf32, #tpu.memory_space<vmem>>) target_semaphore(%dma_start3A_408 : memref<!tpu.dma_semaphore, #tpu.memory_space<semaphore_mem>>)
      } else {
      }
    }
    %scan3A_314 = arith.constant 128 : i32
    return
  }
}

</mosaic_0001>

<sc_bundles>
// kernel: kernel.4.cloned.1.call-start
scs
__scs_entry_jumppad:
0x0: {  	(pc) =	sbr.rel $0x88, $3  }
0x1: {  	(tag) =	ssettag $0x0;
	lr =	simm.s32 $0x1  }
0x2: {  	[smem:$0x3F9F] =	sst lr;
	_ =	strace $0xD0000000  }
0x3: {  	_ = 	snop  }
0x4: {  	_ = 	snop  }
0x5: {  	_ = 	snop  }
0x6: {  	_ = 	snop  }
0x7: {  	_ = 	snop  }
__scs_overlays_trampoline_lowered:
0x8: {  	[smem:$0x3FAE] =	sst s0  }
0x9: {  	[smem:$0x3FAF] =	sst s1  }
0xa: {  	[smem:$0x3FB0] =	sst s2  }
0xb: {  	[smem:$0x3FB1] =	sst s3  }
0xc: {  	[smem:$0x3FB2] =	sst s4  }
0xd: {  	[smem:$0x3FB3] =	sst s5  }
0xe: {  	[smem:$0x3FB4] =	sst s6  }
0xf: {  	[smem:$0x3FB5] =	sst s7  }
0x10: {  	[smem:$0x3FB6] =	sst s8  }
0x11: {  	[smem:$0x3FB7] =	sst s9;
	s0 =	simm.s32 @!p0 $0x0  }
0x12: {  	s1 =	sld [smem:$0x3F9D];
	s0 =	simm.s32 @p0 $0x1  }
0x13: {  	[smem:$0x3FB8] =	sst s0;
	s0 =	simm.s32 @!p1 $0x0  }
0x14: {  	s2 =	sld [smem:$0x3F9C];
	s0 =	simm.s32 @p1 $0x1  }
0x15: {  	[smem:$0x3FB9] =	sst s0;
	s0 =	simm.s32 @!p2 $0x0  }
0x16: {  	s3 =	sld [smem:$0x3FDB];
	s0 =	simm.s32 @p2 $0x1  }
0x17: {  	s4 =	simm.s32 $0x1BF5;
	[smem:$0x3FBB] =	sst s0  }
0x18: {  	s0 =	sld [smem:$0x3F9E];
	_ =	swait.ge [sflag:s4], $0x0  }
0x19: {  	s7 =	sld [smem:$0x3F9F]  }
0x1a: {  	s8 =	sadd.s32 $0xFFFFE003, lr  }
0x1b: {  	s9 =	sadd.s32 $0xFFFFFEF7, lr;
	s5 =	simm.s32 $0xFFFFFFFF;
	p2 =	slt.u32 s8, $0xFFFFF086  }
0x1c: {  	p1 =	slt.u32 s9, $0xF7A;
	s5 =	simm.s32 @!p2 $0x0  }
0x1d: {  	s5 =	simm.s32 @p1 $0x1;
	p0 =	seq.s32 s7, s2  }
0x1e: {  	s7 =	smul.u32 @!p0 $0xF7A, s2;
	p2 =	seq.s32 @!p0 s5, $0x0  }
0x1f: {  	s9 =	smul.u32 $0xF7A, s1;
	s8 =	simm.s32 @!p0 $0x1BF5;
	p2 =	por !p2, p0  }
0x20: {  	[sflag:s8] =	ssyncset.s32 @!p0 $0xFFFFF086;
	s6 =	sadd.s32 @!p0 s3, s7;
	s7 =	simm.s32 @!p0 $0x108  }
0x21: {  	s3 =	sadd.s32 s3, s9;
	s6 =	sadd.s32 @!p0 $0x88, s6;
	s7 =	simm.s32 @p2 $0x1082  }
0x22: {  	[simem:s7], [sflag:s8] =	dma.local @!p0 [hbm:s6], $0xF7A  }
0x23: {  	s9 =	sor.u32 $0xD0000000, s2;
	s6 =	simm.s32 $0x108;
	_ =	swait.ge @!p0 [sflag:s8], $0x0  }
0x24: {  	s3 =	sadd.s32 $0x88, s3;
	s6 =	simm.s32 @!p1 $0x1082;
	[sflag:s4] =	ssyncset.s32 $0xFFFFF086  }
0x25: {  	[simem:s6], [sflag:s4] =	dma.local [hbm:s3], $0xF7A  }
0x26: {  	[smem:$0x3F9F] =	sst s1;
	(tag) =	ssettag s2;
	_ =	strace s9  }
0x27: {  	s1 =	sld [smem:$0x3FAF]  }
0x28: {  	s2 =	sld [smem:$0x3FB0]  }
0x29: {  	s4 =	sld [smem:$0x3FB2]  }
0x2a: {  	p0 =	seq.s32 s5, $0x0;
	s5 =	sld [smem:$0x3FB3]  }
0x2b: {  	s6 =	sld [smem:$0x3FB4]  }
0x2c: {  	s7 =	sld [smem:$0x3FB5]  }
0x2d: {  	s3 =	simm.s32 $0x108;
	s8 =	sld [smem:$0x3FB6]  }
0x2e: {  	s3 =	simm.s32 @!p0 $0x1082;
	s9 =	sld [smem:$0x3FB7]  }
0x2f: {  	lr =	sadd.s32 s0, s3;
	s0 =	sld [smem:$0x3FAE]  }
0x30: {  	s3 =	sld [smem:$0x3FB1]  }
0x31: {  	[smem:$0x3FBA] =	sst s10  }
0x32: {  	s10 =	sld [smem:$0x3FB8];
	_ =	sdelay $0x3  }
0x33: {  	p0 =	seq.s32 s10, $0x1;
	s10 =	sld [smem:$0x3FBA];
	_ =	sdelay $0x3  }
0x34: {  	[smem:$0x3FBA] =	sst s10  }
0x35: {  	s10 =	sld [smem:$0x3FB9];
	_ =	sdelay $0x3  }
0x36: {  	p1 =	seq.s32 s10, $0x1;
	s10 =	sld [smem:$0x3FBA];
	_ =	sdelay $0x3  }
0x37: {  	[smem:$0x3FBA] =	sst s10  }
0x38: {  	s10 =	sld [smem:$0x3FBB]  }
0x39: {  	_ = 	snop;
	(pc) =	sbr.ind lr, $3  }
0x3a: {  	_ = 	snop  }
0x3b: {  	_ = 	snop  }
0x3c: {  	p2 =	seq.s32 s10, $0x1;
	s10 =	sld [smem:$0x3FBA]  }
0x3d: {  	_ =	shalt  }
0x3e: {  	_ =	shalt  }
0x3f: {  	_ =	shalt  }
0x40: {  	_ =	shalt  }
0x41: {  	_ =	shalt  }
0x42: {  	_ =	shalt  }
0x43: {  	_ =	shalt  }
0x44: {  	_ =	shalt  }
0x45: {  	_ =	shalt  }
0x46: {  	_ =	shalt  }
0x47: {  	_ =	shalt  }
0x48: {  	_ =	shalt  }
0x49: {  	_ =	shalt  }
0x4a: {  	_ =	shalt  }
0x4b: {  	_ =	shalt  }
0x4c: {  	_ =	shalt  }
0x4d: {  	_ =	shalt  }
0x4e: {  	_ =	shalt  }
0x4f: {  	_ =	shalt  }
0x50: {  	_ =	shalt  }
0x51: {  	_ =	shalt  }
0x52: {  	_ =	shalt  }
0x53: {  	_ =	shalt  }
0x54: {  	_ =	shalt  }
0x55: {  	_ =	shalt  }
0x56: {  	_ =	shalt  }
0x57: {  	_ =	shalt  }
0x58: {  	_ =	shalt  }
0x59: {  	_ =	shalt  }
0x5a: {  	_ =	shalt  }
0x5b: {  	_ =	shalt  }
0x5c: {  	_ =	shalt  }
0x5d: {  	_ =	shalt  }
0x5e: {  	_ =	shalt  }
0x5f: {  	_ =	shalt  }
0x60: {  	_ =	shalt  }
0x61: {  	_ =	shalt  }
0x62: {  	_ =	shalt  }
0x63: {  	_ =	shalt  }
0x64: {  	_ =	shalt  }
0x65: {  	_ =	shalt  }
0x66: {  	_ =	shalt  }
0x67: {  	_ =	shalt  }
0x68: {  	_ =	shalt  }
0x69: {  	_ =	shalt  }
0x6a: {  	_ =	shalt  }
0x6b: {  	_ =	shalt  }
0x6c: {  	_ =	shalt  }
0x6d: {  	_ =	shalt  }
0x6e: {  	_ =	shalt  }
0x6f: {  	_ =	shalt  }
0x70: {  	_ =	shalt  }
0x71: {  	_ =	shalt  }
0x72: {  	_ =	shalt  }
0x73: {  	_ =	shalt  }
0x74: {  	_ =	shalt  }
0x75: {  	_ =	shalt  }
0x76: {  	_ =	shalt  }
0x77: {  	_ =	shalt  }
0x78: {  	_ =	shalt  }
0x79: {  	_ =	shalt  }
0x7a: {  	_ =	shalt  }
0x7b: {  	_ =	shalt  }
0x7c: {  	_ =	shalt  }
0x7d: {  	_ =	shalt  }
0x7e: {  	_ =	shalt  }
0x7f: {  	_ =	shalt  }
0x80: {  	_ =	shalt  }
0x81: {  	_ =	shalt  }
0x82: {  	_ =	shalt  }
0x83: {  	_ =	shalt  }
0x84: {  	_ =	shalt  }
0x85: {  	_ =	shalt  }
0x86: {  	_ =	shalt  }
0x87: {  	_ =	shalt  }
.Lfunc_end0:
.L_simem_size_0:
called_computation_lowered:
.L_overlay_start_0:
0x88: {  	s2 =	sld [smem:$0x3FD9]  }
0x89: {  	s3 =	sld [smem:$0x3FFE];
	_ =	sdelay $0x1  }
0x8a: {  	s1 =	srdreg.scid  }
0x8b: {  	s0 =	sand.u32 $0x1, s1  }
0x8c: {  	s17 =	sshll.u32 s0, $0xA;
	s2 =	sadd.s32 s3, s2  }
0x8d: {  	s2 =	sadd.s32 s2, s17  }
0x8e: {  	[smem:$0x3FC6] =	sst s2  }
0x8f: {  	_ = 	snop  }
0x90: {  	s2 =	sld [smem:$0x3FD0];
	(tm) =	ssettm $0x1  }
0x91: {  	s18 =	sld [smem:$0x3FFB];
	_ =	sdelay $0x3  }
0x92: {  	_ =	strace s18  }
0x93: {  	s3 =	sld [smem:$0x3FFC];
	_ =	sdelay $0x3  }
0x94: {  	_ =	strace s3  }
0x95: {  	s3 =	sld [smem:$0x3FFD];
	_ =	sdelay $0x3  }
0x96: {  	_ =	strace s3  }
0x97: {  	_ =	strace $0x8FFFFFFF  }
0x98: {  	s19 =	sld [smem:$0x3FDB];
	_ =	sdelay $0x1  }
0x99: {  	s4 =	simm.s32 $_scs_section_size  }
0x9a: {  	s5 =	simm.s32 $_size__tile_overlayer_lowered;
	s6 =	simm.s32 $_tile_overlayer_lowered  }
0x9b: {  	s22 =	simm.s32 $0x1BFF;
	s21 =	sshll.u32 s6, $0x1;
	s3 =	sadd.s32 s4, s19  }
0x9c: {  	s7 =	simm.s32 $0x0;
	s20 =	sshll.u32 s5, $0x1;
	s5 =	sadd.s32 s21, s3  }
0x9d: {  	[timem:s7], [sflag:s22] =	dma.local [hbm:s5], s20  }
0x9e: {  	_ =	swait.ge [sflag:s22], s20  }
0x9f: {  	s4 =	ssub.s32 $0x0, s20;
	[sflag:s22] =	ssyncset.done $0x0  }
0xa0: {  	[sflag:s22] =	ssyncadd.s32 s4;
	_ =	sdelay $0x1  }
0xa1: {  	s23 =	simm.s32 $0x1B8B  }
0xa2: {  	_ =	swait.ge [sflag:s23], $0x1  }
0xa3: {  	[sflag:s23] =	ssyncset.done $0x0  }
0xa4: {  	s25 =	simm.s32 $0x1B8E;
	s24 =	sld [smem:$0x3FFE];
	[sflag:s23] =	ssyncadd.s32 $0xFFFFFFFF  }
0xa5: {  	s26 =	simm.s32 $execute0_lowered;
	[smem:$0x3FD2] =	sst s25  }
0xa6: {  	s5 =	sshll.u32 s26, $0x1;
	_ =	strace $0x80000046;
	[dreg:$0x1] =	wrdreg $0xFFFFFFFF  }
0xa7: {  	s28 =	simm.s32 $_size_execute0_lowered;
	s3 =	sadd.s32 s3, s5;
	[dreg:$0x0] =	wrdreg $0x0  }
0xa8: {  	s5 =	sshll.u32 s28, $0x1;
	[dreg:$0x2] =	wrdreg s3  }
0xa9: {  	[dreg:$0x3] =	wrdreg s5  }
0xaa: {  	[dreg:$0x4] =	wrdreg $0xC0  }
0xab: {  	_ =	task [dreg:s7], $0x5FFFF  }
0xac: {  	[dreg:$0x1] =	wrdreg $0xFFFFFFFF  }
0xad: {  	[dreg:$0x0] =	wrdreg $0x60  }
0xae: {  	[dreg:$0x2] =	wrdreg s24  }
0xaf: {  	[dreg:$0x3] =	wrdreg s2  }
0xb0: {  	[dreg:$0x4] =	wrdreg $0x9  }
0xb1: {  	_ =	task.clear_ibuf [dreg:s7], $0x5FFFF;
	_ =	strace $0x90000046  }
0xb2: {  	s29 =	simm.s32 $0x9;
	_ =	strace $0x80000048  }
0xb3: {  	_ =	swait.ge [sflag:s29], $0x1  }
0xb4: {  	[sflag:s29] =	ssyncadd.s32 $0xFFFFFFFF  }
0xb5: {  	_ =	strace $0x90000048  }
0xb6: {  	_ =	sfence  }
0xb7: {  	s30 =	sld [smem:$0x0];
	_ =	sdelay $0x2  }
0xb8: {  	s31 =	sshll.u32 s1, $0xD;
	s1 =	sshrl.u32 s1, $0x2  }
0xb9: {  	s3 =	sand.u32 $0x4000, s31;
	s1 =	sadd.s32 s1, s30  }
0xba: {  	s0 =	sor.u32 s3, s0;
	s1 =	sshll.u32 s1, $0x11  }
0xbb: {  	s0 =	sor.u32 s1, s0  }
0xbc: {  	s0 =	sadd.s32 $0x8F2B, s0  }
0xbd: {  	[sflag:s0] =	ssyncadd.remote.s32 $0x1  }
0xbe: {  	_ =	sfence.sel $0xFFFF  }
0xbf: {  	[dreg:$0x0] =	wrdreg $0xFFFFFFFF;
	(pc) =	sbr.abs _section_cstart, $3  }
0xc0: {  	[dreg:$0x1] =	wrdreg $0xFFFFFFFF  }
0xc1: {  	_ =	task.clear_ibuf [dreg:s7], $0x2FFFF;
	_ =	strace $0x9FFFFFFF  }
0xc2: {  	(tm) =	ssettm $0x7FFFFFFF  }
0xc3: {  	_ =	shalt  }
tec
execute0_lowered:
.L_overlay_start_1:
0x0: {  	(tag) =	ssettag $0x1  }
0x1: {  	s0 =	srdreg.scid  }
0x2: {  	s3 =	sand.u32 $0x1, s0;
	s0 =	stileid.u32  }
0x3: {  	s4 =	sor.u32 s0, s3  }
0x4: {  	p0 =	sne.s32 s4, $0x0  }
.Ltmp0:
0x5: {  	_ = 	snop;
	(pc) =	sbr.rel @p0 .LBB2_3-.Ltmp0, $4  }
0x6: {  	s2 =	rddreg [dreg:$0x0]  }
0x7: {  	s1 =	rddreg [dreg:$0x1]  }
0x8: {  	[dreg:$0x4] =	wrdreg s1  }
0x9: {  	s1 =	rddreg [dreg:$0x2];
	_ =	strace $0x80000047  }
0xa: {  	v0 =	vlaneseq.u32;
	vm0 =	vmmov $0x1;
	v16 =	vimm.s32 $0x0  }
0xb: {  	vm1 =	vmmov $0x3;
	vm2 =	vmmov $0x7;
	vm3 =	vmmov $0xf  }
0xc: {  	vm4 =	vmmov $0x1f;
	vm5 =	vmmov $0x3f;
	vm6 =	vmmov $0x7f  }
0xd: {  	vm7 =	vmmov $0xff;
	vm8 =	vmmov $0x1ff;
	vm9 =	vmmov $0x3ff  }
0xe: {  	vm10 =	vmmov $0x7ff;
	vm11 =	vmmov $0xfff;
	vm12 =	vmmov $0x1fff  }
0xf: {  	s2 =	sadd.s32 $0x600, s2;
	vm13 =	vmmov $0x3fff;
	vm14 =	vmmov $0x7fff;
	v1 =	vor.u32 $0x80000070, v0  }
0x10: {  	v2 =	vor.u32 $0x80000060, v0;
	v3 =	vor.u32 $0x80000050, v0;
	v4 =	vor.u32 $0x80000040, v0  }
0x11: {  	v5 =	vor.u32 $0x80000030, v0;
	v6 =	vor.u32 $0x80000020, v0;
	v7 =	vor.u32 $0x80000010, v0  }
0x12: {  	s3 =	ssub.s32 $0x2, s3;
	s5 =	simm.s32 $0x80;
	v8 =	vor.u32 $0x80000000, v0;
	v9 =	vor.u32 $0x10, v0;
	v10 =	vor.u32 $0x20, v0;
	[dreg:$0x3] =	wrdreg s2  }
0x13: {  	v11 =	vor.u32 $0x30, v0;
	v12 =	vor.u32 $0x40, v0;
	v16 =	vsel vm0, $0xFFFFFFFF, v16;
	s4 =	sshrl.u32 s3, $0x1;
	[dreg:$0x5] =	wrdreg s5  }
0x14: {  	v13 =	vor.u32 $0x50, v0;
	v14 =	vor.u32 $0x60, v0;
	v15 =	vor.u32 $0x70, v0;
	[tilespmem:$0x1FFF0] =	vst v16;
	s2 =	ssub.s32 s3, s4;
	s3 =	simm.s32 $0x0;
	s4 =	simm.s32 $0x1  }
.LBB2_2:
0x15: {  	s5 =	rddreg [dreg:$0x3]  }
0x16: {  	[tilespmem:s3], [sflag:$0x1] =	stream.linear.gather [hbm4b:s5+s3], $0x80, $0x38;
	[tilespmem:$0x100] =	vst v63  }
0x17: {  	_ =	swait.ge [sflag:s4], $0x80  }
0x18: {  	[sflag:s4] =	ssyncset.done $0x0  }
0x19: {  	[sflag:s4] =	ssyncadd.s32 $0xFFFFFF80  }
0x1a: {  	v17 =	vld [tilespmem:$0x0]  }
0x1b: {  	v18 =	vld [tilespmem:$0x10]  }
0x1c: {  	v19 =	vld [tilespmem:$0x20]  }
0x1d: {  	v20 =	vld [tilespmem:$0x30]  }
0x1e: {  	v21 =	vld [tilespmem:$0x40]  }
0x1f: {  	v22 =	vld [tilespmem:$0x50]  }
0x20: {  	v23 =	vld [tilespmem:$0x60];
	v16 =	vmax.f32 v17, v18  }
0x21: {  	v24 =	vld [tilespmem:$0x70];
	v16 =	vmax.f32 v16, v19  }
0x22: {  	v16 =	vmax.f32 v16, v20  }
0x23: {  	v16 =	vmax.f32 v16, v21  }
0x24: {  	v16 =	vmax.f32 v16, v22  }
0x25: {  	v16 =	vmax.f32 v16, v23  }
0x26: {  	v16 =	vmax.f32 v16, v24  }
0x27: {  	(xrf0) =	vmax.scan.msk.f32 $0xffff, v16;
	_ =	sdelay $0x5  }
0x28: {  	v16, _, _ =	vpop (xrf0)  }
0x29: {  	v16 =	vbroadcast v16, $0xF;
	_ =	sdelay $0x1  }
0x2a: {  	vm15 =	veq.f32 v24, v16  }
0x2b: {  	vm0 =	veq.f32 v23, v16;
	v25 =	vnsel vm15, $0xC0000000, v1  }
0x2c: {  	vm15 =	veq.f32 v22, v16;
	v25 =	vsel vm0, v2, v25  }
0x2d: {  	vm0 =	veq.f32 v21, v16;
	v25 =	vsel vm15, v3, v25  }
0x2e: {  	vm15 =	veq.f32 v20, v16;
	v25 =	vsel vm0, v4, v25  }
0x2f: {  	vm0 =	veq.f32 v19, v16;
	v25 =	vsel vm15, v5, v25  }
0x30: {  	vm15 =	veq.f32 v18, v16;
	v25 =	vsel vm0, v6, v25  }
0x31: {  	vm0 =	veq.f32 v17, v16;
	v25 =	vsel vm15, v7, v25  }
0x32: {  	v25 =	vsel vm0, v8, v25  }
0x33: {  	(xrf0) =	vmin.scan.msk.u32 $0xffff, v25;
	_ =	sdelay $0x5  }
0x34: {  	v25, _, _ =	vpop (xrf0)  }
0x35: {  	(v2sf) =	vpush v25, $0xF;
	_ =	sdelay $0xe  }
0x36: {  	s24 =	spop (v2sf)  }
0x37: {  	s5 =	sxor.u32 $0x80000000, s24  }
0x38: {  	v35 =	vmov s5  }
0x39: {  	vm0 =	veq.s32 v35, v0;
	vm15 =	veq.s32 v35, v9  }
0x3a: {  	v26 =	vsel vm0, $0xBF800000, v17;
	v18 =	vsel vm15, $0xBF800000, v18;
	vm0 =	veq.s32 v35, v10  }
0x3b: {  	v19 =	vsel vm0, $0xBF800000, v19;
	vm0 =	veq.s32 v35, v11;
	v17 =	vmax.f32 v26, v18  }
0x3c: {  	v20 =	vsel vm0, $0xBF800000, v20;
	vm0 =	veq.s32 v35, v12;
	v17 =	vmax.f32 v17, v19  }
0x3d: {  	v21 =	vsel vm0, $0xBF800000, v21;
	vm0 =	veq.s32 v35, v13;
	v17 =	vmax.f32 v17, v20  }
0x3e: {  	v22 =	vsel vm0, $0xBF800000, v22;
	vm0 =	veq.s32 v35, v14;
	v17 =	vmax.f32 v17, v21  }
0x3f: {  	v23 =	vsel vm0, $0xBF800000, v23;
	vm0 =	veq.s32 v35, v15;
	v17 =	vmax.f32 v17, v22  }
0x40: {  	v24 =	vsel vm0, $0xBF800000, v24;
	v17 =	vmax.f32 v17, v23  }
0x41: {  	v17 =	vmax.f32 v17, v24  }
0x42: {  	(xrf0) =	vmax.scan.msk.f32 $0xffff, v17;
	_ =	sdelay $0x5  }
0x43: {  	v17, _, _ =	vpop (xrf0)  }
0x44: {  	v17 =	vbroadcast v17, $0xF;
	_ =	sdelay $0x1  }
0x45: {  	vm0 =	veq.f32 v24, v17  }
0x46: {  	vm15 =	veq.f32 v23, v17;
	v36 =	vnsel vm0, $0xC0000000, v1  }
0x47: {  	vm0 =	veq.f32 v22, v17;
	v25 =	vsel vm15, v2, v36  }
0x48: {  	vm15 =	veq.f32 v21, v17;
	v25 =	vsel vm0, v3, v25  }
0x49: {  	vm0 =	veq.f32 v20, v17;
	v25 =	vsel vm15, v4, v25  }
0x4a: {  	vm15 =	veq.f32 v19, v17;
	v25 =	vsel vm0, v5, v25  }
0x4b: {  	vm0 =	veq.f32 v18, v17;
	v25 =	vsel vm15, v6, v25  }
0x4c: {  	vm15 =	veq.f32 v26, v17;
	v25 =	vsel vm0, v7, v25  }
0x4d: {  	v25 =	vsel vm15, v8, v25  }
0x4e: {  	(xrf0) =	vmin.scan.msk.u32 $0xffff, v25;
	_ =	sdelay $0x5  }
0x4f: {  	v25, _, _ =	vpop (xrf0)  }
0x50: {  	(v2sf) =	vpush v25, $0xF;
	_ =	sdelay $0xe  }
0x51: {  	s25 =	spop (v2sf)  }
0x52: {  	s5 =	sxor.u32 $0x80000000, s25  }
0x53: {  	v37 =	vmov s5  }
0x54: {  	vm0 =	veq.s32 v37, v0;
	vm15 =	veq.s32 v37, v9  }
0x55: {  	v26 =	vsel vm0, $0xBF800000, v26;
	v27 =	vsel vm15, $0xBF800000, v18;
	vm0 =	veq.s32 v37, v10  }
0x56: {  	v19 =	vsel vm0, $0xBF800000, v19;
	vm0 =	veq.s32 v37, v11;
	v18 =	vmax.f32 v26, v27  }
0x57: {  	v20 =	vsel vm0, $0xBF800000, v20;
	vm0 =	veq.s32 v37, v12;
	v18 =	vmax.f32 v18, v19  }
0x58: {  	v21 =	vsel vm0, $0xBF800000, v21;
	vm0 =	veq.s32 v37, v13;
	v18 =	vmax.f32 v18, v20  }
0x59: {  	v22 =	vsel vm0, $0xBF800000, v22;
	vm0 =	veq.s32 v37, v14;
	v18 =	vmax.f32 v18, v21  }
0x5a: {  	v23 =	vsel vm0, $0xBF800000, v23;
	vm0 =	veq.s32 v37, v15;
	v18 =	vmax.f32 v18, v22  }
0x5b: {  	v24 =	vsel vm0, $0xBF800000, v24;
	v18 =	vmax.f32 v18, v23  }
0x5c: {  	v18 =	vmax.f32 v18, v24  }
0x5d: {  	(xrf0) =	vmax.scan.msk.f32 $0xffff, v18;
	_ =	sdelay $0x5  }
0x5e: {  	v18, _, _ =	vpop (xrf0)  }
0x5f: {  	v18 =	vbroadcast v18, $0xF;
	_ =	sdelay $0x1  }
0x60: {  	vm0 =	veq.f32 v24, v18  }
0x61: {  	vm15 =	veq.f32 v23, v18;
	v38 =	vnsel vm0, $0xC0000000, v1  }
0x62: {  	vm0 =	veq.f32 v22, v18;
	v25 =	vsel vm15, v2, v38  }
0x63: {  	vm15 =	veq.f32 v21, v18;
	v25 =	vsel vm0, v3, v25  }
0x64: {  	vm0 =	veq.f32 v20, v18;
	v25 =	vsel vm15, v4, v25  }
0x65: {  	vm15 =	veq.f32 v19, v18;
	v25 =	vsel vm0, v5, v25  }
0x66: {  	vm0 =	veq.f32 v27, v18;
	v25 =	vsel vm15, v6, v25  }
0x67: {  	vm15 =	veq.f32 v26, v18;
	v25 =	vsel vm0, v7, v25  }
0x68: {  	v25 =	vsel vm15, v8, v25  }
0x69: {  	(xrf0) =	vmin.scan.msk.u32 $0xffff, v25;
	_ =	sdelay $0x5  }
0x6a: {  	v25, _, _ =	vpop (xrf0)  }
0x6b: {  	(v2sf) =	vpush v25, $0xF;
	_ =	sdelay $0xe  }
0x6c: {  	s26 =	spop (v2sf)  }
0x6d: {  	s5 =	sxor.u32 $0x80000000, s26  }
0x6e: {  	v39 =	vmov s5  }
0x6f: {  	vm0 =	veq.s32 v39, v0;
	vm15 =	veq.s32 v39, v9  }
0x70: {  	v26 =	vsel vm0, $0xBF800000, v26;
	v27 =	vsel vm15, $0xBF800000, v27;
	vm0 =	veq.s32 v39, v10  }
0x71: {  	v28 =	vsel vm0, $0xBF800000, v19;
	vm0 =	veq.s32 v39, v11;
	v40 =	vmax.f32 v26, v27  }
0x72: {  	v20 =	vsel vm0, $0xBF800000, v20;
	vm0 =	veq.s32 v39, v12;
	v19 =	vmax.f32 v40, v28  }
0x73: {  	v21 =	vsel vm0, $0xBF800000, v21;
	vm0 =	veq.s32 v39, v13;
	v19 =	vmax.f32 v19, v20  }
0x74: {  	v22 =	vsel vm0, $0xBF800000, v22;
	vm0 =	veq.s32 v39, v14;
	v19 =	vmax.f32 v19, v21  }
0x75: {  	v23 =	vsel vm0, $0xBF800000, v23;
	vm0 =	veq.s32 v39, v15;
	v19 =	vmax.f32 v19, v22  }
0x76: {  	v24 =	vsel vm0, $0xBF800000, v24;
	v19 =	vmax.f32 v19, v23  }
0x77: {  	v19 =	vmax.f32 v19, v24  }
0x78: {  	(xrf0) =	vmax.scan.msk.f32 $0xffff, v19;
	_ =	sdelay $0x5  }
0x79: {  	v19, _, _ =	vpop (xrf0)  }
0x7a: {  	v19 =	vbroadcast v19, $0xF;
	_ =	sdelay $0x1  }
0x7b: {  	vm0 =	veq.f32 v24, v19  }
0x7c: {  	vm15 =	veq.f32 v23, v19;
	v41 =	vnsel vm0, $0xC0000000, v1  }
0x7d: {  	vm0 =	veq.f32 v22, v19;
	v25 =	vsel vm15, v2, v41  }
0x7e: {  	vm15 =	veq.f32 v21, v19;
	v25 =	vsel vm0, v3, v25  }
0x7f: {  	vm0 =	veq.f32 v20, v19;
	v25 =	vsel vm15, v4, v25  }
0x80: {  	vm15 =	veq.f32 v28, v19;
	v25 =	vsel vm0, v5, v25  }
0x81: {  	vm0 =	veq.f32 v27, v19;
	v25 =	vsel vm15, v6, v25  }
0x82: {  	vm15 =	veq.f32 v26, v19;
	v25 =	vsel vm0, v7, v25  }
0x83: {  	v25 =	vsel vm15, v8, v25  }
0x84: {  	(xrf0) =	vmin.scan.msk.u32 $0xffff, v25;
	_ =	sdelay $0x5  }
0x85: {  	v25, _, _ =	vpop (xrf0)  }
0x86: {  	(v2sf) =	vpush v25, $0xF;
	_ =	sdelay $0xe  }
0x87: {  	s28 =	spop (v2sf)  }
0x88: {  	s5 =	sxor.u32 $0x80000000, s28  }
0x89: {  	v42 =	vmov s5  }
0x8a: {  	vm0 =	veq.s32 v42, v0;
	vm15 =	veq.s32 v42, v9  }
0x8b: {  	v26 =	vsel vm0, $0xBF800000, v26;
	v27 =	vsel vm15, $0xBF800000, v27;
	vm0 =	veq.s32 v42, v10  }
0x8c: {  	v28 =	vsel vm0, $0xBF800000, v28;
	vm0 =	veq.s32 v42, v11;
	v29 =	vmax.f32 v26, v27  }
0x8d: {  	v30 =	vsel vm0, $0xBF800000, v20;
	vm0 =	veq.s32 v42, v12;
	v43 =	vmax.f32 v29, v28  }
0x8e: {  	v21 =	vsel vm0, $0xBF800000, v21;
	vm0 =	veq.s32 v42, v13;
	v20 =	vmax.f32 v43, v30  }
0x8f: {  	v22 =	vsel vm0, $0xBF800000, v22;
	vm0 =	veq.s32 v42, v14;
	v20 =	vmax.f32 v20, v21  }
0x90: {  	v23 =	vsel vm0, $0xBF800000, v23;
	vm0 =	veq.s32 v42, v15;
	v20 =	vmax.f32 v20, v22  }
0x91: {  	v24 =	vsel vm0, $0xBF800000, v24;
	v20 =	vmax.f32 v20, v23  }
0x92: {  	v20 =	vmax.f32 v20, v24  }
0x93: {  	(xrf0) =	vmax.scan.msk.f32 $0xffff, v20;
	_ =	sdelay $0x5  }
0x94: {  	v20, _, _ =	vpop (xrf0)  }
0x95: {  	v20 =	vbroadcast v20, $0xF;
	_ =	sdelay $0x1  }
0x96: {  	vm0 =	veq.f32 v24, v20  }
0x97: {  	vm15 =	veq.f32 v23, v20;
	v44 =	vnsel vm0, $0xC0000000, v1  }
0x98: {  	vm0 =	veq.f32 v22, v20;
	v25 =	vsel vm15, v2, v44  }
0x99: {  	vm15 =	veq.f32 v21, v20;
	v25 =	vsel vm0, v3, v25  }
0x9a: {  	vm0 =	veq.f32 v30, v20;
	v25 =	vsel vm15, v4, v25  }
0x9b: {  	vm15 =	veq.f32 v28, v20;
	v25 =	vsel vm0, v5, v25  }
0x9c: {  	vm0 =	veq.f32 v27, v20;
	v25 =	vsel vm15, v6, v25  }
0x9d: {  	vm15 =	veq.f32 v26, v20;
	v25 =	vsel vm0, v7, v25  }
0x9e: {  	v25 =	vsel vm15, v8, v25  }
0x9f: {  	(xrf0) =	vmin.scan.msk.u32 $0xffff, v25;
	_ =	sdelay $0x5  }
0xa0: {  	v25, _, _ =	vpop (xrf0)  }
0xa1: {  	(v2sf) =	vpush v25, $0xF;
	_ =	sdelay $0xe  }
0xa2: {  	s29 =	spop (v2sf)  }
0xa3: {  	s5 =	sxor.u32 $0x80000000, s29  }
0xa4: {  	v45 =	vmov s5  }
0xa5: {  	vm0 =	veq.s32 v45, v0;
	vm15 =	veq.s32 v45, v9  }
0xa6: {  	v26 =	vsel vm0, $0xBF800000, v26;
	v27 =	vsel vm15, $0xBF800000, v27;
	vm0 =	veq.s32 v45, v10  }
0xa7: {  	v28 =	vsel vm0, $0xBF800000, v28;
	vm0 =	veq.s32 v45, v11;
	v46 =	vmax.f32 v26, v27  }
0xa8: {  	v30 =	vsel vm0, $0xBF800000, v30;
	vm0 =	veq.s32 v45, v12;
	v29 =	vmax.f32 v46, v28  }
0xa9: {  	v31 =	vsel vm0, $0xBF800000, v21;
	vm0 =	veq.s32 v45, v13;
	v47 =	vmax.f32 v29, v30  }
0xaa: {  	v22 =	vsel vm0, $0xBF800000, v22;
	vm0 =	veq.s32 v45, v14;
	v21 =	vmax.f32 v47, v31  }
0xab: {  	v23 =	vsel vm0, $0xBF800000, v23;
	vm0 =	veq.s32 v45, v15;
	v21 =	vmax.f32 v21, v22  }
0xac: {  	v24 =	vsel vm0, $0xBF800000, v24;
	v21 =	vmax.f32 v21, v23  }
0xad: {  	v21 =	vmax.f32 v21, v24  }
0xae: {  	(xrf0) =	vmax.scan.msk.f32 $0xffff, v21;
	_ =	sdelay $0x5  }
0xaf: {  	v21, _, _ =	vpop (xrf0)  }
0xb0: {  	v21 =	vbroadcast v21, $0xF;
	_ =	sdelay $0x1  }
0xb1: {  	vm0 =	veq.f32 v24, v21  }
0xb2: {  	vm15 =	veq.f32 v23, v21;
	v48 =	vnsel vm0, $0xC0000000, v1  }
0xb3: {  	vm0 =	veq.f32 v22, v21;
	v25 =	vsel vm15, v2, v48  }
0xb4: {  	vm15 =	veq.f32 v31, v21;
	v25 =	vsel vm0, v3, v25  }
0xb5: {  	vm0 =	veq.f32 v30, v21;
	v25 =	vsel vm15, v4, v25  }
0xb6: {  	vm15 =	veq.f32 v28, v21;
	v25 =	vsel vm0, v5, v25  }
0xb7: {  	vm0 =	veq.f32 v27, v21;
	v25 =	vsel vm15, v6, v25  }
0xb8: {  	vm15 =	veq.f32 v26, v21;
	v25 =	vsel vm0, v7, v25  }
0xb9: {  	v25 =	vsel vm15, v8, v25  }
0xba: {  	(xrf0) =	vmin.scan.msk.u32 $0xffff, v25;
	_ =	sdelay $0x5  }
0xbb: {  	v25, _, _ =	vpop (xrf0)  }
0xbc: {  	(v2sf) =	vpush v25, $0xF;
	_ =	sdelay $0xe  }
0xbd: {  	s30 =	spop (v2sf)  }
0xbe: {  	s5 =	sxor.u32 $0x80000000, s30  }
0xbf: {  	v49 =	vmov s5  }
0xc0: {  	vm0 =	veq.s32 v49, v0;
	vm15 =	veq.s32 v49, v9  }
0xc1: {  	v26 =	vsel vm0, $0xBF800000, v26;
	v27 =	vsel vm15, $0xBF800000, v27;
	vm0 =	veq.s32 v49, v10  }
0xc2: {  	v28 =	vsel vm0, $0xBF800000, v28;
	vm0 =	veq.s32 v49, v11;
	v50 =	vmax.f32 v26, v27  }
0xc3: {  	v30 =	vsel vm0, $0xBF800000, v30;
	vm0 =	veq.s32 v49, v12;
	v29 =	vmax.f32 v50, v28  }
0xc4: {  	v31 =	vsel vm0, $0xBF800000, v31;
	vm0 =	veq.s32 v49, v13;
	v29 =	vmax.f32 v29, v30  }
0xc5: {  	v32 =	vsel vm0, $0xBF800000, v22;
	vm0 =	veq.s32 v49, v14;
	v51 =	vmax.f32 v29, v31  }
0xc6: {  	v23 =	vsel vm0, $0xBF800000, v23;
	vm0 =	veq.s32 v49, v15;
	v22 =	vmax.f32 v51, v32  }
0xc7: {  	v24 =	vsel vm0, $0xBF800000, v24;
	v22 =	vmax.f32 v22, v23  }
0xc8: {  	v22 =	vmax.f32 v22, v24  }
0xc9: {  	(xrf0) =	vmax.scan.msk.f32 $0xffff, v22;
	_ =	sdelay $0x5  }
0xca: {  	v22, _, _ =	vpop (xrf0)  }
0xcb: {  	v22 =	vbroadcast v22, $0xF;
	_ =	sdelay $0x1  }
0xcc: {  	vm0 =	veq.f32 v24, v22  }
0xcd: {  	vm15 =	veq.f32 v23, v22;
	v52 =	vnsel vm0, $0xC0000000, v1  }
0xce: {  	vm0 =	veq.f32 v32, v22;
	v25 =	vsel vm15, v2, v52  }
0xcf: {  	vm15 =	veq.f32 v31, v22;
	v25 =	vsel vm0, v3, v25  }
0xd0: {  	vm0 =	veq.f32 v30, v22;
	v25 =	vsel vm15, v4, v25  }
0xd1: {  	vm15 =	veq.f32 v28, v22;
	v25 =	vsel vm0, v5, v25  }
0xd2: {  	vm0 =	veq.f32 v27, v22;
	v25 =	vsel vm15, v6, v25  }
0xd3: {  	vm15 =	veq.f32 v26, v22;
	v25 =	vsel vm0, v7, v25  }
0xd4: {  	v25 =	vsel vm15, v8, v25  }
0xd5: {  	(xrf0) =	vmin.scan.msk.u32 $0xffff, v25;
	_ =	sdelay $0x5  }
0xd6: {  	v25, _, _ =	vpop (xrf0)  }
0xd7: {  	(v2sf) =	vpush v25, $0xF;
	_ =	sdelay $0xe  }
0xd8: {  	s31 =	spop (v2sf)  }
0xd9: {  	s5 =	sxor.u32 $0x80000000, s31  }
0xda: {  	v53 =	vmov s5  }
0xdb: {  	vm0 =	veq.s32 v53, v0;
	vm15 =	veq.s32 v53, v9  }
0xdc: {  	v26 =	vsel vm0, $0xBF800000, v26;
	v27 =	vsel vm15, $0xBF800000, v27;
	vm0 =	veq.s32 v53, v10  }
0xdd: {  	v28 =	vsel vm0, $0xBF800000, v28;
	vm0 =	veq.s32 v53, v11;
	v54 =	vmax.f32 v26, v27  }
0xde: {  	v30 =	vsel vm0, $0xBF800000, v30;
	vm0 =	veq.s32 v53, v12;
	v29 =	vmax.f32 v54, v28  }
0xdf: {  	v31 =	vsel vm0, $0xBF800000, v31;
	vm0 =	veq.s32 v53, v13;
	v29 =	vmax.f32 v29, v30  }
0xe0: {  	v32 =	vsel vm0, $0xBF800000, v32;
	vm0 =	veq.s32 v53, v14;
	v29 =	vmax.f32 v29, v31  }
0xe1: {  	v33 =	vsel vm0, $0xBF800000, v23;
	vm0 =	veq.s32 v53, v15;
	v55 =	vmax.f32 v29, v32  }
0xe2: {  	v24 =	vsel vm0, $0xBF800000, v24;
	v23 =	vmax.f32 v55, v33  }
0xe3: {  	v23 =	vmax.f32 v23, v24  }
0xe4: {  	(xrf0) =	vmax.scan.msk.f32 $0xffff, v23;
	_ =	sdelay $0x5  }
0xe5: {  	v23, _, _ =	vpop (xrf0)  }
0xe6: {  	v23 =	vbroadcast v23, $0xF;
	_ =	sdelay $0x1  }
0xe7: {  	vm0 =	veq.f32 v24, v23  }
0xe8: {  	vm15 =	veq.f32 v33, v23;
	v56 =	vnsel vm0, $0xC0000000, v1  }
0xe9: {  	vm0 =	veq.f32 v32, v23;
	v25 =	vsel vm15, v2, v56  }
0xea: {  	vm15 =	veq.f32 v31, v23;
	v25 =	vsel vm0, v3, v25  }
0xeb: {  	vm0 =	veq.f32 v30, v23;
	v25 =	vsel vm15, v4, v25  }
0xec: {  	vm15 =	veq.f32 v28, v23;
	v25 =	vsel vm0, v5, v25  }
0xed: {  	vm0 =	veq.f32 v27, v23;
	v25 =	vsel vm15, v6, v25  }
0xee: {  	vm15 =	veq.f32 v26, v23;
	v25 =	vsel vm0, v7, v25  }
0xef: {  	v25 =	vsel vm15, v8, v25  }
0xf0: {  	(xrf0) =	vmin.scan.msk.u32 $0xffff, v25;
	_ =	sdelay $0x5  }
0xf1: {  	v25, _, _ =	vpop (xrf0)  }
0xf2: {  	(v2sf) =	vpush v25, $0xF;
	_ =	sdelay $0xe  }
0xf3: {  	s6 =	spop (v2sf)  }
0xf4: {  	s5 =	sxor.u32 $0x80000000, s6  }
0xf5: {  	v57 =	vmov s5  }
0xf6: {  	vm0 =	veq.s32 v57, v0;
	vm15 =	veq.s32 v57, v9  }
0xf7: {  	v26 =	vsel vm0, $0xBF800000, v26;
	v27 =	vsel vm15, $0xBF800000, v27;
	vm0 =	veq.s32 v57, v10  }
0xf8: {  	v28 =	vsel vm0, $0xBF800000, v28;
	vm0 =	veq.s32 v57, v11;
	v58 =	vmax.f32 v26, v27  }
0xf9: {  	v30 =	vsel vm0, $0xBF800000, v30;
	vm0 =	veq.s32 v57, v12;
	v29 =	vmax.f32 v58, v28  }
0xfa: {  	v31 =	vsel vm0, $0xBF800000, v31;
	vm0 =	veq.s32 v57, v13;
	v29 =	vmax.f32 v29, v30  }
0xfb: {  	v32 =	vsel vm0, $0xBF800000, v32;
	vm0 =	veq.s32 v57, v14;
	v29 =	vmax.f32 v29, v31  }
0xfc: {  	v33 =	vsel vm0, $0xBF800000, v33;
	vm0 =	veq.s32 v57, v15;
	v59 =	vmax.f32 v29, v32  }
0xfd: {  	v60 =	vsel vm0, $0xBF800000, v24;
	v61 =	vmax.f32 v59, v33  }
0xfe: {  	v24 =	vmax.f32 v61, v60  }
0xff: {  	(xrf0) =	vmax.scan.msk.f32 $0xffff, v24;
	_ =	sdelay $0x5  }
0x100: {  	v24, _, _ =	vpop (xrf0)  }
0x101: {  	v24 =	vbroadcast v24, $0xF;
	_ =	sdelay $0x1  }
0x102: {  	vm0 =	veq.f32 v60, v24  }
0x103: {  	vm15 =	veq.f32 v33, v24;
	v62 =	vnsel vm0, $0xC0000000, v1  }
0x104: {  	vm0 =	veq.f32 v32, v24;
	v25 =	vsel vm15, v2, v62  }
0x105: {  	vm15 =	veq.f32 v31, v24;
	v25 =	vsel vm0, v3, v25  }
0x106: {  	vm0 =	veq.f32 v30, v24;
	v25 =	vsel vm15, v4, v25  }
0x107: {  	vm15 =	veq.f32 v28, v24;
	v25 =	vsel vm0, v5, v25  }
0x108: {  	vm0 =	veq.f32 v27, v24;
	v25 =	vsel vm15, v6, v25  }
0x109: {  	vm15 =	veq.f32 v26, v24;
	v25 =	vsel vm0, v7, v25  }
0x10a: {  	v25 =	vsel vm15, v8, v25  }
0x10b: {  	(xrf0) =	vmin.scan.msk.u32 $0xffff, v25;
	_ =	sdelay $0x5  }
0x10c: {  	v25, _, _ =	vpop (xrf0)  }
0x10d: {  	(v2sf) =	vpush v25, $0xF;
	_ =	sdelay $0xe  }
0x10e: {  	s7 =	spop (v2sf)  }
0x10f: {  	s5 =	sxor.u32 $0x80000000, s7  }
0x110: {  	v63 =	vmov s5  }
0x111: {  	vm0 =	veq.s32 v63, v0;
	vm15 =	veq.s32 v63, v9  }
0x112: {  	v26 =	vsel vm0, $0xBF800000, v26;
	v27 =	vsel vm15, $0xBF800000, v27;
	vm0 =	veq.s32 v63, v10  }
0x113: {  	v28 =	vsel vm0, $0xBF800000, v28;
	vm0 =	veq.s32 v63, v11;
	v34 =	vmax.f32 v26, v27  }
0x114: {  	v30 =	vsel vm0, $0xBF800000, v30;
	vm0 =	veq.s32 v63, v12;
	v34 =	vmax.f32 v34, v28  }
0x115: {  	v31 =	vsel vm0, $0xBF800000, v31;
	vm0 =	veq.s32 v63, v13;
	v34 =	vmax.f32 v34, v30  }
0x116: {  	v32 =	vsel vm0, $0xBF800000, v32;
	vm0 =	veq.s32 v63, v14;
	v34 =	vmax.f32 v34, v31  }
0x117: {  	v33 =	vsel vm0, $0xBF800000, v33;
	vm0 =	veq.s32 v63, v15;
	v36 =	vmax.f32 v34, v32  }
0x118: {  	v29 =	vsel vm0, $0xBF800000, v60;
	v25 =	vmax.f32 v36, v33  }
0x119: {  	v25 =	vmax.f32 v25, v29  }
0x11a: {  	(xrf0) =	vmax.scan.msk.f32 $0xffff, v25;
	_ =	sdelay $0x5  }
0x11b: {  	v25, _, _ =	vpop (xrf0)  }
0x11c: {  	v25 =	vbroadcast v25, $0xF;
	_ =	sdelay $0x1  }
0x11d: {  	vm0 =	veq.f32 v29, v25  }
0x11e: {  	vm15 =	veq.f32 v33, v25;
	v37 =	vnsel vm0, $0xC0000000, v1  }
0x11f: {  	vm0 =	veq.f32 v32, v25;
	v34 =	vsel vm15, v2, v37  }
0x120: {  	vm15 =	veq.f32 v31, v25;
	v34 =	vsel vm0, v3, v34  }
0x121: {  	vm0 =	veq.f32 v30, v25;
	v34 =	vsel vm15, v4, v34  }
0x122: {  	vm15 =	veq.f32 v28, v25;
	v34 =	vsel vm0, v5, v34  }
0x123: {  	vm0 =	veq.f32 v27, v25;
	v34 =	vsel vm15, v6, v34  }
0x124: {  	vm15 =	veq.f32 v26, v25;
	v34 =	vsel vm0, v7, v34  }
0x125: {  	v34 =	vsel vm15, v8, v34  }
0x126: {  	(xrf0) =	vmin.scan.msk.u32 $0xffff, v34;
	_ =	sdelay $0x5  }
0x127: {  	v34, _, _ =	vpop (xrf0)  }
0x128: {  	(v2sf) =	vpush v34, $0xF;
	_ =	sdelay $0xe  }
0x129: {  	s8 =	spop (v2sf)  }
0x12a: {  	s5 =	sxor.u32 $0x80000000, s8  }
0x12b: {  	v38 =	vmov s5  }
0x12c: {  	vm0 =	veq.s32 v38, v0;
	vm15 =	veq.s32 v38, v9  }
0x12d: {  	v35 =	vsel vm0, $0xBF800000, v26;
	v27 =	vsel vm15, $0xBF800000, v27;
	vm0 =	veq.s32 v38, v10  }
0x12e: {  	v28 =	vsel vm0, $0xBF800000, v28;
	vm0 =	veq.s32 v38, v11;
	v26 =	vmax.f32 v35, v27  }
0x12f: {  	v30 =	vsel vm0, $0xBF800000, v30;
	vm0 =	veq.s32 v38, v12;
	v26 =	vmax.f32 v26, v28  }
0x130: {  	v31 =	vsel vm0, $0xBF800000, v31;
	vm0 =	veq.s32 v38, v13;
	v26 =	vmax.f32 v26, v30  }
0x131: {  	v32 =	vsel vm0, $0xBF800000, v32;
	vm0 =	veq.s32 v38, v14;
	v26 =	vmax.f32 v26, v31  }
0x132: {  	v33 =	vsel vm0, $0xBF800000, v33;
	vm0 =	veq.s32 v38, v15;
	v26 =	vmax.f32 v26, v32  }
0x133: {  	v29 =	vsel vm0, $0xBF800000, v29;
	v26 =	vmax.f32 v26, v33  }
0x134: {  	v26 =	vmax.f32 v26, v29  }
0x135: {  	(xrf0) =	vmax.scan.msk.f32 $0xffff, v26;
	_ =	sdelay $0x5  }
0x136: {  	v26, _, _ =	vpop (xrf0)  }
0x137: {  	v26 =	vbroadcast v26, $0xF;
	_ =	sdelay $0x1  }
0x138: {  	vm0 =	veq.f32 v29, v26  }
0x139: {  	vm15 =	veq.f32 v33, v26;
	v39 =	vnsel vm0, $0xC0000000, v1  }
0x13a: {  	vm0 =	veq.f32 v32, v26;
	v34 =	vsel vm15, v2, v39  }
0x13b: {  	vm15 =	veq.f32 v31, v26;
	v34 =	vsel vm0, v3, v34  }
0x13c: {  	vm0 =	veq.f32 v30, v26;
	v34 =	vsel vm15, v4, v34  }
0x13d: {  	vm15 =	veq.f32 v28, v26;
	v34 =	vsel vm0, v5, v34  }
0x13e: {  	vm0 =	veq.f32 v27, v26;
	v34 =	vsel vm15, v6, v34  }
0x13f: {  	vm15 =	veq.f32 v35, v26;
	v34 =	vsel vm0, v7, v34  }
0x140: {  	v34 =	vsel vm15, v8, v34  }
0x141: {  	(xrf0) =	vmin.scan.msk.u32 $0xffff, v34;
	_ =	sdelay $0x5  }
0x142: {  	v34, _, _ =	vpop (xrf0)  }
0x143: {  	(v2sf) =	vpush v34, $0xF;
	_ =	sdelay $0xe  }
0x144: {  	s9 =	spop (v2sf)  }
0x145: {  	s5 =	sxor.u32 $0x80000000, s9  }
0x146: {  	v40 =	vmov s5  }
0x147: {  	vm0 =	veq.s32 v40, v0;
	vm15 =	veq.s32 v40, v9  }
0x148: {  	v35 =	vsel vm0, $0xBF800000, v35;
	v36 =	vsel vm15, $0xBF800000, v27;
	vm0 =	veq.s32 v40, v10  }
0x149: {  	v28 =	vsel vm0, $0xBF800000, v28;
	vm0 =	veq.s32 v40, v11;
	v27 =	vmax.f32 v35, v36  }
0x14a: {  	v30 =	vsel vm0, $0xBF800000, v30;
	vm0 =	veq.s32 v40, v12;
	v27 =	vmax.f32 v27, v28  }
0x14b: {  	v31 =	vsel vm0, $0xBF800000, v31;
	vm0 =	veq.s32 v40, v13;
	v27 =	vmax.f32 v27, v30  }
0x14c: {  	v32 =	vsel vm0, $0xBF800000, v32;
	vm0 =	veq.s32 v40, v14;
	v27 =	vmax.f32 v27, v31  }
0x14d: {  	v33 =	vsel vm0, $0xBF800000, v33;
	vm0 =	veq.s32 v40, v15;
	v27 =	vmax.f32 v27, v32  }
0x14e: {  	v29 =	vsel vm0, $0xBF800000, v29;
	v27 =	vmax.f32 v27, v33  }
0x14f: {  	v27 =	vmax.f32 v27, v29  }
0x150: {  	(xrf0) =	vmax.scan.msk.f32 $0xffff, v27;
	_ =	sdelay $0x5  }
0x151: {  	v27, _, _ =	vpop (xrf0)  }
0x152: {  	v27 =	vbroadcast v27, $0xF;
	_ =	sdelay $0x1  }
0x153: {  	vm0 =	veq.f32 v29, v27  }
0x154: {  	vm15 =	veq.f32 v33, v27;
	v41 =	vnsel vm0, $0xC0000000, v1  }
0x155: {  	vm0 =	veq.f32 v32, v27;
	v34 =	vsel vm15, v2, v41  }
0x156: {  	vm15 =	veq.f32 v31, v27;
	v34 =	vsel vm0, v3, v34  }
0x157: {  	vm0 =	veq.f32 v30, v27;
	v34 =	vsel vm15, v4, v34  }
0x158: {  	vm15 =	veq.f32 v28, v27;
	v34 =	vsel vm0, v5, v34  }
0x159: {  	vm0 =	veq.f32 v36, v27;
	v34 =	vsel vm15, v6, v34  }
0x15a: {  	vm15 =	veq.f32 v35, v27;
	v34 =	vsel vm0, v7, v34  }
0x15b: {  	v34 =	vsel vm15, v8, v34  }
0x15c: {  	(xrf0) =	vmin.scan.msk.u32 $0xffff, v34;
	_ =	sdelay $0x5  }
0x15d: {  	v34, _, _ =	vpop (xrf0)  }
0x15e: {  	(v2sf) =	vpush v34, $0xF;
	_ =	sdelay $0xe  }
0x15f: {  	s10 =	spop (v2sf)  }
0x160: {  	s5 =	sxor.u32 $0x80000000, s10  }
0x161: {  	v42 =	vmov s5  }
0x162: {  	vm0 =	veq.s32 v42, v0;
	vm15 =	veq.s32 v42, v9  }
0x163: {  	v35 =	vsel vm0, $0xBF800000, v35;
	v36 =	vsel vm15, $0xBF800000, v36;
	vm0 =	veq.s32 v42, v10  }
0x164: {  	v37 =	vsel vm0, $0xBF800000, v28;
	vm0 =	veq.s32 v42, v11;
	v43 =	vmax.f32 v35, v36  }
0x165: {  	v30 =	vsel vm0, $0xBF800000, v30;
	vm0 =	veq.s32 v42, v12;
	v28 =	vmax.f32 v43, v37  }
0x166: {  	v31 =	vsel vm0, $0xBF800000, v31;
	vm0 =	veq.s32 v42, v13;
	v28 =	vmax.f32 v28, v30  }
0x167: {  	v32 =	vsel vm0, $0xBF800000, v32;
	vm0 =	veq.s32 v42, v14;
	v28 =	vmax.f32 v28, v31  }
0x168: {  	v33 =	vsel vm0, $0xBF800000, v33;
	vm0 =	veq.s32 v42, v15;
	v28 =	vmax.f32 v28, v32  }
0x169: {  	v29 =	vsel vm0, $0xBF800000, v29;
	v28 =	vmax.f32 v28, v33  }
0x16a: {  	v28 =	vmax.f32 v28, v29  }
0x16b: {  	(xrf0) =	vmax.scan.msk.f32 $0xffff, v28;
	_ =	sdelay $0x5  }
0x16c: {  	v28, _, _ =	vpop (xrf0)  }
0x16d: {  	v28 =	vbroadcast v28, $0xF;
	_ =	sdelay $0x1  }
0x16e: {  	vm0 =	veq.f32 v29, v28  }
0x16f: {  	vm15 =	veq.f32 v33, v28;
	v44 =	vnsel vm0, $0xC0000000, v1  }
0x170: {  	vm0 =	veq.f32 v32, v28;
	v34 =	vsel vm15, v2, v44  }
0x171: {  	vm15 =	veq.f32 v31, v28;
	v34 =	vsel vm0, v3, v34  }
0x172: {  	vm0 =	veq.f32 v30, v28;
	v34 =	vsel vm15, v4, v34  }
0x173: {  	vm15 =	veq.f32 v37, v28;
	v34 =	vsel vm0, v5, v34  }
0x174: {  	vm0 =	veq.f32 v36, v28;
	v34 =	vsel vm15, v6, v34  }
0x175: {  	vm15 =	veq.f32 v35, v28;
	v34 =	vsel vm0, v7, v34  }
0x176: {  	v34 =	vsel vm15, v8, v34  }
0x177: {  	(xrf0) =	vmin.scan.msk.u32 $0xffff, v34;
	_ =	sdelay $0x5  }
0x178: {  	v34, _, _ =	vpop (xrf0)  }
0x179: {  	(v2sf) =	vpush v34, $0xF;
	_ =	sdelay $0xe  }
0x17a: {  	s11 =	spop (v2sf)  }
0x17b: {  	s5 =	sxor.u32 $0x80000000, s11  }
0x17c: {  	v45 =	vmov s5  }
0x17d: {  	vm0 =	veq.s32 v45, v0;
	vm15 =	veq.s32 v45, v9  }
0x17e: {  	v35 =	vsel vm0, $0xBF800000, v35;
	v36 =	vsel vm15, $0xBF800000, v36;
	vm0 =	veq.s32 v45, v10  }
0x17f: {  	v37 =	vsel vm0, $0xBF800000, v37;
	vm0 =	veq.s32 v45, v11;
	v38 =	vmax.f32 v35, v36  }
0x180: {  	v30 =	vsel vm0, $0xBF800000, v30;
	vm0 =	veq.s32 v45, v12;
	v38 =	vmax.f32 v38, v37  }
0x181: {  	v31 =	vsel vm0, $0xBF800000, v31;
	vm0 =	veq.s32 v45, v13;
	v38 =	vmax.f32 v38, v30  }
0x182: {  	v32 =	vsel vm0, $0xBF800000, v32;
	vm0 =	veq.s32 v45, v14;
	v38 =	vmax.f32 v38, v31  }
0x183: {  	v33 =	vsel vm0, $0xBF800000, v33;
	vm0 =	veq.s32 v45, v15;
	v46 =	vmax.f32 v38, v32  }
0x184: {  	v47 =	vsel vm0, $0xBF800000, v29;
	v48 =	vmax.f32 v46, v33  }
0x185: {  	v29 =	vmax.f32 v48, v47  }
0x186: {  	(xrf0) =	vmax.scan.msk.f32 $0xffff, v29;
	_ =	sdelay $0x5  }
0x187: {  	v29, _, _ =	vpop (xrf0)  }
0x188: {  	v29 =	vbroadcast v29, $0xF;
	_ =	sdelay $0x1  }
0x189: {  	vm0 =	veq.f32 v47, v29  }
0x18a: {  	vm15 =	veq.f32 v33, v29;
	v49 =	vnsel vm0, $0xC0000000, v1  }
0x18b: {  	vm0 =	veq.f32 v32, v29;
	v34 =	vsel vm15, v2, v49  }
0x18c: {  	vm15 =	veq.f32 v31, v29;
	v34 =	vsel vm0, v3, v34  }
0x18d: {  	vm0 =	veq.f32 v30, v29;
	v34 =	vsel vm15, v4, v34  }
0x18e: {  	vm15 =	veq.f32 v37, v29;
	v34 =	vsel vm0, v5, v34  }
0x18f: {  	vm0 =	veq.f32 v36, v29;
	v34 =	vsel vm15, v6, v34  }
0x190: {  	vm15 =	veq.f32 v35, v29;
	v34 =	vsel vm0, v7, v34  }
0x191: {  	v34 =	vsel vm15, v8, v34  }
0x192: {  	(xrf0) =	vmin.scan.msk.u32 $0xffff, v34;
	_ =	sdelay $0x5  }
0x193: {  	v34, _, _ =	vpop (xrf0)  }
0x194: {  	(v2sf) =	vpush v34, $0xF;
	_ =	sdelay $0xe  }
0x195: {  	s12 =	spop (v2sf)  }
0x196: {  	s5 =	sxor.u32 $0x80000000, s12  }
0x197: {  	v50 =	vmov s5  }
0x198: {  	vm0 =	veq.s32 v50, v0;
	vm15 =	veq.s32 v50, v9  }
0x199: {  	v35 =	vsel vm0, $0xBF800000, v35;
	v36 =	vsel vm15, $0xBF800000, v36;
	vm0 =	veq.s32 v50, v10  }
0x19a: {  	v37 =	vsel vm0, $0xBF800000, v37;
	vm0 =	veq.s32 v50, v11;
	v39 =	vmax.f32 v35, v36  }
0x19b: {  	v40 =	vsel vm0, $0xBF800000, v30;
	vm0 =	veq.s32 v50, v12;
	v51 =	vmax.f32 v39, v37  }
0x19c: {  	v31 =	vsel vm0, $0xBF800000, v31;
	vm0 =	veq.s32 v50, v13;
	v30 =	vmax.f32 v51, v40  }
0x19d: {  	v32 =	vsel vm0, $0xBF800000, v32;
	vm0 =	veq.s32 v50, v14;
	v30 =	vmax.f32 v30, v31  }
0x19e: {  	v33 =	vsel vm0, $0xBF800000, v33;
	vm0 =	veq.s32 v50, v15;
	v30 =	vmax.f32 v30, v32  }
0x19f: {  	v34 =	vsel vm0, $0xBF800000, v47;
	v30 =	vmax.f32 v30, v33  }
0x1a0: {  	v30 =	vmax.f32 v30, v34  }
0x1a1: {  	(xrf0) =	vmax.scan.msk.f32 $0xffff, v30;
	_ =	sdelay $0x5  }
0x1a2: {  	v30, _, _ =	vpop (xrf0)  }
0x1a3: {  	v30 =	vbroadcast v30, $0xF;
	_ =	sdelay $0x1  }
0x1a4: {  	vm0 =	veq.f32 v34, v30  }
0x1a5: {  	vm15 =	veq.f32 v33, v30;
	v52 =	vnsel vm0, $0xC0000000, v1  }
0x1a6: {  	vm0 =	veq.f32 v32, v30;
	v38 =	vsel vm15, v2, v52  }
0x1a7: {  	vm15 =	veq.f32 v31, v30;
	v38 =	vsel vm0, v3, v38  }
0x1a8: {  	vm0 =	veq.f32 v40, v30;
	v38 =	vsel vm15, v4, v38  }
0x1a9: {  	vm15 =	veq.f32 v37, v30;
	v38 =	vsel vm0, v5, v38  }
0x1aa: {  	vm0 =	veq.f32 v36, v30;
	v38 =	vsel vm15, v6, v38  }
0x1ab: {  	vm15 =	veq.f32 v35, v30;
	v38 =	vsel vm0, v7, v38  }
0x1ac: {  	v38 =	vsel vm15, v8, v38  }
0x1ad: {  	(xrf0) =	vmin.scan.msk.u32 $0xffff, v38;
	_ =	sdelay $0x5  }
0x1ae: {  	v38, _, _ =	vpop (xrf0)  }
0x1af: {  	(v2sf) =	vpush v38, $0xF;
	_ =	sdelay $0xe  }
0x1b0: {  	s13 =	spop (v2sf)  }
0x1b1: {  	s5 =	sxor.u32 $0x80000000, s13  }
0x1b2: {  	v53 =	vmov s5  }
0x1b3: {  	vm0 =	veq.s32 v53, v0;
	vm15 =	veq.s32 v53, v9  }
0x1b4: {  	v35 =	vsel vm0, $0xBF800000, v35;
	v36 =	vsel vm15, $0xBF800000, v36;
	vm0 =	veq.s32 v53, v10  }
0x1b5: {  	v37 =	vsel vm0, $0xBF800000, v37;
	vm0 =	veq.s32 v53, v11;
	v54 =	vmax.f32 v35, v36  }
0x1b6: {  	v40 =	vsel vm0, $0xBF800000, v40;
	vm0 =	veq.s32 v53, v12;
	v39 =	vmax.f32 v54, v37  }
0x1b7: {  	v41 =	vsel vm0, $0xBF800000, v31;
	vm0 =	veq.s32 v53, v13;
	v55 =	vmax.f32 v39, v40  }
0x1b8: {  	v32 =	vsel vm0, $0xBF800000, v32;
	vm0 =	veq.s32 v53, v14;
	v31 =	vmax.f32 v55, v41  }
0x1b9: {  	v33 =	vsel vm0, $0xBF800000, v33;
	vm0 =	veq.s32 v53, v15;
	v31 =	vmax.f32 v31, v32  }
0x1ba: {  	v34 =	vsel vm0, $0xBF800000, v34;
	v31 =	vmax.f32 v31, v33  }
0x1bb: {  	v31 =	vmax.f32 v31, v34  }
0x1bc: {  	(xrf0) =	vmax.scan.msk.f32 $0xffff, v31;
	_ =	sdelay $0x5  }
0x1bd: {  	v31, _, _ =	vpop (xrf0)  }
0x1be: {  	v56 =	vbroadcast v31, $0xF;
	_ =	sdelay $0x1  }
0x1bf: {  	vm0 =	veq.f32 v34, v56  }
0x1c0: {  	vm15 =	veq.f32 v33, v56;
	v57 =	vnsel vm0, $0xC0000000, v1  }
0x1c1: {  	vm0 =	veq.f32 v32, v56;
	v39 =	vsel vm15, v2, v57  }
0x1c2: {  	vm15 =	veq.f32 v41, v56;
	v39 =	vsel vm0, v3, v39  }
0x1c3: {  	vm0 =	veq.f32 v40, v56;
	v39 =	vsel vm15, v4, v39  }
0x1c4: {  	vm15 =	veq.f32 v37, v56;
	v39 =	vsel vm0, v5, v39  }
0x1c5: {  	vm0 =	veq.f32 v36, v56;
	v39 =	vsel vm15, v6, v39  }
0x1c6: {  	vm15 =	veq.f32 v35, v56;
	v58 =	vsel vm0, v7, v39  }
0x1c7: {  	v38 =	vsel vm15, v8, v58  }
0x1c8: {  	(xrf0) =	vmin.scan.msk.u32 $0xffff, v38;
	_ =	sdelay $0x5  }
0x1c9: {  	v38, _, _ =	vpop (xrf0)  }
0x1ca: {  	(v2sf) =	vpush v38, $0xF;
	_ =	sdelay $0xe  }
0x1cb: {  	s14 =	spop (v2sf)  }
0x1cc: {  	s5 =	sxor.u32 $0x80000000, s14  }
0x1cd: {  	v59 =	vmov s5  }
0x1ce: {  	vm0 =	veq.s32 v59, v0;
	vm15 =	veq.s32 v59, v9  }
0x1cf: {  	v35 =	vsel vm0, $0xBF800000, v35;
	v36 =	vsel vm15, $0xBF800000, v36;
	vm0 =	veq.s32 v59, v10  }
0x1d0: {  	v37 =	vsel vm0, $0xBF800000, v37;
	vm0 =	veq.s32 v59, v11;
	v60 =	vmax.f32 v35, v36  }
0x1d1: {  	v40 =	vsel vm0, $0xBF800000, v40;
	vm0 =	veq.s32 v59, v12;
	v39 =	vmax.f32 v60, v37  }
0x1d2: {  	v41 =	vsel vm0, $0xBF800000, v41;
	vm0 =	veq.s32 v59, v13;
	v39 =	vmax.f32 v39, v40  }
0x1d3: {  	v42 =	vsel vm0, $0xBF800000, v32;
	vm0 =	veq.s32 v59, v14;
	v61 =	vmax.f32 v39, v41  }
0x1d4: {  	v33 =	vsel vm0, $0xBF800000, v33;
	vm0 =	veq.s32 v59, v15;
	v32 =	vmax.f32 v61, v42  }
0x1d5: {  	v34 =	vsel vm0, $0xBF800000, v34;
	v32 =	vmax.f32 v32, v33  }
0x1d6: {  	v32 =	vmax.f32 v32, v34  }
0x1d7: {  	(xrf0) =	vmax.scan.msk.f32 $0xffff, v32;
	_ =	sdelay $0x5  }
0x1d8: {  	v32, _, _ =	vpop (xrf0)  }
0x1d9: {  	v32 =	vbroadcast v32, $0xF;
	_ =	sdelay $0x1  }
0x1da: {  	vm0 =	veq.f32 v34, v32  }
0x1db: {  	vm15 =	veq.f32 v33, v32;
	v62 =	vnsel vm0, $0xC0000000, v1  }
0x1dc: {  	vm0 =	veq.f32 v42, v32;
	v38 =	vsel vm15, v2, v62  }
0x1dd: {  	vm15 =	veq.f32 v41, v32;
	v38 =	vsel vm0, v3, v38  }
0x1de: {  	vm0 =	veq.f32 v40, v32;
	v38 =	vsel vm15, v4, v38  }
0x1df: {  	vm15 =	veq.f32 v37, v32;
	v38 =	vsel vm0, v5, v38  }
0x1e0: {  	vm0 =	veq.f32 v36, v32;
	v38 =	vsel vm15, v6, v38  }
0x1e1: {  	vm15 =	veq.f32 v35, v32;
	v38 =	vsel vm0, v7, v38  }
0x1e2: {  	v38 =	vsel vm15, v8, v38  }
0x1e3: {  	(xrf0) =	vmin.scan.msk.u32 $0xffff, v38;
	_ =	sdelay $0x5  }
0x1e4: {  	v38, _, _ =	vpop (xrf0)  }
0x1e5: {  	(v2sf) =	vpush v38, $0xF;
	_ =	sdelay $0xe  }
0x1e6: {  	s15 =	spop (v2sf)  }
0x1e7: {  	s5 =	sxor.u32 $0x80000000, s15  }
0x1e8: {  	v63 =	vmov s5  }
0x1e9: {  	vm0 =	veq.s32 v63, v0;
	vm15 =	veq.s32 v63, v9  }
0x1ea: {  	v35 =	vsel vm0, $0xBF800000, v35;
	v36 =	vsel vm15, $0xBF800000, v36;
	vm0 =	veq.s32 v63, v10  }
0x1eb: {  	v37 =	vsel vm0, $0xBF800000, v37;
	vm0 =	veq.s32 v63, v11;
	v45 =	vmax.f32 v35, v36  }
0x1ec: {  	v40 =	vsel vm0, $0xBF800000, v40;
	vm0 =	veq.s32 v63, v12;
	v39 =	vmax.f32 v45, v37  }
0x1ed: {  	v41 =	vsel vm0, $0xBF800000, v41;
	vm0 =	veq.s32 v63, v13;
	v39 =	vmax.f32 v39, v40  }
0x1ee: {  	v42 =	vsel vm0, $0xBF800000, v42;
	vm0 =	veq.s32 v63, v14;
	v39 =	vmax.f32 v39, v41  }
0x1ef: {  	v43 =	vsel vm0, $0xBF800000, v33;
	vm0 =	veq.s32 v63, v15;
	v46 =	vmax.f32 v39, v42  }
0x1f0: {  	v34 =	vsel vm0, $0xBF800000, v34;
	v33 =	vmax.f32 v46, v43  }
0x1f1: {  	v33 =	vmax.f32 v33, v34  }
0x1f2: {  	(xrf0) =	vmax.scan.msk.f32 $0xffff, v33;
	_ =	sdelay $0x5  }
0x1f3: {  	v33, _, _ =	vpop (xrf0)  }
0x1f4: {  	v33 =	vbroadcast v33, $0xF;
	_ =	sdelay $0x1  }
0x1f5: {  	vm0 =	veq.f32 v34, v33  }
0x1f6: {  	vm15 =	veq.f32 v43, v33;
	v47 =	vnsel vm0, $0xC0000000, v1  }
0x1f7: {  	vm0 =	veq.f32 v42, v33;
	v38 =	vsel vm15, v2, v47  }
0x1f8: {  	vm15 =	veq.f32 v41, v33;
	v38 =	vsel vm0, v3, v38  }
0x1f9: {  	vm0 =	veq.f32 v40, v33;
	v38 =	vsel vm15, v4, v38  }
0x1fa: {  	vm15 =	veq.f32 v37, v33;
	v38 =	vsel vm0, v5, v38  }
0x1fb: {  	vm0 =	veq.f32 v36, v33;
	v38 =	vsel vm15, v6, v38  }
0x1fc: {  	vm15 =	veq.f32 v35, v33;
	v38 =	vsel vm0, v7, v38  }
0x1fd: {  	v38 =	vsel vm15, v8, v38  }
0x1fe: {  	(xrf0) =	vmin.scan.msk.u32 $0xffff, v38;
	_ =	sdelay $0x5  }
0x1ff: {  	v38, _, _ =	vpop (xrf0)  }
0x200: {  	(v2sf) =	vpush v38, $0xF;
	_ =	sdelay $0xe  }
0x201: {  	s16 =	spop (v2sf)  }
0x202: {  	s5 =	sxor.u32 $0x80000000, s16  }
0x203: {  	v48 =	vmov s5  }
0x204: {  	vm0 =	veq.s32 v48, v0;
	vm15 =	veq.s32 v48, v9  }
0x205: {  	v35 =	vsel vm0, $0xBF800000, v35;
	v36 =	vsel vm15, $0xBF800000, v36;
	vm0 =	veq.s32 v48, v10  }
0x206: {  	v37 =	vsel vm0, $0xBF800000, v37;
	vm0 =	veq.s32 v48, v11;
	v49 =	vmax.f32 v35, v36  }
0x207: {  	v40 =	vsel vm0, $0xBF800000, v40;
	vm0 =	veq.s32 v48, v12;
	v39 =	vmax.f32 v49, v37  }
0x208: {  	v41 =	vsel vm0, $0xBF800000, v41;
	vm0 =	veq.s32 v48, v13;
	v39 =	vmax.f32 v39, v40  }
0x209: {  	v42 =	vsel vm0, $0xBF800000, v42;
	vm0 =	veq.s32 v48, v14;
	v39 =	vmax.f32 v39, v41  }
0x20a: {  	v43 =	vsel vm0, $0xBF800000, v43;
	vm0 =	veq.s32 v48, v15;
	v50 =	vmax.f32 v39, v42  }
0x20b: {  	v51 =	vsel vm0, $0xBF800000, v34;
	v52 =	vmax.f32 v50, v43  }
0x20c: {  	v34 =	vmax.f32 v52, v51  }
0x20d: {  	(xrf0) =	vmax.scan.msk.f32 $0xffff, v34;
	_ =	sdelay $0x5  }
0x20e: {  	v34, _, _ =	vpop (xrf0)  }
0x20f: {  	v34 =	vbroadcast v34, $0xF;
	_ =	sdelay $0x1  }
0x210: {  	vm0 =	veq.f32 v51, v34  }
0x211: {  	vm15 =	veq.f32 v43, v34;
	v53 =	vnsel vm0, $0xC0000000, v1  }
0x212: {  	vm0 =	veq.f32 v42, v34;
	v38 =	vsel vm15, v2, v53  }
0x213: {  	vm15 =	veq.f32 v41, v34;
	v38 =	vsel vm0, v3, v38  }
0x214: {  	vm0 =	veq.f32 v40, v34;
	v38 =	vsel vm15, v4, v38  }
0x215: {  	vm15 =	veq.f32 v37, v34;
	v38 =	vsel vm0, v5, v38  }
0x216: {  	vm0 =	veq.f32 v36, v34;
	v38 =	vsel vm15, v6, v38  }
0x217: {  	vm15 =	veq.f32 v35, v34;
	v38 =	vsel vm0, v7, v38  }
0x218: {  	v38 =	vsel vm15, v8, v38  }
0x219: {  	(xrf0) =	vmin.scan.msk.u32 $0xffff, v38;
	_ =	sdelay $0x5  }
0x21a: {  	v38, _, _ =	vpop (xrf0)  }
0x21b: {  	(v2sf) =	vpush v38, $0xF;
	_ =	sdelay $0xe  }
0x21c: {  	s17 =	spop (v2sf)  }
0x21d: {  	s5 =	sxor.u32 $0x80000000, s17  }
0x21e: {  	v54 =	vmov s5  }
0x21f: {  	vm0 =	veq.s32 v54, v0;
	vm15 =	veq.s32 v54, v9  }
0x220: {  	v44 =	vsel vm0, $0xBF800000, v35;
	v36 =	vsel vm15, $0xBF800000, v36;
	vm0 =	veq.s32 v54, v10  }
0x221: {  	v37 =	vsel vm0, $0xBF800000, v37;
	vm0 =	veq.s32 v54, v11;
	v35 =	vmax.f32 v44, v36  }
0x222: {  	v40 =	vsel vm0, $0xBF800000, v40;
	vm0 =	veq.s32 v54, v12;
	v35 =	vmax.f32 v35, v37  }
0x223: {  	v41 =	vsel vm0, $0xBF800000, v41;
	vm0 =	veq.s32 v54, v13;
	v35 =	vmax.f32 v35, v40  }
0x224: {  	v42 =	vsel vm0, $0xBF800000, v42;
	vm0 =	veq.s32 v54, v14;
	v35 =	vmax.f32 v35, v41  }
0x225: {  	v43 =	vsel vm0, $0xBF800000, v43;
	vm0 =	veq.s32 v54, v15;
	v35 =	vmax.f32 v35, v42  }
0x226: {  	v38 =	vsel vm0, $0xBF800000, v51;
	v35 =	vmax.f32 v35, v43  }
0x227: {  	v35 =	vmax.f32 v35, v38  }
0x228: {  	(xrf0) =	vmax.scan.msk.f32 $0xffff, v35;
	_ =	sdelay $0x5  }
0x229: {  	v35, _, _ =	vpop (xrf0)  }
0x22a: {  	v35 =	vbroadcast v35, $0xF;
	_ =	sdelay $0x1  }
0x22b: {  	vm0 =	veq.f32 v38, v35  }
0x22c: {  	vm15 =	veq.f32 v43, v35;
	v55 =	vnsel vm0, $0xC0000000, v1  }
0x22d: {  	vm0 =	veq.f32 v42, v35;
	v39 =	vsel vm15, v2, v55  }
0x22e: {  	vm15 =	veq.f32 v41, v35;
	v39 =	vsel vm0, v3, v39  }
0x22f: {  	vm0 =	veq.f32 v40, v35;
	v39 =	vsel vm15, v4, v39  }
0x230: {  	vm15 =	veq.f32 v37, v35;
	v39 =	vsel vm0, v5, v39  }
0x231: {  	vm0 =	veq.f32 v36, v35;
	v39 =	vsel vm15, v6, v39  }
0x232: {  	vm15 =	veq.f32 v44, v35;
	v39 =	vsel vm0, v7, v39  }
0x233: {  	v39 =	vsel vm15, v8, v39  }
0x234: {  	(xrf0) =	vmin.scan.msk.u32 $0xffff, v39;
	_ =	sdelay $0x5  }
0x235: {  	v39, _, _ =	vpop (xrf0)  }
0x236: {  	(v2sf) =	vpush v39, $0xF;
	_ =	sdelay $0xe  }
0x237: {  	s18 =	spop (v2sf)  }
0x238: {  	s5 =	sxor.u32 $0x80000000, s18  }
0x239: {  	v56 =	vmov s5  }
0x23a: {  	vm0 =	veq.s32 v56, v0;
	vm15 =	veq.s32 v56, v9  }
0x23b: {  	v44 =	vsel vm0, $0xBF800000, v44;
	v45 =	vsel vm15, $0xBF800000, v36;
	vm0 =	veq.s32 v56, v10  }
0x23c: {  	v37 =	vsel vm0, $0xBF800000, v37;
	vm0 =	veq.s32 v56, v11;
	v36 =	vmax.f32 v44, v45  }
0x23d: {  	v40 =	vsel vm0, $0xBF800000, v40;
	vm0 =	veq.s32 v56, v12;
	v36 =	vmax.f32 v36, v37  }
0x23e: {  	v41 =	vsel vm0, $0xBF800000, v41;
	vm0 =	veq.s32 v56, v13;
	v36 =	vmax.f32 v36, v40  }
0x23f: {  	v42 =	vsel vm0, $0xBF800000, v42;
	vm0 =	veq.s32 v56, v14;
	v36 =	vmax.f32 v36, v41  }
0x240: {  	v43 =	vsel vm0, $0xBF800000, v43;
	vm0 =	veq.s32 v56, v15;
	v36 =	vmax.f32 v36, v42  }
0x241: {  	v38 =	vsel vm0, $0xBF800000, v38;
	v36 =	vmax.f32 v36, v43  }
0x242: {  	v36 =	vmax.f32 v36, v38  }
0x243: {  	(xrf0) =	vmax.scan.msk.f32 $0xffff, v36;
	_ =	sdelay $0x5  }
0x244: {  	v36, _, _ =	vpop (xrf0)  }
0x245: {  	v36 =	vbroadcast v36, $0xF;
	_ =	sdelay $0x1  }
0x246: {  	vm0 =	veq.f32 v38, v36  }
0x247: {  	vm15 =	veq.f32 v43, v36;
	v57 =	vnsel vm0, $0xC0000000, v1  }
0x248: {  	vm0 =	veq.f32 v42, v36;
	v39 =	vsel vm15, v2, v57  }
0x249: {  	vm15 =	veq.f32 v41, v36;
	v39 =	vsel vm0, v3, v39  }
0x24a: {  	vm0 =	veq.f32 v40, v36;
	v39 =	vsel vm15, v4, v39  }
0x24b: {  	vm15 =	veq.f32 v37, v36;
	v39 =	vsel vm0, v5, v39  }
0x24c: {  	vm0 =	veq.f32 v45, v36;
	v39 =	vsel vm15, v6, v39  }
0x24d: {  	vm15 =	veq.f32 v44, v36;
	v39 =	vsel vm0, v7, v39  }
0x24e: {  	v39 =	vsel vm15, v8, v39  }
0x24f: {  	(xrf0) =	vmin.scan.msk.u32 $0xffff, v39;
	_ =	sdelay $0x5  }
0x250: {  	v39, _, _ =	vpop (xrf0)  }
0x251: {  	(v2sf) =	vpush v39, $0xF;
	_ =	sdelay $0xe  }
0x252: {  	s19 =	spop (v2sf)  }
0x253: {  	s5 =	sxor.u32 $0x80000000, s19  }
0x254: {  	v58 =	vmov s5  }
0x255: {  	vm0 =	veq.s32 v58, v0;
	vm15 =	veq.s32 v58, v9  }
0x256: {  	v44 =	vsel vm0, $0xBF800000, v44;
	v45 =	vsel vm15, $0xBF800000, v45;
	vm0 =	veq.s32 v58, v10  }
0x257: {  	v46 =	vsel vm0, $0xBF800000, v37;
	vm0 =	veq.s32 v58, v11;
	v59 =	vmax.f32 v44, v45  }
0x258: {  	v40 =	vsel vm0, $0xBF800000, v40;
	vm0 =	veq.s32 v58, v12;
	v37 =	vmax.f32 v59, v46  }
0x259: {  	v41 =	vsel vm0, $0xBF800000, v41;
	vm0 =	veq.s32 v58, v13;
	v37 =	vmax.f32 v37, v40  }
0x25a: {  	v42 =	vsel vm0, $0xBF800000, v42;
	vm0 =	veq.s32 v58, v14;
	v37 =	vmax.f32 v37, v41  }
0x25b: {  	v43 =	vsel vm0, $0xBF800000, v43;
	vm0 =	veq.s32 v58, v15;
	v37 =	vmax.f32 v37, v42  }
0x25c: {  	v38 =	vsel vm0, $0xBF800000, v38;
	v37 =	vmax.f32 v37, v43  }
0x25d: {  	v37 =	vmax.f32 v37, v38  }
0x25e: {  	(xrf0) =	vmax.scan.msk.f32 $0xffff, v37;
	_ =	sdelay $0x5  }
0x25f: {  	v37, _, _ =	vpop (xrf0)  }
0x260: {  	v37 =	vbroadcast v37, $0xF;
	_ =	sdelay $0x1  }
0x261: {  	vm0 =	veq.f32 v38, v37  }
0x262: {  	vm15 =	veq.f32 v43, v37;
	v60 =	vnsel vm0, $0xC0000000, v1  }
0x263: {  	vm0 =	veq.f32 v42, v37;
	v39 =	vsel vm15, v2, v60  }
0x264: {  	vm15 =	veq.f32 v41, v37;
	v39 =	vsel vm0, v3, v39  }
0x265: {  	vm0 =	veq.f32 v40, v37;
	v39 =	vsel vm15, v4, v39  }
0x266: {  	vm15 =	veq.f32 v46, v37;
	v39 =	vsel vm0, v5, v39  }
0x267: {  	vm0 =	veq.f32 v45, v37;
	v39 =	vsel vm15, v6, v39  }
0x268: {  	vm15 =	veq.f32 v44, v37;
	v39 =	vsel vm0, v7, v39  }
0x269: {  	v39 =	vsel vm15, v8, v39  }
0x26a: {  	(xrf0) =	vmin.scan.msk.u32 $0xffff, v39;
	_ =	sdelay $0x5  }
0x26b: {  	v39, _, _ =	vpop (xrf0)  }
0x26c: {  	(v2sf) =	vpush v39, $0xF;
	_ =	sdelay $0xe  }
0x26d: {  	s20 =	spop (v2sf)  }
0x26e: {  	s5 =	sxor.u32 $0x80000000, s20  }
0x26f: {  	v61 =	vmov s5  }
0x270: {  	vm0 =	veq.s32 v61, v0;
	vm15 =	veq.s32 v61, v9  }
0x271: {  	v44 =	vsel vm0, $0xBF800000, v44;
	v45 =	vsel vm15, $0xBF800000, v45;
	vm0 =	veq.s32 v61, v10  }
0x272: {  	v46 =	vsel vm0, $0xBF800000, v46;
	vm0 =	veq.s32 v61, v11;
	v47 =	vmax.f32 v44, v45  }
0x273: {  	v40 =	vsel vm0, $0xBF800000, v40;
	vm0 =	veq.s32 v61, v12;
	v47 =	vmax.f32 v47, v46  }
0x274: {  	v41 =	vsel vm0, $0xBF800000, v41;
	vm0 =	veq.s32 v61, v13;
	v47 =	vmax.f32 v47, v40  }
0x275: {  	v42 =	vsel vm0, $0xBF800000, v42;
	vm0 =	veq.s32 v61, v14;
	v47 =	vmax.f32 v47, v41  }
0x276: {  	v43 =	vsel vm0, $0xBF800000, v43;
	vm0 =	veq.s32 v61, v15;
	v62 =	vmax.f32 v47, v42  }
0x277: {  	v63 =	vsel vm0, $0xBF800000, v38;
	v51 =	vmax.f32 v62, v43  }
0x278: {  	v38 =	vmax.f32 v51, v63  }
0x279: {  	(xrf0) =	vmax.scan.msk.f32 $0xffff, v38;
	_ =	sdelay $0x5  }
0x27a: {  	v38, _, _ =	vpop (xrf0)  }
0x27b: {  	v38 =	vbroadcast v38, $0xF;
	_ =	sdelay $0x1  }
0x27c: {  	vm0 =	veq.f32 v63, v38  }
0x27d: {  	vm15 =	veq.f32 v43, v38;
	v52 =	vnsel vm0, $0xC0000000, v1  }
0x27e: {  	vm0 =	veq.f32 v42, v38;
	v39 =	vsel vm15, v2, v52  }
0x27f: {  	vm15 =	veq.f32 v41, v38;
	v39 =	vsel vm0, v3, v39  }
0x280: {  	vm0 =	veq.f32 v40, v38;
	v39 =	vsel vm15, v4, v39  }
0x281: {  	vm15 =	veq.f32 v46, v38;
	v39 =	vsel vm0, v5, v39  }
0x282: {  	vm0 =	veq.f32 v45, v38;
	v39 =	vsel vm15, v6, v39  }
0x283: {  	vm15 =	veq.f32 v44, v38;
	v39 =	vsel vm0, v7, v39  }
0x284: {  	v39 =	vsel vm15, v8, v39  }
0x285: {  	(xrf0) =	vmin.scan.msk.u32 $0xffff, v39;
	_ =	sdelay $0x5  }
0x286: {  	v39, _, _ =	vpop (xrf0)  }
0x287: {  	(v2sf) =	vpush v39, $0xF;
	_ =	sdelay $0xe  }
0x288: {  	s21 =	spop (v2sf)  }
0x289: {  	s5 =	sxor.u32 $0x80000000, s21  }
0x28a: {  	v53 =	vmov s5  }
0x28b: {  	vm0 =	veq.s32 v53, v0;
	vm15 =	veq.s32 v53, v9  }
0x28c: {  	v44 =	vsel vm0, $0xBF800000, v44;
	v45 =	vsel vm15, $0xBF800000, v45;
	vm0 =	veq.s32 v53, v10  }
0x28d: {  	v46 =	vsel vm0, $0xBF800000, v46;
	vm0 =	veq.s32 v53, v11;
	v48 =	vmax.f32 v44, v45  }
0x28e: {  	v40 =	vsel vm0, $0xBF800000, v40;
	vm0 =	veq.s32 v53, v12;
	v48 =	vmax.f32 v48, v46  }
0x28f: {  	v41 =	vsel vm0, $0xBF800000, v41;
	vm0 =	veq.s32 v53, v13;
	v48 =	vmax.f32 v48, v40  }
0x290: {  	v42 =	vsel vm0, $0xBF800000, v42;
	vm0 =	veq.s32 v53, v14;
	v48 =	vmax.f32 v48, v41  }
0x291: {  	v43 =	vsel vm0, $0xBF800000, v43;
	vm0 =	veq.s32 v53, v15;
	v54 =	vmax.f32 v48, v42  }
0x292: {  	v47 =	vsel vm0, $0xBF800000, v63;
	v39 =	vmax.f32 v54, v43  }
0x293: {  	v39 =	vmax.f32 v39, v47  }
0x294: {  	(xrf0) =	vmax.scan.msk.f32 $0xffff, v39;
	_ =	sdelay $0x5  }
0x295: {  	v39, _, _ =	vpop (xrf0)  }
0x296: {  	v39 =	vbroadcast v39, $0xF;
	_ =	sdelay $0x1  }
0x297: {  	vm0 =	veq.f32 v47, v39  }
0x298: {  	vm15 =	veq.f32 v43, v39;
	v55 =	vnsel vm0, $0xC0000000, v1  }
0x299: {  	vm0 =	veq.f32 v42, v39;
	v48 =	vsel vm15, v2, v55  }
0x29a: {  	vm15 =	veq.f32 v41, v39;
	v48 =	vsel vm0, v3, v48  }
0x29b: {  	vm0 =	veq.f32 v40, v39;
	v48 =	vsel vm15, v4, v48  }
0x29c: {  	vm15 =	veq.f32 v46, v39;
	v48 =	vsel vm0, v5, v48  }
0x29d: {  	vm0 =	veq.f32 v45, v39;
	v48 =	vsel vm15, v6, v48  }
0x29e: {  	vm15 =	veq.f32 v44, v39;
	v48 =	vsel vm0, v7, v48  }
0x29f: {  	v48 =	vsel vm15, v8, v48  }
0x2a0: {  	(xrf0) =	vmin.scan.msk.u32 $0xffff, v48;
	_ =	sdelay $0x5  }
0x2a1: {  	v48, _, _ =	vpop (xrf0)  }
0x2a2: {  	(v2sf) =	vpush v48, $0xF;
	_ =	sdelay $0xe  }
0x2a3: {  	s22 =	spop (v2sf)  }
0x2a4: {  	s5 =	sxor.u32 $0x80000000, s22  }
0x2a5: {  	v56 =	vmov s5  }
0x2a6: {  	vm0 =	veq.s32 v56, v0;
	vm15 =	veq.s32 v56, v9  }
0x2a7: {  	v44 =	vsel vm0, $0xBF800000, v44;
	v45 =	vsel vm15, $0xBF800000, v45;
	vm0 =	veq.s32 v56, v10  }
0x2a8: {  	v46 =	vsel vm0, $0xBF800000, v46;
	vm0 =	veq.s32 v56, v11;
	v49 =	vmax.f32 v44, v45  }
0x2a9: {  	v50 =	vsel vm0, $0xBF800000, v40;
	vm0 =	veq.s32 v56, v12;
	v57 =	vmax.f32 v49, v46  }
0x2aa: {  	v41 =	vsel vm0, $0xBF800000, v41;
	vm0 =	veq.s32 v56, v13;
	v40 =	vmax.f32 v57, v50  }
0x2ab: {  	v42 =	vsel vm0, $0xBF800000, v42;
	vm0 =	veq.s32 v56, v14;
	v40 =	vmax.f32 v40, v41  }
0x2ac: {  	v43 =	vsel vm0, $0xBF800000, v43;
	vm0 =	veq.s32 v56, v15;
	v40 =	vmax.f32 v40, v42  }
0x2ad: {  	v47 =	vsel vm0, $0xBF800000, v47;
	v40 =	vmax.f32 v40, v43  }
0x2ae: {  	v40 =	vmax.f32 v40, v47  }
0x2af: {  	(xrf0) =	vmax.scan.msk.f32 $0xffff, v40;
	_ =	sdelay $0x5  }
0x2b0: {  	v40, _, _ =	vpop (xrf0)  }
0x2b1: {  	v40 =	vbroadcast v40, $0xF;
	_ =	sdelay $0x1  }
0x2b2: {  	vm0 =	veq.f32 v47, v40  }
0x2b3: {  	vm15 =	veq.f32 v43, v40;
	v58 =	vnsel vm0, $0xC0000000, v1  }
0x2b4: {  	vm0 =	veq.f32 v42, v40;
	v48 =	vsel vm15, v2, v58  }
0x2b5: {  	vm15 =	veq.f32 v41, v40;
	v48 =	vsel vm0, v3, v48  }
0x2b6: {  	vm0 =	veq.f32 v50, v40;
	v48 =	vsel vm15, v4, v48  }
0x2b7: {  	vm15 =	veq.f32 v46, v40;
	v48 =	vsel vm0, v5, v48  }
0x2b8: {  	vm0 =	veq.f32 v45, v40;
	v48 =	vsel vm15, v6, v48  }
0x2b9: {  	vm15 =	veq.f32 v44, v40;
	v48 =	vsel vm0, v7, v48  }
0x2ba: {  	v48 =	vsel vm15, v8, v48  }
0x2bb: {  	(xrf0) =	vmin.scan.msk.u32 $0xffff, v48;
	_ =	sdelay $0x5  }
0x2bc: {  	v48, _, _ =	vpop (xrf0)  }
0x2bd: {  	(v2sf) =	vpush v48, $0xF;
	_ =	sdelay $0xe  }
0x2be: {  	s23 =	spop (v2sf)  }
0x2bf: {  	s5 =	sxor.u32 $0x80000000, s23  }
0x2c0: {  	v59 =	vmov s5  }
0x2c1: {  	vm0 =	veq.s32 v59, v0;
	vm15 =	veq.s32 v59, v9  }
0x2c2: {  	v44 =	vsel vm0, $0xBF800000, v44;
	v45 =	vsel vm15, $0xBF800000, v45;
	vm0 =	veq.s32 v59, v10  }
0x2c3: {  	v46 =	vsel vm0, $0xBF800000, v46;
	vm0 =	veq.s32 v59, v11;
	v60 =	vmax.f32 v44, v45  }
0x2c4: {  	v50 =	vsel vm0, $0xBF800000, v50;
	vm0 =	veq.s32 v59, v12;
	v49 =	vmax.f32 v60, v46  }
0x2c5: {  	v51 =	vsel vm0, $0xBF800000, v41;
	vm0 =	veq.s32 v59, v13;
	v61 =	vmax.f32 v49, v50  }
0x2c6: {  	v42 =	vsel vm0, $0xBF800000, v42;
	vm0 =	veq.s32 v59, v14;
	v41 =	vmax.f32 v61, v51  }
0x2c7: {  	v43 =	vsel vm0, $0xBF800000, v43;
	vm0 =	veq.s32 v59, v15;
	v41 =	vmax.f32 v41, v42  }
0x2c8: {  	v47 =	vsel vm0, $0xBF800000, v47;
	v41 =	vmax.f32 v41, v43  }
0x2c9: {  	v41 =	vmax.f32 v41, v47  }
0x2ca: {  	(xrf0) =	vmax.scan.msk.f32 $0xffff, v41;
	_ =	sdelay $0x5  }
0x2cb: {  	v41, _, _ =	vpop (xrf0)  }
0x2cc: {  	v41 =	vbroadcast v41, $0xF;
	_ =	sdelay $0x1  }
0x2cd: {  	vm0 =	veq.f32 v47, v41  }
0x2ce: {  	vm15 =	veq.f32 v43, v41;
	v62 =	vnsel vm0, $0xC0000000, v1  }
0x2cf: {  	vm0 =	veq.f32 v42, v41;
	v48 =	vsel vm15, v2, v62  }
0x2d0: {  	vm15 =	veq.f32 v51, v41;
	v48 =	vsel vm0, v3, v48  }
0x2d1: {  	vm0 =	veq.f32 v50, v41;
	v48 =	vsel vm15, v4, v48  }
0x2d2: {  	vm15 =	veq.f32 v46, v41;
	v48 =	vsel vm0, v5, v48  }
0x2d3: {  	vm0 =	veq.f32 v45, v41;
	v48 =	vsel vm15, v6, v48  }
0x2d4: {  	vm15 =	veq.f32 v44, v41;
	v48 =	vsel vm0, v7, v48  }
0x2d5: {  	v48 =	vsel vm15, v8, v48  }
0x2d6: {  	(xrf0) =	vmin.scan.msk.u32 $0xffff, v48;
	_ =	sdelay $0x5  }
0x2d7: {  	v48, _, _ =	vpop (xrf0)  }
0x2d8: {  	(v2sf) =	vpush v48, $0xF;
	_ =	sdelay $0xe  }
0x2d9: {  	s24 =	spop (v2sf)  }
0x2da: {  	s5 =	sxor.u32 $0x80000000, s24  }
0x2db: {  	v63 =	vmov s5  }
0x2dc: {  	vm0 =	veq.s32 v63, v0;
	vm15 =	veq.s32 v63, v9  }
0x2dd: {  	v44 =	vsel vm0, $0xBF800000, v44;
	v45 =	vsel vm15, $0xBF800000, v45;
	vm0 =	veq.s32 v63, v10  }
0x2de: {  	v46 =	vsel vm0, $0xBF800000, v46;
	vm0 =	veq.s32 v63, v11;
	v53 =	vmax.f32 v44, v45  }
0x2df: {  	v50 =	vsel vm0, $0xBF800000, v50;
	vm0 =	veq.s32 v63, v12;
	v49 =	vmax.f32 v53, v46  }
0x2e0: {  	v51 =	vsel vm0, $0xBF800000, v51;
	vm0 =	veq.s32 v63, v13;
	v49 =	vmax.f32 v49, v50  }
0x2e1: {  	v52 =	vsel vm0, $0xBF800000, v42;
	vm0 =	veq.s32 v63, v14;
	v54 =	vmax.f32 v49, v51  }
0x2e2: {  	v43 =	vsel vm0, $0xBF800000, v43;
	vm0 =	veq.s32 v63, v15;
	v42 =	vmax.f32 v54, v52  }
0x2e3: {  	v47 =	vsel vm0, $0xBF800000, v47;
	v42 =	vmax.f32 v42, v43  }
0x2e4: {  	v42 =	vmax.f32 v42, v47  }
0x2e5: {  	(xrf0) =	vmax.scan.msk.f32 $0xffff, v42;
	_ =	sdelay $0x5  }
0x2e6: {  	v42, _, _ =	vpop (xrf0)  }
0x2e7: {  	v42 =	vbroadcast v42, $0xF;
	_ =	sdelay $0x1  }
0x2e8: {  	vm0 =	veq.f32 v47, v42  }
0x2e9: {  	vm15 =	veq.f32 v43, v42;
	v55 =	vnsel vm0, $0xC0000000, v1  }
0x2ea: {  	vm0 =	veq.f32 v52, v42;
	v48 =	vsel vm15, v2, v55  }
0x2eb: {  	vm15 =	veq.f32 v51, v42;
	v48 =	vsel vm0, v3, v48  }
0x2ec: {  	vm0 =	veq.f32 v50, v42;
	v48 =	vsel vm15, v4, v48  }
0x2ed: {  	vm15 =	veq.f32 v46, v42;
	v48 =	vsel vm0, v5, v48  }
0x2ee: {  	vm0 =	veq.f32 v45, v42;
	v48 =	vsel vm15, v6, v48  }
0x2ef: {  	vm15 =	veq.f32 v44, v42;
	v48 =	vsel vm0, v7, v48  }
0x2f0: {  	v48 =	vsel vm15, v8, v48  }
0x2f1: {  	(xrf0) =	vmin.scan.msk.u32 $0xffff, v48;
	_ =	sdelay $0x5  }
0x2f2: {  	v48, _, _ =	vpop (xrf0)  }
0x2f3: {  	(v2sf) =	vpush v48, $0xF;
	_ =	sdelay $0xe  }
0x2f4: {  	s25 =	spop (v2sf)  }
0x2f5: {  	s5 =	sxor.u32 $0x80000000, s25  }
0x2f6: {  	v56 =	vmov s5  }
0x2f7: {  	vm0 =	veq.s32 v56, v0;
	vm15 =	veq.s32 v56, v9  }
0x2f8: {  	v44 =	vsel vm0, $0xBF800000, v44;
	v45 =	vsel vm15, $0xBF800000, v45;
	vm0 =	veq.s32 v56, v10  }
0x2f9: {  	v46 =	vsel vm0, $0xBF800000, v46;
	vm0 =	veq.s32 v56, v11;
	v57 =	vmax.f32 v44, v45  }
0x2fa: {  	v50 =	vsel vm0, $0xBF800000, v50;
	vm0 =	veq.s32 v56, v12;
	v49 =	vmax.f32 v57, v46  }
0x2fb: {  	v51 =	vsel vm0, $0xBF800000, v51;
	vm0 =	veq.s32 v56, v13;
	v49 =	vmax.f32 v49, v50  }
0x2fc: {  	v52 =	vsel vm0, $0xBF800000, v52;
	vm0 =	veq.s32 v56, v14;
	v49 =	vmax.f32 v49, v51  }
0x2fd: {  	v53 =	vsel vm0, $0xBF800000, v43;
	vm0 =	veq.s32 v56, v15;
	v58 =	vmax.f32 v49, v52  }
0x2fe: {  	v47 =	vsel vm0, $0xBF800000, v47;
	v43 =	vmax.f32 v58, v53  }
0x2ff: {  	v43 =	vmax.f32 v43, v47  }
0x300: {  	(xrf0) =	vmax.scan.msk.f32 $0xffff, v43;
	_ =	sdelay $0x5  }
0x301: {  	v43, _, _ =	vpop (xrf0)  }
0x302: {  	v43 =	vbroadcast v43, $0xF;
	_ =	sdelay $0x1  }
0x303: {  	vm0 =	veq.f32 v47, v43  }
0x304: {  	vm15 =	veq.f32 v53, v43;
	v59 =	vnsel vm0, $0xC0000000, v1  }
0x305: {  	vm0 =	veq.f32 v52, v43;
	v48 =	vsel vm15, v2, v59  }
0x306: {  	vm15 =	veq.f32 v51, v43;
	v48 =	vsel vm0, v3, v48  }
0x307: {  	vm0 =	veq.f32 v50, v43;
	v48 =	vsel vm15, v4, v48  }
0x308: {  	vm15 =	veq.f32 v46, v43;
	v48 =	vsel vm0, v5, v48  }
0x309: {  	vm0 =	veq.f32 v45, v43;
	v48 =	vsel vm15, v6, v48  }
0x30a: {  	vm15 =	veq.f32 v44, v43;
	v48 =	vsel vm0, v7, v48  }
0x30b: {  	v48 =	vsel vm15, v8, v48  }
0x30c: {  	(xrf0) =	vmin.scan.msk.u32 $0xffff, v48;
	_ =	sdelay $0x5  }
0x30d: {  	v48, _, _ =	vpop (xrf0)  }
0x30e: {  	(v2sf) =	vpush v48, $0xF;
	_ =	sdelay $0xe  }
0x30f: {  	s26 =	spop (v2sf)  }
0x310: {  	s5 =	sxor.u32 $0x80000000, s26  }
0x311: {  	v60 =	vmov s5  }
0x312: {  	vm0 =	veq.s32 v60, v0;
	vm15 =	veq.s32 v60, v9  }
0x313: {  	v61 =	vsel vm0, $0xBF800000, v44;
	v45 =	vsel vm15, $0xBF800000, v45;
	vm0 =	veq.s32 v60, v10  }
0x314: {  	v46 =	vsel vm0, $0xBF800000, v46;
	vm0 =	veq.s32 v60, v11;
	v44 =	vmax.f32 v61, v45  }
0x315: {  	v50 =	vsel vm0, $0xBF800000, v50;
	vm0 =	veq.s32 v60, v12;
	v44 =	vmax.f32 v44, v46  }
0x316: {  	v51 =	vsel vm0, $0xBF800000, v51;
	vm0 =	veq.s32 v60, v13;
	v44 =	vmax.f32 v44, v50  }
0x317: {  	v52 =	vsel vm0, $0xBF800000, v52;
	vm0 =	veq.s32 v60, v14;
	v44 =	vmax.f32 v44, v51  }
0x318: {  	v53 =	vsel vm0, $0xBF800000, v53;
	vm0 =	veq.s32 v60, v15;
	v44 =	vmax.f32 v44, v52  }
0x319: {  	v47 =	vsel vm0, $0xBF800000, v47;
	v44 =	vmax.f32 v44, v53  }
0x31a: {  	v44 =	vmax.f32 v44, v47  }
0x31b: {  	(xrf0) =	vmax.scan.msk.f32 $0xffff, v44;
	_ =	sdelay $0x5  }
0x31c: {  	v44, _, _ =	vpop (xrf0)  }
0x31d: {  	v44 =	vbroadcast v44, $0xF;
	_ =	sdelay $0x1  }
0x31e: {  	vm0 =	veq.f32 v47, v44  }
0x31f: {  	vm15 =	veq.f32 v53, v44;
	v62 =	vnsel vm0, $0xC0000000, v1  }
0x320: {  	vm0 =	veq.f32 v52, v44;
	v48 =	vsel vm15, v2, v62  }
0x321: {  	vm15 =	veq.f32 v51, v44;
	v48 =	vsel vm0, v3, v48  }
0x322: {  	vm0 =	veq.f32 v50, v44;
	v48 =	vsel vm15, v4, v48  }
0x323: {  	vm15 =	veq.f32 v46, v44;
	v48 =	vsel vm0, v5, v48  }
0x324: {  	vm0 =	veq.f32 v45, v44;
	v48 =	vsel vm15, v6, v48  }
0x325: {  	vm15 =	veq.f32 v61, v44;
	v48 =	vsel vm0, v7, v48  }
0x326: {  	v48 =	vsel vm15, v8, v48  }
0x327: {  	(xrf0) =	vmin.scan.msk.u32 $0xffff, v48;
	_ =	sdelay $0x5  }
0x328: {  	v48, _, _ =	vpop (xrf0)  }
0x329: {  	(v2sf) =	vpush v48, $0xF;
	_ =	sdelay $0xe  }
0x32a: {  	s28 =	spop (v2sf)  }
0x32b: {  	s5 =	sxor.u32 $0x80000000, s28  }
0x32c: {  	v63 =	vmov s5  }
0x32d: {  	vm0 =	veq.s32 v63, v0;
	vm15 =	veq.s32 v63, v9  }
0x32e: {  	v49 =	vsel vm0, $0xBF800000, v61;
	v45 =	vsel vm15, $0xBF800000, v45;
	vm0 =	veq.s32 v63, v10  }
0x32f: {  	v46 =	vsel vm0, $0xBF800000, v46;
	vm0 =	veq.s32 v63, v11;
	v54 =	vmax.f32 v49, v45  }
0x330: {  	v50 =	vsel vm0, $0xBF800000, v50;
	vm0 =	veq.s32 v63, v12;
	v54 =	vmax.f32 v54, v46  }
0x331: {  	v51 =	vsel vm0, $0xBF800000, v51;
	vm0 =	veq.s32 v63, v13;
	v54 =	vmax.f32 v54, v50  }
0x332: {  	v52 =	vsel vm0, $0xBF800000, v52;
	vm0 =	veq.s32 v63, v14;
	v54 =	vmax.f32 v54, v51  }
0x333: {  	v53 =	vsel vm0, $0xBF800000, v53;
	vm0 =	veq.s32 v63, v15;
	v56 =	vmax.f32 v54, v52  }
0x334: {  	v47 =	vsel vm0, $0xBF800000, v47;
	v48 =	vmax.f32 v56, v53  }
0x335: {  	v48 =	vmax.f32 v48, v47  }
0x336: {  	(xrf0) =	vmax.scan.msk.f32 $0xffff, v48;
	_ =	sdelay $0x5  }
0x337: {  	v48, _, _ =	vpop (xrf0)  }
0x338: {  	v48 =	vbroadcast v48, $0xF;
	_ =	sdelay $0x1  }
0x339: {  	vm0 =	veq.f32 v47, v48  }
0x33a: {  	vm15 =	veq.f32 v53, v48;
	v57 =	vnsel vm0, $0xC0000000, v1  }
0x33b: {  	vm0 =	veq.f32 v52, v48;
	v54 =	vsel vm15, v2, v57  }
0x33c: {  	vm15 =	veq.f32 v51, v48;
	v54 =	vsel vm0, v3, v54  }
0x33d: {  	vm0 =	veq.f32 v50, v48;
	v54 =	vsel vm15, v4, v54  }
0x33e: {  	vm15 =	veq.f32 v46, v48;
	v54 =	vsel vm0, v5, v54  }
0x33f: {  	vm0 =	veq.f32 v45, v48;
	v54 =	vsel vm15, v6, v54  }
0x340: {  	vm15 =	veq.f32 v49, v48;
	v54 =	vsel vm0, v7, v54  }
0x341: {  	v54 =	vsel vm15, v8, v54  }
0x342: {  	(xrf0) =	vmin.scan.msk.u32 $0xffff, v54;
	_ =	sdelay $0x5  }
0x343: {  	v54, _, _ =	vpop (xrf0)  }
0x344: {  	(v2sf) =	vpush v54, $0xF;
	_ =	sdelay $0xe  }
0x345: {  	s29 =	spop (v2sf)  }
0x346: {  	s5 =	sxor.u32 $0x80000000, s29  }
0x347: {  	v58 =	vmov s5  }
0x348: {  	vm0 =	veq.s32 v58, v0;
	vm15 =	veq.s32 v58, v9  }
0x349: {  	v49 =	vsel vm0, $0xBF800000, v49;
	v45 =	vsel vm15, $0xBF800000, v45;
	vm0 =	veq.s32 v58, v10  }
0x34a: {  	v46 =	vsel vm0, $0xBF800000, v46;
	vm0 =	veq.s32 v58, v11;
	v55 =	vmax.f32 v49, v45  }
0x34b: {  	v50 =	vsel vm0, $0xBF800000, v50;
	vm0 =	veq.s32 v58, v12;
	v55 =	vmax.f32 v55, v46  }
0x34c: {  	v51 =	vsel vm0, $0xBF800000, v51;
	vm0 =	veq.s32 v58, v13;
	v55 =	vmax.f32 v55, v50  }
0x34d: {  	v52 =	vsel vm0, $0xBF800000, v52;
	vm0 =	veq.s32 v58, v14;
	v55 =	vmax.f32 v55, v51  }
0x34e: {  	v53 =	vsel vm0, $0xBF800000, v53;
	vm0 =	veq.s32 v58, v15;
	v59 =	vmax.f32 v55, v52  }
0x34f: {  	v47 =	vsel vm0, $0xBF800000, v47;
	v54 =	vmax.f32 v59, v53  }
0x350: {  	v54 =	vmax.f32 v54, v47  }
0x351: {  	(xrf0) =	vmax.scan.msk.f32 $0xffff, v54;
	_ =	sdelay $0x5  }
0x352: {  	v54, _, _ =	vpop (xrf0)  }
0x353: {  	v54 =	vbroadcast v54, $0xF;
	_ =	sdelay $0x1  }
0x354: {  	vm0 =	veq.f32 v47, v54  }
0x355: {  	vm15 =	veq.f32 v53, v54;
	v60 =	vnsel vm0, $0xC0000000, v1  }
0x356: {  	vm0 =	veq.f32 v52, v54;
	v55 =	vsel vm15, v2, v60  }
0x357: {  	vm15 =	veq.f32 v51, v54;
	v55 =	vsel vm0, v3, v55  }
0x358: {  	vm0 =	veq.f32 v50, v54;
	v55 =	vsel vm15, v4, v55  }
0x359: {  	vm15 =	veq.f32 v46, v54;
	v55 =	vsel vm0, v5, v55  }
0x35a: {  	vm0 =	veq.f32 v45, v54;
	v55 =	vsel vm15, v6, v55  }
0x35b: {  	vm15 =	veq.f32 v49, v54;
	v55 =	vsel vm0, v7, v55  }
0x35c: {  	v55 =	vsel vm15, v8, v55  }
0x35d: {  	(xrf0) =	vmin.scan.msk.u32 $0xffff, v55;
	_ =	sdelay $0x5  }
0x35e: {  	v55, _, _ =	vpop (xrf0)  }
0x35f: {  	(v2sf) =	vpush v55, $0xF;
	_ =	sdelay $0xe  }
0x360: {  	s30 =	spop (v2sf)  }
0x361: {  	s5 =	sxor.u32 $0x80000000, s30  }
0x362: {  	v61 =	vmov s5  }
0x363: {  	v62 =	vld [tilespmem:$0x1FFF0];
	vm0 =	veq.s32 v61, v0  }
0x364: {  	v49 =	vsel vm0, $0xBF800000, v49;
	vm0 =	veq.s32 v61, v10  }
0x365: {  	vm15 =	veq.s32 v61, v9;
	v46 =	vsel vm0, $0xBF800000, v46;
	vm0 =	veq.s32 v61, v11  }
0x366: {  	v45 =	vsel vm15, $0xBF800000, v45;
	v50 =	vsel vm0, $0xBF800000, v50;
	vm0 =	veq.s32 v61, v13  }
0x367: {  	vm15 =	veq.s32 v61, v12;
	v52 =	vsel vm0, $0xBF800000, v52;
	vm0 =	veq.s32 v61, v14  }
0x368: {  	v51 =	vsel vm15, $0xBF800000, v51;
	v53 =	vsel vm0, $0xBF800000, v53;
	vm0 =	vnez.u8 v62  }
0x369: {  	vm15 =	veq.s32 v61, v15;
	v63 =	vmax.f32 v49, v45;
	v16 =	vsel vm0, v16, v17  }
0x36a: {  	v47 =	vsel vm15, $0xBF800000, v47;
	v17 =	vsel vm0, v32, v33;
	v16 =	vsel vm1, v16, v18  }
0x36b: {  	v17 =	vsel vm1, v17, v34;
	v18 =	vmax.f32 v63, v46;
	v16 =	vsel vm2, v16, v19  }
0x36c: {  	v17 =	vsel vm2, v17, v35;
	v18 =	vmax.f32 v18, v50;
	v16 =	vsel vm3, v16, v20  }
0x36d: {  	v17 =	vsel vm3, v17, v36;
	v18 =	vmax.f32 v18, v51;
	v16 =	vsel vm4, v16, v21  }
0x36e: {  	v17 =	vsel vm4, v17, v37;
	v18 =	vmax.f32 v18, v52;
	v16 =	vsel vm5, v16, v22  }
0x36f: {  	v17 =	vsel vm5, v17, v38;
	v18 =	vmax.f32 v18, v53;
	v16 =	vsel vm6, v16, v23  }
0x370: {  	v17 =	vsel vm6, v17, v39;
	v18 =	vmax.f32 v18, v47;
	v16 =	vsel vm7, v16, v24  }
0x371: {  	v17 =	vsel vm7, v17, v40;
	(xrf0) =	vmax.scan.msk.f32 $0xffff, v18;
	v16 =	vsel vm8, v16, v25  }
0x372: {  	v17 =	vsel vm8, v17, v41;
	v16 =	vsel vm9, v16, v26  }
0x373: {  	v17 =	vsel vm9, v17, v42;
	v16 =	vsel vm10, v16, v27  }
0x374: {  	v17 =	vsel vm10, v17, v43;
	v16 =	vsel vm11, v16, v28  }
0x375: {  	v17 =	vsel vm11, v17, v44;
	v16 =	vsel vm12, v16, v29  }
0x376: {  	v17 =	vsel vm12, v17, v48;
	v16 =	vsel vm13, v16, v30  }
0x377: {  	v17 =	vsel vm13, v17, v54;
	v18, _, _ =	vpop (xrf0);
	v16 =	vsel vm14, v16, v31  }
0x378: {  	p0 =	sne.s32 s2, $0x1;
	s31 =	rddreg [dreg:$0x4];
	v17 =	vsel vm14, v17, v18;
	[tilespmem:$0x80] =	vst v16  }
.Ltmp1:
0x379: {  	s6 =	rddreg [dreg:$0x5];
	[tilespmem:$0x90] =	vst v17;
	(pc) =	sbr.rel @p0 .LBB2_2-.Ltmp1, $4  }
0x37a: {  	[hbm4b:s31+s3] =	stream.linear.scatter [tilespmem:s6], [sflag:$0x1], $0x80, $0x38;
	[tilespmem:$0x100] =	vst v63  }
0x37b: {  	_ =	swait.ge [sflag:s4], $0x80  }
0x37c: {  	[sflag:s4] =	ssyncset.done $0x0  }
0x37d: {  	s2 =	sadd.s32 $0xFFFFFFFF, s2;
	[sflag:s4] =	ssyncadd.s32 $0xFFFFFF80  }
.LBB2_3:
0x37e: {  	_ =	sfence.sel $0x180000  }
0x37f: {  	[bflag:$0x0] =	sbarrier.arrive $0xFFFF  }
0x380: {  	p0 =	sne.s32 s0, $0x0;
	_ =	strace $0x90000047  }
0x381: {  	s0 =	sadd.s32 @!p0 $0x100000, s1;
	[bflag:$0x2] =	sbarrier.arrive $0xFFFF  }
0x382: {  	[sflag:s0] =	ssyncadd.tile.s32 @!p0 $0x1;
	_ =	shalt  }
.Lfunc_end2:
_tile_overlayer_lowered:
.L_overlay_start_2:
0x383: {  	(tag) =	ssettag $0x2  }
0x384: {  	s0 =	rddreg [dreg:$0x0];
	s2 =	stileid.u32  }
0x385: {  	s1 =	rddreg [dreg:$0x1];
	p0 =	sne.s32 s2, $0x0  }
0x386: {  	s3 =	rddreg [dreg:$0x2];
	[bflag:$0x3] =	sbarrier.arrive $0xFFFF;
	s2 =	simm.s32 @!p0 $0x1C01  }
0x387: {  	[timem:s3], [sflag:s2] =	dma.local @!p0 [hbm:s0], s1  }
0x388: {  	s0 =	simm.s32 @!p0 $0x1  }
0x389: {  	_ =	swait.ge @!p0 [sflag:s0], s1  }
0x38a: {  	s1 =	ssub.s32 @!p0 $0x0, s1;
	[sflag:s0] =	ssyncset.done @!p0 $0x0  }
0x38b: {  	[sflag:s0] =	ssyncadd.s32 @!p0 s1  }
0x38c: {  	[bflag:$0x3] =	sbarrier.arrive $0xFFFF  }
0x38d: {  	_ =	shalt  }

</sc_bundles>
